<compile_context>
chip_gen: v7x
topology: tpu7x:2x2x1
jax: 0.10.2.dev20260603
libtpu: 0.0.44.dev20260713+nightly
codegen_flags: <defaults>
</compile_context>

<pallas_src>
import functools

import jax
import jax.numpy as jnp
from jax import lax
from jax.experimental import pallas as pl
from jax.experimental.pallas import tpu as pltpu
from jax.experimental.pallas import tpu_sc as plsc

F32 = jnp.float32
I32 = jnp.int32

N_NODES = 10000
N_EDGES = 160000
S_DIM = 128
V_CH = 16
D_TAB = 256
D_MSG = 128
MSG_NORM = 10.0

NC = 2
NS = 16
NW = NC * NS
CHUNK = 128
NCH = 40
EPW = CHUNK * NCH
E_PAD = EPW * NW
ACC_ROWS = 10240
ROWS_PER_TILE = ACC_ROWS // NS
PAD_ROW = N_NODES

BLK_E = 512
BLK_N = 2000



def _sc_mesh():
    return plsc.VectorSubcoreMesh(core_axis_name="c", subcore_axis_name="s")


def _sc_gather(n_idx, tab, *idxs):
    out_type = tuple(
        jax.ShapeDtypeStruct((E_PAD, D_TAB), F32) for _ in range(n_idx))
    scratch = (
        [pltpu.VMEM((CHUNK,), I32) for _ in range(n_idx)]
        + [pltpu.VMEM((CHUNK, D_TAB), F32), pltpu.VMEM((CHUNK, D_TAB), F32)]
        + [pltpu.SemaphoreType.DMA for _ in range(n_idx + 2)])

    def body(*refs):
        tab_ref = refs[0]
        idx_refs = refs[1:1 + n_idx]
        out_refs = refs[1 + n_idx:1 + 2 * n_idx]
        scr = refs[1 + 2 * n_idx:]
        ibuf = scr[:n_idx]
        rbuf = scr[n_idx:n_idx + 2]
        isem = scr[n_idx + 2:2 * n_idx + 2]
        rsem = scr[2 * n_idx + 2:2 * n_idx + 4]
        wid = lax.axis_index("s") * NC + lax.axis_index("c")
        base = wid * EPW

        def chunk(j, carry):
            off = base + j * CHUNK
            h_i = [pltpu.async_copy(
                idx_refs[t].at[pl.ds(off, CHUNK)], ibuf[t], isem[t])
                for t in range(n_idx)]
            h_r = [None, None]
            for t in range(n_idx):
                b = t % 2
                if h_r[b] is not None:
                    h_r[b].wait()
                    pltpu.sync_copy(
                        rbuf[b], out_refs[t - 2].at[pl.ds(off, CHUNK)])
                h_i[t].wait()
                h_r[b] = pltpu.async_copy(
                    tab_ref.at[ibuf[t]], rbuf[b], rsem[b])
            for t in range(max(0, n_idx - 2), n_idx):
                h_r[t % 2].wait()
                pltpu.sync_copy(
                    rbuf[t % 2], out_refs[t].at[pl.ds(off, CHUNK)])
            return carry

        lax.fori_loop(0, NCH, chunk, 0)

    fn = pl.kernel(body, out_type=out_type, mesh=_sc_mesh(),
                   scratch_types=scratch)
    return fn(tab, *idxs)


def _sc_scatter(msg_ll, msg_kl, idx_ll, idx_kl):
    out_type = jax.ShapeDtypeStruct((NC * ACC_ROWS, D_MSG), F32)
    scratch = [
        pltpu.VMEM((CHUNK,), I32),
        pltpu.VMEM((CHUNK,), I32),
        pltpu.VMEM((CHUNK, D_MSG), F32),
        pltpu.VMEM((CHUNK, D_MSG), F32),
        pltpu.VMEM_SHARED((ACC_ROWS, D_MSG), F32),
        pltpu.SemaphoreType.DMA,
        pltpu.SemaphoreType.DMA,
        pltpu.SemaphoreType.DMA,
        pltpu.SemaphoreType.DMA,
    ]

    def body(mll, mkl, ill, ikl, out, ia, ib, ra, rb, acc, s1, s2, s3, s4):
        cid = lax.axis_index("c")
        sid = lax.axis_index("s")
        wid = sid * NC + cid
        base = wid * EPW
        ibuf, rbuf = (ia, ib), (ra, rb)
        isem, msem = (s1, s2), (s3, s4)

        def zrow(i, carry):
            for k in range(D_MSG // 16):
                ra[i, pl.ds(k * 16, 16)] = jnp.zeros((16,), F32)
            return carry

        lax.fori_loop(0, CHUNK, zrow, 0)
        for t in range(ROWS_PER_TILE // CHUNK):
            pltpu.sync_copy(
                ra, acc.at[pl.ds(sid * ROWS_PER_TILE + t * CHUNK, CHUNK)])
        plsc.subcore_barrier()

        def chunk(j, carry):
            off = base + j * CHUNK
            hi0 = pltpu.async_copy(ill.at[pl.ds(off, CHUNK)], ia, s1)
            hm0 = pltpu.async_copy(mll.at[pl.ds(off, CHUNK)], ra, s3)
            hi1 = pltpu.async_copy(ikl.at[pl.ds(off, CHUNK)], ib, s2)
            hm1 = pltpu.async_copy(mkl.at[pl.ds(off, CHUNK)], rb, s4)
            hi0.wait()
            hm0.wait()
            pltpu.sync_copy(ra, acc.at[ia], add=True)
            hi1.wait()
            hm1.wait()
            pltpu.sync_copy(rb, acc.at[ib], add=True)
            return carry

        lax.fori_loop(0, NCH, chunk, 0)
        plsc.subcore_barrier()

        pltpu.sync_copy(
            acc.at[pl.ds(sid * ROWS_PER_TILE, ROWS_PER_TILE)],
            out.at[pl.ds(cid * ACC_ROWS + sid * ROWS_PER_TILE, ROWS_PER_TILE)])

    fn = pl.kernel(body, out_type=out_type, mesh=_sc_mesh(),
                   scratch_types=scratch)
    return fn(msg_ll, msg_kl, idx_ll, idx_kl)



def _prep_stack(gvps):
    eye3 = jnp.eye(3, dtype=F32)
    ws, dims = [], []
    for p in gvps:
        h = p['Wh'].shape[1]
        vout = p['Wu'].shape[1]
        fin = p['Wf'].shape[0] - h
        ws += [jnp.kron(eye3, p['Wh']), jnp.kron(eye3, p['Wu']),
               p['Wf'][:fin], p['Wf'][fin:], p['bf'].reshape(1, -1)]
        dims.append((h, vout))
    return ws, tuple(dims)


def _apply_stack(fs, fv, wl, dims, gate_last):
    n = len(dims)
    for i, (h, vo) in enumerate(dims):
        whd, wud, wf_s, wf_h, bf = wl[5 * i:5 * (i + 1)]
        vh = jnp.dot(fv, whd, preferred_element_type=F32)
        vu = jnp.dot(vh, wud, preferred_element_type=F32)
        sh = jnp.sqrt(vh[:, :h] ** 2 + vh[:, h:2 * h] ** 2
                      + vh[:, 2 * h:3 * h] ** 2 + 1e-8)
        z = (jnp.dot(fs, wf_s, preferred_element_type=F32)
             + jnp.dot(sh, wf_h, preferred_element_type=F32) + bf)
        fs = z * jax.nn.sigmoid(z)
        gn = jnp.sqrt(vu[:, :vo] ** 2 + vu[:, vo:2 * vo] ** 2
                      + vu[:, 2 * vo:3 * vo] ** 2 + 1e-8)
        g = jax.nn.sigmoid(gn) if (i < n - 1 or gate_last) else gn
        fv = jnp.concatenate(
            [g * vu[:, :vo], g * vu[:, vo:2 * vo], g * vu[:, 2 * vo:3 * vo]],
            axis=1)
    return fs, fv


def _msg_body(*refs, dims):
    src_ref, dst_ref = refs[0], refs[1]
    out_s_ref, out_v_ref = refs[-2], refs[-1]
    wl = [r[...] for r in refs[2:-2]]
    src = src_ref[...]
    dst = dst_ref[...]
    fs = jnp.concatenate([src[:, :S_DIM], dst[:, :S_DIM]], axis=1)
    fvp = []
    for d in range(3):
        lo = S_DIM + V_CH * d
        fvp += [src[:, lo:lo + V_CH], dst[:, lo:lo + V_CH],
                src[:, 176 + d:177 + d] - dst[:, 176 + d:177 + d]]
    fv = jnp.concatenate(fvp, axis=1)
    fs, fv = _apply_stack(fs, fv, wl, dims, gate_last=True)
    out_s_ref[...] = fs
    out_v_ref[...] = jnp.concatenate(
        [fv, jnp.zeros((fv.shape[0], D_MSG - 3 * V_CH), F32)], axis=1)


def _upd_body(*refs, dims):
    tab_ref, ps_ref, pv_ref = refs[0], refs[1], refs[2]
    out_ref = refs[-1]
    wl = [r[...] for r in refs[3:-1]]
    tab = tab_ref[...]
    ps = ps_ref[...]
    pv = pv_ref[...]
    agg_s = (ps[0] + ps[1]) * (1.0 / MSG_NORM)
    agg_v = (pv[0] + pv[1]) * (1.0 / MSG_NORM)
    fs = jnp.concatenate([tab[:, :S_DIM], agg_s], axis=1)
    fvp = []
    for d in range(3):
        lo = S_DIM + V_CH * d
        fvp += [tab[:, lo:lo + V_CH], agg_v[:, V_CH * d:V_CH * (d + 1)]]
    fv = jnp.concatenate(fvp, axis=1)
    fs, fv = _apply_stack(fs, fv, wl, dims, gate_last=True)
    new_s = tab[:, :S_DIM] + fs
    new_v = [tab[:, S_DIM + V_CH * d:S_DIM + V_CH * (d + 1)]
             + fv[:, V_CH * d:V_CH * (d + 1)] for d in range(3)]
    out_ref[...] = jnp.concatenate([new_s] + new_v + [tab[:, 176:]], axis=1)


def _noise_body(*refs, dims):
    tab_ref = refs[0]
    out_s_ref, out_v_ref = refs[-2], refs[-1]
    wl = [r[...] for r in refs[1:-4]]
    w_out, b_out = refs[-4][...], refs[-3][...]
    tab = tab_ref[...]
    fs = tab[:, :S_DIM]
    fv = tab[:, S_DIM:S_DIM + 3 * V_CH]
    fs, fv = _apply_stack(fs, fv, wl, dims, gate_last=False)
    out_s_ref[...] = jnp.dot(fs, w_out, preferred_element_type=F32) + b_out
    out_v_ref[...] = fv


def _bcast_spec(w):
    return pl.BlockSpec(w.shape, lambda i: tuple(0 for _ in w.shape))


def _tc_messages(src, dst, ws, dims):
    grid = E_PAD // BLK_E
    in_specs = [pl.BlockSpec((BLK_E, D_TAB), lambda i: (i, 0)),
                pl.BlockSpec((BLK_E, D_TAB), lambda i: (i, 0))]
    in_specs += [_bcast_spec(w) for w in ws]
    return pl.pallas_call(
        functools.partial(_msg_body, dims=dims),
        grid=grid,
        in_specs=in_specs,
        out_specs=[pl.BlockSpec((BLK_E, D_MSG), lambda i: (i, 0)),
                   pl.BlockSpec((BLK_E, D_MSG), lambda i: (i, 0))],
        out_shape=[jax.ShapeDtypeStruct((E_PAD, D_MSG), F32),
                   jax.ShapeDtypeStruct((E_PAD, D_MSG), F32)],
    )(src, dst, *ws)


def _tc_update(tab, parts_s, parts_v, ws, dims):
    grid = N_NODES // BLK_N
    in_specs = [pl.BlockSpec((BLK_N, D_TAB), lambda i: (i, 0)),
                pl.BlockSpec((NC, BLK_N, D_MSG), lambda i: (0, i, 0)),
                pl.BlockSpec((NC, BLK_N, D_MSG), lambda i: (0, i, 0))]
    in_specs += [_bcast_spec(w) for w in ws]
    return pl.pallas_call(
        functools.partial(_upd_body, dims=dims),
        grid=grid,
        in_specs=in_specs,
        out_specs=pl.BlockSpec((BLK_N, D_TAB), lambda i: (i, 0)),
        out_shape=jax.ShapeDtypeStruct((N_NODES, D_TAB), F32),
    )(tab, parts_s, parts_v, *ws)


def _tc_noise(tab, ws, dims, w_out, b_out):
    grid = N_NODES // BLK_N
    in_specs = [pl.BlockSpec((BLK_N, D_TAB), lambda i: (i, 0))]
    in_specs += [_bcast_spec(w) for w in ws]
    in_specs += [_bcast_spec(w_out), _bcast_spec(b_out)]
    return pl.pallas_call(
        functools.partial(_noise_body, dims=dims),
        grid=grid,
        in_specs=in_specs,
        out_specs=[pl.BlockSpec((BLK_N, w_out.shape[1]), lambda i: (i, 0)),
                   pl.BlockSpec((BLK_N, 3), lambda i: (i, 0))],
        out_shape=[jax.ShapeDtypeStruct((N_NODES, w_out.shape[1]), F32),
                   jax.ShapeDtypeStruct((N_NODES, 3), F32)],
    )(tab, *ws, w_out, b_out)



def _pack_table(s, v, x):
    n = s.shape[0]
    return jnp.concatenate(
        [s, v[:, :, 0], v[:, :, 1], v[:, :, 2], x,
         jnp.zeros((n, D_TAB - 179), F32)], axis=1)


def _split_parts(parts):
    return parts.reshape(NC, ACC_ROWS, D_MSG)[:, :N_NODES, :]


def kernel(lig_scalars, lig_pos, lig_vectors, kp_scalars, kp_pos, kp_vectors,
           ll_edge_index, kl_edge_index, params):
    lig_tab = _pack_table(lig_scalars, lig_vectors, lig_pos)
    kp_tab = _pack_table(kp_scalars, kp_vectors, kp_pos)

    npad = E_PAD - N_EDGES
    pad0 = lambda i: jnp.concatenate([i, jnp.zeros((npad,), I32)])
    padn = lambda i: jnp.concatenate([i, jnp.full((npad,), PAD_ROW, I32)])
    ll_src = pad0(ll_edge_index[0])
    ll_dst_g = pad0(ll_edge_index[1])
    ll_dst_s = padn(ll_edge_index[1])
    kl_src = pad0(kl_edge_index[0])
    kl_dst_g = pad0(kl_edge_index[1])
    kl_dst_s = padn(kl_edge_index[1])

    (kl_src_rows,) = _sc_gather(1, kp_tab, kl_src)

    for lp in params['convs']:
        ws_ll, dims_ll = _prep_stack(lp['msg_ll'])
        ws_kl, dims_kl = _prep_stack(lp['msg_kl'])
        ws_up, dims_up = _prep_stack(lp['upd'])
        src_ll, dst_ll, dst_kl = _sc_gather(
            3, lig_tab, ll_src, ll_dst_g, kl_dst_g)
        ms_ll, mv_ll = _tc_messages(src_ll, dst_ll, ws_ll, dims_ll)
        ms_kl, mv_kl = _tc_messages(kl_src_rows, dst_kl, ws_kl, dims_kl)
        parts_s = _split_parts(_sc_scatter(ms_ll, ms_kl, ll_dst_s, kl_dst_s))
        parts_v = _split_parts(_sc_scatter(mv_ll, mv_kl, ll_dst_s, kl_dst_s))
        lig_tab = _tc_update(lig_tab, parts_s, parts_v, ws_up, dims_up)

    ws_nz, dims_nz = _prep_stack(params['noise_gvps'])
    noise, vec = _tc_noise(lig_tab, ws_nz, dims_nz, params['W_out'],
                           params['b_out'].reshape(1, -1))
    return noise, vec.reshape(N_NODES, 1, 3)

# --- scband reference (transcript-rebuilt; emitter-appended) ---
"""Pipeline reference for scband-lig-rec-gvp-11948599017846 (READ-ONLY COPY).

The authoritative reference and input builder live on the scoring server;
editing this copy changes nothing except your own understanding.
"""

import jax, jax.numpy as jnp
import numpy as np

N_LIG = 10000; N_KP = 10000; E_LL = 160000; E_KL = 160000
S = 128; V = 16; N_CONVS = 2
N_MSG_GVPS = 3; N_UPD_GVPS = 2; N_NOISE_GVPS = 3
INTER = 64; OUT_SCALAR = 128; MESSAGE_NORM = 10.0


def init_gvp(key, v_in, v_out, f_in, f_out):
    h = max(v_in, v_out)
    k1, k2, k3 = jax.random.split(key, 3)
    return {
        'Wh': (jax.random.normal(k1, (v_in, h)) / np.sqrt(v_in)).astype(jnp.float32),
        'Wu': (jax.random.normal(k2, (h, v_out)) / np.sqrt(h)).astype(jnp.float32),
        'Wf': (jax.random.normal(k3, (f_in + h, f_out)) / np.sqrt(f_in + h)).astype(jnp.float32),
        'bf': jnp.zeros((f_out,), dtype=jnp.float32),
    }


def init_msg_stack(key):
    ps = []
    for i in range(N_MSG_GVPS):
        key, sk = jax.random.split(key)
        if i == 0:
            ps.append(init_gvp(sk, 2 * V + 1, V, 2 * S, S))
        else:
            ps.append(init_gvp(sk, V, V, S, S))
    return ps


def init_upd_stack(key):
    ps = []
    for i in range(N_UPD_GVPS):
        key, sk = jax.random.split(key)
        if i == 0:
            ps.append(init_gvp(sk, 2 * V, V, 2 * S, S))
        else:
            ps.append(init_gvp(sk, V, V, S, S))
    return ps


def setup_inputs(seed: int = 0):
    key = jax.random.key(seed)
    ks = jax.random.split(key, 8)
    lig_scalars = jax.random.normal(ks[0], (N_LIG, S), dtype=jnp.float32)
    lig_pos = jax.random.normal(ks[1], (N_LIG, 3), dtype=jnp.float32)
    lig_vectors = jax.random.normal(ks[2], (N_LIG, V, 3), dtype=jnp.float32)
    kp_scalars = jax.random.normal(ks[3], (N_KP, S), dtype=jnp.float32)
    kp_pos = jax.random.normal(ks[4], (N_KP, 3), dtype=jnp.float32)
    kp_vectors = jax.random.normal(ks[5], (N_KP, V, 3), dtype=jnp.float32)
    ll_edge_index = jax.random.randint(ks[6], (2, E_LL), 0, N_LIG, dtype=jnp.int32)
    kl_src = jax.random.randint(jax.random.fold_in(ks[7], 0), (E_KL,), 0, N_KP, dtype=jnp.int32)
    kl_dst = jax.random.randint(jax.random.fold_in(ks[7], 1), (E_KL,), 0, N_LIG, dtype=jnp.int32)
    kl_edge_index = jnp.stack([kl_src, kl_dst], axis=0)
    pkey = jax.random.key(42)
    conv_params = []
    for _ in range(N_CONVS):
        pkey, k1, k2, k3 = jax.random.split(pkey, 4)
        conv_params.append({'msg_ll': init_msg_stack(k1), 'msg_kl': init_msg_stack(k2), 'upd': init_upd_stack(k3)})
    noise_gvps = []
    for i in range(N_NOISE_GVPS):
        pkey, sk = jax.random.split(pkey)
        if i == N_NOISE_GVPS - 1:
            noise_gvps.append(init_gvp(sk, V, 1, S, INTER))
        else:
            noise_gvps.append(init_gvp(sk, V, V, S, S))
    pkey, kw = jax.random.split(pkey)
    params = {'convs': conv_params, 'noise_gvps': noise_gvps,
              'W_out': (jax.random.normal(kw, (INTER, OUT_SCALAR)) / np.sqrt(INTER)).astype(jnp.float32),
              'b_out': jnp.zeros((OUT_SCALAR,), dtype=jnp.float32)}
    return {'lig_scalars': lig_scalars, 'lig_pos': lig_pos, 'lig_vectors': lig_vectors,
            'kp_scalars': kp_scalars, 'kp_pos': kp_pos, 'kp_vectors': kp_vectors,
            'll_edge_index': ll_edge_index, 'kl_edge_index': kl_edge_index, 'params': params}


def gvp_apply(p, feats, vectors, sigmoid_gate):
    # GVP (geometric vector perceptron): Wh/Wu act on vector channels, norms feed the scalar track.
    Vh = jnp.einsum('nvc,vh->nhc', vectors, p['Wh'])
    Vu = jnp.einsum('nhc,hu->nuc', Vh, p['Wu'])
    sh = jnp.sqrt(jnp.sum(Vh * Vh, axis=-1) + 1e-8)
    feats_out = jax.nn.silu(jnp.concatenate([feats, sh], axis=-1) @ p['Wf'] + p['bf'])
    gate = jnp.sqrt(jnp.sum(Vu * Vu, axis=-1, keepdims=True) + 1e-8)
    if sigmoid_gate:
        gate = jax.nn.sigmoid(gate)
    return feats_out, gate * Vu


def edge_messages(gvps, src_s, src_x, src_v, dst_s, dst_x, dst_v, src_idx, dst_idx):
    fs = jnp.concatenate([jnp.take(src_s, src_idx, axis=0), jnp.take(dst_s, dst_idx, axis=0)], axis=-1)
    rel = (jnp.take(src_x, src_idx, axis=0) - jnp.take(dst_x, dst_idx, axis=0))[:, None, :]
    fv = jnp.concatenate([jnp.take(src_v, src_idx, axis=0), jnp.take(dst_v, dst_idx, axis=0), rel], axis=1)
    for p in gvps:
        fs, fv = gvp_apply(p, fs, fv, True)
    return fs, fv


def forward(lig_scalars, lig_pos, lig_vectors, kp_scalars, kp_pos, kp_vectors, params, ll_edge_index, kl_edge_index):
    lig_s, lig_x, lig_v = lig_scalars, lig_pos, lig_vectors
    for lp in params['convs']:
        ms, mv = edge_messages(lp['msg_ll'], lig_s, lig_x, lig_v, lig_s, lig_x, lig_v, ll_edge_index[0], ll_edge_index[1])
        agg_s = jax.ops.segment_sum(ms, ll_edge_index[1], num_segments=N_LIG)
        agg_v = jax.ops.segment_sum(mv, ll_edge_index[1], num_segments=N_LIG)
        ms, mv = edge_messages(lp['msg_kl'], kp_scalars, kp_pos, kp_vectors, lig_s, lig_x, lig_v, kl_edge_index[0], kl_edge_index[1])
        agg_s = agg_s + jax.ops.segment_sum(ms, kl_edge_index[1], num_segments=N_LIG)
        agg_v = agg_v + jax.ops.segment_sum(mv, kl_edge_index[1], num_segments=N_LIG)
        agg_s = agg_s / MESSAGE_NORM
        agg_v = agg_v / MESSAGE_NORM
        us = jnp.concatenate([lig_s, agg_s], axis=-1)
        uv = jnp.concatenate([lig_v, agg_v], axis=1)
        for p in lp['upd']:
            us, uv = gvp_apply(p, us, uv, True)
        lig_s = lig_s + us
        lig_v = lig_v + uv
    fs, fv = lig_s, lig_v
    for i, p in enumerate(params['noise_gvps']):
        fs, fv = gvp_apply(p, fs, fv, i != N_NOISE_GVPS - 1)
    scalar_noise = fs @ params['W_out'] + params['b_out']
    return scalar_noise, fv


def reference(lig_scalars, lig_pos, lig_vectors, kp_scalars, kp_pos, kp_vectors, ll_edge_index, kl_edge_index, params):
    return forward(lig_scalars, lig_pos, lig_vectors, kp_scalars, kp_pos, kp_vectors, params, ll_edge_index, kl_edge_index)

if __name__ == "__main__":
    import jax
    _d = setup_inputs()
    print(jax.jit(kernel)(*tuple(_d.values())))

</pallas_src>

<mosaic_0001>
#map = affine_map<(d0, d1) -> (0, 0)>
#map1 = affine_map<(d0, d1) -> (0)>
module attributes {stable_mosaic.version = 14 : i64} {
  func.func @body(%arg0: i32, %arg1: i32, %arg2: memref<163840x128xf32, #tpu.memory_space<hbm>>, %arg3: memref<163840x128xf32, #tpu.memory_space<hbm>>, %arg4: memref<163840xi32, #tpu.memory_space<hbm>>, %arg5: memref<163840xi32, #tpu.memory_space<hbm>>, %arg6: memref<20480x128xf32, #tpu.memory_space<hbm>>, %arg7: memref<128xi32, #tpu.memory_space<vmem>>, %arg8: memref<128xi32, #tpu.memory_space<vmem>>, %arg9: memref<128x128xf32, #tpu.memory_space<vmem>>, %arg10: memref<128x128xf32, #tpu.memory_space<vmem>>, %arg11: memref<10240x128xf32, #tpu.memory_space<vmem_shared>>, %arg12: memref<!tpu.dma_semaphore, #tpu.memory_space<semaphore_mem>>, %arg13: memref<!tpu.dma_semaphore, #tpu.memory_space<semaphore_mem>>, %arg14: memref<!tpu.dma_semaphore, #tpu.memory_space<semaphore_mem>>, %arg15: memref<!tpu.dma_semaphore, #tpu.memory_space<semaphore_mem>>) attributes {dimension_semantics = [#tpu.dimension_semantics<core_parallel>, #tpu.dimension_semantics<subcore_parallel>], iteration_bounds = array<i64: 2, 16>, scalar_prefetch = 0 : i64, scratch_operands = 9 : i64, tpu.core_type = #tpu.core_type<sc_vector_subcore>, window_params = [{transform_indices = #map}, {transform_indices = #map}, {transform_indices = #map1}, {transform_indices = #map1}, {transform_indices = #map}]} {
    %mul3A = arith.constant 2 : i32
    %mul3A_0 = arith.muli %arg1, %mul3A : i32
    %add3A = arith.addi %mul3A_0, %arg0 : i32
    %mul3A_1 = arith.constant 5120 : i32
    %mul3A_2 = arith.muli %add3A, %mul3A_1 : i32
    %scan3A = arith.constant 0 : i32
    %scan3A_3 = arith.constant 0 : i32
    %scan3A_4 = arith.constant 128 : i32
    %scan3A_5 = arith.addi %scan3A_3, %scan3A_4 : i32
    %scan3A_6 = arith.constant 1 : i32
    scf.for %scan3A_42 = %scan3A_3 to %scan3A_5 step %scan3A_6  : i32 {
      %broadcast_in_dim3A = arith.constant 0.000000e+00 : f32
      %broadcast_in_dim3A_43 = vector.broadcast %broadcast_in_dim3A : f32 to vector<16xf32>
      %swap3A = arith.index_cast %scan3A_42 : i32 to index
      %swap3A_44 = arith.constant 0 : index
      %swap3A_45 = tpu.vector_load %arg9[%swap3A, %swap3A_44] {strides = array<i32>} : memref<128x128xf32, #tpu.memory_space<vmem>>, vector<1x16xf32>,
      %swap3A_46 = vector.shape_cast %swap3A_45 : vector<1x16xf32> to vector<16xf32>
      %swap3A_47 = vector.shape_cast %broadcast_in_dim3A_43 : vector<16xf32> to vector<1x16xf32>
      tpu.vector_store %arg9[%swap3A, %swap3A_44], %swap3A_47 {strides = array<i32>} : memref<128x128xf32, #tpu.memory_space<vmem>>, vector<1x16xf32>,
      %broadcast_in_dim3A_48 = arith.constant 0.000000e+00 : f32
      %broadcast_in_dim3A_49 = vector.broadcast %broadcast_in_dim3A_48 : f32 to vector<16xf32>
      %swap3A_50 = arith.index_cast %scan3A_42 : i32 to index
      %swap3A_51 = arith.constant 16 : index
      %swap3A_52 = tpu.vector_load %arg9[%swap3A_50, %swap3A_51] {strides = array<i32>} : memref<128x128xf32, #tpu.memory_space<vmem>>, vector<1x16xf32>,
      %swap3A_53 = vector.shape_cast %swap3A_52 : vector<1x16xf32> to vector<16xf32>
      %swap3A_54 = vector.shape_cast %broadcast_in_dim3A_49 : vector<16xf32> to vector<1x16xf32>
      tpu.vector_store %arg9[%swap3A_50, %swap3A_51], %swap3A_54 {strides = array<i32>} : memref<128x128xf32, #tpu.memory_space<vmem>>, vector<1x16xf32>,
      %broadcast_in_dim3A_55 = arith.constant 0.000000e+00 : f32
      %broadcast_in_dim3A_56 = vector.broadcast %broadcast_in_dim3A_55 : f32 to vector<16xf32>
      %swap3A_57 = arith.index_cast %scan3A_42 : i32 to index
      %swap3A_58 = arith.constant 32 : index
      %swap3A_59 = tpu.vector_load %arg9[%swap3A_57, %swap3A_58] {strides = array<i32>} : memref<128x128xf32, #tpu.memory_space<vmem>>, vector<1x16xf32>,
      %swap3A_60 = vector.shape_cast %swap3A_59 : vector<1x16xf32> to vector<16xf32>
      %swap3A_61 = vector.shape_cast %broadcast_in_dim3A_56 : vector<16xf32> to vector<1x16xf32>
      tpu.vector_store %arg9[%swap3A_57, %swap3A_58], %swap3A_61 {strides = array<i32>} : memref<128x128xf32, #tpu.memory_space<vmem>>, vector<1x16xf32>,
      %broadcast_in_dim3A_62 = arith.constant 0.000000e+00 : f32
      %broadcast_in_dim3A_63 = vector.broadcast %broadcast_in_dim3A_62 : f32 to vector<16xf32>
      %swap3A_64 = arith.index_cast %scan3A_42 : i32 to index
      %swap3A_65 = arith.constant 48 : index
      %swap3A_66 = tpu.vector_load %arg9[%swap3A_64, %swap3A_65] {strides = array<i32>} : memref<128x128xf32, #tpu.memory_space<vmem>>, vector<1x16xf32>,
      %swap3A_67 = vector.shape_cast %swap3A_66 : vector<1x16xf32> to vector<16xf32>
      %swap3A_68 = vector.shape_cast %broadcast_in_dim3A_63 : vector<16xf32> to vector<1x16xf32>
      tpu.vector_store %arg9[%swap3A_64, %swap3A_65], %swap3A_68 {strides = array<i32>} : memref<128x128xf32, #tpu.memory_space<vmem>>, vector<1x16xf32>,
      %broadcast_in_dim3A_69 = arith.constant 0.000000e+00 : f32
      %broadcast_in_dim3A_70 = vector.broadcast %broadcast_in_dim3A_69 : f32 to vector<16xf32>
      %swap3A_71 = arith.index_cast %scan3A_42 : i32 to index
      %swap3A_72 = arith.constant 64 : index
      %swap3A_73 = tpu.vector_load %arg9[%swap3A_71, %swap3A_72] {strides = array<i32>} : memref<128x128xf32, #tpu.memory_space<vmem>>, vector<1x16xf32>,
      %swap3A_74 = vector.shape_cast %swap3A_73 : vector<1x16xf32> to vector<16xf32>
      %swap3A_75 = vector.shape_cast %broadcast_in_dim3A_70 : vector<16xf32> to vector<1x16xf32>
      tpu.vector_store %arg9[%swap3A_71, %swap3A_72], %swap3A_75 {strides = array<i32>} : memref<128x128xf32, #tpu.memory_space<vmem>>, vector<1x16xf32>,
      %broadcast_in_dim3A_76 = arith.constant 0.000000e+00 : f32
      %broadcast_in_dim3A_77 = vector.broadcast %broadcast_in_dim3A_76 : f32 to vector<16xf32>
      %swap3A_78 = arith.index_cast %scan3A_42 : i32 to index
      %swap3A_79 = arith.constant 80 : index
      %swap3A_80 = tpu.vector_load %arg9[%swap3A_78, %swap3A_79] {strides = array<i32>} : memref<128x128xf32, #tpu.memory_space<vmem>>, vector<1x16xf32>,
      %swap3A_81 = vector.shape_cast %swap3A_80 : vector<1x16xf32> to vector<16xf32>
      %swap3A_82 = vector.shape_cast %broadcast_in_dim3A_77 : vector<16xf32> to vector<1x16xf32>
      tpu.vector_store %arg9[%swap3A_78, %swap3A_79], %swap3A_82 {strides = array<i32>} : memref<128x128xf32, #tpu.memory_space<vmem>>, vector<1x16xf32>,
      %broadcast_in_dim3A_83 = arith.constant 0.000000e+00 : f32
      %broadcast_in_dim3A_84 = vector.broadcast %broadcast_in_dim3A_83 : f32 to vector<16xf32>
      %swap3A_85 = arith.index_cast %scan3A_42 : i32 to index
      %swap3A_86 = arith.constant 96 : index
      %swap3A_87 = tpu.vector_load %arg9[%swap3A_85, %swap3A_86] {strides = array<i32>} : memref<128x128xf32, #tpu.memory_space<vmem>>, vector<1x16xf32>,
      %swap3A_88 = vector.shape_cast %swap3A_87 : vector<1x16xf32> to vector<16xf32>
      %swap3A_89 = vector.shape_cast %broadcast_in_dim3A_84 : vector<16xf32> to vector<1x16xf32>
      tpu.vector_store %arg9[%swap3A_85, %swap3A_86], %swap3A_89 {strides = array<i32>} : memref<128x128xf32, #tpu.memory_space<vmem>>, vector<1x16xf32>,
      %broadcast_in_dim3A_90 = arith.constant 0.000000e+00 : f32
      %broadcast_in_dim3A_91 = vector.broadcast %broadcast_in_dim3A_90 : f32 to vector<16xf32>
      %swap3A_92 = arith.index_cast %scan3A_42 : i32 to index
      %swap3A_93 = arith.constant 112 : index
      %swap3A_94 = tpu.vector_load %arg9[%swap3A_92, %swap3A_93] {strides = array<i32>} : memref<128x128xf32, #tpu.memory_space<vmem>>, vector<1x16xf32>,
      %swap3A_95 = vector.shape_cast %swap3A_94 : vector<1x16xf32> to vector<16xf32>
      %swap3A_96 = vector.shape_cast %broadcast_in_dim3A_91 : vector<16xf32> to vector<1x16xf32>
      tpu.vector_store %arg9[%swap3A_92, %swap3A_93], %swap3A_96 {strides = array<i32>} : memref<128x128xf32, #tpu.memory_space<vmem>>, vector<1x16xf32>,
    }
    %scan3A_7 = arith.constant 128 : i32
    %mul3A_8 = arith.constant 640 : i32
    %mul3A_9 = arith.muli %arg1, %mul3A_8 : i32
    %add3A_10 = arith.constant 0 : i32
    %add3A_11 = arith.addi %mul3A_9, %add3A_10 : i32
    "tpu.region"() ({
      %run_scoped3A = tpu.sem_alloc : memref<!tpu.dma_semaphore, #tpu.memory_space<semaphore_mem>>
      %dma_start3A = arith.constant 0 : i32
      %dma_start3A_42 = tpu.memref_slice %arg11[%add3A_11, %dma_start3A] : memref<10240x128xf32, #tpu.memory_space<vmem_shared>> -> memref<128x128xf32, #tpu.memory_space<vmem_shared>>
      %dma_start3A_43 = arith.constant 0 : i32
      %dma_start3A_44 = tpu.memref_slice %arg11[%add3A_11, %dma_start3A_43] : memref<10240x128xf32, #tpu.memory_space<vmem_shared>> -> memref<128x128xf32, #tpu.memory_space<vmem_shared>>
      tpu.enqueue_dma source(%arg9 : memref<128x128xf32, #tpu.memory_space<vmem>>) target(%dma_start3A_44 : memref<128x128xf32, #tpu.memory_space<vmem_shared>>) target_semaphore(%run_scoped3A : memref<!tpu.dma_semaphore, #tpu.memory_space<semaphore_mem>>)
      %dma_wait3A = arith.constant 0 : i32
      %dma_wait3A_45 = tpu.memref_slice %arg11[%add3A_11, %dma_wait3A] : memref<10240x128xf32, #tpu.memory_space<vmem_shared>> -> memref<128x128xf32, #tpu.memory_space<vmem_shared>>
      %dma_wait3A_46 = arith.constant 0 : i32
      %dma_wait3A_47 = tpu.memref_slice %arg11[%add3A_11, %dma_wait3A_46] : memref<10240x128xf32, #tpu.memory_space<vmem_shared>> -> memref<128x128xf32, #tpu.memory_space<vmem_shared>>
      tpu.wait_dma2 semaphore(%run_scoped3A : memref<!tpu.dma_semaphore, #tpu.memory_space<semaphore_mem>>) src(%arg9 : memref<128x128xf32, #tpu.memory_space<vmem>>) dst(%dma_wait3A_47 : memref<128x128xf32, #tpu.memory_space<vmem_shared>>)
      tpu.yield
    }) : () -> ()
    %mul3A_12 = arith.constant 640 : i32
    %mul3A_13 = arith.muli %arg1, %mul3A_12 : i32
    %add3A_14 = arith.constant 128 : i32
    %add3A_15 = arith.addi %mul3A_13, %add3A_14 : i32
    "tpu.region"() ({
      %run_scoped3A = tpu.sem_alloc : memref<!tpu.dma_semaphore, #tpu.memory_space<semaphore_mem>>
      %dma_start3A = arith.constant 0 : i32
      %dma_start3A_42 = tpu.memref_slice %arg11[%add3A_15, %dma_start3A] : memref<10240x128xf32, #tpu.memory_space<vmem_shared>> -> memref<128x128xf32, #tpu.memory_space<vmem_shared>>
      %dma_start3A_43 = arith.constant 0 : i32
      %dma_start3A_44 = tpu.memref_slice %arg11[%add3A_15, %dma_start3A_43] : memref<10240x128xf32, #tpu.memory_space<vmem_shared>> -> memref<128x128xf32, #tpu.memory_space<vmem_shared>>
      tpu.enqueue_dma source(%arg9 : memref<128x128xf32, #tpu.memory_space<vmem>>) target(%dma_start3A_44 : memref<128x128xf32, #tpu.memory_space<vmem_shared>>) target_semaphore(%run_scoped3A : memref<!tpu.dma_semaphore, #tpu.memory_space<semaphore_mem>>)
      %dma_wait3A = arith.constant 0 : i32
      %dma_wait3A_45 = tpu.memref_slice %arg11[%add3A_15, %dma_wait3A] : memref<10240x128xf32, #tpu.memory_space<vmem_shared>> -> memref<128x128xf32, #tpu.memory_space<vmem_shared>>
      %dma_wait3A_46 = arith.constant 0 : i32
      %dma_wait3A_47 = tpu.memref_slice %arg11[%add3A_15, %dma_wait3A_46] : memref<10240x128xf32, #tpu.memory_space<vmem_shared>> -> memref<128x128xf32, #tpu.memory_space<vmem_shared>>
      tpu.wait_dma2 semaphore(%run_scoped3A : memref<!tpu.dma_semaphore, #tpu.memory_space<semaphore_mem>>) src(%arg9 : memref<128x128xf32, #tpu.memory_space<vmem>>) dst(%dma_wait3A_47 : memref<128x128xf32, #tpu.memory_space<vmem_shared>>)
      tpu.yield
    }) : () -> ()
    %mul3A_16 = arith.constant 640 : i32
    %mul3A_17 = arith.muli %arg1, %mul3A_16 : i32
    %add3A_18 = arith.constant 256 : i32
    %add3A_19 = arith.addi %mul3A_17, %add3A_18 : i32
    "tpu.region"() ({
      %run_scoped3A = tpu.sem_alloc : memref<!tpu.dma_semaphore, #tpu.memory_space<semaphore_mem>>
      %dma_start3A = arith.constant 0 : i32
      %dma_start3A_42 = tpu.memref_slice %arg11[%add3A_19, %dma_start3A] : memref<10240x128xf32, #tpu.memory_space<vmem_shared>> -> memref<128x128xf32, #tpu.memory_space<vmem_shared>>
      %dma_start3A_43 = arith.constant 0 : i32
      %dma_start3A_44 = tpu.memref_slice %arg11[%add3A_19, %dma_start3A_43] : memref<10240x128xf32, #tpu.memory_space<vmem_shared>> -> memref<128x128xf32, #tpu.memory_space<vmem_shared>>
      tpu.enqueue_dma source(%arg9 : memref<128x128xf32, #tpu.memory_space<vmem>>) target(%dma_start3A_44 : memref<128x128xf32, #tpu.memory_space<vmem_shared>>) target_semaphore(%run_scoped3A : memref<!tpu.dma_semaphore, #tpu.memory_space<semaphore_mem>>)
      %dma_wait3A = arith.constant 0 : i32
      %dma_wait3A_45 = tpu.memref_slice %arg11[%add3A_19, %dma_wait3A] : memref<10240x128xf32, #tpu.memory_space<vmem_shared>> -> memref<128x128xf32, #tpu.memory_space<vmem_shared>>
      %dma_wait3A_46 = arith.constant 0 : i32
      %dma_wait3A_47 = tpu.memref_slice %arg11[%add3A_19, %dma_wait3A_46] : memref<10240x128xf32, #tpu.memory_space<vmem_shared>> -> memref<128x128xf32, #tpu.memory_space<vmem_shared>>
      tpu.wait_dma2 semaphore(%run_scoped3A : memref<!tpu.dma_semaphore, #tpu.memory_space<semaphore_mem>>) src(%arg9 : memref<128x128xf32, #tpu.memory_space<vmem>>) dst(%dma_wait3A_47 : memref<128x128xf32, #tpu.memory_space<vmem_shared>>)
      tpu.yield
    }) : () -> ()
    %mul3A_20 = arith.constant 640 : i32
    %mul3A_21 = arith.muli %arg1, %mul3A_20 : i32
    %add3A_22 = arith.constant 384 : i32
    %add3A_23 = arith.addi %mul3A_21, %add3A_22 : i32
    "tpu.region"() ({
      %run_scoped3A = tpu.sem_alloc : memref<!tpu.dma_semaphore, #tpu.memory_space<semaphore_mem>>
      %dma_start3A = arith.constant 0 : i32
      %dma_start3A_42 = tpu.memref_slice %arg11[%add3A_23, %dma_start3A] : memref<10240x128xf32, #tpu.memory_space<vmem_shared>> -> memref<128x128xf32, #tpu.memory_space<vmem_shared>>
      %dma_start3A_43 = arith.constant 0 : i32
      %dma_start3A_44 = tpu.memref_slice %arg11[%add3A_23, %dma_start3A_43] : memref<10240x128xf32, #tpu.memory_space<vmem_shared>> -> memref<128x128xf32, #tpu.memory_space<vmem_shared>>
      tpu.enqueue_dma source(%arg9 : memref<128x128xf32, #tpu.memory_space<vmem>>) target(%dma_start3A_44 : memref<128x128xf32, #tpu.memory_space<vmem_shared>>) target_semaphore(%run_scoped3A : memref<!tpu.dma_semaphore, #tpu.memory_space<semaphore_mem>>)
      %dma_wait3A = arith.constant 0 : i32
      %dma_wait3A_45 = tpu.memref_slice %arg11[%add3A_23, %dma_wait3A] : memref<10240x128xf32, #tpu.memory_space<vmem_shared>> -> memref<128x128xf32, #tpu.memory_space<vmem_shared>>
      %dma_wait3A_46 = arith.constant 0 : i32
      %dma_wait3A_47 = tpu.memref_slice %arg11[%add3A_23, %dma_wait3A_46] : memref<10240x128xf32, #tpu.memory_space<vmem_shared>> -> memref<128x128xf32, #tpu.memory_space<vmem_shared>>
      tpu.wait_dma2 semaphore(%run_scoped3A : memref<!tpu.dma_semaphore, #tpu.memory_space<semaphore_mem>>) src(%arg9 : memref<128x128xf32, #tpu.memory_space<vmem>>) dst(%dma_wait3A_47 : memref<128x128xf32, #tpu.memory_space<vmem_shared>>)
      tpu.yield
    }) : () -> ()
    %mul3A_24 = arith.constant 640 : i32
    %mul3A_25 = arith.muli %arg1, %mul3A_24 : i32
    %add3A_26 = arith.constant 512 : i32
    %add3A_27 = arith.addi %mul3A_25, %add3A_26 : i32
    "tpu.region"() ({
      %run_scoped3A = tpu.sem_alloc : memref<!tpu.dma_semaphore, #tpu.memory_space<semaphore_mem>>
      %dma_start3A = arith.constant 0 : i32
      %dma_start3A_42 = tpu.memref_slice %arg11[%add3A_27, %dma_start3A] : memref<10240x128xf32, #tpu.memory_space<vmem_shared>> -> memref<128x128xf32, #tpu.memory_space<vmem_shared>>
      %dma_start3A_43 = arith.constant 0 : i32
      %dma_start3A_44 = tpu.memref_slice %arg11[%add3A_27, %dma_start3A_43] : memref<10240x128xf32, #tpu.memory_space<vmem_shared>> -> memref<128x128xf32, #tpu.memory_space<vmem_shared>>
      tpu.enqueue_dma source(%arg9 : memref<128x128xf32, #tpu.memory_space<vmem>>) target(%dma_start3A_44 : memref<128x128xf32, #tpu.memory_space<vmem_shared>>) target_semaphore(%run_scoped3A : memref<!tpu.dma_semaphore, #tpu.memory_space<semaphore_mem>>)
      %dma_wait3A = arith.constant 0 : i32
      %dma_wait3A_45 = tpu.memref_slice %arg11[%add3A_27, %dma_wait3A] : memref<10240x128xf32, #tpu.memory_space<vmem_shared>> -> memref<128x128xf32, #tpu.memory_space<vmem_shared>>
      %dma_wait3A_46 = arith.constant 0 : i32
      %dma_wait3A_47 = tpu.memref_slice %arg11[%add3A_27, %dma_wait3A_46] : memref<10240x128xf32, #tpu.memory_space<vmem_shared>> -> memref<128x128xf32, #tpu.memory_space<vmem_shared>>
      tpu.wait_dma2 semaphore(%run_scoped3A : memref<!tpu.dma_semaphore, #tpu.memory_space<semaphore_mem>>) src(%arg9 : memref<128x128xf32, #tpu.memory_space<vmem>>) dst(%dma_wait3A_47 : memref<128x128xf32, #tpu.memory_space<vmem_shared>>)
      tpu.yield
    }) : () -> ()
    %barrier3A = arith.constant 0 : index
    tpu.barrier barrier_id(%barrier3A)
    %scan3A_28 = arith.constant 0 : i32
    %scan3A_29 = arith.constant 0 : i32
    %scan3A_30 = arith.constant 40 : i32
    %scan3A_31 = arith.addi %scan3A_29, %scan3A_30 : i32
    %scan3A_32 = arith.constant 1 : i32
    scf.for %scan3A_42 = %scan3A_29 to %scan3A_31 step %scan3A_32  : i32 {
      %mul3A_43 = arith.constant 128 : i32
      %mul3A_44 = arith.muli %scan3A_42, %mul3A_43 : i32
      %add3A_45 = arith.addi %mul3A_2, %mul3A_44 : i32
      %dma_start3A = tpu.memref_slice %arg4[%add3A_45] : memref<163840xi32, #tpu.memory_space<hbm>> -> memref<128xi32, #tpu.memory_space<hbm>>
      %dma_start3A_46 = tpu.memref_slice %arg4[%add3A_45] : memref<163840xi32, #tpu.memory_space<hbm>> -> memref<128xi32, #tpu.memory_space<hbm>>
      tpu.enqueue_dma source(%dma_start3A_46 : memref<128xi32, #tpu.memory_space<hbm>>) target(%arg7 : memref<128xi32, #tpu.memory_space<vmem>>) target_semaphore(%arg12 : memref<!tpu.dma_semaphore, #tpu.memory_space<semaphore_mem>>)
      %dma_start3A_47 = arith.constant 0 : i32
      %dma_start3A_48 = tpu.memref_slice %arg2[%add3A_45, %dma_start3A_47] : memref<163840x128xf32, #tpu.memory_space<hbm>> -> memref<128x128xf32, #tpu.memory_space<hbm>>
      %dma_start3A_49 = arith.constant 0 : i32
      %dma_start3A_50 = tpu.memref_slice %arg2[%add3A_45, %dma_start3A_49] : memref<163840x128xf32, #tpu.memory_space<hbm>> -> memref<128x128xf32, #tpu.memory_space<hbm>>
      tpu.enqueue_dma source(%dma_start3A_50 : memref<128x128xf32, #tpu.memory_space<hbm>>) target(%arg9 : memref<128x128xf32, #tpu.memory_space<vmem>>) target_semaphore(%arg14 : memref<!tpu.dma_semaphore, #tpu.memory_space<semaphore_mem>>)
      %dma_start3A_51 = tpu.memref_slice %arg5[%add3A_45] : memref<163840xi32, #tpu.memory_space<hbm>> -> memref<128xi32, #tpu.memory_space<hbm>>
      %dma_start3A_52 = tpu.memref_slice %arg5[%add3A_45] : memref<163840xi32, #tpu.memory_space<hbm>> -> memref<128xi32, #tpu.memory_space<hbm>>
      tpu.enqueue_dma source(%dma_start3A_52 : memref<128xi32, #tpu.memory_space<hbm>>) target(%arg8 : memref<128xi32, #tpu.memory_space<vmem>>) target_semaphore(%arg13 : memref<!tpu.dma_semaphore, #tpu.memory_space<semaphore_mem>>)
      %dma_start3A_53 = arith.constant 0 : i32
      %dma_start3A_54 = tpu.memref_slice %arg3[%add3A_45, %dma_start3A_53] : memref<163840x128xf32, #tpu.memory_space<hbm>> -> memref<128x128xf32, #tpu.memory_space<hbm>>
      %dma_start3A_55 = arith.constant 0 : i32
      %dma_start3A_56 = tpu.memref_slice %arg3[%add3A_45, %dma_start3A_55] : memref<163840x128xf32, #tpu.memory_space<hbm>> -> memref<128x128xf32, #tpu.memory_space<hbm>>
      tpu.enqueue_dma source(%dma_start3A_56 : memref<128x128xf32, #tpu.memory_space<hbm>>) target(%arg10 : memref<128x128xf32, #tpu.memory_space<vmem>>) target_semaphore(%arg15 : memref<!tpu.dma_semaphore, #tpu.memory_space<semaphore_mem>>)
      %dma_wait3A = tpu.memref_slice %arg4[%add3A_45] : memref<163840xi32, #tpu.memory_space<hbm>> -> memref<128xi32, #tpu.memory_space<hbm>>
      %dma_wait3A_57 = tpu.memref_slice %arg4[%add3A_45] : memref<163840xi32, #tpu.memory_space<hbm>> -> memref<128xi32, #tpu.memory_space<hbm>>
      tpu.wait_dma2 semaphore(%arg12 : memref<!tpu.dma_semaphore, #tpu.memory_space<semaphore_mem>>) src(%dma_wait3A_57 : memref<128xi32, #tpu.memory_space<hbm>>) dst(%arg7 : memref<128xi32, #tpu.memory_space<vmem>>)
      %dma_wait3A_58 = arith.constant 0 : i32
      %dma_wait3A_59 = tpu.memref_slice %arg2[%add3A_45, %dma_wait3A_58] : memref<163840x128xf32, #tpu.memory_space<hbm>> -> memref<128x128xf32, #tpu.memory_space<hbm>>
      %dma_wait3A_60 = arith.constant 0 : i32
      %dma_wait3A_61 = tpu.memref_slice %arg2[%add3A_45, %dma_wait3A_60] : memref<163840x128xf32, #tpu.memory_space<hbm>> -> memref<128x128xf32, #tpu.memory_space<hbm>>
      tpu.wait_dma2 semaphore(%arg14 : memref<!tpu.dma_semaphore, #tpu.memory_space<semaphore_mem>>) src(%dma_wait3A_61 : memref<128x128xf32, #tpu.memory_space<hbm>>) dst(%arg9 : memref<128x128xf32, #tpu.memory_space<vmem>>)
      "tpu.region"() ({
        %run_scoped3A = tpu.sem_alloc : memref<!tpu.dma_semaphore, #tpu.memory_space<semaphore_mem>>
        %dma_start3A_68 = arith.constant 0 : i32
        %dma_start3A_69 = arith.constant 0 : i32
        %dma_start3A_70 = tpu.memref_slice %arg11[%dma_start3A_68, %dma_start3A_69] : memref<10240x128xf32, #tpu.memory_space<vmem_shared>> -> memref<10240x128xf32, #tpu.memory_space<vmem_shared>>
        tpu.enqueue_indirect_dma source(%arg9 : memref<128x128xf32, #tpu.memory_space<vmem>>) target(%dma_start3A_70 : memref<10240x128xf32, #tpu.memory_space<vmem_shared>>) offsets(%arg7 : memref<128xi32, #tpu.memory_space<vmem>>) semaphore(%run_scoped3A : memref<!tpu.dma_semaphore, #tpu.memory_space<semaphore_mem>>) {add = true}
        %dma_wait3A_71 = arith.constant 0 : i32
        %dma_wait3A_72 = arith.constant 0 : i32
        %dma_wait3A_73 = tpu.memref_slice %arg11[%dma_wait3A_71, %dma_wait3A_72] : memref<10240x128xf32, #tpu.memory_space<vmem_shared>> -> memref<10240x128xf32, #tpu.memory_space<vmem_shared>>
        tpu.wait_indirect_dma semaphore(%run_scoped3A : memref<!tpu.dma_semaphore, #tpu.memory_space<semaphore_mem>>) src(%arg9 : memref<128x128xf32, #tpu.memory_space<vmem>>) dst(%dma_wait3A_73 : memref<10240x128xf32, #tpu.memory_space<vmem_shared>>)
        tpu.yield
      }) : () -> ()
      %dma_wait3A_62 = tpu.memref_slice %arg5[%add3A_45] : memref<163840xi32, #tpu.memory_space<hbm>> -> memref<128xi32, #tpu.memory_space<hbm>>
      %dma_wait3A_63 = tpu.memref_slice %arg5[%add3A_45] : memref<163840xi32, #tpu.memory_space<hbm>> -> memref<128xi32, #tpu.memory_space<hbm>>
      tpu.wait_dma2 semaphore(%arg13 : memref<!tpu.dma_semaphore, #tpu.memory_space<semaphore_mem>>) src(%dma_wait3A_63 : memref<128xi32, #tpu.memory_space<hbm>>) dst(%arg8 : memref<128xi32, #tpu.memory_space<vmem>>)
      %dma_wait3A_64 = arith.constant 0 : i32
      %dma_wait3A_65 = tpu.memref_slice %arg3[%add3A_45, %dma_wait3A_64] : memref<163840x128xf32, #tpu.memory_space<hbm>> -> memref<128x128xf32, #tpu.memory_space<hbm>>
      %dma_wait3A_66 = arith.constant 0 : i32
      %dma_wait3A_67 = tpu.memref_slice %arg3[%add3A_45, %dma_wait3A_66] : memref<163840x128xf32, #tpu.memory_space<hbm>> -> memref<128x128xf32, #tpu.memory_space<hbm>>
      tpu.wait_dma2 semaphore(%arg15 : memref<!tpu.dma_semaphore, #tpu.memory_space<semaphore_mem>>) src(%dma_wait3A_67 : memref<128x128xf32, #tpu.memory_space<hbm>>) dst(%arg10 : memref<128x128xf32, #tpu.memory_space<vmem>>)
      "tpu.region"() ({
        %run_scoped3A = tpu.sem_alloc : memref<!tpu.dma_semaphore, #tpu.memory_space<semaphore_mem>>
        %dma_start3A_68 = arith.constant 0 : i32
        %dma_start3A_69 = arith.constant 0 : i32
        %dma_start3A_70 = tpu.memref_slice %arg11[%dma_start3A_68, %dma_start3A_69] : memref<10240x128xf32, #tpu.memory_space<vmem_shared>> -> memref<10240x128xf32, #tpu.memory_space<vmem_shared>>
        tpu.enqueue_indirect_dma source(%arg10 : memref<128x128xf32, #tpu.memory_space<vmem>>) target(%dma_start3A_70 : memref<10240x128xf32, #tpu.memory_space<vmem_shared>>) offsets(%arg8 : memref<128xi32, #tpu.memory_space<vmem>>) semaphore(%run_scoped3A : memref<!tpu.dma_semaphore, #tpu.memory_space<semaphore_mem>>) {add = true}
        %dma_wait3A_71 = arith.constant 0 : i32
        %dma_wait3A_72 = arith.constant 0 : i32
        %dma_wait3A_73 = tpu.memref_slice %arg11[%dma_wait3A_71, %dma_wait3A_72] : memref<10240x128xf32, #tpu.memory_space<vmem_shared>> -> memref<10240x128xf32, #tpu.memory_space<vmem_shared>>
        tpu.wait_indirect_dma semaphore(%run_scoped3A : memref<!tpu.dma_semaphore, #tpu.memory_space<semaphore_mem>>) src(%arg10 : memref<128x128xf32, #tpu.memory_space<vmem>>) dst(%dma_wait3A_73 : memref<10240x128xf32, #tpu.memory_space<vmem_shared>>)
        tpu.yield
      }) : () -> ()
    }
    %scan3A_33 = arith.constant 40 : i32
    %barrier3A_34 = arith.constant 0 : index
    tpu.barrier barrier_id(%barrier3A_34)
    %mul3A_35 = arith.constant 640 : i32
    %mul3A_36 = arith.muli %arg1, %mul3A_35 : i32
    %mul3A_37 = arith.constant 10240 : i32
    %mul3A_38 = arith.muli %arg0, %mul3A_37 : i32
    %mul3A_39 = arith.constant 640 : i32
    %mul3A_40 = arith.muli %arg1, %mul3A_39 : i32
    %add3A_41 = arith.addi %mul3A_38, %mul3A_40 : i32
    "tpu.region"() ({
      %run_scoped3A = tpu.sem_alloc : memref<!tpu.dma_semaphore, #tpu.memory_space<semaphore_mem>>
      %dma_start3A = arith.constant 0 : i32
      %dma_start3A_42 = tpu.memref_slice %arg6[%add3A_41, %dma_start3A] : memref<20480x128xf32, #tpu.memory_space<hbm>> -> memref<640x128xf32, #tpu.memory_space<hbm>>
      %dma_start3A_43 = arith.constant 0 : i32
      %dma_start3A_44 = tpu.memref_slice %arg11[%mul3A_36, %dma_start3A_43] : memref<10240x128xf32, #tpu.memory_space<vmem_shared>> -> memref<640x128xf32, #tpu.memory_space<vmem_shared>>
      tpu.enqueue_dma source(%dma_start3A_44 : memref<640x128xf32, #tpu.memory_space<vmem_shared>>) target(%dma_start3A_42 : memref<640x128xf32, #tpu.memory_space<hbm>>) target_semaphore(%run_scoped3A : memref<!tpu.dma_semaphore, #tpu.memory_space<semaphore_mem>>)
      %dma_wait3A = arith.constant 0 : i32
      %dma_wait3A_45 = tpu.memref_slice %arg6[%add3A_41, %dma_wait3A] : memref<20480x128xf32, #tpu.memory_space<hbm>> -> memref<640x128xf32, #tpu.memory_space<hbm>>
      %dma_wait3A_46 = arith.constant 0 : i32
      %dma_wait3A_47 = tpu.memref_slice %arg11[%mul3A_36, %dma_wait3A_46] : memref<10240x128xf32, #tpu.memory_space<vmem_shared>> -> memref<640x128xf32, #tpu.memory_space<vmem_shared>>
      tpu.wait_dma2 semaphore(%run_scoped3A : memref<!tpu.dma_semaphore, #tpu.memory_space<semaphore_mem>>) src(%dma_wait3A_47 : memref<640x128xf32, #tpu.memory_space<vmem_shared>>) dst(%dma_wait3A_45 : memref<640x128xf32, #tpu.memory_space<hbm>>)
      tpu.yield
    }) : () -> ()
    return
  }
}

#map = affine_map<(d0, d1) -> (0, 0)>
#map1 = affine_map<(d0, d1) -> (0)>
module attributes {stable_mosaic.version = 14 : i64} {
  func.func @body(%arg0: i32, %arg1: i32, %arg2: memref<10000x256xf32, #tpu.memory_space<hbm>>, %arg3: memref<163840xi32, #tpu.memory_space<hbm>>, %arg4: memref<163840xi32, #tpu.memory_space<hbm>>, %arg5: memref<163840xi32, #tpu.memory_space<hbm>>, %arg6: memref<163840x256xf32, #tpu.memory_space<hbm>>, %arg7: memref<163840x256xf32, #tpu.memory_space<hbm>>, %arg8: memref<163840x256xf32, #tpu.memory_space<hbm>>, %arg9: memref<128xi32, #tpu.memory_space<vmem>>, %arg10: memref<128xi32, #tpu.memory_space<vmem>>, %arg11: memref<128xi32, #tpu.memory_space<vmem>>, %arg12: memref<128x256xf32, #tpu.memory_space<vmem>>, %arg13: memref<128x256xf32, #tpu.memory_space<vmem>>, %arg14: memref<!tpu.dma_semaphore, #tpu.memory_space<semaphore_mem>>, %arg15: memref<!tpu.dma_semaphore, #tpu.memory_space<semaphore_mem>>, %arg16: memref<!tpu.dma_semaphore, #tpu.memory_space<semaphore_mem>>, %arg17: memref<!tpu.dma_semaphore, #tpu.memory_space<semaphore_mem>>, %arg18: memref<!tpu.dma_semaphore, #tpu.memory_space<semaphore_mem>>) attributes {dimension_semantics = [#tpu.dimension_semantics<core_parallel>, #tpu.dimension_semantics<subcore_parallel>], iteration_bounds = array<i64: 2, 16>, scalar_prefetch = 0 : i64, scratch_operands = 10 : i64, tpu.core_type = #tpu.core_type<sc_vector_subcore>, window_params = [{transform_indices = #map}, {transform_indices = #map1}, {transform_indices = #map1}, {transform_indices = #map1}, {transform_indices = #map}, {transform_indices = #map}, {transform_indices = #map}]} {
    %mul3A = arith.constant 2 : i32
    %mul3A_0 = arith.muli %arg1, %mul3A : i32
    %add3A = arith.addi %mul3A_0, %arg0 : i32
    %mul3A_1 = arith.constant 5120 : i32
    %mul3A_2 = arith.muli %add3A, %mul3A_1 : i32
    %scan3A = arith.constant 0 : i32
    %scan3A_3 = arith.constant 0 : i32
    %scan3A_4 = arith.constant 40 : i32
    %scan3A_5 = arith.addi %scan3A_3, %scan3A_4 : i32
    %scan3A_6 = arith.constant 1 : i32
    scf.for %scan3A_8 = %scan3A_3 to %scan3A_5 step %scan3A_6  : i32 {
      %mul3A_9 = arith.constant 128 : i32
      %mul3A_10 = arith.muli %scan3A_8, %mul3A_9 : i32
      %add3A_11 = arith.addi %mul3A_2, %mul3A_10 : i32
      %dma_start3A = tpu.memref_slice %arg3[%add3A_11] : memref<163840xi32, #tpu.memory_space<hbm>> -> memref<128xi32, #tpu.memory_space<hbm>>
      %dma_start3A_12 = tpu.memref_slice %arg3[%add3A_11] : memref<163840xi32, #tpu.memory_space<hbm>> -> memref<128xi32, #tpu.memory_space<hbm>>
      tpu.enqueue_dma source(%dma_start3A_12 : memref<128xi32, #tpu.memory_space<hbm>>) target(%arg9 : memref<128xi32, #tpu.memory_space<vmem>>) target_semaphore(%arg14 : memref<!tpu.dma_semaphore, #tpu.memory_space<semaphore_mem>>)
      %dma_start3A_13 = tpu.memref_slice %arg4[%add3A_11] : memref<163840xi32, #tpu.memory_space<hbm>> -> memref<128xi32, #tpu.memory_space<hbm>>
      %dma_start3A_14 = tpu.memref_slice %arg4[%add3A_11] : memref<163840xi32, #tpu.memory_space<hbm>> -> memref<128xi32, #tpu.memory_space<hbm>>
      tpu.enqueue_dma source(%dma_start3A_14 : memref<128xi32, #tpu.memory_space<hbm>>) target(%arg10 : memref<128xi32, #tpu.memory_space<vmem>>) target_semaphore(%arg15 : memref<!tpu.dma_semaphore, #tpu.memory_space<semaphore_mem>>)
      %dma_start3A_15 = tpu.memref_slice %arg5[%add3A_11] : memref<163840xi32, #tpu.memory_space<hbm>> -> memref<128xi32, #tpu.memory_space<hbm>>
      %dma_start3A_16 = tpu.memref_slice %arg5[%add3A_11] : memref<163840xi32, #tpu.memory_space<hbm>> -> memref<128xi32, #tpu.memory_space<hbm>>
      tpu.enqueue_dma source(%dma_start3A_16 : memref<128xi32, #tpu.memory_space<hbm>>) target(%arg11 : memref<128xi32, #tpu.memory_space<vmem>>) target_semaphore(%arg16 : memref<!tpu.dma_semaphore, #tpu.memory_space<semaphore_mem>>)
      %dma_wait3A = tpu.memref_slice %arg3[%add3A_11] : memref<163840xi32, #tpu.memory_space<hbm>> -> memref<128xi32, #tpu.memory_space<hbm>>
      %dma_wait3A_17 = tpu.memref_slice %arg3[%add3A_11] : memref<163840xi32, #tpu.memory_space<hbm>> -> memref<128xi32, #tpu.memory_space<hbm>>
      tpu.wait_dma2 semaphore(%arg14 : memref<!tpu.dma_semaphore, #tpu.memory_space<semaphore_mem>>) src(%dma_wait3A_17 : memref<128xi32, #tpu.memory_space<hbm>>) dst(%arg9 : memref<128xi32, #tpu.memory_space<vmem>>)
      %dma_start3A_18 = arith.constant 0 : i32
      %dma_start3A_19 = arith.constant 0 : i32
      %dma_start3A_20 = tpu.memref_slice %arg2[%dma_start3A_18, %dma_start3A_19] : memref<10000x256xf32, #tpu.memory_space<hbm>> -> memref<10000x256xf32, #tpu.memory_space<hbm>>
      tpu.enqueue_indirect_dma source(%dma_start3A_20 : memref<10000x256xf32, #tpu.memory_space<hbm>>) target(%arg12 : memref<128x256xf32, #tpu.memory_space<vmem>>) offsets(%arg9 : memref<128xi32, #tpu.memory_space<vmem>>) semaphore(%arg17 : memref<!tpu.dma_semaphore, #tpu.memory_space<semaphore_mem>>)
      %dma_wait3A_21 = tpu.memref_slice %arg4[%add3A_11] : memref<163840xi32, #tpu.memory_space<hbm>> -> memref<128xi32, #tpu.memory_space<hbm>>
      %dma_wait3A_22 = tpu.memref_slice %arg4[%add3A_11] : memref<163840xi32, #tpu.memory_space<hbm>> -> memref<128xi32, #tpu.memory_space<hbm>>
      tpu.wait_dma2 semaphore(%arg15 : memref<!tpu.dma_semaphore, #tpu.memory_space<semaphore_mem>>) src(%dma_wait3A_22 : memref<128xi32, #tpu.memory_space<hbm>>) dst(%arg10 : memref<128xi32, #tpu.memory_space<vmem>>)
      %dma_start3A_23 = arith.constant 0 : i32
      %dma_start3A_24 = arith.constant 0 : i32
      %dma_start3A_25 = tpu.memref_slice %arg2[%dma_start3A_23, %dma_start3A_24] : memref<10000x256xf32, #tpu.memory_space<hbm>> -> memref<10000x256xf32, #tpu.memory_space<hbm>>
      tpu.enqueue_indirect_dma source(%dma_start3A_25 : memref<10000x256xf32, #tpu.memory_space<hbm>>) target(%arg13 : memref<128x256xf32, #tpu.memory_space<vmem>>) offsets(%arg10 : memref<128xi32, #tpu.memory_space<vmem>>) semaphore(%arg18 : memref<!tpu.dma_semaphore, #tpu.memory_space<semaphore_mem>>)
      %dma_wait3A_26 = arith.constant 0 : i32
      %dma_wait3A_27 = arith.constant 0 : i32
      %dma_wait3A_28 = tpu.memref_slice %arg2[%dma_wait3A_26, %dma_wait3A_27] : memref<10000x256xf32, #tpu.memory_space<hbm>> -> memref<10000x256xf32, #tpu.memory_space<hbm>>
      tpu.wait_indirect_dma semaphore(%arg17 : memref<!tpu.dma_semaphore, #tpu.memory_space<semaphore_mem>>) src(%dma_wait3A_28 : memref<10000x256xf32, #tpu.memory_space<hbm>>) dst(%arg12 : memref<128x256xf32, #tpu.memory_space<vmem>>)
      "tpu.region"() ({
        %run_scoped3A = tpu.sem_alloc : memref<!tpu.dma_semaphore, #tpu.memory_space<semaphore_mem>>
        %dma_start3A_40 = arith.constant 0 : i32
        %dma_start3A_41 = tpu.memref_slice %arg6[%add3A_11, %dma_start3A_40] : memref<163840x256xf32, #tpu.memory_space<hbm>> -> memref<128x256xf32, #tpu.memory_space<hbm>>
        %dma_start3A_42 = arith.constant 0 : i32
        %dma_start3A_43 = tpu.memref_slice %arg6[%add3A_11, %dma_start3A_42] : memref<163840x256xf32, #tpu.memory_space<hbm>> -> memref<128x256xf32, #tpu.memory_space<hbm>>
        tpu.enqueue_dma source(%arg12 : memref<128x256xf32, #tpu.memory_space<vmem>>) target(%dma_start3A_43 : memref<128x256xf32, #tpu.memory_space<hbm>>) target_semaphore(%run_scoped3A : memref<!tpu.dma_semaphore, #tpu.memory_space<semaphore_mem>>)
        %dma_wait3A_44 = arith.constant 0 : i32
        %dma_wait3A_45 = tpu.memref_slice %arg6[%add3A_11, %dma_wait3A_44] : memref<163840x256xf32, #tpu.memory_space<hbm>> -> memref<128x256xf32, #tpu.memory_space<hbm>>
        %dma_wait3A_46 = arith.constant 0 : i32
        %dma_wait3A_47 = tpu.memref_slice %arg6[%add3A_11, %dma_wait3A_46] : memref<163840x256xf32, #tpu.memory_space<hbm>> -> memref<128x256xf32, #tpu.memory_space<hbm>>
        tpu.wait_dma2 semaphore(%run_scoped3A : memref<!tpu.dma_semaphore, #tpu.memory_space<semaphore_mem>>) src(%arg12 : memref<128x256xf32, #tpu.memory_space<vmem>>) dst(%dma_wait3A_47 : memref<128x256xf32, #tpu.memory_space<hbm>>)
        tpu.yield
      }) : () -> ()
      %dma_wait3A_29 = tpu.memref_slice %arg5[%add3A_11] : memref<163840xi32, #tpu.memory_space<hbm>> -> memref<128xi32, #tpu.memory_space<hbm>>
      %dma_wait3A_30 = tpu.memref_slice %arg5[%add3A_11] : memref<163840xi32, #tpu.memory_space<hbm>> -> memref<128xi32, #tpu.memory_space<hbm>>
      tpu.wait_dma2 semaphore(%arg16 : memref<!tpu.dma_semaphore, #tpu.memory_space<semaphore_mem>>) src(%dma_wait3A_30 : memref<128xi32, #tpu.memory_space<hbm>>) dst(%arg11 : memref<128xi32, #tpu.memory_space<vmem>>)
      %dma_start3A_31 = arith.constant 0 : i32
      %dma_start3A_32 = arith.constant 0 : i32
      %dma_start3A_33 = tpu.memref_slice %arg2[%dma_start3A_31, %dma_start3A_32] : memref<10000x256xf32, #tpu.memory_space<hbm>> -> memref<10000x256xf32, #tpu.memory_space<hbm>>
      tpu.enqueue_indirect_dma source(%dma_start3A_33 : memref<10000x256xf32, #tpu.memory_space<hbm>>) target(%arg12 : memref<128x256xf32, #tpu.memory_space<vmem>>) offsets(%arg11 : memref<128xi32, #tpu.memory_space<vmem>>) semaphore(%arg17 : memref<!tpu.dma_semaphore, #tpu.memory_space<semaphore_mem>>)
      %dma_wait3A_34 = arith.constant 0 : i32
      %dma_wait3A_35 = arith.constant 0 : i32
      %dma_wait3A_36 = tpu.memref_slice %arg2[%dma_wait3A_34, %dma_wait3A_35] : memref<10000x256xf32, #tpu.memory_space<hbm>> -> memref<10000x256xf32, #tpu.memory_space<hbm>>
      tpu.wait_indirect_dma semaphore(%arg18 : memref<!tpu.dma_semaphore, #tpu.memory_space<semaphore_mem>>) src(%dma_wait3A_36 : memref<10000x256xf32, #tpu.memory_space<hbm>>) dst(%arg13 : memref<128x256xf32, #tpu.memory_space<vmem>>)
      "tpu.region"() ({
        %run_scoped3A = tpu.sem_alloc : memref<!tpu.dma_semaphore, #tpu.memory_space<semaphore_mem>>
        %dma_start3A_40 = arith.constant 0 : i32
        %dma_start3A_41 = tpu.memref_slice %arg7[%add3A_11, %dma_start3A_40] : memref<163840x256xf32, #tpu.memory_space<hbm>> -> memref<128x256xf32, #tpu.memory_space<hbm>>
        %dma_start3A_42 = arith.constant 0 : i32
        %dma_start3A_43 = tpu.memref_slice %arg7[%add3A_11, %dma_start3A_42] : memref<163840x256xf32, #tpu.memory_space<hbm>> -> memref<128x256xf32, #tpu.memory_space<hbm>>
        tpu.enqueue_dma source(%arg13 : memref<128x256xf32, #tpu.memory_space<vmem>>) target(%dma_start3A_43 : memref<128x256xf32, #tpu.memory_space<hbm>>) target_semaphore(%run_scoped3A : memref<!tpu.dma_semaphore, #tpu.memory_space<semaphore_mem>>)
        %dma_wait3A_44 = arith.constant 0 : i32
        %dma_wait3A_45 = tpu.memref_slice %arg7[%add3A_11, %dma_wait3A_44] : memref<163840x256xf32, #tpu.memory_space<hbm>> -> memref<128x256xf32, #tpu.memory_space<hbm>>
        %dma_wait3A_46 = arith.constant 0 : i32
        %dma_wait3A_47 = tpu.memref_slice %arg7[%add3A_11, %dma_wait3A_46] : memref<163840x256xf32, #tpu.memory_space<hbm>> -> memref<128x256xf32, #tpu.memory_space<hbm>>
        tpu.wait_dma2 semaphore(%run_scoped3A : memref<!tpu.dma_semaphore, #tpu.memory_space<semaphore_mem>>) src(%arg13 : memref<128x256xf32, #tpu.memory_space<vmem>>) dst(%dma_wait3A_47 : memref<128x256xf32, #tpu.memory_space<hbm>>)
        tpu.yield
      }) : () -> ()
      %dma_wait3A_37 = arith.constant 0 : i32
      %dma_wait3A_38 = arith.constant 0 : i32
      %dma_wait3A_39 = tpu.memref_slice %arg2[%dma_wait3A_37, %dma_wait3A_38] : memref<10000x256xf32, #tpu.memory_space<hbm>> -> memref<10000x256xf32, #tpu.memory_space<hbm>>
      tpu.wait_indirect_dma semaphore(%arg17 : memref<!tpu.dma_semaphore, #tpu.memory_space<semaphore_mem>>) src(%dma_wait3A_39 : memref<10000x256xf32, #tpu.memory_space<hbm>>) dst(%arg12 : memref<128x256xf32, #tpu.memory_space<vmem>>)
      "tpu.region"() ({
        %run_scoped3A = tpu.sem_alloc : memref<!tpu.dma_semaphore, #tpu.memory_space<semaphore_mem>>
        %dma_start3A_40 = arith.constant 0 : i32
        %dma_start3A_41 = tpu.memref_slice %arg8[%add3A_11, %dma_start3A_40] : memref<163840x256xf32, #tpu.memory_space<hbm>> -> memref<128x256xf32, #tpu.memory_space<hbm>>
        %dma_start3A_42 = arith.constant 0 : i32
        %dma_start3A_43 = tpu.memref_slice %arg8[%add3A_11, %dma_start3A_42] : memref<163840x256xf32, #tpu.memory_space<hbm>> -> memref<128x256xf32, #tpu.memory_space<hbm>>
        tpu.enqueue_dma source(%arg12 : memref<128x256xf32, #tpu.memory_space<vmem>>) target(%dma_start3A_43 : memref<128x256xf32, #tpu.memory_space<hbm>>) target_semaphore(%run_scoped3A : memref<!tpu.dma_semaphore, #tpu.memory_space<semaphore_mem>>)
        %dma_wait3A_44 = arith.constant 0 : i32
        %dma_wait3A_45 = tpu.memref_slice %arg8[%add3A_11, %dma_wait3A_44] : memref<163840x256xf32, #tpu.memory_space<hbm>> -> memref<128x256xf32, #tpu.memory_space<hbm>>
        %dma_wait3A_46 = arith.constant 0 : i32
        %dma_wait3A_47 = tpu.memref_slice %arg8[%add3A_11, %dma_wait3A_46] : memref<163840x256xf32, #tpu.memory_space<hbm>> -> memref<128x256xf32, #tpu.memory_space<hbm>>
        tpu.wait_dma2 semaphore(%run_scoped3A : memref<!tpu.dma_semaphore, #tpu.memory_space<semaphore_mem>>) src(%arg12 : memref<128x256xf32, #tpu.memory_space<vmem>>) dst(%dma_wait3A_47 : memref<128x256xf32, #tpu.memory_space<hbm>>)
        tpu.yield
      }) : () -> ()
    }
    %scan3A_7 = arith.constant 40 : i32
    return
  }
}

#map = affine_map<(d0, d1) -> (0, 0)>
#map1 = affine_map<(d0, d1) -> (0)>
module attributes {stable_mosaic.version = 14 : i64} {
  func.func @body(%arg0: i32, %arg1: i32, %arg2: memref<10000x256xf32, #tpu.memory_space<hbm>>, %arg3: memref<163840xi32, #tpu.memory_space<hbm>>, %arg4: memref<163840x256xf32, #tpu.memory_space<hbm>>, %arg5: memref<128xi32, #tpu.memory_space<vmem>>, %arg6: memref<128x256xf32, #tpu.memory_space<vmem>>, %arg7: memref<128x256xf32, #tpu.memory_space<vmem>>, %arg8: memref<!tpu.dma_semaphore, #tpu.memory_space<semaphore_mem>>, %arg9: memref<!tpu.dma_semaphore, #tpu.memory_space<semaphore_mem>>, %arg10: memref<!tpu.dma_semaphore, #tpu.memory_space<semaphore_mem>>) attributes {dimension_semantics = [#tpu.dimension_semantics<core_parallel>, #tpu.dimension_semantics<subcore_parallel>], iteration_bounds = array<i64: 2, 16>, scalar_prefetch = 0 : i64, scratch_operands = 6 : i64, tpu.core_type = #tpu.core_type<sc_vector_subcore>, window_params = [{transform_indices = #map}, {transform_indices = #map1}, {transform_indices = #map}]} {
    %mul3A = arith.constant 2 : i32
    %mul3A_0 = arith.muli %arg1, %mul3A : i32
    %add3A = arith.addi %mul3A_0, %arg0 : i32
    %mul3A_1 = arith.constant 5120 : i32
    %mul3A_2 = arith.muli %add3A, %mul3A_1 : i32
    %scan3A = arith.constant 0 : i32
    %scan3A_3 = arith.constant 0 : i32
    %scan3A_4 = arith.constant 40 : i32
    %scan3A_5 = arith.addi %scan3A_3, %scan3A_4 : i32
    %scan3A_6 = arith.constant 1 : i32
    scf.for %scan3A_8 = %scan3A_3 to %scan3A_5 step %scan3A_6  : i32 {
      %mul3A_9 = arith.constant 128 : i32
      %mul3A_10 = arith.muli %scan3A_8, %mul3A_9 : i32
      %add3A_11 = arith.addi %mul3A_2, %mul3A_10 : i32
      %dma_start3A = tpu.memref_slice %arg3[%add3A_11] : memref<163840xi32, #tpu.memory_space<hbm>> -> memref<128xi32, #tpu.memory_space<hbm>>
      %dma_start3A_12 = tpu.memref_slice %arg3[%add3A_11] : memref<163840xi32, #tpu.memory_space<hbm>> -> memref<128xi32, #tpu.memory_space<hbm>>
      tpu.enqueue_dma source(%dma_start3A_12 : memref<128xi32, #tpu.memory_space<hbm>>) target(%arg5 : memref<128xi32, #tpu.memory_space<vmem>>) target_semaphore(%arg8 : memref<!tpu.dma_semaphore, #tpu.memory_space<semaphore_mem>>)
      %dma_wait3A = tpu.memref_slice %arg3[%add3A_11] : memref<163840xi32, #tpu.memory_space<hbm>> -> memref<128xi32, #tpu.memory_space<hbm>>
      %dma_wait3A_13 = tpu.memref_slice %arg3[%add3A_11] : memref<163840xi32, #tpu.memory_space<hbm>> -> memref<128xi32, #tpu.memory_space<hbm>>
      tpu.wait_dma2 semaphore(%arg8 : memref<!tpu.dma_semaphore, #tpu.memory_space<semaphore_mem>>) src(%dma_wait3A_13 : memref<128xi32, #tpu.memory_space<hbm>>) dst(%arg5 : memref<128xi32, #tpu.memory_space<vmem>>)
      %dma_start3A_14 = arith.constant 0 : i32
      %dma_start3A_15 = arith.constant 0 : i32
      %dma_start3A_16 = tpu.memref_slice %arg2[%dma_start3A_14, %dma_start3A_15] : memref<10000x256xf32, #tpu.memory_space<hbm>> -> memref<10000x256xf32, #tpu.memory_space<hbm>>
      tpu.enqueue_indirect_dma source(%dma_start3A_16 : memref<10000x256xf32, #tpu.memory_space<hbm>>) target(%arg6 : memref<128x256xf32, #tpu.memory_space<vmem>>) offsets(%arg5 : memref<128xi32, #tpu.memory_space<vmem>>) semaphore(%arg9 : memref<!tpu.dma_semaphore, #tpu.memory_space<semaphore_mem>>)
      %dma_wait3A_17 = arith.constant 0 : i32
      %dma_wait3A_18 = arith.constant 0 : i32
      %dma_wait3A_19 = tpu.memref_slice %arg2[%dma_wait3A_17, %dma_wait3A_18] : memref<10000x256xf32, #tpu.memory_space<hbm>> -> memref<10000x256xf32, #tpu.memory_space<hbm>>
      tpu.wait_indirect_dma semaphore(%arg9 : memref<!tpu.dma_semaphore, #tpu.memory_space<semaphore_mem>>) src(%dma_wait3A_19 : memref<10000x256xf32, #tpu.memory_space<hbm>>) dst(%arg6 : memref<128x256xf32, #tpu.memory_space<vmem>>)
      "tpu.region"() ({
        %run_scoped3A = tpu.sem_alloc : memref<!tpu.dma_semaphore, #tpu.memory_space<semaphore_mem>>
        %dma_start3A_20 = arith.constant 0 : i32
        %dma_start3A_21 = tpu.memref_slice %arg4[%add3A_11, %dma_start3A_20] : memref<163840x256xf32, #tpu.memory_space<hbm>> -> memref<128x256xf32, #tpu.memory_space<hbm>>
        %dma_start3A_22 = arith.constant 0 : i32
        %dma_start3A_23 = tpu.memref_slice %arg4[%add3A_11, %dma_start3A_22] : memref<163840x256xf32, #tpu.memory_space<hbm>> -> memref<128x256xf32, #tpu.memory_space<hbm>>
        tpu.enqueue_dma source(%arg6 : memref<128x256xf32, #tpu.memory_space<vmem>>) target(%dma_start3A_23 : memref<128x256xf32, #tpu.memory_space<hbm>>) target_semaphore(%run_scoped3A : memref<!tpu.dma_semaphore, #tpu.memory_space<semaphore_mem>>)
        %dma_wait3A_24 = arith.constant 0 : i32
        %dma_wait3A_25 = tpu.memref_slice %arg4[%add3A_11, %dma_wait3A_24] : memref<163840x256xf32, #tpu.memory_space<hbm>> -> memref<128x256xf32, #tpu.memory_space<hbm>>
        %dma_wait3A_26 = arith.constant 0 : i32
        %dma_wait3A_27 = tpu.memref_slice %arg4[%add3A_11, %dma_wait3A_26] : memref<163840x256xf32, #tpu.memory_space<hbm>> -> memref<128x256xf32, #tpu.memory_space<hbm>>
        tpu.wait_dma2 semaphore(%run_scoped3A : memref<!tpu.dma_semaphore, #tpu.memory_space<semaphore_mem>>) src(%arg6 : memref<128x256xf32, #tpu.memory_space<vmem>>) dst(%dma_wait3A_27 : memref<128x256xf32, #tpu.memory_space<hbm>>)
        tpu.yield
      }) : () -> ()
    }
    %scan3A_7 = arith.constant 40 : i32
    return
  }
}

#map = affine_map<(d0, d1) -> (0, 0)>
#map1 = affine_map<(d0, d1) -> (0)>
module attributes {stable_mosaic.version = 14 : i64} {
  func.func @body(%arg0: i32, %arg1: i32, %arg2: memref<163840x128xf32, #tpu.memory_space<hbm>>, %arg3: memref<163840x128xf32, #tpu.memory_space<hbm>>, %arg4: memref<163840xi32, #tpu.memory_space<hbm>>, %arg5: memref<163840xi32, #tpu.memory_space<hbm>>, %arg6: memref<20480x128xf32, #tpu.memory_space<hbm>>, %arg7: memref<128xi32, #tpu.memory_space<vmem>>, %arg8: memref<128xi32, #tpu.memory_space<vmem>>, %arg9: memref<128x128xf32, #tpu.memory_space<vmem>>, %arg10: memref<128x128xf32, #tpu.memory_space<vmem>>, %arg11: memref<10240x128xf32, #tpu.memory_space<vmem_shared>>, %arg12: memref<!tpu.dma_semaphore, #tpu.memory_space<semaphore_mem>>, %arg13: memref<!tpu.dma_semaphore, #tpu.memory_space<semaphore_mem>>, %arg14: memref<!tpu.dma_semaphore, #tpu.memory_space<semaphore_mem>>, %arg15: memref<!tpu.dma_semaphore, #tpu.memory_space<semaphore_mem>>) attributes {dimension_semantics = [#tpu.dimension_semantics<core_parallel>, #tpu.dimension_semantics<subcore_parallel>], iteration_bounds = array<i64: 2, 16>, scalar_prefetch = 0 : i64, scratch_operands = 9 : i64, tpu.core_type = #tpu.core_type<sc_vector_subcore>, window_params = [{transform_indices = #map}, {transform_indices = #map}, {transform_indices = #map1}, {transform_indices = #map1}, {transform_indices = #map}]} {
    %mul3A = arith.constant 2 : i32
    %mul3A_0 = arith.muli %arg1, %mul3A : i32
    %add3A = arith.addi %mul3A_0, %arg0 : i32
    %mul3A_1 = arith.constant 5120 : i32
    %mul3A_2 = arith.muli %add3A, %mul3A_1 : i32
    %scan3A = arith.constant 0 : i32
    %scan3A_3 = arith.constant 0 : i32
    %scan3A_4 = arith.constant 128 : i32
    %scan3A_5 = arith.addi %scan3A_3, %scan3A_4 : i32
    %scan3A_6 = arith.constant 1 : i32
    scf.for %scan3A_42 = %scan3A_3 to %scan3A_5 step %scan3A_6  : i32 {
      %broadcast_in_dim3A = arith.constant 0.000000e+00 : f32
      %broadcast_in_dim3A_43 = vector.broadcast %broadcast_in_dim3A : f32 to vector<16xf32>
      %swap3A = arith.index_cast %scan3A_42 : i32 to index
      %swap3A_44 = arith.constant 0 : index
      %swap3A_45 = tpu.vector_load %arg9[%swap3A, %swap3A_44] {strides = array<i32>} : memref<128x128xf32, #tpu.memory_space<vmem>>, vector<1x16xf32>,
      %swap3A_46 = vector.shape_cast %swap3A_45 : vector<1x16xf32> to vector<16xf32>
      %swap3A_47 = vector.shape_cast %broadcast_in_dim3A_43 : vector<16xf32> to vector<1x16xf32>
      tpu.vector_store %arg9[%swap3A, %swap3A_44], %swap3A_47 {strides = array<i32>} : memref<128x128xf32, #tpu.memory_space<vmem>>, vector<1x16xf32>,
      %broadcast_in_dim3A_48 = arith.constant 0.000000e+00 : f32
      %broadcast_in_dim3A_49 = vector.broadcast %broadcast_in_dim3A_48 : f32 to vector<16xf32>
      %swap3A_50 = arith.index_cast %scan3A_42 : i32 to index
      %swap3A_51 = arith.constant 16 : index
      %swap3A_52 = tpu.vector_load %arg9[%swap3A_50, %swap3A_51] {strides = array<i32>} : memref<128x128xf32, #tpu.memory_space<vmem>>, vector<1x16xf32>,
      %swap3A_53 = vector.shape_cast %swap3A_52 : vector<1x16xf32> to vector<16xf32>
      %swap3A_54 = vector.shape_cast %broadcast_in_dim3A_49 : vector<16xf32> to vector<1x16xf32>
      tpu.vector_store %arg9[%swap3A_50, %swap3A_51], %swap3A_54 {strides = array<i32>} : memref<128x128xf32, #tpu.memory_space<vmem>>, vector<1x16xf32>,
      %broadcast_in_dim3A_55 = arith.constant 0.000000e+00 : f32
      %broadcast_in_dim3A_56 = vector.broadcast %broadcast_in_dim3A_55 : f32 to vector<16xf32>
      %swap3A_57 = arith.index_cast %scan3A_42 : i32 to index
      %swap3A_58 = arith.constant 32 : index
      %swap3A_59 = tpu.vector_load %arg9[%swap3A_57, %swap3A_58] {strides = array<i32>} : memref<128x128xf32, #tpu.memory_space<vmem>>, vector<1x16xf32>,
      %swap3A_60 = vector.shape_cast %swap3A_59 : vector<1x16xf32> to vector<16xf32>
      %swap3A_61 = vector.shape_cast %broadcast_in_dim3A_56 : vector<16xf32> to vector<1x16xf32>
      tpu.vector_store %arg9[%swap3A_57, %swap3A_58], %swap3A_61 {strides = array<i32>} : memref<128x128xf32, #tpu.memory_space<vmem>>, vector<1x16xf32>,
      %broadcast_in_dim3A_62 = arith.constant 0.000000e+00 : f32
      %broadcast_in_dim3A_63 = vector.broadcast %broadcast_in_dim3A_62 : f32 to vector<16xf32>
      %swap3A_64 = arith.index_cast %scan3A_42 : i32 to index
      %swap3A_65 = arith.constant 48 : index
      %swap3A_66 = tpu.vector_load %arg9[%swap3A_64, %swap3A_65] {strides = array<i32>} : memref<128x128xf32, #tpu.memory_space<vmem>>, vector<1x16xf32>,
      %swap3A_67 = vector.shape_cast %swap3A_66 : vector<1x16xf32> to vector<16xf32>
      %swap3A_68 = vector.shape_cast %broadcast_in_dim3A_63 : vector<16xf32> to vector<1x16xf32>
      tpu.vector_store %arg9[%swap3A_64, %swap3A_65], %swap3A_68 {strides = array<i32>} : memref<128x128xf32, #tpu.memory_space<vmem>>, vector<1x16xf32>,
      %broadcast_in_dim3A_69 = arith.constant 0.000000e+00 : f32
      %broadcast_in_dim3A_70 = vector.broadcast %broadcast_in_dim3A_69 : f32 to vector<16xf32>
      %swap3A_71 = arith.index_cast %scan3A_42 : i32 to index
      %swap3A_72 = arith.constant 64 : index
      %swap3A_73 = tpu.vector_load %arg9[%swap3A_71, %swap3A_72] {strides = array<i32>} : memref<128x128xf32, #tpu.memory_space<vmem>>, vector<1x16xf32>,
      %swap3A_74 = vector.shape_cast %swap3A_73 : vector<1x16xf32> to vector<16xf32>
      %swap3A_75 = vector.shape_cast %broadcast_in_dim3A_70 : vector<16xf32> to vector<1x16xf32>
      tpu.vector_store %arg9[%swap3A_71, %swap3A_72], %swap3A_75 {strides = array<i32>} : memref<128x128xf32, #tpu.memory_space<vmem>>, vector<1x16xf32>,
      %broadcast_in_dim3A_76 = arith.constant 0.000000e+00 : f32
      %broadcast_in_dim3A_77 = vector.broadcast %broadcast_in_dim3A_76 : f32 to vector<16xf32>
      %swap3A_78 = arith.index_cast %scan3A_42 : i32 to index
      %swap3A_79 = arith.constant 80 : index
      %swap3A_80 = tpu.vector_load %arg9[%swap3A_78, %swap3A_79] {strides = array<i32>} : memref<128x128xf32, #tpu.memory_space<vmem>>, vector<1x16xf32>,
      %swap3A_81 = vector.shape_cast %swap3A_80 : vector<1x16xf32> to vector<16xf32>
      %swap3A_82 = vector.shape_cast %broadcast_in_dim3A_77 : vector<16xf32> to vector<1x16xf32>
      tpu.vector_store %arg9[%swap3A_78, %swap3A_79], %swap3A_82 {strides = array<i32>} : memref<128x128xf32, #tpu.memory_space<vmem>>, vector<1x16xf32>,
      %broadcast_in_dim3A_83 = arith.constant 0.000000e+00 : f32
      %broadcast_in_dim3A_84 = vector.broadcast %broadcast_in_dim3A_83 : f32 to vector<16xf32>
      %swap3A_85 = arith.index_cast %scan3A_42 : i32 to index
      %swap3A_86 = arith.constant 96 : index
      %swap3A_87 = tpu.vector_load %arg9[%swap3A_85, %swap3A_86] {strides = array<i32>} : memref<128x128xf32, #tpu.memory_space<vmem>>, vector<1x16xf32>,
      %swap3A_88 = vector.shape_cast %swap3A_87 : vector<1x16xf32> to vector<16xf32>
      %swap3A_89 = vector.shape_cast %broadcast_in_dim3A_84 : vector<16xf32> to vector<1x16xf32>
      tpu.vector_store %arg9[%swap3A_85, %swap3A_86], %swap3A_89 {strides = array<i32>} : memref<128x128xf32, #tpu.memory_space<vmem>>, vector<1x16xf32>,
      %broadcast_in_dim3A_90 = arith.constant 0.000000e+00 : f32
      %broadcast_in_dim3A_91 = vector.broadcast %broadcast_in_dim3A_90 : f32 to vector<16xf32>
      %swap3A_92 = arith.index_cast %scan3A_42 : i32 to index
      %swap3A_93 = arith.constant 112 : index
      %swap3A_94 = tpu.vector_load %arg9[%swap3A_92, %swap3A_93] {strides = array<i32>} : memref<128x128xf32, #tpu.memory_space<vmem>>, vector<1x16xf32>,
      %swap3A_95 = vector.shape_cast %swap3A_94 : vector<1x16xf32> to vector<16xf32>
      %swap3A_96 = vector.shape_cast %broadcast_in_dim3A_91 : vector<16xf32> to vector<1x16xf32>
      tpu.vector_store %arg9[%swap3A_92, %swap3A_93], %swap3A_96 {strides = array<i32>} : memref<128x128xf32, #tpu.memory_space<vmem>>, vector<1x16xf32>,
    }
    %scan3A_7 = arith.constant 128 : i32
    %mul3A_8 = arith.constant 640 : i32
    %mul3A_9 = arith.muli %arg1, %mul3A_8 : i32
    %add3A_10 = arith.constant 0 : i32
    %add3A_11 = arith.addi %mul3A_9, %add3A_10 : i32
    "tpu.region"() ({
      %run_scoped3A = tpu.sem_alloc : memref<!tpu.dma_semaphore, #tpu.memory_space<semaphore_mem>>
      %dma_start3A = arith.constant 0 : i32
      %dma_start3A_42 = tpu.memref_slice %arg11[%add3A_11, %dma_start3A] : memref<10240x128xf32, #tpu.memory_space<vmem_shared>> -> memref<128x128xf32, #tpu.memory_space<vmem_shared>>
      %dma_start3A_43 = arith.constant 0 : i32
      %dma_start3A_44 = tpu.memref_slice %arg11[%add3A_11, %dma_start3A_43] : memref<10240x128xf32, #tpu.memory_space<vmem_shared>> -> memref<128x128xf32, #tpu.memory_space<vmem_shared>>
      tpu.enqueue_dma source(%arg9 : memref<128x128xf32, #tpu.memory_space<vmem>>) target(%dma_start3A_44 : memref<128x128xf32, #tpu.memory_space<vmem_shared>>) target_semaphore(%run_scoped3A : memref<!tpu.dma_semaphore, #tpu.memory_space<semaphore_mem>>)
      %dma_wait3A = arith.constant 0 : i32
      %dma_wait3A_45 = tpu.memref_slice %arg11[%add3A_11, %dma_wait3A] : memref<10240x128xf32, #tpu.memory_space<vmem_shared>> -> memref<128x128xf32, #tpu.memory_space<vmem_shared>>
      %dma_wait3A_46 = arith.constant 0 : i32
      %dma_wait3A_47 = tpu.memref_slice %arg11[%add3A_11, %dma_wait3A_46] : memref<10240x128xf32, #tpu.memory_space<vmem_shared>> -> memref<128x128xf32, #tpu.memory_space<vmem_shared>>
      tpu.wait_dma2 semaphore(%run_scoped3A : memref<!tpu.dma_semaphore, #tpu.memory_space<semaphore_mem>>) src(%arg9 : memref<128x128xf32, #tpu.memory_space<vmem>>) dst(%dma_wait3A_47 : memref<128x128xf32, #tpu.memory_space<vmem_shared>>)
      tpu.yield
    }) : () -> ()
    %mul3A_12 = arith.constant 640 : i32
    %mul3A_13 = arith.muli %arg1, %mul3A_12 : i32
    %add3A_14 = arith.constant 128 : i32
    %add3A_15 = arith.addi %mul3A_13, %add3A_14 : i32
    "tpu.region"() ({
      %run_scoped3A = tpu.sem_alloc : memref<!tpu.dma_semaphore, #tpu.memory_space<semaphore_mem>>
      %dma_start3A = arith.constant 0 : i32
      %dma_start3A_42 = tpu.memref_slice %arg11[%add3A_15, %dma_start3A] : memref<10240x128xf32, #tpu.memory_space<vmem_shared>> -> memref<128x128xf32, #tpu.memory_space<vmem_shared>>
      %dma_start3A_43 = arith.constant 0 : i32
      %dma_start3A_44 = tpu.memref_slice %arg11[%add3A_15, %dma_start3A_43] : memref<10240x128xf32, #tpu.memory_space<vmem_shared>> -> memref<128x128xf32, #tpu.memory_space<vmem_shared>>
      tpu.enqueue_dma source(%arg9 : memref<128x128xf32, #tpu.memory_space<vmem>>) target(%dma_start3A_44 : memref<128x128xf32, #tpu.memory_space<vmem_shared>>) target_semaphore(%run_scoped3A : memref<!tpu.dma_semaphore, #tpu.memory_space<semaphore_mem>>)
      %dma_wait3A = arith.constant 0 : i32
      %dma_wait3A_45 = tpu.memref_slice %arg11[%add3A_15, %dma_wait3A] : memref<10240x128xf32, #tpu.memory_space<vmem_shared>> -> memref<128x128xf32, #tpu.memory_space<vmem_shared>>
      %dma_wait3A_46 = arith.constant 0 : i32
      %dma_wait3A_47 = tpu.memref_slice %arg11[%add3A_15, %dma_wait3A_46] : memref<10240x128xf32, #tpu.memory_space<vmem_shared>> -> memref<128x128xf32, #tpu.memory_space<vmem_shared>>
      tpu.wait_dma2 semaphore(%run_scoped3A : memref<!tpu.dma_semaphore, #tpu.memory_space<semaphore_mem>>) src(%arg9 : memref<128x128xf32, #tpu.memory_space<vmem>>) dst(%dma_wait3A_47 : memref<128x128xf32, #tpu.memory_space<vmem_shared>>)
      tpu.yield
    }) : () -> ()
    %mul3A_16 = arith.constant 640 : i32
    %mul3A_17 = arith.muli %arg1, %mul3A_16 : i32
    %add3A_18 = arith.constant 256 : i32
    %add3A_19 = arith.addi %mul3A_17, %add3A_18 : i32
    "tpu.region"() ({
      %run_scoped3A = tpu.sem_alloc : memref<!tpu.dma_semaphore, #tpu.memory_space<semaphore_mem>>
      %dma_start3A = arith.constant 0 : i32
      %dma_start3A_42 = tpu.memref_slice %arg11[%add3A_19, %dma_start3A] : memref<10240x128xf32, #tpu.memory_space<vmem_shared>> -> memref<128x128xf32, #tpu.memory_space<vmem_shared>>
      %dma_start3A_43 = arith.constant 0 : i32
      %dma_start3A_44 = tpu.memref_slice %arg11[%add3A_19, %dma_start3A_43] : memref<10240x128xf32, #tpu.memory_space<vmem_shared>> -> memref<128x128xf32, #tpu.memory_space<vmem_shared>>
      tpu.enqueue_dma source(%arg9 : memref<128x128xf32, #tpu.memory_space<vmem>>) target(%dma_start3A_44 : memref<128x128xf32, #tpu.memory_space<vmem_shared>>) target_semaphore(%run_scoped3A : memref<!tpu.dma_semaphore, #tpu.memory_space<semaphore_mem>>)
      %dma_wait3A = arith.constant 0 : i32
      %dma_wait3A_45 = tpu.memref_slice %arg11[%add3A_19, %dma_wait3A] : memref<10240x128xf32, #tpu.memory_space<vmem_shared>> -> memref<128x128xf32, #tpu.memory_space<vmem_shared>>
      %dma_wait3A_46 = arith.constant 0 : i32
      %dma_wait3A_47 = tpu.memref_slice %arg11[%add3A_19, %dma_wait3A_46] : memref<10240x128xf32, #tpu.memory_space<vmem_shared>> -> memref<128x128xf32, #tpu.memory_space<vmem_shared>>
      tpu.wait_dma2 semaphore(%run_scoped3A : memref<!tpu.dma_semaphore, #tpu.memory_space<semaphore_mem>>) src(%arg9 : memref<128x128xf32, #tpu.memory_space<vmem>>) dst(%dma_wait3A_47 : memref<128x128xf32, #tpu.memory_space<vmem_shared>>)
      tpu.yield
    }) : () -> ()
    %mul3A_20 = arith.constant 640 : i32
    %mul3A_21 = arith.muli %arg1, %mul3A_20 : i32
    %add3A_22 = arith.constant 384 : i32
    %add3A_23 = arith.addi %mul3A_21, %add3A_22 : i32
    "tpu.region"() ({
      %run_scoped3A = tpu.sem_alloc : memref<!tpu.dma_semaphore, #tpu.memory_space<semaphore_mem>>
      %dma_start3A = arith.constant 0 : i32
      %dma_start3A_42 = tpu.memref_slice %arg11[%add3A_23, %dma_start3A] : memref<10240x128xf32, #tpu.memory_space<vmem_shared>> -> memref<128x128xf32, #tpu.memory_space<vmem_shared>>
      %dma_start3A_43 = arith.constant 0 : i32
      %dma_start3A_44 = tpu.memref_slice %arg11[%add3A_23, %dma_start3A_43] : memref<10240x128xf32, #tpu.memory_space<vmem_shared>> -> memref<128x128xf32, #tpu.memory_space<vmem_shared>>
      tpu.enqueue_dma source(%arg9 : memref<128x128xf32, #tpu.memory_space<vmem>>) target(%dma_start3A_44 : memref<128x128xf32, #tpu.memory_space<vmem_shared>>) target_semaphore(%run_scoped3A : memref<!tpu.dma_semaphore, #tpu.memory_space<semaphore_mem>>)
      %dma_wait3A = arith.constant 0 : i32
      %dma_wait3A_45 = tpu.memref_slice %arg11[%add3A_23, %dma_wait3A] : memref<10240x128xf32, #tpu.memory_space<vmem_shared>> -> memref<128x128xf32, #tpu.memory_space<vmem_shared>>
      %dma_wait3A_46 = arith.constant 0 : i32
      %dma_wait3A_47 = tpu.memref_slice %arg11[%add3A_23, %dma_wait3A_46] : memref<10240x128xf32, #tpu.memory_space<vmem_shared>> -> memref<128x128xf32, #tpu.memory_space<vmem_shared>>
      tpu.wait_dma2 semaphore(%run_scoped3A : memref<!tpu.dma_semaphore, #tpu.memory_space<semaphore_mem>>) src(%arg9 : memref<128x128xf32, #tpu.memory_space<vmem>>) dst(%dma_wait3A_47 : memref<128x128xf32, #tpu.memory_space<vmem_shared>>)
      tpu.yield
    }) : () -> ()
    %mul3A_24 = arith.constant 640 : i32
    %mul3A_25 = arith.muli %arg1, %mul3A_24 : i32
    %add3A_26 = arith.constant 512 : i32
    %add3A_27 = arith.addi %mul3A_25, %add3A_26 : i32
    "tpu.region"() ({
      %run_scoped3A = tpu.sem_alloc : memref<!tpu.dma_semaphore, #tpu.memory_space<semaphore_mem>>
      %dma_start3A = arith.constant 0 : i32
      %dma_start3A_42 = tpu.memref_slice %arg11[%add3A_27, %dma_start3A] : memref<10240x128xf32, #tpu.memory_space<vmem_shared>> -> memref<128x128xf32, #tpu.memory_space<vmem_shared>>
      %dma_start3A_43 = arith.constant 0 : i32
      %dma_start3A_44 = tpu.memref_slice %arg11[%add3A_27, %dma_start3A_43] : memref<10240x128xf32, #tpu.memory_space<vmem_shared>> -> memref<128x128xf32, #tpu.memory_space<vmem_shared>>
      tpu.enqueue_dma source(%arg9 : memref<128x128xf32, #tpu.memory_space<vmem>>) target(%dma_start3A_44 : memref<128x128xf32, #tpu.memory_space<vmem_shared>>) target_semaphore(%run_scoped3A : memref<!tpu.dma_semaphore, #tpu.memory_space<semaphore_mem>>)
      %dma_wait3A = arith.constant 0 : i32
      %dma_wait3A_45 = tpu.memref_slice %arg11[%add3A_27, %dma_wait3A] : memref<10240x128xf32, #tpu.memory_space<vmem_shared>> -> memref<128x128xf32, #tpu.memory_space<vmem_shared>>
      %dma_wait3A_46 = arith.constant 0 : i32
      %dma_wait3A_47 = tpu.memref_slice %arg11[%add3A_27, %dma_wait3A_46] : memref<10240x128xf32, #tpu.memory_space<vmem_shared>> -> memref<128x128xf32, #tpu.memory_space<vmem_shared>>
      tpu.wait_dma2 semaphore(%run_scoped3A : memref<!tpu.dma_semaphore, #tpu.memory_space<semaphore_mem>>) src(%arg9 : memref<128x128xf32, #tpu.memory_space<vmem>>) dst(%dma_wait3A_47 : memref<128x128xf32, #tpu.memory_space<vmem_shared>>)
      tpu.yield
    }) : () -> ()
    %barrier3A = arith.constant 0 : index
    tpu.barrier barrier_id(%barrier3A)
    %scan3A_28 = arith.constant 0 : i32
    %scan3A_29 = arith.constant 0 : i32
    %scan3A_30 = arith.constant 40 : i32
    %scan3A_31 = arith.addi %scan3A_29, %scan3A_30 : i32
    %scan3A_32 = arith.constant 1 : i32
    scf.for %scan3A_42 = %scan3A_29 to %scan3A_31 step %scan3A_32  : i32 {
      %mul3A_43 = arith.constant 128 : i32
      %mul3A_44 = arith.muli %scan3A_42, %mul3A_43 : i32
      %add3A_45 = arith.addi %mul3A_2, %mul3A_44 : i32
      %dma_start3A = tpu.memref_slice %arg4[%add3A_45] : memref<163840xi32, #tpu.memory_space<hbm>> -> memref<128xi32, #tpu.memory_space<hbm>>
      %dma_start3A_46 = tpu.memref_slice %arg4[%add3A_45] : memref<163840xi32, #tpu.memory_space<hbm>> -> memref<128xi32, #tpu.memory_space<hbm>>
      tpu.enqueue_dma source(%dma_start3A_46 : memref<128xi32, #tpu.memory_space<hbm>>) target(%arg7 : memref<128xi32, #tpu.memory_space<vmem>>) target_semaphore(%arg12 : memref<!tpu.dma_semaphore, #tpu.memory_space<semaphore_mem>>)
      %dma_start3A_47 = arith.constant 0 : i32
      %dma_start3A_48 = tpu.memref_slice %arg2[%add3A_45, %dma_start3A_47] : memref<163840x128xf32, #tpu.memory_space<hbm>> -> memref<128x128xf32, #tpu.memory_space<hbm>>
      %dma_start3A_49 = arith.constant 0 : i32
      %dma_start3A_50 = tpu.memref_slice %arg2[%add3A_45, %dma_start3A_49] : memref<163840x128xf32, #tpu.memory_space<hbm>> -> memref<128x128xf32, #tpu.memory_space<hbm>>
      tpu.enqueue_dma source(%dma_start3A_50 : memref<128x128xf32, #tpu.memory_space<hbm>>) target(%arg9 : memref<128x128xf32, #tpu.memory_space<vmem>>) target_semaphore(%arg14 : memref<!tpu.dma_semaphore, #tpu.memory_space<semaphore_mem>>)
      %dma_start3A_51 = tpu.memref_slice %arg5[%add3A_45] : memref<163840xi32, #tpu.memory_space<hbm>> -> memref<128xi32, #tpu.memory_space<hbm>>
      %dma_start3A_52 = tpu.memref_slice %arg5[%add3A_45] : memref<163840xi32, #tpu.memory_space<hbm>> -> memref<128xi32, #tpu.memory_space<hbm>>
      tpu.enqueue_dma source(%dma_start3A_52 : memref<128xi32, #tpu.memory_space<hbm>>) target(%arg8 : memref<128xi32, #tpu.memory_space<vmem>>) target_semaphore(%arg13 : memref<!tpu.dma_semaphore, #tpu.memory_space<semaphore_mem>>)
      %dma_start3A_53 = arith.constant 0 : i32
      %dma_start3A_54 = tpu.memref_slice %arg3[%add3A_45, %dma_start3A_53] : memref<163840x128xf32, #tpu.memory_space<hbm>> -> memref<128x128xf32, #tpu.memory_space<hbm>>
      %dma_start3A_55 = arith.constant 0 : i32
      %dma_start3A_56 = tpu.memref_slice %arg3[%add3A_45, %dma_start3A_55] : memref<163840x128xf32, #tpu.memory_space<hbm>> -> memref<128x128xf32, #tpu.memory_space<hbm>>
      tpu.enqueue_dma source(%dma_start3A_56 : memref<128x128xf32, #tpu.memory_space<hbm>>) target(%arg10 : memref<128x128xf32, #tpu.memory_space<vmem>>) target_semaphore(%arg15 : memref<!tpu.dma_semaphore, #tpu.memory_space<semaphore_mem>>)
      %dma_wait3A = tpu.memref_slice %arg4[%add3A_45] : memref<163840xi32, #tpu.memory_space<hbm>> -> memref<128xi32, #tpu.memory_space<hbm>>
      %dma_wait3A_57 = tpu.memref_slice %arg4[%add3A_45] : memref<163840xi32, #tpu.memory_space<hbm>> -> memref<128xi32, #tpu.memory_space<hbm>>
      tpu.wait_dma2 semaphore(%arg12 : memref<!tpu.dma_semaphore, #tpu.memory_space<semaphore_mem>>) src(%dma_wait3A_57 : memref<128xi32, #tpu.memory_space<hbm>>) dst(%arg7 : memref<128xi32, #tpu.memory_space<vmem>>)
      %dma_wait3A_58 = arith.constant 0 : i32
      %dma_wait3A_59 = tpu.memref_slice %arg2[%add3A_45, %dma_wait3A_58] : memref<163840x128xf32, #tpu.memory_space<hbm>> -> memref<128x128xf32, #tpu.memory_space<hbm>>
      %dma_wait3A_60 = arith.constant 0 : i32
      %dma_wait3A_61 = tpu.memref_slice %arg2[%add3A_45, %dma_wait3A_60] : memref<163840x128xf32, #tpu.memory_space<hbm>> -> memref<128x128xf32, #tpu.memory_space<hbm>>
      tpu.wait_dma2 semaphore(%arg14 : memref<!tpu.dma_semaphore, #tpu.memory_space<semaphore_mem>>) src(%dma_wait3A_61 : memref<128x128xf32, #tpu.memory_space<hbm>>) dst(%arg9 : memref<128x128xf32, #tpu.memory_space<vmem>>)
      "tpu.region"() ({
        %run_scoped3A = tpu.sem_alloc : memref<!tpu.dma_semaphore, #tpu.memory_space<semaphore_mem>>
        %dma_start3A_68 = arith.constant 0 : i32
        %dma_start3A_69 = arith.constant 0 : i32
        %dma_start3A_70 = tpu.memref_slice %arg11[%dma_start3A_68, %dma_start3A_69] : memref<10240x128xf32, #tpu.memory_space<vmem_shared>> -> memref<10240x128xf32, #tpu.memory_space<vmem_shared>>
        tpu.enqueue_indirect_dma source(%arg9 : memref<128x128xf32, #tpu.memory_space<vmem>>) target(%dma_start3A_70 : memref<10240x128xf32, #tpu.memory_space<vmem_shared>>) offsets(%arg7 : memref<128xi32, #tpu.memory_space<vmem>>) semaphore(%run_scoped3A : memref<!tpu.dma_semaphore, #tpu.memory_space<semaphore_mem>>) {add = true}
        %dma_wait3A_71 = arith.constant 0 : i32
        %dma_wait3A_72 = arith.constant 0 : i32
        %dma_wait3A_73 = tpu.memref_slice %arg11[%dma_wait3A_71, %dma_wait3A_72] : memref<10240x128xf32, #tpu.memory_space<vmem_shared>> -> memref<10240x128xf32, #tpu.memory_space<vmem_shared>>
        tpu.wait_indirect_dma semaphore(%run_scoped3A : memref<!tpu.dma_semaphore, #tpu.memory_space<semaphore_mem>>) src(%arg9 : memref<128x128xf32, #tpu.memory_space<vmem>>) dst(%dma_wait3A_73 : memref<10240x128xf32, #tpu.memory_space<vmem_shared>>)
        tpu.yield
      }) : () -> ()
      %dma_wait3A_62 = tpu.memref_slice %arg5[%add3A_45] : memref<163840xi32, #tpu.memory_space<hbm>> -> memref<128xi32, #tpu.memory_space<hbm>>
      %dma_wait3A_63 = tpu.memref_slice %arg5[%add3A_45] : memref<163840xi32, #tpu.memory_space<hbm>> -> memref<128xi32, #tpu.memory_space<hbm>>
      tpu.wait_dma2 semaphore(%arg13 : memref<!tpu.dma_semaphore, #tpu.memory_space<semaphore_mem>>) src(%dma_wait3A_63 : memref<128xi32, #tpu.memory_space<hbm>>) dst(%arg8 : memref<128xi32, #tpu.memory_space<vmem>>)
      %dma_wait3A_64 = arith.constant 0 : i32
      %dma_wait3A_65 = tpu.memref_slice %arg3[%add3A_45, %dma_wait3A_64] : memref<163840x128xf32, #tpu.memory_space<hbm>> -> memref<128x128xf32, #tpu.memory_space<hbm>>
      %dma_wait3A_66 = arith.constant 0 : i32
      %dma_wait3A_67 = tpu.memref_slice %arg3[%add3A_45, %dma_wait3A_66] : memref<163840x128xf32, #tpu.memory_space<hbm>> -> memref<128x128xf32, #tpu.memory_space<hbm>>
      tpu.wait_dma2 semaphore(%arg15 : memref<!tpu.dma_semaphore, #tpu.memory_space<semaphore_mem>>) src(%dma_wait3A_67 : memref<128x128xf32, #tpu.memory_space<hbm>>) dst(%arg10 : memref<128x128xf32, #tpu.memory_space<vmem>>)
      "tpu.region"() ({
        %run_scoped3A = tpu.sem_alloc : memref<!tpu.dma_semaphore, #tpu.memory_space<semaphore_mem>>
        %dma_start3A_68 = arith.constant 0 : i32
        %dma_start3A_69 = arith.constant 0 : i32
        %dma_start3A_70 = tpu.memref_slice %arg11[%dma_start3A_68, %dma_start3A_69] : memref<10240x128xf32, #tpu.memory_space<vmem_shared>> -> memref<10240x128xf32, #tpu.memory_space<vmem_shared>>
        tpu.enqueue_indirect_dma source(%arg10 : memref<128x128xf32, #tpu.memory_space<vmem>>) target(%dma_start3A_70 : memref<10240x128xf32, #tpu.memory_space<vmem_shared>>) offsets(%arg8 : memref<128xi32, #tpu.memory_space<vmem>>) semaphore(%run_scoped3A : memref<!tpu.dma_semaphore, #tpu.memory_space<semaphore_mem>>) {add = true}
        %dma_wait3A_71 = arith.constant 0 : i32
        %dma_wait3A_72 = arith.constant 0 : i32
        %dma_wait3A_73 = tpu.memref_slice %arg11[%dma_wait3A_71, %dma_wait3A_72] : memref<10240x128xf32, #tpu.memory_space<vmem_shared>> -> memref<10240x128xf32, #tpu.memory_space<vmem_shared>>
        tpu.wait_indirect_dma semaphore(%run_scoped3A : memref<!tpu.dma_semaphore, #tpu.memory_space<semaphore_mem>>) src(%arg10 : memref<128x128xf32, #tpu.memory_space<vmem>>) dst(%dma_wait3A_73 : memref<10240x128xf32, #tpu.memory_space<vmem_shared>>)
        tpu.yield
      }) : () -> ()
    }
    %scan3A_33 = arith.constant 40 : i32
    %barrier3A_34 = arith.constant 0 : index
    tpu.barrier barrier_id(%barrier3A_34)
    %mul3A_35 = arith.constant 640 : i32
    %mul3A_36 = arith.muli %arg1, %mul3A_35 : i32
    %mul3A_37 = arith.constant 10240 : i32
    %mul3A_38 = arith.muli %arg0, %mul3A_37 : i32
    %mul3A_39 = arith.constant 640 : i32
    %mul3A_40 = arith.muli %arg1, %mul3A_39 : i32
    %add3A_41 = arith.addi %mul3A_38, %mul3A_40 : i32
    "tpu.region"() ({
      %run_scoped3A = tpu.sem_alloc : memref<!tpu.dma_semaphore, #tpu.memory_space<semaphore_mem>>
      %dma_start3A = arith.constant 0 : i32
      %dma_start3A_42 = tpu.memref_slice %arg6[%add3A_41, %dma_start3A] : memref<20480x128xf32, #tpu.memory_space<hbm>> -> memref<640x128xf32, #tpu.memory_space<hbm>>
      %dma_start3A_43 = arith.constant 0 : i32
      %dma_start3A_44 = tpu.memref_slice %arg11[%mul3A_36, %dma_start3A_43] : memref<10240x128xf32, #tpu.memory_space<vmem_shared>> -> memref<640x128xf32, #tpu.memory_space<vmem_shared>>
      tpu.enqueue_dma source(%dma_start3A_44 : memref<640x128xf32, #tpu.memory_space<vmem_shared>>) target(%dma_start3A_42 : memref<640x128xf32, #tpu.memory_space<hbm>>) target_semaphore(%run_scoped3A : memref<!tpu.dma_semaphore, #tpu.memory_space<semaphore_mem>>)
      %dma_wait3A = arith.constant 0 : i32
      %dma_wait3A_45 = tpu.memref_slice %arg6[%add3A_41, %dma_wait3A] : memref<20480x128xf32, #tpu.memory_space<hbm>> -> memref<640x128xf32, #tpu.memory_space<hbm>>
      %dma_wait3A_46 = arith.constant 0 : i32
      %dma_wait3A_47 = tpu.memref_slice %arg11[%mul3A_36, %dma_wait3A_46] : memref<10240x128xf32, #tpu.memory_space<vmem_shared>> -> memref<640x128xf32, #tpu.memory_space<vmem_shared>>
      tpu.wait_dma2 semaphore(%run_scoped3A : memref<!tpu.dma_semaphore, #tpu.memory_space<semaphore_mem>>) src(%dma_wait3A_47 : memref<640x128xf32, #tpu.memory_space<vmem_shared>>) dst(%dma_wait3A_45 : memref<640x128xf32, #tpu.memory_space<hbm>>)
      tpu.yield
    }) : () -> ()
    return
  }
}

#map = affine_map<(d0, d1) -> (0, 0)>
#map1 = affine_map<(d0, d1) -> (0)>
module attributes {stable_mosaic.version = 14 : i64} {
  func.func @body(%arg0: i32, %arg1: i32, %arg2: memref<10000x256xf32, #tpu.memory_space<hbm>>, %arg3: memref<163840xi32, #tpu.memory_space<hbm>>, %arg4: memref<163840xi32, #tpu.memory_space<hbm>>, %arg5: memref<163840xi32, #tpu.memory_space<hbm>>, %arg6: memref<163840x256xf32, #tpu.memory_space<hbm>>, %arg7: memref<163840x256xf32, #tpu.memory_space<hbm>>, %arg8: memref<163840x256xf32, #tpu.memory_space<hbm>>, %arg9: memref<128xi32, #tpu.memory_space<vmem>>, %arg10: memref<128xi32, #tpu.memory_space<vmem>>, %arg11: memref<128xi32, #tpu.memory_space<vmem>>, %arg12: memref<128x256xf32, #tpu.memory_space<vmem>>, %arg13: memref<128x256xf32, #tpu.memory_space<vmem>>, %arg14: memref<!tpu.dma_semaphore, #tpu.memory_space<semaphore_mem>>, %arg15: memref<!tpu.dma_semaphore, #tpu.memory_space<semaphore_mem>>, %arg16: memref<!tpu.dma_semaphore, #tpu.memory_space<semaphore_mem>>, %arg17: memref<!tpu.dma_semaphore, #tpu.memory_space<semaphore_mem>>, %arg18: memref<!tpu.dma_semaphore, #tpu.memory_space<semaphore_mem>>) attributes {dimension_semantics = [#tpu.dimension_semantics<core_parallel>, #tpu.dimension_semantics<subcore_parallel>], iteration_bounds = array<i64: 2, 16>, scalar_prefetch = 0 : i64, scratch_operands = 10 : i64, tpu.core_type = #tpu.core_type<sc_vector_subcore>, window_params = [{transform_indices = #map}, {transform_indices = #map1}, {transform_indices = #map1}, {transform_indices = #map1}, {transform_indices = #map}, {transform_indices = #map}, {transform_indices = #map}]} {
    %mul3A = arith.constant 2 : i32
    %mul3A_0 = arith.muli %arg1, %mul3A : i32
    %add3A = arith.addi %mul3A_0, %arg0 : i32
    %mul3A_1 = arith.constant 5120 : i32
    %mul3A_2 = arith.muli %add3A, %mul3A_1 : i32
    %scan3A = arith.constant 0 : i32
    %scan3A_3 = arith.constant 0 : i32
    %scan3A_4 = arith.constant 40 : i32
    %scan3A_5 = arith.addi %scan3A_3, %scan3A_4 : i32
    %scan3A_6 = arith.constant 1 : i32
    scf.for %scan3A_8 = %scan3A_3 to %scan3A_5 step %scan3A_6  : i32 {
      %mul3A_9 = arith.constant 128 : i32
      %mul3A_10 = arith.muli %scan3A_8, %mul3A_9 : i32
      %add3A_11 = arith.addi %mul3A_2, %mul3A_10 : i32
      %dma_start3A = tpu.memref_slice %arg3[%add3A_11] : memref<163840xi32, #tpu.memory_space<hbm>> -> memref<128xi32, #tpu.memory_space<hbm>>
      %dma_start3A_12 = tpu.memref_slice %arg3[%add3A_11] : memref<163840xi32, #tpu.memory_space<hbm>> -> memref<128xi32, #tpu.memory_space<hbm>>
      tpu.enqueue_dma source(%dma_start3A_12 : memref<128xi32, #tpu.memory_space<hbm>>) target(%arg9 : memref<128xi32, #tpu.memory_space<vmem>>) target_semaphore(%arg14 : memref<!tpu.dma_semaphore, #tpu.memory_space<semaphore_mem>>)
      %dma_start3A_13 = tpu.memref_slice %arg4[%add3A_11] : memref<163840xi32, #tpu.memory_space<hbm>> -> memref<128xi32, #tpu.memory_space<hbm>>
      %dma_start3A_14 = tpu.memref_slice %arg4[%add3A_11] : memref<163840xi32, #tpu.memory_space<hbm>> -> memref<128xi32, #tpu.memory_space<hbm>>
      tpu.enqueue_dma source(%dma_start3A_14 : memref<128xi32, #tpu.memory_space<hbm>>) target(%arg10 : memref<128xi32, #tpu.memory_space<vmem>>) target_semaphore(%arg15 : memref<!tpu.dma_semaphore, #tpu.memory_space<semaphore_mem>>)
      %dma_start3A_15 = tpu.memref_slice %arg5[%add3A_11] : memref<163840xi32, #tpu.memory_space<hbm>> -> memref<128xi32, #tpu.memory_space<hbm>>
      %dma_start3A_16 = tpu.memref_slice %arg5[%add3A_11] : memref<163840xi32, #tpu.memory_space<hbm>> -> memref<128xi32, #tpu.memory_space<hbm>>
      tpu.enqueue_dma source(%dma_start3A_16 : memref<128xi32, #tpu.memory_space<hbm>>) target(%arg11 : memref<128xi32, #tpu.memory_space<vmem>>) target_semaphore(%arg16 : memref<!tpu.dma_semaphore, #tpu.memory_space<semaphore_mem>>)
      %dma_wait3A = tpu.memref_slice %arg3[%add3A_11] : memref<163840xi32, #tpu.memory_space<hbm>> -> memref<128xi32, #tpu.memory_space<hbm>>
      %dma_wait3A_17 = tpu.memref_slice %arg3[%add3A_11] : memref<163840xi32, #tpu.memory_space<hbm>> -> memref<128xi32, #tpu.memory_space<hbm>>
      tpu.wait_dma2 semaphore(%arg14 : memref<!tpu.dma_semaphore, #tpu.memory_space<semaphore_mem>>) src(%dma_wait3A_17 : memref<128xi32, #tpu.memory_space<hbm>>) dst(%arg9 : memref<128xi32, #tpu.memory_space<vmem>>)
      %dma_start3A_18 = arith.constant 0 : i32
      %dma_start3A_19 = arith.constant 0 : i32
      %dma_start3A_20 = tpu.memref_slice %arg2[%dma_start3A_18, %dma_start3A_19] : memref<10000x256xf32, #tpu.memory_space<hbm>> -> memref<10000x256xf32, #tpu.memory_space<hbm>>
      tpu.enqueue_indirect_dma source(%dma_start3A_20 : memref<10000x256xf32, #tpu.memory_space<hbm>>) target(%arg12 : memref<128x256xf32, #tpu.memory_space<vmem>>) offsets(%arg9 : memref<128xi32, #tpu.memory_space<vmem>>) semaphore(%arg17 : memref<!tpu.dma_semaphore, #tpu.memory_space<semaphore_mem>>)
      %dma_wait3A_21 = tpu.memref_slice %arg4[%add3A_11] : memref<163840xi32, #tpu.memory_space<hbm>> -> memref<128xi32, #tpu.memory_space<hbm>>
      %dma_wait3A_22 = tpu.memref_slice %arg4[%add3A_11] : memref<163840xi32, #tpu.memory_space<hbm>> -> memref<128xi32, #tpu.memory_space<hbm>>
      tpu.wait_dma2 semaphore(%arg15 : memref<!tpu.dma_semaphore, #tpu.memory_space<semaphore_mem>>) src(%dma_wait3A_22 : memref<128xi32, #tpu.memory_space<hbm>>) dst(%arg10 : memref<128xi32, #tpu.memory_space<vmem>>)
      %dma_start3A_23 = arith.constant 0 : i32
      %dma_start3A_24 = arith.constant 0 : i32
      %dma_start3A_25 = tpu.memref_slice %arg2[%dma_start3A_23, %dma_start3A_24] : memref<10000x256xf32, #tpu.memory_space<hbm>> -> memref<10000x256xf32, #tpu.memory_space<hbm>>
      tpu.enqueue_indirect_dma source(%dma_start3A_25 : memref<10000x256xf32, #tpu.memory_space<hbm>>) target(%arg13 : memref<128x256xf32, #tpu.memory_space<vmem>>) offsets(%arg10 : memref<128xi32, #tpu.memory_space<vmem>>) semaphore(%arg18 : memref<!tpu.dma_semaphore, #tpu.memory_space<semaphore_mem>>)
      %dma_wait3A_26 = arith.constant 0 : i32
      %dma_wait3A_27 = arith.constant 0 : i32
      %dma_wait3A_28 = tpu.memref_slice %arg2[%dma_wait3A_26, %dma_wait3A_27] : memref<10000x256xf32, #tpu.memory_space<hbm>> -> memref<10000x256xf32, #tpu.memory_space<hbm>>
      tpu.wait_indirect_dma semaphore(%arg17 : memref<!tpu.dma_semaphore, #tpu.memory_space<semaphore_mem>>) src(%dma_wait3A_28 : memref<10000x256xf32, #tpu.memory_space<hbm>>) dst(%arg12 : memref<128x256xf32, #tpu.memory_space<vmem>>)
      "tpu.region"() ({
        %run_scoped3A = tpu.sem_alloc : memref<!tpu.dma_semaphore, #tpu.memory_space<semaphore_mem>>
        %dma_start3A_40 = arith.constant 0 : i32
        %dma_start3A_41 = tpu.memref_slice %arg6[%add3A_11, %dma_start3A_40] : memref<163840x256xf32, #tpu.memory_space<hbm>> -> memref<128x256xf32, #tpu.memory_space<hbm>>
        %dma_start3A_42 = arith.constant 0 : i32
        %dma_start3A_43 = tpu.memref_slice %arg6[%add3A_11, %dma_start3A_42] : memref<163840x256xf32, #tpu.memory_space<hbm>> -> memref<128x256xf32, #tpu.memory_space<hbm>>
        tpu.enqueue_dma source(%arg12 : memref<128x256xf32, #tpu.memory_space<vmem>>) target(%dma_start3A_43 : memref<128x256xf32, #tpu.memory_space<hbm>>) target_semaphore(%run_scoped3A : memref<!tpu.dma_semaphore, #tpu.memory_space<semaphore_mem>>)
        %dma_wait3A_44 = arith.constant 0 : i32
        %dma_wait3A_45 = tpu.memref_slice %arg6[%add3A_11, %dma_wait3A_44] : memref<163840x256xf32, #tpu.memory_space<hbm>> -> memref<128x256xf32, #tpu.memory_space<hbm>>
        %dma_wait3A_46 = arith.constant 0 : i32
        %dma_wait3A_47 = tpu.memref_slice %arg6[%add3A_11, %dma_wait3A_46] : memref<163840x256xf32, #tpu.memory_space<hbm>> -> memref<128x256xf32, #tpu.memory_space<hbm>>
        tpu.wait_dma2 semaphore(%run_scoped3A : memref<!tpu.dma_semaphore, #tpu.memory_space<semaphore_mem>>) src(%arg12 : memref<128x256xf32, #tpu.memory_space<vmem>>) dst(%dma_wait3A_47 : memref<128x256xf32, #tpu.memory_space<hbm>>)
        tpu.yield
      }) : () -> ()
      %dma_wait3A_29 = tpu.memref_slice %arg5[%add3A_11] : memref<163840xi32, #tpu.memory_space<hbm>> -> memref<128xi32, #tpu.memory_space<hbm>>
      %dma_wait3A_30 = tpu.memref_slice %arg5[%add3A_11] : memref<163840xi32, #tpu.memory_space<hbm>> -> memref<128xi32, #tpu.memory_space<hbm>>
      tpu.wait_dma2 semaphore(%arg16 : memref<!tpu.dma_semaphore, #tpu.memory_space<semaphore_mem>>) src(%dma_wait3A_30 : memref<128xi32, #tpu.memory_space<hbm>>) dst(%arg11 : memref<128xi32, #tpu.memory_space<vmem>>)
      %dma_start3A_31 = arith.constant 0 : i32
      %dma_start3A_32 = arith.constant 0 : i32
      %dma_start3A_33 = tpu.memref_slice %arg2[%dma_start3A_31, %dma_start3A_32] : memref<10000x256xf32, #tpu.memory_space<hbm>> -> memref<10000x256xf32, #tpu.memory_space<hbm>>
      tpu.enqueue_indirect_dma source(%dma_start3A_33 : memref<10000x256xf32, #tpu.memory_space<hbm>>) target(%arg12 : memref<128x256xf32, #tpu.memory_space<vmem>>) offsets(%arg11 : memref<128xi32, #tpu.memory_space<vmem>>) semaphore(%arg17 : memref<!tpu.dma_semaphore, #tpu.memory_space<semaphore_mem>>)
      %dma_wait3A_34 = arith.constant 0 : i32
      %dma_wait3A_35 = arith.constant 0 : i32
      %dma_wait3A_36 = tpu.memref_slice %arg2[%dma_wait3A_34, %dma_wait3A_35] : memref<10000x256xf32, #tpu.memory_space<hbm>> -> memref<10000x256xf32, #tpu.memory_space<hbm>>
      tpu.wait_indirect_dma semaphore(%arg18 : memref<!tpu.dma_semaphore, #tpu.memory_space<semaphore_mem>>) src(%dma_wait3A_36 : memref<10000x256xf32, #tpu.memory_space<hbm>>) dst(%arg13 : memref<128x256xf32, #tpu.memory_space<vmem>>)
      "tpu.region"() ({
        %run_scoped3A = tpu.sem_alloc : memref<!tpu.dma_semaphore, #tpu.memory_space<semaphore_mem>>
        %dma_start3A_40 = arith.constant 0 : i32
        %dma_start3A_41 = tpu.memref_slice %arg7[%add3A_11, %dma_start3A_40] : memref<163840x256xf32, #tpu.memory_space<hbm>> -> memref<128x256xf32, #tpu.memory_space<hbm>>
        %dma_start3A_42 = arith.constant 0 : i32
        %dma_start3A_43 = tpu.memref_slice %arg7[%add3A_11, %dma_start3A_42] : memref<163840x256xf32, #tpu.memory_space<hbm>> -> memref<128x256xf32, #tpu.memory_space<hbm>>
        tpu.enqueue_dma source(%arg13 : memref<128x256xf32, #tpu.memory_space<vmem>>) target(%dma_start3A_43 : memref<128x256xf32, #tpu.memory_space<hbm>>) target_semaphore(%run_scoped3A : memref<!tpu.dma_semaphore, #tpu.memory_space<semaphore_mem>>)
        %dma_wait3A_44 = arith.constant 0 : i32
        %dma_wait3A_45 = tpu.memref_slice %arg7[%add3A_11, %dma_wait3A_44] : memref<163840x256xf32, #tpu.memory_space<hbm>> -> memref<128x256xf32, #tpu.memory_space<hbm>>
        %dma_wait3A_46 = arith.constant 0 : i32
        %dma_wait3A_47 = tpu.memref_slice %arg7[%add3A_11, %dma_wait3A_46] : memref<163840x256xf32, #tpu.memory_space<hbm>> -> memref<128x256xf32, #tpu.memory_space<hbm>>
        tpu.wait_dma2 semaphore(%run_scoped3A : memref<!tpu.dma_semaphore, #tpu.memory_space<semaphore_mem>>) src(%arg13 : memref<128x256xf32, #tpu.memory_space<vmem>>) dst(%dma_wait3A_47 : memref<128x256xf32, #tpu.memory_space<hbm>>)
        tpu.yield
      }) : () -> ()
      %dma_wait3A_37 = arith.constant 0 : i32
      %dma_wait3A_38 = arith.constant 0 : i32
      %dma_wait3A_39 = tpu.memref_slice %arg2[%dma_wait3A_37, %dma_wait3A_38] : memref<10000x256xf32, #tpu.memory_space<hbm>> -> memref<10000x256xf32, #tpu.memory_space<hbm>>
      tpu.wait_indirect_dma semaphore(%arg17 : memref<!tpu.dma_semaphore, #tpu.memory_space<semaphore_mem>>) src(%dma_wait3A_39 : memref<10000x256xf32, #tpu.memory_space<hbm>>) dst(%arg12 : memref<128x256xf32, #tpu.memory_space<vmem>>)
      "tpu.region"() ({
        %run_scoped3A = tpu.sem_alloc : memref<!tpu.dma_semaphore, #tpu.memory_space<semaphore_mem>>
        %dma_start3A_40 = arith.constant 0 : i32
        %dma_start3A_41 = tpu.memref_slice %arg8[%add3A_11, %dma_start3A_40] : memref<163840x256xf32, #tpu.memory_space<hbm>> -> memref<128x256xf32, #tpu.memory_space<hbm>>
        %dma_start3A_42 = arith.constant 0 : i32
        %dma_start3A_43 = tpu.memref_slice %arg8[%add3A_11, %dma_start3A_42] : memref<163840x256xf32, #tpu.memory_space<hbm>> -> memref<128x256xf32, #tpu.memory_space<hbm>>
        tpu.enqueue_dma source(%arg12 : memref<128x256xf32, #tpu.memory_space<vmem>>) target(%dma_start3A_43 : memref<128x256xf32, #tpu.memory_space<hbm>>) target_semaphore(%run_scoped3A : memref<!tpu.dma_semaphore, #tpu.memory_space<semaphore_mem>>)
        %dma_wait3A_44 = arith.constant 0 : i32
        %dma_wait3A_45 = tpu.memref_slice %arg8[%add3A_11, %dma_wait3A_44] : memref<163840x256xf32, #tpu.memory_space<hbm>> -> memref<128x256xf32, #tpu.memory_space<hbm>>
        %dma_wait3A_46 = arith.constant 0 : i32
        %dma_wait3A_47 = tpu.memref_slice %arg8[%add3A_11, %dma_wait3A_46] : memref<163840x256xf32, #tpu.memory_space<hbm>> -> memref<128x256xf32, #tpu.memory_space<hbm>>
        tpu.wait_dma2 semaphore(%run_scoped3A : memref<!tpu.dma_semaphore, #tpu.memory_space<semaphore_mem>>) src(%arg12 : memref<128x256xf32, #tpu.memory_space<vmem>>) dst(%dma_wait3A_47 : memref<128x256xf32, #tpu.memory_space<hbm>>)
        tpu.yield
      }) : () -> ()
    }
    %scan3A_7 = arith.constant 40 : i32
    return
  }
}

#map = affine_map<(d0, d1) -> (0, 0)>
#map1 = affine_map<(d0, d1) -> (0)>
module attributes {stable_mosaic.version = 14 : i64} {
  func.func @body(%arg0: i32, %arg1: i32, %arg2: memref<163840x128xf32, #tpu.memory_space<hbm>>, %arg3: memref<163840x128xf32, #tpu.memory_space<hbm>>, %arg4: memref<163840xi32, #tpu.memory_space<hbm>>, %arg5: memref<163840xi32, #tpu.memory_space<hbm>>, %arg6: memref<20480x128xf32, #tpu.memory_space<hbm>>, %arg7: memref<128xi32, #tpu.memory_space<vmem>>, %arg8: memref<128xi32, #tpu.memory_space<vmem>>, %arg9: memref<128x128xf32, #tpu.memory_space<vmem>>, %arg10: memref<128x128xf32, #tpu.memory_space<vmem>>, %arg11: memref<10240x128xf32, #tpu.memory_space<vmem_shared>>, %arg12: memref<!tpu.dma_semaphore, #tpu.memory_space<semaphore_mem>>, %arg13: memref<!tpu.dma_semaphore, #tpu.memory_space<semaphore_mem>>, %arg14: memref<!tpu.dma_semaphore, #tpu.memory_space<semaphore_mem>>, %arg15: memref<!tpu.dma_semaphore, #tpu.memory_space<semaphore_mem>>) attributes {dimension_semantics = [#tpu.dimension_semantics<core_parallel>, #tpu.dimension_semantics<subcore_parallel>], iteration_bounds = array<i64: 2, 16>, scalar_prefetch = 0 : i64, scratch_operands = 9 : i64, tpu.core_type = #tpu.core_type<sc_vector_subcore>, window_params = [{transform_indices = #map}, {transform_indices = #map}, {transform_indices = #map1}, {transform_indices = #map1}, {transform_indices = #map}]} {
    %mul3A = arith.constant 2 : i32
    %mul3A_0 = arith.muli %arg1, %mul3A : i32
    %add3A = arith.addi %mul3A_0, %arg0 : i32
    %mul3A_1 = arith.constant 5120 : i32
    %mul3A_2 = arith.muli %add3A, %mul3A_1 : i32
    %scan3A = arith.constant 0 : i32
    %scan3A_3 = arith.constant 0 : i32
    %scan3A_4 = arith.constant 128 : i32
    %scan3A_5 = arith.addi %scan3A_3, %scan3A_4 : i32
    %scan3A_6 = arith.constant 1 : i32
    scf.for %scan3A_42 = %scan3A_3 to %scan3A_5 step %scan3A_6  : i32 {
      %broadcast_in_dim3A = arith.constant 0.000000e+00 : f32
      %broadcast_in_dim3A_43 = vector.broadcast %broadcast_in_dim3A : f32 to vector<16xf32>
      %swap3A = arith.index_cast %scan3A_42 : i32 to index
      %swap3A_44 = arith.constant 0 : index
      %swap3A_45 = tpu.vector_load %arg9[%swap3A, %swap3A_44] {strides = array<i32>} : memref<128x128xf32, #tpu.memory_space<vmem>>, vector<1x16xf32>,
      %swap3A_46 = vector.shape_cast %swap3A_45 : vector<1x16xf32> to vector<16xf32>
      %swap3A_47 = vector.shape_cast %broadcast_in_dim3A_43 : vector<16xf32> to vector<1x16xf32>
      tpu.vector_store %arg9[%swap3A, %swap3A_44], %swap3A_47 {strides = array<i32>} : memref<128x128xf32, #tpu.memory_space<vmem>>, vector<1x16xf32>,
      %broadcast_in_dim3A_48 = arith.constant 0.000000e+00 : f32
      %broadcast_in_dim3A_49 = vector.broadcast %broadcast_in_dim3A_48 : f32 to vector<16xf32>
      %swap3A_50 = arith.index_cast %scan3A_42 : i32 to index
      %swap3A_51 = arith.constant 16 : index
      %swap3A_52 = tpu.vector_load %arg9[%swap3A_50, %swap3A_51] {strides = array<i32>} : memref<128x128xf32, #tpu.memory_space<vmem>>, vector<1x16xf32>,
      %swap3A_53 = vector.shape_cast %swap3A_52 : vector<1x16xf32> to vector<16xf32>
      %swap3A_54 = vector.shape_cast %broadcast_in_dim3A_49 : vector<16xf32> to vector<1x16xf32>
      tpu.vector_store %arg9[%swap3A_50, %swap3A_51], %swap3A_54 {strides = array<i32>} : memref<128x128xf32, #tpu.memory_space<vmem>>, vector<1x16xf32>,
      %broadcast_in_dim3A_55 = arith.constant 0.000000e+00 : f32
      %broadcast_in_dim3A_56 = vector.broadcast %broadcast_in_dim3A_55 : f32 to vector<16xf32>
      %swap3A_57 = arith.index_cast %scan3A_42 : i32 to index
      %swap3A_58 = arith.constant 32 : index
      %swap3A_59 = tpu.vector_load %arg9[%swap3A_57, %swap3A_58] {strides = array<i32>} : memref<128x128xf32, #tpu.memory_space<vmem>>, vector<1x16xf32>,
      %swap3A_60 = vector.shape_cast %swap3A_59 : vector<1x16xf32> to vector<16xf32>
      %swap3A_61 = vector.shape_cast %broadcast_in_dim3A_56 : vector<16xf32> to vector<1x16xf32>
      tpu.vector_store %arg9[%swap3A_57, %swap3A_58], %swap3A_61 {strides = array<i32>} : memref<128x128xf32, #tpu.memory_space<vmem>>, vector<1x16xf32>,
      %broadcast_in_dim3A_62 = arith.constant 0.000000e+00 : f32
      %broadcast_in_dim3A_63 = vector.broadcast %broadcast_in_dim3A_62 : f32 to vector<16xf32>
      %swap3A_64 = arith.index_cast %scan3A_42 : i32 to index
      %swap3A_65 = arith.constant 48 : index
      %swap3A_66 = tpu.vector_load %arg9[%swap3A_64, %swap3A_65] {strides = array<i32>} : memref<128x128xf32, #tpu.memory_space<vmem>>, vector<1x16xf32>,
      %swap3A_67 = vector.shape_cast %swap3A_66 : vector<1x16xf32> to vector<16xf32>
      %swap3A_68 = vector.shape_cast %broadcast_in_dim3A_63 : vector<16xf32> to vector<1x16xf32>
      tpu.vector_store %arg9[%swap3A_64, %swap3A_65], %swap3A_68 {strides = array<i32>} : memref<128x128xf32, #tpu.memory_space<vmem>>, vector<1x16xf32>,
      %broadcast_in_dim3A_69 = arith.constant 0.000000e+00 : f32
      %broadcast_in_dim3A_70 = vector.broadcast %broadcast_in_dim3A_69 : f32 to vector<16xf32>
      %swap3A_71 = arith.index_cast %scan3A_42 : i32 to index
      %swap3A_72 = arith.constant 64 : index
      %swap3A_73 = tpu.vector_load %arg9[%swap3A_71, %swap3A_72] {strides = array<i32>} : memref<128x128xf32, #tpu.memory_space<vmem>>, vector<1x16xf32>,
      %swap3A_74 = vector.shape_cast %swap3A_73 : vector<1x16xf32> to vector<16xf32>
      %swap3A_75 = vector.shape_cast %broadcast_in_dim3A_70 : vector<16xf32> to vector<1x16xf32>
      tpu.vector_store %arg9[%swap3A_71, %swap3A_72], %swap3A_75 {strides = array<i32>} : memref<128x128xf32, #tpu.memory_space<vmem>>, vector<1x16xf32>,
      %broadcast_in_dim3A_76 = arith.constant 0.000000e+00 : f32
      %broadcast_in_dim3A_77 = vector.broadcast %broadcast_in_dim3A_76 : f32 to vector<16xf32>
      %swap3A_78 = arith.index_cast %scan3A_42 : i32 to index
      %swap3A_79 = arith.constant 80 : index
      %swap3A_80 = tpu.vector_load %arg9[%swap3A_78, %swap3A_79] {strides = array<i32>} : memref<128x128xf32, #tpu.memory_space<vmem>>, vector<1x16xf32>,
      %swap3A_81 = vector.shape_cast %swap3A_80 : vector<1x16xf32> to vector<16xf32>
      %swap3A_82 = vector.shape_cast %broadcast_in_dim3A_77 : vector<16xf32> to vector<1x16xf32>
      tpu.vector_store %arg9[%swap3A_78, %swap3A_79], %swap3A_82 {strides = array<i32>} : memref<128x128xf32, #tpu.memory_space<vmem>>, vector<1x16xf32>,
      %broadcast_in_dim3A_83 = arith.constant 0.000000e+00 : f32
      %broadcast_in_dim3A_84 = vector.broadcast %broadcast_in_dim3A_83 : f32 to vector<16xf32>
      %swap3A_85 = arith.index_cast %scan3A_42 : i32 to index
      %swap3A_86 = arith.constant 96 : index
      %swap3A_87 = tpu.vector_load %arg9[%swap3A_85, %swap3A_86] {strides = array<i32>} : memref<128x128xf32, #tpu.memory_space<vmem>>, vector<1x16xf32>,
      %swap3A_88 = vector.shape_cast %swap3A_87 : vector<1x16xf32> to vector<16xf32>
      %swap3A_89 = vector.shape_cast %broadcast_in_dim3A_84 : vector<16xf32> to vector<1x16xf32>
      tpu.vector_store %arg9[%swap3A_85, %swap3A_86], %swap3A_89 {strides = array<i32>} : memref<128x128xf32, #tpu.memory_space<vmem>>, vector<1x16xf32>,
      %broadcast_in_dim3A_90 = arith.constant 0.000000e+00 : f32
      %broadcast_in_dim3A_91 = vector.broadcast %broadcast_in_dim3A_90 : f32 to vector<16xf32>
      %swap3A_92 = arith.index_cast %scan3A_42 : i32 to index
      %swap3A_93 = arith.constant 112 : index
      %swap3A_94 = tpu.vector_load %arg9[%swap3A_92, %swap3A_93] {strides = array<i32>} : memref<128x128xf32, #tpu.memory_space<vmem>>, vector<1x16xf32>,
      %swap3A_95 = vector.shape_cast %swap3A_94 : vector<1x16xf32> to vector<16xf32>
      %swap3A_96 = vector.shape_cast %broadcast_in_dim3A_91 : vector<16xf32> to vector<1x16xf32>
      tpu.vector_store %arg9[%swap3A_92, %swap3A_93], %swap3A_96 {strides = array<i32>} : memref<128x128xf32, #tpu.memory_space<vmem>>, vector<1x16xf32>,
    }
    %scan3A_7 = arith.constant 128 : i32
    %mul3A_8 = arith.constant 640 : i32
    %mul3A_9 = arith.muli %arg1, %mul3A_8 : i32
    %add3A_10 = arith.constant 0 : i32
    %add3A_11 = arith.addi %mul3A_9, %add3A_10 : i32
    "tpu.region"() ({
      %run_scoped3A = tpu.sem_alloc : memref<!tpu.dma_semaphore, #tpu.memory_space<semaphore_mem>>
      %dma_start3A = arith.constant 0 : i32
      %dma_start3A_42 = tpu.memref_slice %arg11[%add3A_11, %dma_start3A] : memref<10240x128xf32, #tpu.memory_space<vmem_shared>> -> memref<128x128xf32, #tpu.memory_space<vmem_shared>>
      %dma_start3A_43 = arith.constant 0 : i32
      %dma_start3A_44 = tpu.memref_slice %arg11[%add3A_11, %dma_start3A_43] : memref<10240x128xf32, #tpu.memory_space<vmem_shared>> -> memref<128x128xf32, #tpu.memory_space<vmem_shared>>
      tpu.enqueue_dma source(%arg9 : memref<128x128xf32, #tpu.memory_space<vmem>>) target(%dma_start3A_44 : memref<128x128xf32, #tpu.memory_space<vmem_shared>>) target_semaphore(%run_scoped3A : memref<!tpu.dma_semaphore, #tpu.memory_space<semaphore_mem>>)
      %dma_wait3A = arith.constant 0 : i32
      %dma_wait3A_45 = tpu.memref_slice %arg11[%add3A_11, %dma_wait3A] : memref<10240x128xf32, #tpu.memory_space<vmem_shared>> -> memref<128x128xf32, #tpu.memory_space<vmem_shared>>
      %dma_wait3A_46 = arith.constant 0 : i32
      %dma_wait3A_47 = tpu.memref_slice %arg11[%add3A_11, %dma_wait3A_46] : memref<10240x128xf32, #tpu.memory_space<vmem_shared>> -> memref<128x128xf32, #tpu.memory_space<vmem_shared>>
      tpu.wait_dma2 semaphore(%run_scoped3A : memref<!tpu.dma_semaphore, #tpu.memory_space<semaphore_mem>>) src(%arg9 : memref<128x128xf32, #tpu.memory_space<vmem>>) dst(%dma_wait3A_47 : memref<128x128xf32, #tpu.memory_space<vmem_shared>>)
      tpu.yield
    }) : () -> ()
    %mul3A_12 = arith.constant 640 : i32
    %mul3A_13 = arith.muli %arg1, %mul3A_12 : i32
    %add3A_14 = arith.constant 128 : i32
    %add3A_15 = arith.addi %mul3A_13, %add3A_14 : i32
    "tpu.region"() ({
      %run_scoped3A = tpu.sem_alloc : memref<!tpu.dma_semaphore, #tpu.memory_space<semaphore_mem>>
      %dma_start3A = arith.constant 0 : i32
      %dma_start3A_42 = tpu.memref_slice %arg11[%add3A_15, %dma_start3A] : memref<10240x128xf32, #tpu.memory_space<vmem_shared>> -> memref<128x128xf32, #tpu.memory_space<vmem_shared>>
      %dma_start3A_43 = arith.constant 0 : i32
      %dma_start3A_44 = tpu.memref_slice %arg11[%add3A_15, %dma_start3A_43] : memref<10240x128xf32, #tpu.memory_space<vmem_shared>> -> memref<128x128xf32, #tpu.memory_space<vmem_shared>>
      tpu.enqueue_dma source(%arg9 : memref<128x128xf32, #tpu.memory_space<vmem>>) target(%dma_start3A_44 : memref<128x128xf32, #tpu.memory_space<vmem_shared>>) target_semaphore(%run_scoped3A : memref<!tpu.dma_semaphore, #tpu.memory_space<semaphore_mem>>)
      %dma_wait3A = arith.constant 0 : i32
      %dma_wait3A_45 = tpu.memref_slice %arg11[%add3A_15, %dma_wait3A] : memref<10240x128xf32, #tpu.memory_space<vmem_shared>> -> memref<128x128xf32, #tpu.memory_space<vmem_shared>>
      %dma_wait3A_46 = arith.constant 0 : i32
      %dma_wait3A_47 = tpu.memref_slice %arg11[%add3A_15, %dma_wait3A_46] : memref<10240x128xf32, #tpu.memory_space<vmem_shared>> -> memref<128x128xf32, #tpu.memory_space<vmem_shared>>
      tpu.wait_dma2 semaphore(%run_scoped3A : memref<!tpu.dma_semaphore, #tpu.memory_space<semaphore_mem>>) src(%arg9 : memref<128x128xf32, #tpu.memory_space<vmem>>) dst(%dma_wait3A_47 : memref<128x128xf32, #tpu.memory_space<vmem_shared>>)
      tpu.yield
    }) : () -> ()
    %mul3A_16 = arith.constant 640 : i32
    %mul3A_17 = arith.muli %arg1, %mul3A_16 : i32
    %add3A_18 = arith.constant 256 : i32
    %add3A_19 = arith.addi %mul3A_17, %add3A_18 : i32
    "tpu.region"() ({
      %run_scoped3A = tpu.sem_alloc : memref<!tpu.dma_semaphore, #tpu.memory_space<semaphore_mem>>
      %dma_start3A = arith.constant 0 : i32
      %dma_start3A_42 = tpu.memref_slice %arg11[%add3A_19, %dma_start3A] : memref<10240x128xf32, #tpu.memory_space<vmem_shared>> -> memref<128x128xf32, #tpu.memory_space<vmem_shared>>
      %dma_start3A_43 = arith.constant 0 : i32
      %dma_start3A_44 = tpu.memref_slice %arg11[%add3A_19, %dma_start3A_43] : memref<10240x128xf32, #tpu.memory_space<vmem_shared>> -> memref<128x128xf32, #tpu.memory_space<vmem_shared>>
      tpu.enqueue_dma source(%arg9 : memref<128x128xf32, #tpu.memory_space<vmem>>) target(%dma_start3A_44 : memref<128x128xf32, #tpu.memory_space<vmem_shared>>) target_semaphore(%run_scoped3A : memref<!tpu.dma_semaphore, #tpu.memory_space<semaphore_mem>>)
      %dma_wait3A = arith.constant 0 : i32
      %dma_wait3A_45 = tpu.memref_slice %arg11[%add3A_19, %dma_wait3A] : memref<10240x128xf32, #tpu.memory_space<vmem_shared>> -> memref<128x128xf32, #tpu.memory_space<vmem_shared>>
      %dma_wait3A_46 = arith.constant 0 : i32
      %dma_wait3A_47 = tpu.memref_slice %arg11[%add3A_19, %dma_wait3A_46] : memref<10240x128xf32, #tpu.memory_space<vmem_shared>> -> memref<128x128xf32, #tpu.memory_space<vmem_shared>>
      tpu.wait_dma2 semaphore(%run_scoped3A : memref<!tpu.dma_semaphore, #tpu.memory_space<semaphore_mem>>) src(%arg9 : memref<128x128xf32, #tpu.memory_space<vmem>>) dst(%dma_wait3A_47 : memref<128x128xf32, #tpu.memory_space<vmem_shared>>)
      tpu.yield
    }) : () -> ()
    %mul3A_20 = arith.constant 640 : i32
    %mul3A_21 = arith.muli %arg1, %mul3A_20 : i32
    %add3A_22 = arith.constant 384 : i32
    %add3A_23 = arith.addi %mul3A_21, %add3A_22 : i32
    "tpu.region"() ({
      %run_scoped3A = tpu.sem_alloc : memref<!tpu.dma_semaphore, #tpu.memory_space<semaphore_mem>>
      %dma_start3A = arith.constant 0 : i32
      %dma_start3A_42 = tpu.memref_slice %arg11[%add3A_23, %dma_start3A] : memref<10240x128xf32, #tpu.memory_space<vmem_shared>> -> memref<128x128xf32, #tpu.memory_space<vmem_shared>>
      %dma_start3A_43 = arith.constant 0 : i32
      %dma_start3A_44 = tpu.memref_slice %arg11[%add3A_23, %dma_start3A_43] : memref<10240x128xf32, #tpu.memory_space<vmem_shared>> -> memref<128x128xf32, #tpu.memory_space<vmem_shared>>
      tpu.enqueue_dma source(%arg9 : memref<128x128xf32, #tpu.memory_space<vmem>>) target(%dma_start3A_44 : memref<128x128xf32, #tpu.memory_space<vmem_shared>>) target_semaphore(%run_scoped3A : memref<!tpu.dma_semaphore, #tpu.memory_space<semaphore_mem>>)
      %dma_wait3A = arith.constant 0 : i32
      %dma_wait3A_45 = tpu.memref_slice %arg11[%add3A_23, %dma_wait3A] : memref<10240x128xf32, #tpu.memory_space<vmem_shared>> -> memref<128x128xf32, #tpu.memory_space<vmem_shared>>
      %dma_wait3A_46 = arith.constant 0 : i32
      %dma_wait3A_47 = tpu.memref_slice %arg11[%add3A_23, %dma_wait3A_46] : memref<10240x128xf32, #tpu.memory_space<vmem_shared>> -> memref<128x128xf32, #tpu.memory_space<vmem_shared>>
      tpu.wait_dma2 semaphore(%run_scoped3A : memref<!tpu.dma_semaphore, #tpu.memory_space<semaphore_mem>>) src(%arg9 : memref<128x128xf32, #tpu.memory_space<vmem>>) dst(%dma_wait3A_47 : memref<128x128xf32, #tpu.memory_space<vmem_shared>>)
      tpu.yield
    }) : () -> ()
    %mul3A_24 = arith.constant 640 : i32
    %mul3A_25 = arith.muli %arg1, %mul3A_24 : i32
    %add3A_26 = arith.constant 512 : i32
    %add3A_27 = arith.addi %mul3A_25, %add3A_26 : i32
    "tpu.region"() ({
      %run_scoped3A = tpu.sem_alloc : memref<!tpu.dma_semaphore, #tpu.memory_space<semaphore_mem>>
      %dma_start3A = arith.constant 0 : i32
      %dma_start3A_42 = tpu.memref_slice %arg11[%add3A_27, %dma_start3A] : memref<10240x128xf32, #tpu.memory_space<vmem_shared>> -> memref<128x128xf32, #tpu.memory_space<vmem_shared>>
      %dma_start3A_43 = arith.constant 0 : i32
      %dma_start3A_44 = tpu.memref_slice %arg11[%add3A_27, %dma_start3A_43] : memref<10240x128xf32, #tpu.memory_space<vmem_shared>> -> memref<128x128xf32, #tpu.memory_space<vmem_shared>>
      tpu.enqueue_dma source(%arg9 : memref<128x128xf32, #tpu.memory_space<vmem>>) target(%dma_start3A_44 : memref<128x128xf32, #tpu.memory_space<vmem_shared>>) target_semaphore(%run_scoped3A : memref<!tpu.dma_semaphore, #tpu.memory_space<semaphore_mem>>)
      %dma_wait3A = arith.constant 0 : i32
      %dma_wait3A_45 = tpu.memref_slice %arg11[%add3A_27, %dma_wait3A] : memref<10240x128xf32, #tpu.memory_space<vmem_shared>> -> memref<128x128xf32, #tpu.memory_space<vmem_shared>>
      %dma_wait3A_46 = arith.constant 0 : i32
      %dma_wait3A_47 = tpu.memref_slice %arg11[%add3A_27, %dma_wait3A_46] : memref<10240x128xf32, #tpu.memory_space<vmem_shared>> -> memref<128x128xf32, #tpu.memory_space<vmem_shared>>
      tpu.wait_dma2 semaphore(%run_scoped3A : memref<!tpu.dma_semaphore, #tpu.memory_space<semaphore_mem>>) src(%arg9 : memref<128x128xf32, #tpu.memory_space<vmem>>) dst(%dma_wait3A_47 : memref<128x128xf32, #tpu.memory_space<vmem_shared>>)
      tpu.yield
    }) : () -> ()
    %barrier3A = arith.constant 0 : index
    tpu.barrier barrier_id(%barrier3A)
    %scan3A_28 = arith.constant 0 : i32
    %scan3A_29 = arith.constant 0 : i32
    %scan3A_30 = arith.constant 40 : i32
    %scan3A_31 = arith.addi %scan3A_29, %scan3A_30 : i32
    %scan3A_32 = arith.constant 1 : i32
    scf.for %scan3A_42 = %scan3A_29 to %scan3A_31 step %scan3A_32  : i32 {
      %mul3A_43 = arith.constant 128 : i32
      %mul3A_44 = arith.muli %scan3A_42, %mul3A_43 : i32
      %add3A_45 = arith.addi %mul3A_2, %mul3A_44 : i32
      %dma_start3A = tpu.memref_slice %arg4[%add3A_45] : memref<163840xi32, #tpu.memory_space<hbm>> -> memref<128xi32, #tpu.memory_space<hbm>>
      %dma_start3A_46 = tpu.memref_slice %arg4[%add3A_45] : memref<163840xi32, #tpu.memory_space<hbm>> -> memref<128xi32, #tpu.memory_space<hbm>>
      tpu.enqueue_dma source(%dma_start3A_46 : memref<128xi32, #tpu.memory_space<hbm>>) target(%arg7 : memref<128xi32, #tpu.memory_space<vmem>>) target_semaphore(%arg12 : memref<!tpu.dma_semaphore, #tpu.memory_space<semaphore_mem>>)
      %dma_start3A_47 = arith.constant 0 : i32
      %dma_start3A_48 = tpu.memref_slice %arg2[%add3A_45, %dma_start3A_47] : memref<163840x128xf32, #tpu.memory_space<hbm>> -> memref<128x128xf32, #tpu.memory_space<hbm>>
      %dma_start3A_49 = arith.constant 0 : i32
      %dma_start3A_50 = tpu.memref_slice %arg2[%add3A_45, %dma_start3A_49] : memref<163840x128xf32, #tpu.memory_space<hbm>> -> memref<128x128xf32, #tpu.memory_space<hbm>>
      tpu.enqueue_dma source(%dma_start3A_50 : memref<128x128xf32, #tpu.memory_space<hbm>>) target(%arg9 : memref<128x128xf32, #tpu.memory_space<vmem>>) target_semaphore(%arg14 : memref<!tpu.dma_semaphore, #tpu.memory_space<semaphore_mem>>)
      %dma_start3A_51 = tpu.memref_slice %arg5[%add3A_45] : memref<163840xi32, #tpu.memory_space<hbm>> -> memref<128xi32, #tpu.memory_space<hbm>>
      %dma_start3A_52 = tpu.memref_slice %arg5[%add3A_45] : memref<163840xi32, #tpu.memory_space<hbm>> -> memref<128xi32, #tpu.memory_space<hbm>>
      tpu.enqueue_dma source(%dma_start3A_52 : memref<128xi32, #tpu.memory_space<hbm>>) target(%arg8 : memref<128xi32, #tpu.memory_space<vmem>>) target_semaphore(%arg13 : memref<!tpu.dma_semaphore, #tpu.memory_space<semaphore_mem>>)
      %dma_start3A_53 = arith.constant 0 : i32
      %dma_start3A_54 = tpu.memref_slice %arg3[%add3A_45, %dma_start3A_53] : memref<163840x128xf32, #tpu.memory_space<hbm>> -> memref<128x128xf32, #tpu.memory_space<hbm>>
      %dma_start3A_55 = arith.constant 0 : i32
      %dma_start3A_56 = tpu.memref_slice %arg3[%add3A_45, %dma_start3A_55] : memref<163840x128xf32, #tpu.memory_space<hbm>> -> memref<128x128xf32, #tpu.memory_space<hbm>>
      tpu.enqueue_dma source(%dma_start3A_56 : memref<128x128xf32, #tpu.memory_space<hbm>>) target(%arg10 : memref<128x128xf32, #tpu.memory_space<vmem>>) target_semaphore(%arg15 : memref<!tpu.dma_semaphore, #tpu.memory_space<semaphore_mem>>)
      %dma_wait3A = tpu.memref_slice %arg4[%add3A_45] : memref<163840xi32, #tpu.memory_space<hbm>> -> memref<128xi32, #tpu.memory_space<hbm>>
      %dma_wait3A_57 = tpu.memref_slice %arg4[%add3A_45] : memref<163840xi32, #tpu.memory_space<hbm>> -> memref<128xi32, #tpu.memory_space<hbm>>
      tpu.wait_dma2 semaphore(%arg12 : memref<!tpu.dma_semaphore, #tpu.memory_space<semaphore_mem>>) src(%dma_wait3A_57 : memref<128xi32, #tpu.memory_space<hbm>>) dst(%arg7 : memref<128xi32, #tpu.memory_space<vmem>>)
      %dma_wait3A_58 = arith.constant 0 : i32
      %dma_wait3A_59 = tpu.memref_slice %arg2[%add3A_45, %dma_wait3A_58] : memref<163840x128xf32, #tpu.memory_space<hbm>> -> memref<128x128xf32, #tpu.memory_space<hbm>>
      %dma_wait3A_60 = arith.constant 0 : i32
      %dma_wait3A_61 = tpu.memref_slice %arg2[%add3A_45, %dma_wait3A_60] : memref<163840x128xf32, #tpu.memory_space<hbm>> -> memref<128x128xf32, #tpu.memory_space<hbm>>
      tpu.wait_dma2 semaphore(%arg14 : memref<!tpu.dma_semaphore, #tpu.memory_space<semaphore_mem>>) src(%dma_wait3A_61 : memref<128x128xf32, #tpu.memory_space<hbm>>) dst(%arg9 : memref<128x128xf32, #tpu.memory_space<vmem>>)
      "tpu.region"() ({
        %run_scoped3A = tpu.sem_alloc : memref<!tpu.dma_semaphore, #tpu.memory_space<semaphore_mem>>
        %dma_start3A_68 = arith.constant 0 : i32
        %dma_start3A_69 = arith.constant 0 : i32
        %dma_start3A_70 = tpu.memref_slice %arg11[%dma_start3A_68, %dma_start3A_69] : memref<10240x128xf32, #tpu.memory_space<vmem_shared>> -> memref<10240x128xf32, #tpu.memory_space<vmem_shared>>
        tpu.enqueue_indirect_dma source(%arg9 : memref<128x128xf32, #tpu.memory_space<vmem>>) target(%dma_start3A_70 : memref<10240x128xf32, #tpu.memory_space<vmem_shared>>) offsets(%arg7 : memref<128xi32, #tpu.memory_space<vmem>>) semaphore(%run_scoped3A : memref<!tpu.dma_semaphore, #tpu.memory_space<semaphore_mem>>) {add = true}
        %dma_wait3A_71 = arith.constant 0 : i32
        %dma_wait3A_72 = arith.constant 0 : i32
        %dma_wait3A_73 = tpu.memref_slice %arg11[%dma_wait3A_71, %dma_wait3A_72] : memref<10240x128xf32, #tpu.memory_space<vmem_shared>> -> memref<10240x128xf32, #tpu.memory_space<vmem_shared>>
        tpu.wait_indirect_dma semaphore(%run_scoped3A : memref<!tpu.dma_semaphore, #tpu.memory_space<semaphore_mem>>) src(%arg9 : memref<128x128xf32, #tpu.memory_space<vmem>>) dst(%dma_wait3A_73 : memref<10240x128xf32, #tpu.memory_space<vmem_shared>>)
        tpu.yield
      }) : () -> ()
      %dma_wait3A_62 = tpu.memref_slice %arg5[%add3A_45] : memref<163840xi32, #tpu.memory_space<hbm>> -> memref<128xi32, #tpu.memory_space<hbm>>
      %dma_wait3A_63 = tpu.memref_slice %arg5[%add3A_45] : memref<163840xi32, #tpu.memory_space<hbm>> -> memref<128xi32, #tpu.memory_space<hbm>>
      tpu.wait_dma2 semaphore(%arg13 : memref<!tpu.dma_semaphore, #tpu.memory_space<semaphore_mem>>) src(%dma_wait3A_63 : memref<128xi32, #tpu.memory_space<hbm>>) dst(%arg8 : memref<128xi32, #tpu.memory_space<vmem>>)
      %dma_wait3A_64 = arith.constant 0 : i32
      %dma_wait3A_65 = tpu.memref_slice %arg3[%add3A_45, %dma_wait3A_64] : memref<163840x128xf32, #tpu.memory_space<hbm>> -> memref<128x128xf32, #tpu.memory_space<hbm>>
      %dma_wait3A_66 = arith.constant 0 : i32
      %dma_wait3A_67 = tpu.memref_slice %arg3[%add3A_45, %dma_wait3A_66] : memref<163840x128xf32, #tpu.memory_space<hbm>> -> memref<128x128xf32, #tpu.memory_space<hbm>>
      tpu.wait_dma2 semaphore(%arg15 : memref<!tpu.dma_semaphore, #tpu.memory_space<semaphore_mem>>) src(%dma_wait3A_67 : memref<128x128xf32, #tpu.memory_space<hbm>>) dst(%arg10 : memref<128x128xf32, #tpu.memory_space<vmem>>)
      "tpu.region"() ({
        %run_scoped3A = tpu.sem_alloc : memref<!tpu.dma_semaphore, #tpu.memory_space<semaphore_mem>>
        %dma_start3A_68 = arith.constant 0 : i32
        %dma_start3A_69 = arith.constant 0 : i32
        %dma_start3A_70 = tpu.memref_slice %arg11[%dma_start3A_68, %dma_start3A_69] : memref<10240x128xf32, #tpu.memory_space<vmem_shared>> -> memref<10240x128xf32, #tpu.memory_space<vmem_shared>>
        tpu.enqueue_indirect_dma source(%arg10 : memref<128x128xf32, #tpu.memory_space<vmem>>) target(%dma_start3A_70 : memref<10240x128xf32, #tpu.memory_space<vmem_shared>>) offsets(%arg8 : memref<128xi32, #tpu.memory_space<vmem>>) semaphore(%run_scoped3A : memref<!tpu.dma_semaphore, #tpu.memory_space<semaphore_mem>>) {add = true}
        %dma_wait3A_71 = arith.constant 0 : i32
        %dma_wait3A_72 = arith.constant 0 : i32
        %dma_wait3A_73 = tpu.memref_slice %arg11[%dma_wait3A_71, %dma_wait3A_72] : memref<10240x128xf32, #tpu.memory_space<vmem_shared>> -> memref<10240x128xf32, #tpu.memory_space<vmem_shared>>
        tpu.wait_indirect_dma semaphore(%run_scoped3A : memref<!tpu.dma_semaphore, #tpu.memory_space<semaphore_mem>>) src(%arg10 : memref<128x128xf32, #tpu.memory_space<vmem>>) dst(%dma_wait3A_73 : memref<10240x128xf32, #tpu.memory_space<vmem_shared>>)
        tpu.yield
      }) : () -> ()
    }
    %scan3A_33 = arith.constant 40 : i32
    %barrier3A_34 = arith.constant 0 : index
    tpu.barrier barrier_id(%barrier3A_34)
    %mul3A_35 = arith.constant 640 : i32
    %mul3A_36 = arith.muli %arg1, %mul3A_35 : i32
    %mul3A_37 = arith.constant 10240 : i32
    %mul3A_38 = arith.muli %arg0, %mul3A_37 : i32
    %mul3A_39 = arith.constant 640 : i32
    %mul3A_40 = arith.muli %arg1, %mul3A_39 : i32
    %add3A_41 = arith.addi %mul3A_38, %mul3A_40 : i32
    "tpu.region"() ({
      %run_scoped3A = tpu.sem_alloc : memref<!tpu.dma_semaphore, #tpu.memory_space<semaphore_mem>>
      %dma_start3A = arith.constant 0 : i32
      %dma_start3A_42 = tpu.memref_slice %arg6[%add3A_41, %dma_start3A] : memref<20480x128xf32, #tpu.memory_space<hbm>> -> memref<640x128xf32, #tpu.memory_space<hbm>>
      %dma_start3A_43 = arith.constant 0 : i32
      %dma_start3A_44 = tpu.memref_slice %arg11[%mul3A_36, %dma_start3A_43] : memref<10240x128xf32, #tpu.memory_space<vmem_shared>> -> memref<640x128xf32, #tpu.memory_space<vmem_shared>>
      tpu.enqueue_dma source(%dma_start3A_44 : memref<640x128xf32, #tpu.memory_space<vmem_shared>>) target(%dma_start3A_42 : memref<640x128xf32, #tpu.memory_space<hbm>>) target_semaphore(%run_scoped3A : memref<!tpu.dma_semaphore, #tpu.memory_space<semaphore_mem>>)
      %dma_wait3A = arith.constant 0 : i32
      %dma_wait3A_45 = tpu.memref_slice %arg6[%add3A_41, %dma_wait3A] : memref<20480x128xf32, #tpu.memory_space<hbm>> -> memref<640x128xf32, #tpu.memory_space<hbm>>
      %dma_wait3A_46 = arith.constant 0 : i32
      %dma_wait3A_47 = tpu.memref_slice %arg11[%mul3A_36, %dma_wait3A_46] : memref<10240x128xf32, #tpu.memory_space<vmem_shared>> -> memref<640x128xf32, #tpu.memory_space<vmem_shared>>
      tpu.wait_dma2 semaphore(%run_scoped3A : memref<!tpu.dma_semaphore, #tpu.memory_space<semaphore_mem>>) src(%dma_wait3A_47 : memref<640x128xf32, #tpu.memory_space<vmem_shared>>) dst(%dma_wait3A_45 : memref<640x128xf32, #tpu.memory_space<hbm>>)
      tpu.yield
    }) : () -> ()
    return
  }
}

#map = affine_map<(d0, d1) -> (0, 0)>
#map1 = affine_map<(d0, d1) -> (0)>
module attributes {stable_mosaic.version = 14 : i64} {
  func.func @body(%arg0: i32, %arg1: i32, %arg2: memref<163840x128xf32, #tpu.memory_space<hbm>>, %arg3: memref<163840x128xf32, #tpu.memory_space<hbm>>, %arg4: memref<163840xi32, #tpu.memory_space<hbm>>, %arg5: memref<163840xi32, #tpu.memory_space<hbm>>, %arg6: memref<20480x128xf32, #tpu.memory_space<hbm>>, %arg7: memref<128xi32, #tpu.memory_space<vmem>>, %arg8: memref<128xi32, #tpu.memory_space<vmem>>, %arg9: memref<128x128xf32, #tpu.memory_space<vmem>>, %arg10: memref<128x128xf32, #tpu.memory_space<vmem>>, %arg11: memref<10240x128xf32, #tpu.memory_space<vmem_shared>>, %arg12: memref<!tpu.dma_semaphore, #tpu.memory_space<semaphore_mem>>, %arg13: memref<!tpu.dma_semaphore, #tpu.memory_space<semaphore_mem>>, %arg14: memref<!tpu.dma_semaphore, #tpu.memory_space<semaphore_mem>>, %arg15: memref<!tpu.dma_semaphore, #tpu.memory_space<semaphore_mem>>) attributes {dimension_semantics = [#tpu.dimension_semantics<core_parallel>, #tpu.dimension_semantics<subcore_parallel>], iteration_bounds = array<i64: 2, 16>, scalar_prefetch = 0 : i64, scratch_operands = 9 : i64, tpu.core_type = #tpu.core_type<sc_vector_subcore>, window_params = [{transform_indices = #map}, {transform_indices = #map}, {transform_indices = #map1}, {transform_indices = #map1}, {transform_indices = #map}]} {
    %mul3A = arith.constant 2 : i32
    %mul3A_0 = arith.muli %arg1, %mul3A : i32
    %add3A = arith.addi %mul3A_0, %arg0 : i32
    %mul3A_1 = arith.constant 5120 : i32
    %mul3A_2 = arith.muli %add3A, %mul3A_1 : i32
    %scan3A = arith.constant 0 : i32
    %scan3A_3 = arith.constant 0 : i32
    %scan3A_4 = arith.constant 128 : i32
    %scan3A_5 = arith.addi %scan3A_3, %scan3A_4 : i32
    %scan3A_6 = arith.constant 1 : i32
    scf.for %scan3A_42 = %scan3A_3 to %scan3A_5 step %scan3A_6  : i32 {
      %broadcast_in_dim3A = arith.constant 0.000000e+00 : f32
      %broadcast_in_dim3A_43 = vector.broadcast %broadcast_in_dim3A : f32 to vector<16xf32>
      %swap3A = arith.index_cast %scan3A_42 : i32 to index
      %swap3A_44 = arith.constant 0 : index
      %swap3A_45 = tpu.vector_load %arg9[%swap3A, %swap3A_44] {strides = array<i32>} : memref<128x128xf32, #tpu.memory_space<vmem>>, vector<1x16xf32>,
      %swap3A_46 = vector.shape_cast %swap3A_45 : vector<1x16xf32> to vector<16xf32>
      %swap3A_47 = vector.shape_cast %broadcast_in_dim3A_43 : vector<16xf32> to vector<1x16xf32>
      tpu.vector_store %arg9[%swap3A, %swap3A_44], %swap3A_47 {strides = array<i32>} : memref<128x128xf32, #tpu.memory_space<vmem>>, vector<1x16xf32>,
      %broadcast_in_dim3A_48 = arith.constant 0.000000e+00 : f32
      %broadcast_in_dim3A_49 = vector.broadcast %broadcast_in_dim3A_48 : f32 to vector<16xf32>
      %swap3A_50 = arith.index_cast %scan3A_42 : i32 to index
      %swap3A_51 = arith.constant 16 : index
      %swap3A_52 = tpu.vector_load %arg9[%swap3A_50, %swap3A_51] {strides = array<i32>} : memref<128x128xf32, #tpu.memory_space<vmem>>, vector<1x16xf32>,
      %swap3A_53 = vector.shape_cast %swap3A_52 : vector<1x16xf32> to vector<16xf32>
      %swap3A_54 = vector.shape_cast %broadcast_in_dim3A_49 : vector<16xf32> to vector<1x16xf32>
      tpu.vector_store %arg9[%swap3A_50, %swap3A_51], %swap3A_54 {strides = array<i32>} : memref<128x128xf32, #tpu.memory_space<vmem>>, vector<1x16xf32>,
      %broadcast_in_dim3A_55 = arith.constant 0.000000e+00 : f32
      %broadcast_in_dim3A_56 = vector.broadcast %broadcast_in_dim3A_55 : f32 to vector<16xf32>
      %swap3A_57 = arith.index_cast %scan3A_42 : i32 to index
      %swap3A_58 = arith.constant 32 : index
      %swap3A_59 = tpu.vector_load %arg9[%swap3A_57, %swap3A_58] {strides = array<i32>} : memref<128x128xf32, #tpu.memory_space<vmem>>, vector<1x16xf32>,
      %swap3A_60 = vector.shape_cast %swap3A_59 : vector<1x16xf32> to vector<16xf32>
      %swap3A_61 = vector.shape_cast %broadcast_in_dim3A_56 : vector<16xf32> to vector<1x16xf32>
      tpu.vector_store %arg9[%swap3A_57, %swap3A_58], %swap3A_61 {strides = array<i32>} : memref<128x128xf32, #tpu.memory_space<vmem>>, vector<1x16xf32>,
      %broadcast_in_dim3A_62 = arith.constant 0.000000e+00 : f32
      %broadcast_in_dim3A_63 = vector.broadcast %broadcast_in_dim3A_62 : f32 to vector<16xf32>
      %swap3A_64 = arith.index_cast %scan3A_42 : i32 to index
      %swap3A_65 = arith.constant 48 : index
      %swap3A_66 = tpu.vector_load %arg9[%swap3A_64, %swap3A_65] {strides = array<i32>} : memref<128x128xf32, #tpu.memory_space<vmem>>, vector<1x16xf32>,
      %swap3A_67 = vector.shape_cast %swap3A_66 : vector<1x16xf32> to vector<16xf32>
      %swap3A_68 = vector.shape_cast %broadcast_in_dim3A_63 : vector<16xf32> to vector<1x16xf32>
      tpu.vector_store %arg9[%swap3A_64, %swap3A_65], %swap3A_68 {strides = array<i32>} : memref<128x128xf32, #tpu.memory_space<vmem>>, vector<1x16xf32>,
      %broadcast_in_dim3A_69 = arith.constant 0.000000e+00 : f32
      %broadcast_in_dim3A_70 = vector.broadcast %broadcast_in_dim3A_69 : f32 to vector<16xf32>
      %swap3A_71 = arith.index_cast %scan3A_42 : i32 to index
      %swap3A_72 = arith.constant 64 : index
      %swap3A_73 = tpu.vector_load %arg9[%swap3A_71, %swap3A_72] {strides = array<i32>} : memref<128x128xf32, #tpu.memory_space<vmem>>, vector<1x16xf32>,
      %swap3A_74 = vector.shape_cast %swap3A_73 : vector<1x16xf32> to vector<16xf32>
      %swap3A_75 = vector.shape_cast %broadcast_in_dim3A_70 : vector<16xf32> to vector<1x16xf32>
      tpu.vector_store %arg9[%swap3A_71, %swap3A_72], %swap3A_75 {strides = array<i32>} : memref<128x128xf32, #tpu.memory_space<vmem>>, vector<1x16xf32>,
      %broadcast_in_dim3A_76 = arith.constant 0.000000e+00 : f32
      %broadcast_in_dim3A_77 = vector.broadcast %broadcast_in_dim3A_76 : f32 to vector<16xf32>
      %swap3A_78 = arith.index_cast %scan3A_42 : i32 to index
      %swap3A_79 = arith.constant 80 : index
      %swap3A_80 = tpu.vector_load %arg9[%swap3A_78, %swap3A_79] {strides = array<i32>} : memref<128x128xf32, #tpu.memory_space<vmem>>, vector<1x16xf32>,
      %swap3A_81 = vector.shape_cast %swap3A_80 : vector<1x16xf32> to vector<16xf32>
      %swap3A_82 = vector.shape_cast %broadcast_in_dim3A_77 : vector<16xf32> to vector<1x16xf32>
      tpu.vector_store %arg9[%swap3A_78, %swap3A_79], %swap3A_82 {strides = array<i32>} : memref<128x128xf32, #tpu.memory_space<vmem>>, vector<1x16xf32>,
      %broadcast_in_dim3A_83 = arith.constant 0.000000e+00 : f32
      %broadcast_in_dim3A_84 = vector.broadcast %broadcast_in_dim3A_83 : f32 to vector<16xf32>
      %swap3A_85 = arith.index_cast %scan3A_42 : i32 to index
      %swap3A_86 = arith.constant 96 : index
      %swap3A_87 = tpu.vector_load %arg9[%swap3A_85, %swap3A_86] {strides = array<i32>} : memref<128x128xf32, #tpu.memory_space<vmem>>, vector<1x16xf32>,
      %swap3A_88 = vector.shape_cast %swap3A_87 : vector<1x16xf32> to vector<16xf32>
      %swap3A_89 = vector.shape_cast %broadcast_in_dim3A_84 : vector<16xf32> to vector<1x16xf32>
      tpu.vector_store %arg9[%swap3A_85, %swap3A_86], %swap3A_89 {strides = array<i32>} : memref<128x128xf32, #tpu.memory_space<vmem>>, vector<1x16xf32>,
      %broadcast_in_dim3A_90 = arith.constant 0.000000e+00 : f32
      %broadcast_in_dim3A_91 = vector.broadcast %broadcast_in_dim3A_90 : f32 to vector<16xf32>
      %swap3A_92 = arith.index_cast %scan3A_42 : i32 to index
      %swap3A_93 = arith.constant 112 : index
      %swap3A_94 = tpu.vector_load %arg9[%swap3A_92, %swap3A_93] {strides = array<i32>} : memref<128x128xf32, #tpu.memory_space<vmem>>, vector<1x16xf32>,
      %swap3A_95 = vector.shape_cast %swap3A_94 : vector<1x16xf32> to vector<16xf32>
      %swap3A_96 = vector.shape_cast %broadcast_in_dim3A_91 : vector<16xf32> to vector<1x16xf32>
      tpu.vector_store %arg9[%swap3A_92, %swap3A_93], %swap3A_96 {strides = array<i32>} : memref<128x128xf32, #tpu.memory_space<vmem>>, vector<1x16xf32>,
    }
    %scan3A_7 = arith.constant 128 : i32
    %mul3A_8 = arith.constant 640 : i32
    %mul3A_9 = arith.muli %arg1, %mul3A_8 : i32
    %add3A_10 = arith.constant 0 : i32
    %add3A_11 = arith.addi %mul3A_9, %add3A_10 : i32
    "tpu.region"() ({
      %run_scoped3A = tpu.sem_alloc : memref<!tpu.dma_semaphore, #tpu.memory_space<semaphore_mem>>
      %dma_start3A = arith.constant 0 : i32
      %dma_start3A_42 = tpu.memref_slice %arg11[%add3A_11, %dma_start3A] : memref<10240x128xf32, #tpu.memory_space<vmem_shared>> -> memref<128x128xf32, #tpu.memory_space<vmem_shared>>
      %dma_start3A_43 = arith.constant 0 : i32
      %dma_start3A_44 = tpu.memref_slice %arg11[%add3A_11, %dma_start3A_43] : memref<10240x128xf32, #tpu.memory_space<vmem_shared>> -> memref<128x128xf32, #tpu.memory_space<vmem_shared>>
      tpu.enqueue_dma source(%arg9 : memref<128x128xf32, #tpu.memory_space<vmem>>) target(%dma_start3A_44 : memref<128x128xf32, #tpu.memory_space<vmem_shared>>) target_semaphore(%run_scoped3A : memref<!tpu.dma_semaphore, #tpu.memory_space<semaphore_mem>>)
      %dma_wait3A = arith.constant 0 : i32
      %dma_wait3A_45 = tpu.memref_slice %arg11[%add3A_11, %dma_wait3A] : memref<10240x128xf32, #tpu.memory_space<vmem_shared>> -> memref<128x128xf32, #tpu.memory_space<vmem_shared>>
      %dma_wait3A_46 = arith.constant 0 : i32
      %dma_wait3A_47 = tpu.memref_slice %arg11[%add3A_11, %dma_wait3A_46] : memref<10240x128xf32, #tpu.memory_space<vmem_shared>> -> memref<128x128xf32, #tpu.memory_space<vmem_shared>>
      tpu.wait_dma2 semaphore(%run_scoped3A : memref<!tpu.dma_semaphore, #tpu.memory_space<semaphore_mem>>) src(%arg9 : memref<128x128xf32, #tpu.memory_space<vmem>>) dst(%dma_wait3A_47 : memref<128x128xf32, #tpu.memory_space<vmem_shared>>)
      tpu.yield
    }) : () -> ()
    %mul3A_12 = arith.constant 640 : i32
    %mul3A_13 = arith.muli %arg1, %mul3A_12 : i32
    %add3A_14 = arith.constant 128 : i32
    %add3A_15 = arith.addi %mul3A_13, %add3A_14 : i32
    "tpu.region"() ({
      %run_scoped3A = tpu.sem_alloc : memref<!tpu.dma_semaphore, #tpu.memory_space<semaphore_mem>>
      %dma_start3A = arith.constant 0 : i32
      %dma_start3A_42 = tpu.memref_slice %arg11[%add3A_15, %dma_start3A] : memref<10240x128xf32, #tpu.memory_space<vmem_shared>> -> memref<128x128xf32, #tpu.memory_space<vmem_shared>>
      %dma_start3A_43 = arith.constant 0 : i32
      %dma_start3A_44 = tpu.memref_slice %arg11[%add3A_15, %dma_start3A_43] : memref<10240x128xf32, #tpu.memory_space<vmem_shared>> -> memref<128x128xf32, #tpu.memory_space<vmem_shared>>
      tpu.enqueue_dma source(%arg9 : memref<128x128xf32, #tpu.memory_space<vmem>>) target(%dma_start3A_44 : memref<128x128xf32, #tpu.memory_space<vmem_shared>>) target_semaphore(%run_scoped3A : memref<!tpu.dma_semaphore, #tpu.memory_space<semaphore_mem>>)
      %dma_wait3A = arith.constant 0 : i32
      %dma_wait3A_45 = tpu.memref_slice %arg11[%add3A_15, %dma_wait3A] : memref<10240x128xf32, #tpu.memory_space<vmem_shared>> -> memref<128x128xf32, #tpu.memory_space<vmem_shared>>
      %dma_wait3A_46 = arith.constant 0 : i32
      %dma_wait3A_47 = tpu.memref_slice %arg11[%add3A_15, %dma_wait3A_46] : memref<10240x128xf32, #tpu.memory_space<vmem_shared>> -> memref<128x128xf32, #tpu.memory_space<vmem_shared>>
      tpu.wait_dma2 semaphore(%run_scoped3A : memref<!tpu.dma_semaphore, #tpu.memory_space<semaphore_mem>>) src(%arg9 : memref<128x128xf32, #tpu.memory_space<vmem>>) dst(%dma_wait3A_47 : memref<128x128xf32, #tpu.memory_space<vmem_shared>>)
      tpu.yield
    }) : () -> ()
    %mul3A_16 = arith.constant 640 : i32
    %mul3A_17 = arith.muli %arg1, %mul3A_16 : i32
    %add3A_18 = arith.constant 256 : i32
    %add3A_19 = arith.addi %mul3A_17, %add3A_18 : i32
    "tpu.region"() ({
      %run_scoped3A = tpu.sem_alloc : memref<!tpu.dma_semaphore, #tpu.memory_space<semaphore_mem>>
      %dma_start3A = arith.constant 0 : i32
      %dma_start3A_42 = tpu.memref_slice %arg11[%add3A_19, %dma_start3A] : memref<10240x128xf32, #tpu.memory_space<vmem_shared>> -> memref<128x128xf32, #tpu.memory_space<vmem_shared>>
      %dma_start3A_43 = arith.constant 0 : i32
      %dma_start3A_44 = tpu.memref_slice %arg11[%add3A_19, %dma_start3A_43] : memref<10240x128xf32, #tpu.memory_space<vmem_shared>> -> memref<128x128xf32, #tpu.memory_space<vmem_shared>>
      tpu.enqueue_dma source(%arg9 : memref<128x128xf32, #tpu.memory_space<vmem>>) target(%dma_start3A_44 : memref<128x128xf32, #tpu.memory_space<vmem_shared>>) target_semaphore(%run_scoped3A : memref<!tpu.dma_semaphore, #tpu.memory_space<semaphore_mem>>)
      %dma_wait3A = arith.constant 0 : i32
      %dma_wait3A_45 = tpu.memref_slice %arg11[%add3A_19, %dma_wait3A] : memref<10240x128xf32, #tpu.memory_space<vmem_shared>> -> memref<128x128xf32, #tpu.memory_space<vmem_shared>>
      %dma_wait3A_46 = arith.constant 0 : i32
      %dma_wait3A_47 = tpu.memref_slice %arg11[%add3A_19, %dma_wait3A_46] : memref<10240x128xf32, #tpu.memory_space<vmem_shared>> -> memref<128x128xf32, #tpu.memory_space<vmem_shared>>
      tpu.wait_dma2 semaphore(%run_scoped3A : memref<!tpu.dma_semaphore, #tpu.memory_space<semaphore_mem>>) src(%arg9 : memref<128x128xf32, #tpu.memory_space<vmem>>) dst(%dma_wait3A_47 : memref<128x128xf32, #tpu.memory_space<vmem_shared>>)
      tpu.yield
    }) : () -> ()
    %mul3A_20 = arith.constant 640 : i32
    %mul3A_21 = arith.muli %arg1, %mul3A_20 : i32
    %add3A_22 = arith.constant 384 : i32
    %add3A_23 = arith.addi %mul3A_21, %add3A_22 : i32
    "tpu.region"() ({
      %run_scoped3A = tpu.sem_alloc : memref<!tpu.dma_semaphore, #tpu.memory_space<semaphore_mem>>
      %dma_start3A = arith.constant 0 : i32
      %dma_start3A_42 = tpu.memref_slice %arg11[%add3A_23, %dma_start3A] : memref<10240x128xf32, #tpu.memory_space<vmem_shared>> -> memref<128x128xf32, #tpu.memory_space<vmem_shared>>
      %dma_start3A_43 = arith.constant 0 : i32
      %dma_start3A_44 = tpu.memref_slice %arg11[%add3A_23, %dma_start3A_43] : memref<10240x128xf32, #tpu.memory_space<vmem_shared>> -> memref<128x128xf32, #tpu.memory_space<vmem_shared>>
      tpu.enqueue_dma source(%arg9 : memref<128x128xf32, #tpu.memory_space<vmem>>) target(%dma_start3A_44 : memref<128x128xf32, #tpu.memory_space<vmem_shared>>) target_semaphore(%run_scoped3A : memref<!tpu.dma_semaphore, #tpu.memory_space<semaphore_mem>>)
      %dma_wait3A = arith.constant 0 : i32
      %dma_wait3A_45 = tpu.memref_slice %arg11[%add3A_23, %dma_wait3A] : memref<10240x128xf32, #tpu.memory_space<vmem_shared>> -> memref<128x128xf32, #tpu.memory_space<vmem_shared>>
      %dma_wait3A_46 = arith.constant 0 : i32
      %dma_wait3A_47 = tpu.memref_slice %arg11[%add3A_23, %dma_wait3A_46] : memref<10240x128xf32, #tpu.memory_space<vmem_shared>> -> memref<128x128xf32, #tpu.memory_space<vmem_shared>>
      tpu.wait_dma2 semaphore(%run_scoped3A : memref<!tpu.dma_semaphore, #tpu.memory_space<semaphore_mem>>) src(%arg9 : memref<128x128xf32, #tpu.memory_space<vmem>>) dst(%dma_wait3A_47 : memref<128x128xf32, #tpu.memory_space<vmem_shared>>)
      tpu.yield
    }) : () -> ()
    %mul3A_24 = arith.constant 640 : i32
    %mul3A_25 = arith.muli %arg1, %mul3A_24 : i32
    %add3A_26 = arith.constant 512 : i32
    %add3A_27 = arith.addi %mul3A_25, %add3A_26 : i32
    "tpu.region"() ({
      %run_scoped3A = tpu.sem_alloc : memref<!tpu.dma_semaphore, #tpu.memory_space<semaphore_mem>>
      %dma_start3A = arith.constant 0 : i32
      %dma_start3A_42 = tpu.memref_slice %arg11[%add3A_27, %dma_start3A] : memref<10240x128xf32, #tpu.memory_space<vmem_shared>> -> memref<128x128xf32, #tpu.memory_space<vmem_shared>>
      %dma_start3A_43 = arith.constant 0 : i32
      %dma_start3A_44 = tpu.memref_slice %arg11[%add3A_27, %dma_start3A_43] : memref<10240x128xf32, #tpu.memory_space<vmem_shared>> -> memref<128x128xf32, #tpu.memory_space<vmem_shared>>
      tpu.enqueue_dma source(%arg9 : memref<128x128xf32, #tpu.memory_space<vmem>>) target(%dma_start3A_44 : memref<128x128xf32, #tpu.memory_space<vmem_shared>>) target_semaphore(%run_scoped3A : memref<!tpu.dma_semaphore, #tpu.memory_space<semaphore_mem>>)
      %dma_wait3A = arith.constant 0 : i32
      %dma_wait3A_45 = tpu.memref_slice %arg11[%add3A_27, %dma_wait3A] : memref<10240x128xf32, #tpu.memory_space<vmem_shared>> -> memref<128x128xf32, #tpu.memory_space<vmem_shared>>
      %dma_wait3A_46 = arith.constant 0 : i32
      %dma_wait3A_47 = tpu.memref_slice %arg11[%add3A_27, %dma_wait3A_46] : memref<10240x128xf32, #tpu.memory_space<vmem_shared>> -> memref<128x128xf32, #tpu.memory_space<vmem_shared>>
      tpu.wait_dma2 semaphore(%run_scoped3A : memref<!tpu.dma_semaphore, #tpu.memory_space<semaphore_mem>>) src(%arg9 : memref<128x128xf32, #tpu.memory_space<vmem>>) dst(%dma_wait3A_47 : memref<128x128xf32, #tpu.memory_space<vmem_shared>>)
      tpu.yield
    }) : () -> ()
    %barrier3A = arith.constant 0 : index
    tpu.barrier barrier_id(%barrier3A)
    %scan3A_28 = arith.constant 0 : i32
    %scan3A_29 = arith.constant 0 : i32
    %scan3A_30 = arith.constant 40 : i32
    %scan3A_31 = arith.addi %scan3A_29, %scan3A_30 : i32
    %scan3A_32 = arith.constant 1 : i32
    scf.for %scan3A_42 = %scan3A_29 to %scan3A_31 step %scan3A_32  : i32 {
      %mul3A_43 = arith.constant 128 : i32
      %mul3A_44 = arith.muli %scan3A_42, %mul3A_43 : i32
      %add3A_45 = arith.addi %mul3A_2, %mul3A_44 : i32
      %dma_start3A = tpu.memref_slice %arg4[%add3A_45] : memref<163840xi32, #tpu.memory_space<hbm>> -> memref<128xi32, #tpu.memory_space<hbm>>
      %dma_start3A_46 = tpu.memref_slice %arg4[%add3A_45] : memref<163840xi32, #tpu.memory_space<hbm>> -> memref<128xi32, #tpu.memory_space<hbm>>
      tpu.enqueue_dma source(%dma_start3A_46 : memref<128xi32, #tpu.memory_space<hbm>>) target(%arg7 : memref<128xi32, #tpu.memory_space<vmem>>) target_semaphore(%arg12 : memref<!tpu.dma_semaphore, #tpu.memory_space<semaphore_mem>>)
      %dma_start3A_47 = arith.constant 0 : i32
      %dma_start3A_48 = tpu.memref_slice %arg2[%add3A_45, %dma_start3A_47] : memref<163840x128xf32, #tpu.memory_space<hbm>> -> memref<128x128xf32, #tpu.memory_space<hbm>>
      %dma_start3A_49 = arith.constant 0 : i32
      %dma_start3A_50 = tpu.memref_slice %arg2[%add3A_45, %dma_start3A_49] : memref<163840x128xf32, #tpu.memory_space<hbm>> -> memref<128x128xf32, #tpu.memory_space<hbm>>
      tpu.enqueue_dma source(%dma_start3A_50 : memref<128x128xf32, #tpu.memory_space<hbm>>) target(%arg9 : memref<128x128xf32, #tpu.memory_space<vmem>>) target_semaphore(%arg14 : memref<!tpu.dma_semaphore, #tpu.memory_space<semaphore_mem>>)
      %dma_start3A_51 = tpu.memref_slice %arg5[%add3A_45] : memref<163840xi32, #tpu.memory_space<hbm>> -> memref<128xi32, #tpu.memory_space<hbm>>
      %dma_start3A_52 = tpu.memref_slice %arg5[%add3A_45] : memref<163840xi32, #tpu.memory_space<hbm>> -> memref<128xi32, #tpu.memory_space<hbm>>
      tpu.enqueue_dma source(%dma_start3A_52 : memref<128xi32, #tpu.memory_space<hbm>>) target(%arg8 : memref<128xi32, #tpu.memory_space<vmem>>) target_semaphore(%arg13 : memref<!tpu.dma_semaphore, #tpu.memory_space<semaphore_mem>>)
      %dma_start3A_53 = arith.constant 0 : i32
      %dma_start3A_54 = tpu.memref_slice %arg3[%add3A_45, %dma_start3A_53] : memref<163840x128xf32, #tpu.memory_space<hbm>> -> memref<128x128xf32, #tpu.memory_space<hbm>>
      %dma_start3A_55 = arith.constant 0 : i32
      %dma_start3A_56 = tpu.memref_slice %arg3[%add3A_45, %dma_start3A_55] : memref<163840x128xf32, #tpu.memory_space<hbm>> -> memref<128x128xf32, #tpu.memory_space<hbm>>
      tpu.enqueue_dma source(%dma_start3A_56 : memref<128x128xf32, #tpu.memory_space<hbm>>) target(%arg10 : memref<128x128xf32, #tpu.memory_space<vmem>>) target_semaphore(%arg15 : memref<!tpu.dma_semaphore, #tpu.memory_space<semaphore_mem>>)
      %dma_wait3A = tpu.memref_slice %arg4[%add3A_45] : memref<163840xi32, #tpu.memory_space<hbm>> -> memref<128xi32, #tpu.memory_space<hbm>>
      %dma_wait3A_57 = tpu.memref_slice %arg4[%add3A_45] : memref<163840xi32, #tpu.memory_space<hbm>> -> memref<128xi32, #tpu.memory_space<hbm>>
      tpu.wait_dma2 semaphore(%arg12 : memref<!tpu.dma_semaphore, #tpu.memory_space<semaphore_mem>>) src(%dma_wait3A_57 : memref<128xi32, #tpu.memory_space<hbm>>) dst(%arg7 : memref<128xi32, #tpu.memory_space<vmem>>)
      %dma_wait3A_58 = arith.constant 0 : i32
      %dma_wait3A_59 = tpu.memref_slice %arg2[%add3A_45, %dma_wait3A_58] : memref<163840x128xf32, #tpu.memory_space<hbm>> -> memref<128x128xf32, #tpu.memory_space<hbm>>
      %dma_wait3A_60 = arith.constant 0 : i32
      %dma_wait3A_61 = tpu.memref_slice %arg2[%add3A_45, %dma_wait3A_60] : memref<163840x128xf32, #tpu.memory_space<hbm>> -> memref<128x128xf32, #tpu.memory_space<hbm>>
      tpu.wait_dma2 semaphore(%arg14 : memref<!tpu.dma_semaphore, #tpu.memory_space<semaphore_mem>>) src(%dma_wait3A_61 : memref<128x128xf32, #tpu.memory_space<hbm>>) dst(%arg9 : memref<128x128xf32, #tpu.memory_space<vmem>>)
      "tpu.region"() ({
        %run_scoped3A = tpu.sem_alloc : memref<!tpu.dma_semaphore, #tpu.memory_space<semaphore_mem>>
        %dma_start3A_68 = arith.constant 0 : i32
        %dma_start3A_69 = arith.constant 0 : i32
        %dma_start3A_70 = tpu.memref_slice %arg11[%dma_start3A_68, %dma_start3A_69] : memref<10240x128xf32, #tpu.memory_space<vmem_shared>> -> memref<10240x128xf32, #tpu.memory_space<vmem_shared>>
        tpu.enqueue_indirect_dma source(%arg9 : memref<128x128xf32, #tpu.memory_space<vmem>>) target(%dma_start3A_70 : memref<10240x128xf32, #tpu.memory_space<vmem_shared>>) offsets(%arg7 : memref<128xi32, #tpu.memory_space<vmem>>) semaphore(%run_scoped3A : memref<!tpu.dma_semaphore, #tpu.memory_space<semaphore_mem>>) {add = true}
        %dma_wait3A_71 = arith.constant 0 : i32
        %dma_wait3A_72 = arith.constant 0 : i32
        %dma_wait3A_73 = tpu.memref_slice %arg11[%dma_wait3A_71, %dma_wait3A_72] : memref<10240x128xf32, #tpu.memory_space<vmem_shared>> -> memref<10240x128xf32, #tpu.memory_space<vmem_shared>>
        tpu.wait_indirect_dma semaphore(%run_scoped3A : memref<!tpu.dma_semaphore, #tpu.memory_space<semaphore_mem>>) src(%arg9 : memref<128x128xf32, #tpu.memory_space<vmem>>) dst(%dma_wait3A_73 : memref<10240x128xf32, #tpu.memory_space<vmem_shared>>)
        tpu.yield
      }) : () -> ()
      %dma_wait3A_62 = tpu.memref_slice %arg5[%add3A_45] : memref<163840xi32, #tpu.memory_space<hbm>> -> memref<128xi32, #tpu.memory_space<hbm>>
      %dma_wait3A_63 = tpu.memref_slice %arg5[%add3A_45] : memref<163840xi32, #tpu.memory_space<hbm>> -> memref<128xi32, #tpu.memory_space<hbm>>
      tpu.wait_dma2 semaphore(%arg13 : memref<!tpu.dma_semaphore, #tpu.memory_space<semaphore_mem>>) src(%dma_wait3A_63 : memref<128xi32, #tpu.memory_space<hbm>>) dst(%arg8 : memref<128xi32, #tpu.memory_space<vmem>>)
      %dma_wait3A_64 = arith.constant 0 : i32
      %dma_wait3A_65 = tpu.memref_slice %arg3[%add3A_45, %dma_wait3A_64] : memref<163840x128xf32, #tpu.memory_space<hbm>> -> memref<128x128xf32, #tpu.memory_space<hbm>>
      %dma_wait3A_66 = arith.constant 0 : i32
      %dma_wait3A_67 = tpu.memref_slice %arg3[%add3A_45, %dma_wait3A_66] : memref<163840x128xf32, #tpu.memory_space<hbm>> -> memref<128x128xf32, #tpu.memory_space<hbm>>
      tpu.wait_dma2 semaphore(%arg15 : memref<!tpu.dma_semaphore, #tpu.memory_space<semaphore_mem>>) src(%dma_wait3A_67 : memref<128x128xf32, #tpu.memory_space<hbm>>) dst(%arg10 : memref<128x128xf32, #tpu.memory_space<vmem>>)
      "tpu.region"() ({
        %run_scoped3A = tpu.sem_alloc : memref<!tpu.dma_semaphore, #tpu.memory_space<semaphore_mem>>
        %dma_start3A_68 = arith.constant 0 : i32
        %dma_start3A_69 = arith.constant 0 : i32
        %dma_start3A_70 = tpu.memref_slice %arg11[%dma_start3A_68, %dma_start3A_69] : memref<10240x128xf32, #tpu.memory_space<vmem_shared>> -> memref<10240x128xf32, #tpu.memory_space<vmem_shared>>
        tpu.enqueue_indirect_dma source(%arg10 : memref<128x128xf32, #tpu.memory_space<vmem>>) target(%dma_start3A_70 : memref<10240x128xf32, #tpu.memory_space<vmem_shared>>) offsets(%arg8 : memref<128xi32, #tpu.memory_space<vmem>>) semaphore(%run_scoped3A : memref<!tpu.dma_semaphore, #tpu.memory_space<semaphore_mem>>) {add = true}
        %dma_wait3A_71 = arith.constant 0 : i32
        %dma_wait3A_72 = arith.constant 0 : i32
        %dma_wait3A_73 = tpu.memref_slice %arg11[%dma_wait3A_71, %dma_wait3A_72] : memref<10240x128xf32, #tpu.memory_space<vmem_shared>> -> memref<10240x128xf32, #tpu.memory_space<vmem_shared>>
        tpu.wait_indirect_dma semaphore(%run_scoped3A : memref<!tpu.dma_semaphore, #tpu.memory_space<semaphore_mem>>) src(%arg10 : memref<128x128xf32, #tpu.memory_space<vmem>>) dst(%dma_wait3A_73 : memref<10240x128xf32, #tpu.memory_space<vmem_shared>>)
        tpu.yield
      }) : () -> ()
    }
    %scan3A_33 = arith.constant 40 : i32
    %barrier3A_34 = arith.constant 0 : index
    tpu.barrier barrier_id(%barrier3A_34)
    %mul3A_35 = arith.constant 640 : i32
    %mul3A_36 = arith.muli %arg1, %mul3A_35 : i32
    %mul3A_37 = arith.constant 10240 : i32
    %mul3A_38 = arith.muli %arg0, %mul3A_37 : i32
    %mul3A_39 = arith.constant 640 : i32
    %mul3A_40 = arith.muli %arg1, %mul3A_39 : i32
    %add3A_41 = arith.addi %mul3A_38, %mul3A_40 : i32
    "tpu.region"() ({
      %run_scoped3A = tpu.sem_alloc : memref<!tpu.dma_semaphore, #tpu.memory_space<semaphore_mem>>
      %dma_start3A = arith.constant 0 : i32
      %dma_start3A_42 = tpu.memref_slice %arg6[%add3A_41, %dma_start3A] : memref<20480x128xf32, #tpu.memory_space<hbm>> -> memref<640x128xf32, #tpu.memory_space<hbm>>
      %dma_start3A_43 = arith.constant 0 : i32
      %dma_start3A_44 = tpu.memref_slice %arg11[%mul3A_36, %dma_start3A_43] : memref<10240x128xf32, #tpu.memory_space<vmem_shared>> -> memref<640x128xf32, #tpu.memory_space<vmem_shared>>
      tpu.enqueue_dma source(%dma_start3A_44 : memref<640x128xf32, #tpu.memory_space<vmem_shared>>) target(%dma_start3A_42 : memref<640x128xf32, #tpu.memory_space<hbm>>) target_semaphore(%run_scoped3A : memref<!tpu.dma_semaphore, #tpu.memory_space<semaphore_mem>>)
      %dma_wait3A = arith.constant 0 : i32
      %dma_wait3A_45 = tpu.memref_slice %arg6[%add3A_41, %dma_wait3A] : memref<20480x128xf32, #tpu.memory_space<hbm>> -> memref<640x128xf32, #tpu.memory_space<hbm>>
      %dma_wait3A_46 = arith.constant 0 : i32
      %dma_wait3A_47 = tpu.memref_slice %arg11[%mul3A_36, %dma_wait3A_46] : memref<10240x128xf32, #tpu.memory_space<vmem_shared>> -> memref<640x128xf32, #tpu.memory_space<vmem_shared>>
      tpu.wait_dma2 semaphore(%run_scoped3A : memref<!tpu.dma_semaphore, #tpu.memory_space<semaphore_mem>>) src(%dma_wait3A_47 : memref<640x128xf32, #tpu.memory_space<vmem_shared>>) dst(%dma_wait3A_45 : memref<640x128xf32, #tpu.memory_space<hbm>>)
      tpu.yield
    }) : () -> ()
    return
  }
}

module attributes {stable_mosaic.version = 14 : i64} {
  func.func @_msg_body(%arg0: i32, %arg1: memref<512x256xf32, #tpu.memory_space<vmem>>, %arg2: memref<512x256xf32, #tpu.memory_space<vmem>>, %arg3: memref<99x99xf32, #tpu.memory_space<vmem>>, %arg4: memref<99x48xf32, #tpu.memory_space<vmem>>, %arg5: memref<256x128xf32, #tpu.memory_space<vmem>>, %arg6: memref<33x128xf32, #tpu.memory_space<vmem>>, %arg7: memref<1x128xf32, #tpu.memory_space<vmem>>, %arg8: memref<48x48xf32, #tpu.memory_space<vmem>>, %arg9: memref<48x48xf32, #tpu.memory_space<vmem>>, %arg10: memref<128x128xf32, #tpu.memory_space<vmem>>, %arg11: memref<16x128xf32, #tpu.memory_space<vmem>>, %arg12: memref<1x128xf32, #tpu.memory_space<vmem>>, %arg13: memref<48x48xf32, #tpu.memory_space<vmem>>, %arg14: memref<48x48xf32, #tpu.memory_space<vmem>>, %arg15: memref<128x128xf32, #tpu.memory_space<vmem>>, %arg16: memref<16x128xf32, #tpu.memory_space<vmem>>, %arg17: memref<1x128xf32, #tpu.memory_space<vmem>>, %arg18: memref<512x128xf32, #tpu.memory_space<vmem>>, %arg19: memref<512x128xf32, #tpu.memory_space<vmem>>) attributes {dimension_semantics = [#tpu.dimension_semantics<arbitrary>], iteration_bounds = array<i64: 320>, scalar_prefetch = 0 : i64, scratch_operands = 0 : i64, tpu.core_type = #tpu.core_type<tc>, window_params = [{transform_indices = @transform_0, window_bounds = array<i64: 512, 256>}, {transform_indices = @transform_1, window_bounds = array<i64: 512, 256>}, {pipeline_mode = #tpu.pipeline_mode<synchronous>, transform_indices = @transform_2, window_bounds = array<i64: 99, 99>}, {pipeline_mode = #tpu.pipeline_mode<synchronous>, transform_indices = @transform_3, window_bounds = array<i64: 99, 48>}, {pipeline_mode = #tpu.pipeline_mode<synchronous>, transform_indices = @transform_4, window_bounds = array<i64: 256, 128>}, {pipeline_mode = #tpu.pipeline_mode<synchronous>, transform_indices = @transform_5, window_bounds = array<i64: 33, 128>}, {pipeline_mode = #tpu.pipeline_mode<synchronous>, transform_indices = @transform_6, window_bounds = array<i64: 1, 128>}, {pipeline_mode = #tpu.pipeline_mode<synchronous>, transform_indices = @transform_7, window_bounds = array<i64: 48, 48>}, {pipeline_mode = #tpu.pipeline_mode<synchronous>, transform_indices = @transform_8, window_bounds = array<i64: 48, 48>}, {pipeline_mode = #tpu.pipeline_mode<synchronous>, transform_indices = @transform_9, window_bounds = array<i64: 128, 128>}, {pipeline_mode = #tpu.pipeline_mode<synchronous>, transform_indices = @transform_10, window_bounds = array<i64: 16, 128>}, {pipeline_mode = #tpu.pipeline_mode<synchronous>, transform_indices = @transform_11, window_bounds = array<i64: 1, 128>}, {pipeline_mode = #tpu.pipeline_mode<synchronous>, transform_indices = @transform_12, window_bounds = array<i64: 48, 48>}, {pipeline_mode = #tpu.pipeline_mode<synchronous>, transform_indices = @transform_13, window_bounds = array<i64: 48, 48>}, {pipeline_mode = #tpu.pipeline_mode<synchronous>, transform_indices = @transform_14, window_bounds = array<i64: 128, 128>}, {pipeline_mode = #tpu.pipeline_mode<synchronous>, transform_indices = @transform_15, window_bounds = array<i64: 16, 128>}, {pipeline_mode = #tpu.pipeline_mode<synchronous>, transform_indices = @transform_16, window_bounds = array<i64: 1, 128>}, {transform_indices = @transform_17, window_bounds = array<i64: 512, 128>}, {transform_indices = @transform_18, window_bounds = array<i64: 512, 128>}]} {
    %get3A = arith.constant 0 : index
    %get3A_0 = arith.constant 0 : index
    %get3A_1 = vector.load %arg3[%get3A, %get3A_0] : memref<99x99xf32, #tpu.memory_space<vmem>>, vector<99x99xf32>
    %get3A_2 = arith.constant 0 : index
    %get3A_3 = arith.constant 0 : index
    %get3A_4 = vector.load %arg4[%get3A_2, %get3A_3] : memref<99x48xf32, #tpu.memory_space<vmem>>, vector<99x48xf32>
    %get3A_5 = arith.constant 0 : index
    %get3A_6 = arith.constant 0 : index
    %get3A_7 = vector.load %arg5[%get3A_5, %get3A_6] : memref<256x128xf32, #tpu.memory_space<vmem>>, vector<256x128xf32>
    %get3A_8 = arith.constant 0 : index
    %get3A_9 = arith.constant 0 : index
    %get3A_10 = vector.load %arg6[%get3A_8, %get3A_9] : memref<33x128xf32, #tpu.memory_space<vmem>>, vector<33x128xf32>
    %get3A_11 = arith.constant 0 : index
    %get3A_12 = arith.constant 0 : index
    %get3A_13 = vector.load %arg7[%get3A_11, %get3A_12] : memref<1x128xf32, #tpu.memory_space<vmem>>, vector<1x128xf32>
    %get3A_14 = arith.constant 0 : index
    %get3A_15 = arith.constant 0 : index
    %get3A_16 = vector.load %arg8[%get3A_14, %get3A_15] : memref<48x48xf32, #tpu.memory_space<vmem>>, vector<48x48xf32>
    %get3A_17 = arith.constant 0 : index
    %get3A_18 = arith.constant 0 : index
    %get3A_19 = vector.load %arg9[%get3A_17, %get3A_18] : memref<48x48xf32, #tpu.memory_space<vmem>>, vector<48x48xf32>
    %get3A_20 = arith.constant 0 : index
    %get3A_21 = arith.constant 0 : index
    %get3A_22 = vector.load %arg10[%get3A_20, %get3A_21] : memref<128x128xf32, #tpu.memory_space<vmem>>, vector<128x128xf32>
    %get3A_23 = arith.constant 0 : index
    %get3A_24 = arith.constant 0 : index
    %get3A_25 = vector.load %arg11[%get3A_23, %get3A_24] : memref<16x128xf32, #tpu.memory_space<vmem>>, vector<16x128xf32>
    %get3A_26 = arith.constant 0 : index
    %get3A_27 = arith.constant 0 : index
    %get3A_28 = vector.load %arg12[%get3A_26, %get3A_27] : memref<1x128xf32, #tpu.memory_space<vmem>>, vector<1x128xf32>
    %get3A_29 = arith.constant 0 : index
    %get3A_30 = arith.constant 0 : index
    %get3A_31 = vector.load %arg13[%get3A_29, %get3A_30] : memref<48x48xf32, #tpu.memory_space<vmem>>, vector<48x48xf32>
    %get3A_32 = arith.constant 0 : index
    %get3A_33 = arith.constant 0 : index
    %get3A_34 = vector.load %arg14[%get3A_32, %get3A_33] : memref<48x48xf32, #tpu.memory_space<vmem>>, vector<48x48xf32>
    %get3A_35 = arith.constant 0 : index
    %get3A_36 = arith.constant 0 : index
    %get3A_37 = vector.load %arg15[%get3A_35, %get3A_36] : memref<128x128xf32, #tpu.memory_space<vmem>>, vector<128x128xf32>
    %get3A_38 = arith.constant 0 : index
    %get3A_39 = arith.constant 0 : index
    %get3A_40 = vector.load %arg16[%get3A_38, %get3A_39] : memref<16x128xf32, #tpu.memory_space<vmem>>, vector<16x128xf32>
    %get3A_41 = arith.constant 0 : index
    %get3A_42 = arith.constant 0 : index
    %get3A_43 = vector.load %arg17[%get3A_41, %get3A_42] : memref<1x128xf32, #tpu.memory_space<vmem>>, vector<1x128xf32>
    %get3A_44 = arith.constant 0 : index
    %get3A_45 = arith.constant 0 : index
    %get3A_46 = vector.load %arg1[%get3A_44, %get3A_45] : memref<512x256xf32, #tpu.memory_space<vmem>>, vector<512x256xf32>
    %get3A_47 = arith.constant 0 : index
    %get3A_48 = arith.constant 0 : index
    %get3A_49 = vector.load %arg2[%get3A_47, %get3A_48] : memref<512x256xf32, #tpu.memory_space<vmem>>, vector<512x256xf32>
    %slice3A = vector.extract_strided_slice %get3A_46 {offsets = [0, 0], sizes = [512, 128], strides = [1, 1]} : vector<512x256xf32> to vector<512x128xf32>
    %slice3A_50 = vector.extract_strided_slice %get3A_49 {offsets = [0, 0], sizes = [512, 128], strides = [1, 1]} : vector<512x256xf32> to vector<512x128xf32>
    %concatenate3A = tpu.concatenate %slice3A, %slice3A_50 in 1 : vector<512x128xf32>, vector<512x128xf32> -> vector<512x256xf32>
    %slice3A_51 = vector.extract_strided_slice %get3A_46 {offsets = [0, 128], sizes = [512, 16], strides = [1, 1]} : vector<512x256xf32> to vector<512x16xf32>
    %slice3A_52 = vector.extract_strided_slice %get3A_49 {offsets = [0, 128], sizes = [512, 16], strides = [1, 1]} : vector<512x256xf32> to vector<512x16xf32>
    %slice3A_53 = vector.extract_strided_slice %get3A_46 {offsets = [0, 176], sizes = [512, 1], strides = [1, 1]} : vector<512x256xf32> to vector<512x1xf32>
    %slice3A_54 = vector.extract_strided_slice %get3A_49 {offsets = [0, 176], sizes = [512, 1], strides = [1, 1]} : vector<512x256xf32> to vector<512x1xf32>
    %sub3A = arith.subf %slice3A_53, %slice3A_54 : vector<512x1xf32>
    %slice3A_55 = vector.extract_strided_slice %get3A_46 {offsets = [0, 144], sizes = [512, 16], strides = [1, 1]} : vector<512x256xf32> to vector<512x16xf32>
    %slice3A_56 = vector.extract_strided_slice %get3A_49 {offsets = [0, 144], sizes = [512, 16], strides = [1, 1]} : vector<512x256xf32> to vector<512x16xf32>
    %slice3A_57 = vector.extract_strided_slice %get3A_46 {offsets = [0, 177], sizes = [512, 1], strides = [1, 1]} : vector<512x256xf32> to vector<512x1xf32>
    %slice3A_58 = vector.extract_strided_slice %get3A_49 {offsets = [0, 177], sizes = [512, 1], strides = [1, 1]} : vector<512x256xf32> to vector<512x1xf32>
    %sub3A_59 = arith.subf %slice3A_57, %slice3A_58 : vector<512x1xf32>
    %slice3A_60 = vector.extract_strided_slice %get3A_46 {offsets = [0, 160], sizes = [512, 16], strides = [1, 1]} : vector<512x256xf32> to vector<512x16xf32>
    %slice3A_61 = vector.extract_strided_slice %get3A_49 {offsets = [0, 160], sizes = [512, 16], strides = [1, 1]} : vector<512x256xf32> to vector<512x16xf32>
    %slice3A_62 = vector.extract_strided_slice %get3A_46 {offsets = [0, 178], sizes = [512, 1], strides = [1, 1]} : vector<512x256xf32> to vector<512x1xf32>
    %slice3A_63 = vector.extract_strided_slice %get3A_49 {offsets = [0, 178], sizes = [512, 1], strides = [1, 1]} : vector<512x256xf32> to vector<512x1xf32>
    %sub3A_64 = arith.subf %slice3A_62, %slice3A_63 : vector<512x1xf32>
    %concatenate3A_65 = tpu.concatenate %slice3A_51, %slice3A_52, %sub3A, %slice3A_55, %slice3A_56, %sub3A_59, %slice3A_60, %slice3A_61, %sub3A_64 in 1 : vector<512x16xf32>, vector<512x16xf32>, vector<512x1xf32>, vector<512x16xf32>, vector<512x16xf32>, vector<512x1xf32>, vector<512x16xf32>, vector<512x16xf32>, vector<512x1xf32> -> vector<512x99xf32>
    %dot_general3A = arith.constant dense<0.000000e+00> : vector<512x99xf32>
    %dot_general3A_66 = tpu.matmul %concatenate3A_65, %get3A_1, %dot_general3A {dimension_numbers = #tpu.dot_dimension_numbers<[1], [0], [0], [1], [0, 0, 1, 1], [], []>, transpose_lhs_hint = false} : vector<512x99xf32>, vector<99x99xf32>, vector<512x99xf32> -> vector<512x99xf32>
    %dot_general3A_67 = arith.constant dense<0.000000e+00> : vector<512x48xf32>
    %dot_general3A_68 = tpu.matmul %dot_general3A_66, %get3A_4, %dot_general3A_67 {dimension_numbers = #tpu.dot_dimension_numbers<[1], [0], [0], [1], [0, 0, 1, 1], [], []>, transpose_lhs_hint = false} : vector<512x99xf32>, vector<99x48xf32>, vector<512x48xf32> -> vector<512x48xf32>
    %slice3A_69 = vector.extract_strided_slice %dot_general3A_66 {offsets = [0, 0], sizes = [512, 33], strides = [1, 1]} : vector<512x99xf32> to vector<512x33xf32>
    %integer_pow3A = arith.mulf %slice3A_69, %slice3A_69 : vector<512x33xf32>
    %slice3A_70 = vector.extract_strided_slice %dot_general3A_66 {offsets = [0, 33], sizes = [512, 33], strides = [1, 1]} : vector<512x99xf32> to vector<512x33xf32>
    %integer_pow3A_71 = arith.mulf %slice3A_70, %slice3A_70 : vector<512x33xf32>
    %add3A = arith.addf %integer_pow3A, %integer_pow3A_71 : vector<512x33xf32>
    %slice3A_72 = vector.extract_strided_slice %dot_general3A_66 {offsets = [0, 66], sizes = [512, 33], strides = [1, 1]} : vector<512x99xf32> to vector<512x33xf32>
    %integer_pow3A_73 = arith.mulf %slice3A_72, %slice3A_72 : vector<512x33xf32>
    %add3A_74 = arith.addf %add3A, %integer_pow3A_73 : vector<512x33xf32>
    %add3A_75 = arith.constant 9.99999993E-9 : f32
    %add3A_76 = vector.broadcast %add3A_75 : f32 to vector<512x33xf32>
    %add3A_77 = arith.addf %add3A_74, %add3A_76 : vector<512x33xf32>
    %sqrt3A = math.sqrt %add3A_77 : vector<512x33xf32>
    %dot_general3A_78 = arith.constant dense<0.000000e+00> : vector<512x128xf32>
    %dot_general3A_79 = tpu.matmul %concatenate3A, %get3A_7, %dot_general3A_78 {dimension_numbers = #tpu.dot_dimension_numbers<[1], [0], [0], [1], [0, 0, 1, 1], [], []>, transpose_lhs_hint = false} : vector<512x256xf32>, vector<256x128xf32>, vector<512x128xf32> -> vector<512x128xf32>
    %dot_general3A_80 = arith.constant dense<0.000000e+00> : vector<512x128xf32>
    %dot_general3A_81 = tpu.matmul %sqrt3A, %get3A_10, %dot_general3A_80 {dimension_numbers = #tpu.dot_dimension_numbers<[1], [0], [0], [1], [0, 0, 1, 1], [], []>, transpose_lhs_hint = false} : vector<512x33xf32>, vector<33x128xf32>, vector<512x128xf32> -> vector<512x128xf32>
    %add3A_82 = arith.addf %dot_general3A_79, %dot_general3A_81 : vector<512x128xf32>
    %add3A_83 = vector.broadcast %get3A_13 : vector<1x128xf32> to vector<512x128xf32>
    %add3A_84 = arith.addf %add3A_82, %add3A_83 : vector<512x128xf32>
    %logistic3A = arith.negf %add3A_84 : vector<512x128xf32>
    %logistic3A_85 = math.exp %logistic3A : vector<512x128xf32>
    %logistic3A_86 = arith.constant 1.000000e+00 : f32
    %logistic3A_87 = vector.broadcast %logistic3A_86 : f32 to vector<512x128xf32>
    %logistic3A_88 = arith.addf %logistic3A_87, %logistic3A_85 : vector<512x128xf32>
    %logistic3A_89 = arith.divf %logistic3A_87, %logistic3A_88 : vector<512x128xf32>
    %mul3A = arith.mulf %add3A_84, %logistic3A_89 : vector<512x128xf32>
    %slice3A_90 = vector.extract_strided_slice %dot_general3A_68 {offsets = [0, 0], sizes = [512, 16], strides = [1, 1]} : vector<512x48xf32> to vector<512x16xf32>
    %integer_pow3A_91 = arith.mulf %slice3A_90, %slice3A_90 : vector<512x16xf32>
    %slice3A_92 = vector.extract_strided_slice %dot_general3A_68 {offsets = [0, 16], sizes = [512, 16], strides = [1, 1]} : vector<512x48xf32> to vector<512x16xf32>
    %integer_pow3A_93 = arith.mulf %slice3A_92, %slice3A_92 : vector<512x16xf32>
    %add3A_94 = arith.addf %integer_pow3A_91, %integer_pow3A_93 : vector<512x16xf32>
    %slice3A_95 = vector.extract_strided_slice %dot_general3A_68 {offsets = [0, 32], sizes = [512, 16], strides = [1, 1]} : vector<512x48xf32> to vector<512x16xf32>
    %integer_pow3A_96 = arith.mulf %slice3A_95, %slice3A_95 : vector<512x16xf32>
    %add3A_97 = arith.addf %add3A_94, %integer_pow3A_96 : vector<512x16xf32>
    %add3A_98 = arith.constant 9.99999993E-9 : f32
    %add3A_99 = vector.broadcast %add3A_98 : f32 to vector<512x16xf32>
    %add3A_100 = arith.addf %add3A_97, %add3A_99 : vector<512x16xf32>
    %sqrt3A_101 = math.sqrt %add3A_100 : vector<512x16xf32>
    %logistic3A_102 = arith.negf %sqrt3A_101 : vector<512x16xf32>
    %logistic3A_103 = math.exp %logistic3A_102 : vector<512x16xf32>
    %logistic3A_104 = arith.constant 1.000000e+00 : f32
    %logistic3A_105 = vector.broadcast %logistic3A_104 : f32 to vector<512x16xf32>
    %logistic3A_106 = arith.addf %logistic3A_105, %logistic3A_103 : vector<512x16xf32>
    %logistic3A_107 = arith.divf %logistic3A_105, %logistic3A_106 : vector<512x16xf32>
    %slice3A_108 = vector.extract_strided_slice %dot_general3A_68 {offsets = [0, 0], sizes = [512, 16], strides = [1, 1]} : vector<512x48xf32> to vector<512x16xf32>
    %mul3A_109 = arith.mulf %logistic3A_107, %slice3A_108 : vector<512x16xf32>
    %slice3A_110 = vector.extract_strided_slice %dot_general3A_68 {offsets = [0, 16], sizes = [512, 16], strides = [1, 1]} : vector<512x48xf32> to vector<512x16xf32>
    %mul3A_111 = arith.mulf %logistic3A_107, %slice3A_110 : vector<512x16xf32>
    %slice3A_112 = vector.extract_strided_slice %dot_general3A_68 {offsets = [0, 32], sizes = [512, 16], strides = [1, 1]} : vector<512x48xf32> to vector<512x16xf32>
    %mul3A_113 = arith.mulf %logistic3A_107, %slice3A_112 : vector<512x16xf32>
    %concatenate3A_114 = tpu.concatenate %mul3A_109, %mul3A_111, %mul3A_113 in 1 : vector<512x16xf32>, vector<512x16xf32>, vector<512x16xf32> -> vector<512x48xf32>
    %dot_general3A_115 = arith.constant dense<0.000000e+00> : vector<512x48xf32>
    %dot_general3A_116 = tpu.matmul %concatenate3A_114, %get3A_16, %dot_general3A_115 {dimension_numbers = #tpu.dot_dimension_numbers<[1], [0], [0], [1], [0, 0, 1, 1], [], []>, transpose_lhs_hint = false} : vector<512x48xf32>, vector<48x48xf32>, vector<512x48xf32> -> vector<512x48xf32>
    %dot_general3A_117 = arith.constant dense<0.000000e+00> : vector<512x48xf32>
    %dot_general3A_118 = tpu.matmul %dot_general3A_116, %get3A_19, %dot_general3A_117 {dimension_numbers = #tpu.dot_dimension_numbers<[1], [0], [0], [1], [0, 0, 1, 1], [], []>, transpose_lhs_hint = false} : vector<512x48xf32>, vector<48x48xf32>, vector<512x48xf32> -> vector<512x48xf32>
    %slice3A_119 = vector.extract_strided_slice %dot_general3A_116 {offsets = [0, 0], sizes = [512, 16], strides = [1, 1]} : vector<512x48xf32> to vector<512x16xf32>
    %integer_pow3A_120 = arith.mulf %slice3A_119, %slice3A_119 : vector<512x16xf32>
    %slice3A_121 = vector.extract_strided_slice %dot_general3A_116 {offsets = [0, 16], sizes = [512, 16], strides = [1, 1]} : vector<512x48xf32> to vector<512x16xf32>
    %integer_pow3A_122 = arith.mulf %slice3A_121, %slice3A_121 : vector<512x16xf32>
    %add3A_123 = arith.addf %integer_pow3A_120, %integer_pow3A_122 : vector<512x16xf32>
    %slice3A_124 = vector.extract_strided_slice %dot_general3A_116 {offsets = [0, 32], sizes = [512, 16], strides = [1, 1]} : vector<512x48xf32> to vector<512x16xf32>
    %integer_pow3A_125 = arith.mulf %slice3A_124, %slice3A_124 : vector<512x16xf32>
    %add3A_126 = arith.addf %add3A_123, %integer_pow3A_125 : vector<512x16xf32>
    %add3A_127 = arith.constant 9.99999993E-9 : f32
    %add3A_128 = vector.broadcast %add3A_127 : f32 to vector<512x16xf32>
    %add3A_129 = arith.addf %add3A_126, %add3A_128 : vector<512x16xf32>
    %sqrt3A_130 = math.sqrt %add3A_129 : vector<512x16xf32>
    %dot_general3A_131 = arith.constant dense<0.000000e+00> : vector<512x128xf32>
    %dot_general3A_132 = tpu.matmul %mul3A, %get3A_22, %dot_general3A_131 {dimension_numbers = #tpu.dot_dimension_numbers<[1], [0], [0], [1], [0, 0, 1, 1], [], []>, transpose_lhs_hint = false} : vector<512x128xf32>, vector<128x128xf32>, vector<512x128xf32> -> vector<512x128xf32>
    %dot_general3A_133 = arith.constant dense<0.000000e+00> : vector<512x128xf32>
    %dot_general3A_134 = tpu.matmul %sqrt3A_130, %get3A_25, %dot_general3A_133 {dimension_numbers = #tpu.dot_dimension_numbers<[1], [0], [0], [1], [0, 0, 1, 1], [], []>, transpose_lhs_hint = false} : vector<512x16xf32>, vector<16x128xf32>, vector<512x128xf32> -> vector<512x128xf32>
    %add3A_135 = arith.addf %dot_general3A_132, %dot_general3A_134 : vector<512x128xf32>
    %add3A_136 = vector.broadcast %get3A_28 : vector<1x128xf32> to vector<512x128xf32>
    %add3A_137 = arith.addf %add3A_135, %add3A_136 : vector<512x128xf32>
    %logistic3A_138 = arith.negf %add3A_137 : vector<512x128xf32>
    %logistic3A_139 = math.exp %logistic3A_138 : vector<512x128xf32>
    %logistic3A_140 = arith.constant 1.000000e+00 : f32
    %logistic3A_141 = vector.broadcast %logistic3A_140 : f32 to vector<512x128xf32>
    %logistic3A_142 = arith.addf %logistic3A_141, %logistic3A_139 : vector<512x128xf32>
    %logistic3A_143 = arith.divf %logistic3A_141, %logistic3A_142 : vector<512x128xf32>
    %mul3A_144 = arith.mulf %add3A_137, %logistic3A_143 : vector<512x128xf32>
    %slice3A_145 = vector.extract_strided_slice %dot_general3A_118 {offsets = [0, 0], sizes = [512, 16], strides = [1, 1]} : vector<512x48xf32> to vector<512x16xf32>
    %integer_pow3A_146 = arith.mulf %slice3A_145, %slice3A_145 : vector<512x16xf32>
    %slice3A_147 = vector.extract_strided_slice %dot_general3A_118 {offsets = [0, 16], sizes = [512, 16], strides = [1, 1]} : vector<512x48xf32> to vector<512x16xf32>
    %integer_pow3A_148 = arith.mulf %slice3A_147, %slice3A_147 : vector<512x16xf32>
    %add3A_149 = arith.addf %integer_pow3A_146, %integer_pow3A_148 : vector<512x16xf32>
    %slice3A_150 = vector.extract_strided_slice %dot_general3A_118 {offsets = [0, 32], sizes = [512, 16], strides = [1, 1]} : vector<512x48xf32> to vector<512x16xf32>
    %integer_pow3A_151 = arith.mulf %slice3A_150, %slice3A_150 : vector<512x16xf32>
    %add3A_152 = arith.addf %add3A_149, %integer_pow3A_151 : vector<512x16xf32>
    %add3A_153 = arith.constant 9.99999993E-9 : f32
    %add3A_154 = vector.broadcast %add3A_153 : f32 to vector<512x16xf32>
    %add3A_155 = arith.addf %add3A_152, %add3A_154 : vector<512x16xf32>
    %sqrt3A_156 = math.sqrt %add3A_155 : vector<512x16xf32>
    %logistic3A_157 = arith.negf %sqrt3A_156 : vector<512x16xf32>
    %logistic3A_158 = math.exp %logistic3A_157 : vector<512x16xf32>
    %logistic3A_159 = arith.constant 1.000000e+00 : f32
    %logistic3A_160 = vector.broadcast %logistic3A_159 : f32 to vector<512x16xf32>
    %logistic3A_161 = arith.addf %logistic3A_160, %logistic3A_158 : vector<512x16xf32>
    %logistic3A_162 = arith.divf %logistic3A_160, %logistic3A_161 : vector<512x16xf32>
    %slice3A_163 = vector.extract_strided_slice %dot_general3A_118 {offsets = [0, 0], sizes = [512, 16], strides = [1, 1]} : vector<512x48xf32> to vector<512x16xf32>
    %mul3A_164 = arith.mulf %logistic3A_162, %slice3A_163 : vector<512x16xf32>
    %slice3A_165 = vector.extract_strided_slice %dot_general3A_118 {offsets = [0, 16], sizes = [512, 16], strides = [1, 1]} : vector<512x48xf32> to vector<512x16xf32>
    %mul3A_166 = arith.mulf %logistic3A_162, %slice3A_165 : vector<512x16xf32>
    %slice3A_167 = vector.extract_strided_slice %dot_general3A_118 {offsets = [0, 32], sizes = [512, 16], strides = [1, 1]} : vector<512x48xf32> to vector<512x16xf32>
    %mul3A_168 = arith.mulf %logistic3A_162, %slice3A_167 : vector<512x16xf32>
    %concatenate3A_169 = tpu.concatenate %mul3A_164, %mul3A_166, %mul3A_168 in 1 : vector<512x16xf32>, vector<512x16xf32>, vector<512x16xf32> -> vector<512x48xf32>
    %dot_general3A_170 = arith.constant dense<0.000000e+00> : vector<512x48xf32>
    %dot_general3A_171 = tpu.matmul %concatenate3A_169, %get3A_31, %dot_general3A_170 {dimension_numbers = #tpu.dot_dimension_numbers<[1], [0], [0], [1], [0, 0, 1, 1], [], []>, transpose_lhs_hint = false} : vector<512x48xf32>, vector<48x48xf32>, vector<512x48xf32> -> vector<512x48xf32>
    %dot_general3A_172 = arith.constant dense<0.000000e+00> : vector<512x48xf32>
    %dot_general3A_173 = tpu.matmul %dot_general3A_171, %get3A_34, %dot_general3A_172 {dimension_numbers = #tpu.dot_dimension_numbers<[1], [0], [0], [1], [0, 0, 1, 1], [], []>, transpose_lhs_hint = false} : vector<512x48xf32>, vector<48x48xf32>, vector<512x48xf32> -> vector<512x48xf32>
    %slice3A_174 = vector.extract_strided_slice %dot_general3A_171 {offsets = [0, 0], sizes = [512, 16], strides = [1, 1]} : vector<512x48xf32> to vector<512x16xf32>
    %integer_pow3A_175 = arith.mulf %slice3A_174, %slice3A_174 : vector<512x16xf32>
    %slice3A_176 = vector.extract_strided_slice %dot_general3A_171 {offsets = [0, 16], sizes = [512, 16], strides = [1, 1]} : vector<512x48xf32> to vector<512x16xf32>
    %integer_pow3A_177 = arith.mulf %slice3A_176, %slice3A_176 : vector<512x16xf32>
    %add3A_178 = arith.addf %integer_pow3A_175, %integer_pow3A_177 : vector<512x16xf32>
    %slice3A_179 = vector.extract_strided_slice %dot_general3A_171 {offsets = [0, 32], sizes = [512, 16], strides = [1, 1]} : vector<512x48xf32> to vector<512x16xf32>
    %integer_pow3A_180 = arith.mulf %slice3A_179, %slice3A_179 : vector<512x16xf32>
    %add3A_181 = arith.addf %add3A_178, %integer_pow3A_180 : vector<512x16xf32>
    %add3A_182 = arith.constant 9.99999993E-9 : f32
    %add3A_183 = vector.broadcast %add3A_182 : f32 to vector<512x16xf32>
    %add3A_184 = arith.addf %add3A_181, %add3A_183 : vector<512x16xf32>
    %sqrt3A_185 = math.sqrt %add3A_184 : vector<512x16xf32>
    %dot_general3A_186 = arith.constant dense<0.000000e+00> : vector<512x128xf32>
    %dot_general3A_187 = tpu.matmul %mul3A_144, %get3A_37, %dot_general3A_186 {dimension_numbers = #tpu.dot_dimension_numbers<[1], [0], [0], [1], [0, 0, 1, 1], [], []>, transpose_lhs_hint = false} : vector<512x128xf32>, vector<128x128xf32>, vector<512x128xf32> -> vector<512x128xf32>
    %dot_general3A_188 = arith.constant dense<0.000000e+00> : vector<512x128xf32>
    %dot_general3A_189 = tpu.matmul %sqrt3A_185, %get3A_40, %dot_general3A_188 {dimension_numbers = #tpu.dot_dimension_numbers<[1], [0], [0], [1], [0, 0, 1, 1], [], []>, transpose_lhs_hint = false} : vector<512x16xf32>, vector<16x128xf32>, vector<512x128xf32> -> vector<512x128xf32>
    %add3A_190 = arith.addf %dot_general3A_187, %dot_general3A_189 : vector<512x128xf32>
    %add3A_191 = vector.broadcast %get3A_43 : vector<1x128xf32> to vector<512x128xf32>
    %add3A_192 = arith.addf %add3A_190, %add3A_191 : vector<512x128xf32>
    %logistic3A_193 = arith.negf %add3A_192 : vector<512x128xf32>
    %logistic3A_194 = math.exp %logistic3A_193 : vector<512x128xf32>
    %logistic3A_195 = arith.constant 1.000000e+00 : f32
    %logistic3A_196 = vector.broadcast %logistic3A_195 : f32 to vector<512x128xf32>
    %logistic3A_197 = arith.addf %logistic3A_196, %logistic3A_194 : vector<512x128xf32>
    %logistic3A_198 = arith.divf %logistic3A_196, %logistic3A_197 : vector<512x128xf32>
    %mul3A_199 = arith.mulf %add3A_192, %logistic3A_198 : vector<512x128xf32>
    %slice3A_200 = vector.extract_strided_slice %dot_general3A_173 {offsets = [0, 0], sizes = [512, 16], strides = [1, 1]} : vector<512x48xf32> to vector<512x16xf32>
    %integer_pow3A_201 = arith.mulf %slice3A_200, %slice3A_200 : vector<512x16xf32>
    %slice3A_202 = vector.extract_strided_slice %dot_general3A_173 {offsets = [0, 16], sizes = [512, 16], strides = [1, 1]} : vector<512x48xf32> to vector<512x16xf32>
    %integer_pow3A_203 = arith.mulf %slice3A_202, %slice3A_202 : vector<512x16xf32>
    %add3A_204 = arith.addf %integer_pow3A_201, %integer_pow3A_203 : vector<512x16xf32>
    %slice3A_205 = vector.extract_strided_slice %dot_general3A_173 {offsets = [0, 32], sizes = [512, 16], strides = [1, 1]} : vector<512x48xf32> to vector<512x16xf32>
    %integer_pow3A_206 = arith.mulf %slice3A_205, %slice3A_205 : vector<512x16xf32>
    %add3A_207 = arith.addf %add3A_204, %integer_pow3A_206 : vector<512x16xf32>
    %add3A_208 = arith.constant 9.99999993E-9 : f32
    %add3A_209 = vector.broadcast %add3A_208 : f32 to vector<512x16xf32>
    %add3A_210 = arith.addf %add3A_207, %add3A_209 : vector<512x16xf32>
    %sqrt3A_211 = math.sqrt %add3A_210 : vector<512x16xf32>
    %logistic3A_212 = arith.negf %sqrt3A_211 : vector<512x16xf32>
    %logistic3A_213 = math.exp %logistic3A_212 : vector<512x16xf32>
    %logistic3A_214 = arith.constant 1.000000e+00 : f32
    %logistic3A_215 = vector.broadcast %logistic3A_214 : f32 to vector<512x16xf32>
    %logistic3A_216 = arith.addf %logistic3A_215, %logistic3A_213 : vector<512x16xf32>
    %logistic3A_217 = arith.divf %logistic3A_215, %logistic3A_216 : vector<512x16xf32>
    %slice3A_218 = vector.extract_strided_slice %dot_general3A_173 {offsets = [0, 0], sizes = [512, 16], strides = [1, 1]} : vector<512x48xf32> to vector<512x16xf32>
    %mul3A_219 = arith.mulf %logistic3A_217, %slice3A_218 : vector<512x16xf32>
    %slice3A_220 = vector.extract_strided_slice %dot_general3A_173 {offsets = [0, 16], sizes = [512, 16], strides = [1, 1]} : vector<512x48xf32> to vector<512x16xf32>
    %mul3A_221 = arith.mulf %logistic3A_217, %slice3A_220 : vector<512x16xf32>
    %slice3A_222 = vector.extract_strided_slice %dot_general3A_173 {offsets = [0, 32], sizes = [512, 16], strides = [1, 1]} : vector<512x48xf32> to vector<512x16xf32>
    %mul3A_223 = arith.mulf %logistic3A_217, %slice3A_222 : vector<512x16xf32>
    %concatenate3A_224 = tpu.concatenate %mul3A_219, %mul3A_221, %mul3A_223 in 1 : vector<512x16xf32>, vector<512x16xf32>, vector<512x16xf32> -> vector<512x48xf32>
    %swap3A = arith.constant 0 : index
    %swap3A_225 = arith.constant 0 : index
    %swap3A_226 = vector.load %arg18[%swap3A, %swap3A_225] : memref<512x128xf32, #tpu.memory_space<vmem>>, vector<512x128xf32>
    tpu.vector_store %arg18[%swap3A, %swap3A_225], %mul3A_199 {strides = array<i32>} : memref<512x128xf32, #tpu.memory_space<vmem>>, vector<512x128xf32>,
    %broadcast_in_dim3A = arith.constant 0.000000e+00 : f32
    %broadcast_in_dim3A_227 = vector.broadcast %broadcast_in_dim3A : f32 to vector<512x80xf32>
    %concatenate3A_228 = tpu.concatenate %concatenate3A_224, %broadcast_in_dim3A_227 in 1 : vector<512x48xf32>, vector<512x80xf32> -> vector<512x128xf32>
    %swap3A_229 = arith.constant 0 : index
    %swap3A_230 = arith.constant 0 : index
    %swap3A_231 = vector.load %arg19[%swap3A_229, %swap3A_230] : memref<512x128xf32, #tpu.memory_space<vmem>>, vector<512x128xf32>
    tpu.vector_store %arg19[%swap3A_229, %swap3A_230], %concatenate3A_228 {strides = array<i32>} : memref<512x128xf32, #tpu.memory_space<vmem>>, vector<512x128xf32>,
    return
  }
  func.func @transform_0(%arg0: i32) -> (i32, i32) {
    %c0_i32 = arith.constant 0 : i32
    %c0_i32_0 = arith.constant 0 : i32
    return %arg0, %c0_i32 : i32, i32
  }
  func.func @transform_1(%arg0: i32) -> (i32, i32) {
    %c0_i32 = arith.constant 0 : i32
    %c0_i32_0 = arith.constant 0 : i32
    return %arg0, %c0_i32 : i32, i32
  }
  func.func @transform_2(%arg0: i32) -> (i32, i32) {
    %c0_i32 = arith.constant 0 : i32
    %c0_i32_0 = arith.constant 0 : i32
    %c0_i32_1 = arith.constant 0 : i32
    return %c0_i32, %c0_i32_0 : i32, i32
  }
  func.func @transform_3(%arg0: i32) -> (i32, i32) {
    %c0_i32 = arith.constant 0 : i32
    %c0_i32_0 = arith.constant 0 : i32
    %c0_i32_1 = arith.constant 0 : i32
    return %c0_i32, %c0_i32_0 : i32, i32
  }
  func.func @transform_4(%arg0: i32) -> (i32, i32) {
    %c0_i32 = arith.constant 0 : i32
    %c0_i32_0 = arith.constant 0 : i32
    %c0_i32_1 = arith.constant 0 : i32
    return %c0_i32, %c0_i32_0 : i32, i32
  }
  func.func @transform_5(%arg0: i32) -> (i32, i32) {
    %c0_i32 = arith.constant 0 : i32
    %c0_i32_0 = arith.constant 0 : i32
    %c0_i32_1 = arith.constant 0 : i32
    return %c0_i32, %c0_i32_0 : i32, i32
  }
  func.func @transform_6(%arg0: i32) -> (i32, i32) {
    %c0_i32 = arith.constant 0 : i32
    %c0_i32_0 = arith.constant 0 : i32
    %c0_i32_1 = arith.constant 0 : i32
    return %c0_i32, %c0_i32_0 : i32, i32
  }
  func.func @transform_7(%arg0: i32) -> (i32, i32) {
    %c0_i32 = arith.constant 0 : i32
    %c0_i32_0 = arith.constant 0 : i32
    %c0_i32_1 = arith.constant 0 : i32
    return %c0_i32, %c0_i32_0 : i32, i32
  }
  func.func @transform_8(%arg0: i32) -> (i32, i32) {
    %c0_i32 = arith.constant 0 : i32
    %c0_i32_0 = arith.constant 0 : i32
    %c0_i32_1 = arith.constant 0 : i32
    return %c0_i32, %c0_i32_0 : i32, i32
  }
  func.func @transform_9(%arg0: i32) -> (i32, i32) {
    %c0_i32 = arith.constant 0 : i32
    %c0_i32_0 = arith.constant 0 : i32
    %c0_i32_1 = arith.constant 0 : i32
    return %c0_i32, %c0_i32_0 : i32, i32
  }
  func.func @transform_10(%arg0: i32) -> (i32, i32) {
    %c0_i32 = arith.constant 0 : i32
    %c0_i32_0 = arith.constant 0 : i32
    %c0_i32_1 = arith.constant 0 : i32
    return %c0_i32, %c0_i32_0 : i32, i32
  }
  func.func @transform_11(%arg0: i32) -> (i32, i32) {
    %c0_i32 = arith.constant 0 : i32
    %c0_i32_0 = arith.constant 0 : i32
    %c0_i32_1 = arith.constant 0 : i32
    return %c0_i32, %c0_i32_0 : i32, i32
  }
  func.func @transform_12(%arg0: i32) -> (i32, i32) {
    %c0_i32 = arith.constant 0 : i32
    %c0_i32_0 = arith.constant 0 : i32
    %c0_i32_1 = arith.constant 0 : i32
    return %c0_i32, %c0_i32_0 : i32, i32
  }
  func.func @transform_13(%arg0: i32) -> (i32, i32) {
    %c0_i32 = arith.constant 0 : i32
    %c0_i32_0 = arith.constant 0 : i32
    %c0_i32_1 = arith.constant 0 : i32
    return %c0_i32, %c0_i32_0 : i32, i32
  }
  func.func @transform_14(%arg0: i32) -> (i32, i32) {
    %c0_i32 = arith.constant 0 : i32
    %c0_i32_0 = arith.constant 0 : i32
    %c0_i32_1 = arith.constant 0 : i32
    return %c0_i32, %c0_i32_0 : i32, i32
  }
  func.func @transform_15(%arg0: i32) -> (i32, i32) {
    %c0_i32 = arith.constant 0 : i32
    %c0_i32_0 = arith.constant 0 : i32
    %c0_i32_1 = arith.constant 0 : i32
    return %c0_i32, %c0_i32_0 : i32, i32
  }
  func.func @transform_16(%arg0: i32) -> (i32, i32) {
    %c0_i32 = arith.constant 0 : i32
    %c0_i32_0 = arith.constant 0 : i32
    %c0_i32_1 = arith.constant 0 : i32
    return %c0_i32, %c0_i32_0 : i32, i32
  }
  func.func @transform_17(%arg0: i32) -> (i32, i32) {
    %c0_i32 = arith.constant 0 : i32
    %c0_i32_0 = arith.constant 0 : i32
    return %arg0, %c0_i32 : i32, i32
  }
  func.func @transform_18(%arg0: i32) -> (i32, i32) {
    %c0_i32 = arith.constant 0 : i32
    %c0_i32_0 = arith.constant 0 : i32
    return %arg0, %c0_i32 : i32, i32
  }
}

module attributes {stable_mosaic.version = 14 : i64} {
  func.func @_upd_body(%arg0: i32, %arg1: memref<2000x256xf32, #tpu.memory_space<vmem>>, %arg2: memref<2x2000x128xf32, #tpu.memory_space<vmem>>, %arg3: memref<2x2000x128xf32, #tpu.memory_space<vmem>>, %arg4: memref<96x96xf32, #tpu.memory_space<vmem>>, %arg5: memref<96x48xf32, #tpu.memory_space<vmem>>, %arg6: memref<256x128xf32, #tpu.memory_space<vmem>>, %arg7: memref<32x128xf32, #tpu.memory_space<vmem>>, %arg8: memref<1x128xf32, #tpu.memory_space<vmem>>, %arg9: memref<48x48xf32, #tpu.memory_space<vmem>>, %arg10: memref<48x48xf32, #tpu.memory_space<vmem>>, %arg11: memref<128x128xf32, #tpu.memory_space<vmem>>, %arg12: memref<16x128xf32, #tpu.memory_space<vmem>>, %arg13: memref<1x128xf32, #tpu.memory_space<vmem>>, %arg14: memref<2000x256xf32, #tpu.memory_space<vmem>>) attributes {dimension_semantics = [#tpu.dimension_semantics<arbitrary>], iteration_bounds = array<i64: 5>, scalar_prefetch = 0 : i64, scratch_operands = 0 : i64, tpu.core_type = #tpu.core_type<tc>, window_params = [{transform_indices = @transform_0, window_bounds = array<i64: 2000, 256>}, {transform_indices = @transform_1, window_bounds = array<i64: 2, 2000, 128>}, {transform_indices = @transform_2, window_bounds = array<i64: 2, 2000, 128>}, {pipeline_mode = #tpu.pipeline_mode<synchronous>, transform_indices = @transform_3, window_bounds = array<i64: 96, 96>}, {pipeline_mode = #tpu.pipeline_mode<synchronous>, transform_indices = @transform_4, window_bounds = array<i64: 96, 48>}, {pipeline_mode = #tpu.pipeline_mode<synchronous>, transform_indices = @transform_5, window_bounds = array<i64: 256, 128>}, {pipeline_mode = #tpu.pipeline_mode<synchronous>, transform_indices = @transform_6, window_bounds = array<i64: 32, 128>}, {pipeline_mode = #tpu.pipeline_mode<synchronous>, transform_indices = @transform_7, window_bounds = array<i64: 1, 128>}, {pipeline_mode = #tpu.pipeline_mode<synchronous>, transform_indices = @transform_8, window_bounds = array<i64: 48, 48>}, {pipeline_mode = #tpu.pipeline_mode<synchronous>, transform_indices = @transform_9, window_bounds = array<i64: 48, 48>}, {pipeline_mode = #tpu.pipeline_mode<synchronous>, transform_indices = @transform_10, window_bounds = array<i64: 128, 128>}, {pipeline_mode = #tpu.pipeline_mode<synchronous>, transform_indices = @transform_11, window_bounds = array<i64: 16, 128>}, {pipeline_mode = #tpu.pipeline_mode<synchronous>, transform_indices = @transform_12, window_bounds = array<i64: 1, 128>}, {transform_indices = @transform_13, window_bounds = array<i64: 2000, 256>}]} {
    %get3A = arith.constant 0 : index
    %get3A_0 = arith.constant 0 : index
    %get3A_1 = vector.load %arg4[%get3A, %get3A_0] : memref<96x96xf32, #tpu.memory_space<vmem>>, vector<96x96xf32>
    %get3A_2 = arith.constant 0 : index
    %get3A_3 = arith.constant 0 : index
    %get3A_4 = vector.load %arg5[%get3A_2, %get3A_3] : memref<96x48xf32, #tpu.memory_space<vmem>>, vector<96x48xf32>
    %get3A_5 = arith.constant 0 : index
    %get3A_6 = arith.constant 0 : index
    %get3A_7 = vector.load %arg6[%get3A_5, %get3A_6] : memref<256x128xf32, #tpu.memory_space<vmem>>, vector<256x128xf32>
    %get3A_8 = arith.constant 0 : index
    %get3A_9 = arith.constant 0 : index
    %get3A_10 = vector.load %arg7[%get3A_8, %get3A_9] : memref<32x128xf32, #tpu.memory_space<vmem>>, vector<32x128xf32>
    %get3A_11 = arith.constant 0 : index
    %get3A_12 = arith.constant 0 : index
    %get3A_13 = vector.load %arg8[%get3A_11, %get3A_12] : memref<1x128xf32, #tpu.memory_space<vmem>>, vector<1x128xf32>
    %get3A_14 = arith.constant 0 : index
    %get3A_15 = arith.constant 0 : index
    %get3A_16 = vector.load %arg9[%get3A_14, %get3A_15] : memref<48x48xf32, #tpu.memory_space<vmem>>, vector<48x48xf32>
    %get3A_17 = arith.constant 0 : index
    %get3A_18 = arith.constant 0 : index
    %get3A_19 = vector.load %arg10[%get3A_17, %get3A_18] : memref<48x48xf32, #tpu.memory_space<vmem>>, vector<48x48xf32>
    %get3A_20 = arith.constant 0 : index
    %get3A_21 = arith.constant 0 : index
    %get3A_22 = vector.load %arg11[%get3A_20, %get3A_21] : memref<128x128xf32, #tpu.memory_space<vmem>>, vector<128x128xf32>
    %get3A_23 = arith.constant 0 : index
    %get3A_24 = arith.constant 0 : index
    %get3A_25 = vector.load %arg12[%get3A_23, %get3A_24] : memref<16x128xf32, #tpu.memory_space<vmem>>, vector<16x128xf32>
    %get3A_26 = arith.constant 0 : index
    %get3A_27 = arith.constant 0 : index
    %get3A_28 = vector.load %arg13[%get3A_26, %get3A_27] : memref<1x128xf32, #tpu.memory_space<vmem>>, vector<1x128xf32>
    %get3A_29 = arith.constant 0 : index
    %get3A_30 = arith.constant 0 : index
    %get3A_31 = vector.load %arg1[%get3A_29, %get3A_30] : memref<2000x256xf32, #tpu.memory_space<vmem>>, vector<2000x256xf32>
    %get3A_32 = arith.constant 0 : index
    %get3A_33 = arith.constant 0 : index
    %get3A_34 = arith.constant 0 : index
    %get3A_35 = vector.load %arg2[%get3A_32, %get3A_33, %get3A_34] : memref<2x2000x128xf32, #tpu.memory_space<vmem>>, vector<2x2000x128xf32>
    %get3A_36 = arith.constant 0 : index
    %get3A_37 = arith.constant 0 : index
    %get3A_38 = arith.constant 0 : index
    %get3A_39 = vector.load %arg3[%get3A_36, %get3A_37, %get3A_38] : memref<2x2000x128xf32, #tpu.memory_space<vmem>>, vector<2x2000x128xf32>
    %slice3A = vector.extract_strided_slice %get3A_35 {offsets = [0, 0, 0], sizes = [1, 2000, 128], strides = [1, 1, 1]} : vector<2x2000x128xf32> to vector<1x2000x128xf32>
    %squeeze3A = vector.shape_cast %slice3A : vector<1x2000x128xf32> to vector<2000x128xf32>
    %slice3A_40 = vector.extract_strided_slice %get3A_35 {offsets = [1, 0, 0], sizes = [1, 2000, 128], strides = [1, 1, 1]} : vector<2x2000x128xf32> to vector<1x2000x128xf32>
    %squeeze3A_41 = vector.shape_cast %slice3A_40 : vector<1x2000x128xf32> to vector<2000x128xf32>
    %add3A = arith.addf %squeeze3A, %squeeze3A_41 : vector<2000x128xf32>
    %mul3A = arith.constant 1.000000e-01 : f32
    %mul3A_42 = vector.broadcast %mul3A : f32 to vector<2000x128xf32>
    %mul3A_43 = arith.mulf %add3A, %mul3A_42 : vector<2000x128xf32>
    %slice3A_44 = vector.extract_strided_slice %get3A_39 {offsets = [0, 0, 0], sizes = [1, 2000, 128], strides = [1, 1, 1]} : vector<2x2000x128xf32> to vector<1x2000x128xf32>
    %squeeze3A_45 = vector.shape_cast %slice3A_44 : vector<1x2000x128xf32> to vector<2000x128xf32>
    %slice3A_46 = vector.extract_strided_slice %get3A_39 {offsets = [1, 0, 0], sizes = [1, 2000, 128], strides = [1, 1, 1]} : vector<2x2000x128xf32> to vector<1x2000x128xf32>
    %squeeze3A_47 = vector.shape_cast %slice3A_46 : vector<1x2000x128xf32> to vector<2000x128xf32>
    %add3A_48 = arith.addf %squeeze3A_45, %squeeze3A_47 : vector<2000x128xf32>
    %mul3A_49 = arith.constant 1.000000e-01 : f32
    %mul3A_50 = vector.broadcast %mul3A_49 : f32 to vector<2000x128xf32>
    %mul3A_51 = arith.mulf %add3A_48, %mul3A_50 : vector<2000x128xf32>
    %slice3A_52 = vector.extract_strided_slice %get3A_31 {offsets = [0, 0], sizes = [2000, 128], strides = [1, 1]} : vector<2000x256xf32> to vector<2000x128xf32>
    %concatenate3A = tpu.concatenate %slice3A_52, %mul3A_43 in 1 : vector<2000x128xf32>, vector<2000x128xf32> -> vector<2000x256xf32>
    %slice3A_53 = vector.extract_strided_slice %get3A_31 {offsets = [0, 128], sizes = [2000, 16], strides = [1, 1]} : vector<2000x256xf32> to vector<2000x16xf32>
    %slice3A_54 = vector.extract_strided_slice %mul3A_51 {offsets = [0, 0], sizes = [2000, 16], strides = [1, 1]} : vector<2000x128xf32> to vector<2000x16xf32>
    %slice3A_55 = vector.extract_strided_slice %get3A_31 {offsets = [0, 144], sizes = [2000, 16], strides = [1, 1]} : vector<2000x256xf32> to vector<2000x16xf32>
    %slice3A_56 = vector.extract_strided_slice %mul3A_51 {offsets = [0, 16], sizes = [2000, 16], strides = [1, 1]} : vector<2000x128xf32> to vector<2000x16xf32>
    %slice3A_57 = vector.extract_strided_slice %get3A_31 {offsets = [0, 160], sizes = [2000, 16], strides = [1, 1]} : vector<2000x256xf32> to vector<2000x16xf32>
    %slice3A_58 = vector.extract_strided_slice %mul3A_51 {offsets = [0, 32], sizes = [2000, 16], strides = [1, 1]} : vector<2000x128xf32> to vector<2000x16xf32>
    %concatenate3A_59 = tpu.concatenate %slice3A_53, %slice3A_54, %slice3A_55, %slice3A_56, %slice3A_57, %slice3A_58 in 1 : vector<2000x16xf32>, vector<2000x16xf32>, vector<2000x16xf32>, vector<2000x16xf32>, vector<2000x16xf32>, vector<2000x16xf32> -> vector<2000x96xf32>
    %dot_general3A = arith.constant dense<0.000000e+00> : vector<2000x96xf32>
    %dot_general3A_60 = tpu.matmul %concatenate3A_59, %get3A_1, %dot_general3A {dimension_numbers = #tpu.dot_dimension_numbers<[1], [0], [0], [1], [0, 0, 1, 1], [], []>, transpose_lhs_hint = false} : vector<2000x96xf32>, vector<96x96xf32>, vector<2000x96xf32> -> vector<2000x96xf32>
    %dot_general3A_61 = arith.constant dense<0.000000e+00> : vector<2000x48xf32>
    %dot_general3A_62 = tpu.matmul %dot_general3A_60, %get3A_4, %dot_general3A_61 {dimension_numbers = #tpu.dot_dimension_numbers<[1], [0], [0], [1], [0, 0, 1, 1], [], []>, transpose_lhs_hint = false} : vector<2000x96xf32>, vector<96x48xf32>, vector<2000x48xf32> -> vector<2000x48xf32>
    %slice3A_63 = vector.extract_strided_slice %dot_general3A_60 {offsets = [0, 0], sizes = [2000, 32], strides = [1, 1]} : vector<2000x96xf32> to vector<2000x32xf32>
    %integer_pow3A = arith.mulf %slice3A_63, %slice3A_63 : vector<2000x32xf32>
    %slice3A_64 = vector.extract_strided_slice %dot_general3A_60 {offsets = [0, 32], sizes = [2000, 32], strides = [1, 1]} : vector<2000x96xf32> to vector<2000x32xf32>
    %integer_pow3A_65 = arith.mulf %slice3A_64, %slice3A_64 : vector<2000x32xf32>
    %add3A_66 = arith.addf %integer_pow3A, %integer_pow3A_65 : vector<2000x32xf32>
    %slice3A_67 = vector.extract_strided_slice %dot_general3A_60 {offsets = [0, 64], sizes = [2000, 32], strides = [1, 1]} : vector<2000x96xf32> to vector<2000x32xf32>
    %integer_pow3A_68 = arith.mulf %slice3A_67, %slice3A_67 : vector<2000x32xf32>
    %add3A_69 = arith.addf %add3A_66, %integer_pow3A_68 : vector<2000x32xf32>
    %add3A_70 = arith.constant 9.99999993E-9 : f32
    %add3A_71 = vector.broadcast %add3A_70 : f32 to vector<2000x32xf32>
    %add3A_72 = arith.addf %add3A_69, %add3A_71 : vector<2000x32xf32>
    %sqrt3A = math.sqrt %add3A_72 : vector<2000x32xf32>
    %dot_general3A_73 = arith.constant dense<0.000000e+00> : vector<2000x128xf32>
    %dot_general3A_74 = tpu.matmul %concatenate3A, %get3A_7, %dot_general3A_73 {dimension_numbers = #tpu.dot_dimension_numbers<[1], [0], [0], [1], [0, 0, 1, 1], [], []>, transpose_lhs_hint = false} : vector<2000x256xf32>, vector<256x128xf32>, vector<2000x128xf32> -> vector<2000x128xf32>
    %dot_general3A_75 = arith.constant dense<0.000000e+00> : vector<2000x128xf32>
    %dot_general3A_76 = tpu.matmul %sqrt3A, %get3A_10, %dot_general3A_75 {dimension_numbers = #tpu.dot_dimension_numbers<[1], [0], [0], [1], [0, 0, 1, 1], [], []>, transpose_lhs_hint = false} : vector<2000x32xf32>, vector<32x128xf32>, vector<2000x128xf32> -> vector<2000x128xf32>
    %add3A_77 = arith.addf %dot_general3A_74, %dot_general3A_76 : vector<2000x128xf32>
    %add3A_78 = vector.broadcast %get3A_13 : vector<1x128xf32> to vector<2000x128xf32>
    %add3A_79 = arith.addf %add3A_77, %add3A_78 : vector<2000x128xf32>
    %logistic3A = arith.negf %add3A_79 : vector<2000x128xf32>
    %logistic3A_80 = math.exp %logistic3A : vector<2000x128xf32>
    %logistic3A_81 = arith.constant 1.000000e+00 : f32
    %logistic3A_82 = vector.broadcast %logistic3A_81 : f32 to vector<2000x128xf32>
    %logistic3A_83 = arith.addf %logistic3A_82, %logistic3A_80 : vector<2000x128xf32>
    %logistic3A_84 = arith.divf %logistic3A_82, %logistic3A_83 : vector<2000x128xf32>
    %mul3A_85 = arith.mulf %add3A_79, %logistic3A_84 : vector<2000x128xf32>
    %slice3A_86 = vector.extract_strided_slice %dot_general3A_62 {offsets = [0, 0], sizes = [2000, 16], strides = [1, 1]} : vector<2000x48xf32> to vector<2000x16xf32>
    %integer_pow3A_87 = arith.mulf %slice3A_86, %slice3A_86 : vector<2000x16xf32>
    %slice3A_88 = vector.extract_strided_slice %dot_general3A_62 {offsets = [0, 16], sizes = [2000, 16], strides = [1, 1]} : vector<2000x48xf32> to vector<2000x16xf32>
    %integer_pow3A_89 = arith.mulf %slice3A_88, %slice3A_88 : vector<2000x16xf32>
    %add3A_90 = arith.addf %integer_pow3A_87, %integer_pow3A_89 : vector<2000x16xf32>
    %slice3A_91 = vector.extract_strided_slice %dot_general3A_62 {offsets = [0, 32], sizes = [2000, 16], strides = [1, 1]} : vector<2000x48xf32> to vector<2000x16xf32>
    %integer_pow3A_92 = arith.mulf %slice3A_91, %slice3A_91 : vector<2000x16xf32>
    %add3A_93 = arith.addf %add3A_90, %integer_pow3A_92 : vector<2000x16xf32>
    %add3A_94 = arith.constant 9.99999993E-9 : f32
    %add3A_95 = vector.broadcast %add3A_94 : f32 to vector<2000x16xf32>
    %add3A_96 = arith.addf %add3A_93, %add3A_95 : vector<2000x16xf32>
    %sqrt3A_97 = math.sqrt %add3A_96 : vector<2000x16xf32>
    %logistic3A_98 = arith.negf %sqrt3A_97 : vector<2000x16xf32>
    %logistic3A_99 = math.exp %logistic3A_98 : vector<2000x16xf32>
    %logistic3A_100 = arith.constant 1.000000e+00 : f32
    %logistic3A_101 = vector.broadcast %logistic3A_100 : f32 to vector<2000x16xf32>
    %logistic3A_102 = arith.addf %logistic3A_101, %logistic3A_99 : vector<2000x16xf32>
    %logistic3A_103 = arith.divf %logistic3A_101, %logistic3A_102 : vector<2000x16xf32>
    %slice3A_104 = vector.extract_strided_slice %dot_general3A_62 {offsets = [0, 0], sizes = [2000, 16], strides = [1, 1]} : vector<2000x48xf32> to vector<2000x16xf32>
    %mul3A_105 = arith.mulf %logistic3A_103, %slice3A_104 : vector<2000x16xf32>
    %slice3A_106 = vector.extract_strided_slice %dot_general3A_62 {offsets = [0, 16], sizes = [2000, 16], strides = [1, 1]} : vector<2000x48xf32> to vector<2000x16xf32>
    %mul3A_107 = arith.mulf %logistic3A_103, %slice3A_106 : vector<2000x16xf32>
    %slice3A_108 = vector.extract_strided_slice %dot_general3A_62 {offsets = [0, 32], sizes = [2000, 16], strides = [1, 1]} : vector<2000x48xf32> to vector<2000x16xf32>
    %mul3A_109 = arith.mulf %logistic3A_103, %slice3A_108 : vector<2000x16xf32>
    %concatenate3A_110 = tpu.concatenate %mul3A_105, %mul3A_107, %mul3A_109 in 1 : vector<2000x16xf32>, vector<2000x16xf32>, vector<2000x16xf32> -> vector<2000x48xf32>
    %dot_general3A_111 = arith.constant dense<0.000000e+00> : vector<2000x48xf32>
    %dot_general3A_112 = tpu.matmul %concatenate3A_110, %get3A_16, %dot_general3A_111 {dimension_numbers = #tpu.dot_dimension_numbers<[1], [0], [0], [1], [0, 0, 1, 1], [], []>, transpose_lhs_hint = false} : vector<2000x48xf32>, vector<48x48xf32>, vector<2000x48xf32> -> vector<2000x48xf32>
    %dot_general3A_113 = arith.constant dense<0.000000e+00> : vector<2000x48xf32>
    %dot_general3A_114 = tpu.matmul %dot_general3A_112, %get3A_19, %dot_general3A_113 {dimension_numbers = #tpu.dot_dimension_numbers<[1], [0], [0], [1], [0, 0, 1, 1], [], []>, transpose_lhs_hint = false} : vector<2000x48xf32>, vector<48x48xf32>, vector<2000x48xf32> -> vector<2000x48xf32>
    %slice3A_115 = vector.extract_strided_slice %dot_general3A_112 {offsets = [0, 0], sizes = [2000, 16], strides = [1, 1]} : vector<2000x48xf32> to vector<2000x16xf32>
    %integer_pow3A_116 = arith.mulf %slice3A_115, %slice3A_115 : vector<2000x16xf32>
    %slice3A_117 = vector.extract_strided_slice %dot_general3A_112 {offsets = [0, 16], sizes = [2000, 16], strides = [1, 1]} : vector<2000x48xf32> to vector<2000x16xf32>
    %integer_pow3A_118 = arith.mulf %slice3A_117, %slice3A_117 : vector<2000x16xf32>
    %add3A_119 = arith.addf %integer_pow3A_116, %integer_pow3A_118 : vector<2000x16xf32>
    %slice3A_120 = vector.extract_strided_slice %dot_general3A_112 {offsets = [0, 32], sizes = [2000, 16], strides = [1, 1]} : vector<2000x48xf32> to vector<2000x16xf32>
    %integer_pow3A_121 = arith.mulf %slice3A_120, %slice3A_120 : vector<2000x16xf32>
    %add3A_122 = arith.addf %add3A_119, %integer_pow3A_121 : vector<2000x16xf32>
    %add3A_123 = arith.constant 9.99999993E-9 : f32
    %add3A_124 = vector.broadcast %add3A_123 : f32 to vector<2000x16xf32>
    %add3A_125 = arith.addf %add3A_122, %add3A_124 : vector<2000x16xf32>
    %sqrt3A_126 = math.sqrt %add3A_125 : vector<2000x16xf32>
    %dot_general3A_127 = arith.constant dense<0.000000e+00> : vector<2000x128xf32>
    %dot_general3A_128 = tpu.matmul %mul3A_85, %get3A_22, %dot_general3A_127 {dimension_numbers = #tpu.dot_dimension_numbers<[1], [0], [0], [1], [0, 0, 1, 1], [], []>, transpose_lhs_hint = false} : vector<2000x128xf32>, vector<128x128xf32>, vector<2000x128xf32> -> vector<2000x128xf32>
    %dot_general3A_129 = arith.constant dense<0.000000e+00> : vector<2000x128xf32>
    %dot_general3A_130 = tpu.matmul %sqrt3A_126, %get3A_25, %dot_general3A_129 {dimension_numbers = #tpu.dot_dimension_numbers<[1], [0], [0], [1], [0, 0, 1, 1], [], []>, transpose_lhs_hint = false} : vector<2000x16xf32>, vector<16x128xf32>, vector<2000x128xf32> -> vector<2000x128xf32>
    %add3A_131 = arith.addf %dot_general3A_128, %dot_general3A_130 : vector<2000x128xf32>
    %add3A_132 = vector.broadcast %get3A_28 : vector<1x128xf32> to vector<2000x128xf32>
    %add3A_133 = arith.addf %add3A_131, %add3A_132 : vector<2000x128xf32>
    %logistic3A_134 = arith.negf %add3A_133 : vector<2000x128xf32>
    %logistic3A_135 = math.exp %logistic3A_134 : vector<2000x128xf32>
    %logistic3A_136 = arith.constant 1.000000e+00 : f32
    %logistic3A_137 = vector.broadcast %logistic3A_136 : f32 to vector<2000x128xf32>
    %logistic3A_138 = arith.addf %logistic3A_137, %logistic3A_135 : vector<2000x128xf32>
    %logistic3A_139 = arith.divf %logistic3A_137, %logistic3A_138 : vector<2000x128xf32>
    %mul3A_140 = arith.mulf %add3A_133, %logistic3A_139 : vector<2000x128xf32>
    %slice3A_141 = vector.extract_strided_slice %dot_general3A_114 {offsets = [0, 0], sizes = [2000, 16], strides = [1, 1]} : vector<2000x48xf32> to vector<2000x16xf32>
    %integer_pow3A_142 = arith.mulf %slice3A_141, %slice3A_141 : vector<2000x16xf32>
    %slice3A_143 = vector.extract_strided_slice %dot_general3A_114 {offsets = [0, 16], sizes = [2000, 16], strides = [1, 1]} : vector<2000x48xf32> to vector<2000x16xf32>
    %integer_pow3A_144 = arith.mulf %slice3A_143, %slice3A_143 : vector<2000x16xf32>
    %add3A_145 = arith.addf %integer_pow3A_142, %integer_pow3A_144 : vector<2000x16xf32>
    %slice3A_146 = vector.extract_strided_slice %dot_general3A_114 {offsets = [0, 32], sizes = [2000, 16], strides = [1, 1]} : vector<2000x48xf32> to vector<2000x16xf32>
    %integer_pow3A_147 = arith.mulf %slice3A_146, %slice3A_146 : vector<2000x16xf32>
    %add3A_148 = arith.addf %add3A_145, %integer_pow3A_147 : vector<2000x16xf32>
    %add3A_149 = arith.constant 9.99999993E-9 : f32
    %add3A_150 = vector.broadcast %add3A_149 : f32 to vector<2000x16xf32>
    %add3A_151 = arith.addf %add3A_148, %add3A_150 : vector<2000x16xf32>
    %sqrt3A_152 = math.sqrt %add3A_151 : vector<2000x16xf32>
    %logistic3A_153 = arith.negf %sqrt3A_152 : vector<2000x16xf32>
    %logistic3A_154 = math.exp %logistic3A_153 : vector<2000x16xf32>
    %logistic3A_155 = arith.constant 1.000000e+00 : f32
    %logistic3A_156 = vector.broadcast %logistic3A_155 : f32 to vector<2000x16xf32>
    %logistic3A_157 = arith.addf %logistic3A_156, %logistic3A_154 : vector<2000x16xf32>
    %logistic3A_158 = arith.divf %logistic3A_156, %logistic3A_157 : vector<2000x16xf32>
    %slice3A_159 = vector.extract_strided_slice %dot_general3A_114 {offsets = [0, 0], sizes = [2000, 16], strides = [1, 1]} : vector<2000x48xf32> to vector<2000x16xf32>
    %mul3A_160 = arith.mulf %logistic3A_158, %slice3A_159 : vector<2000x16xf32>
    %slice3A_161 = vector.extract_strided_slice %dot_general3A_114 {offsets = [0, 16], sizes = [2000, 16], strides = [1, 1]} : vector<2000x48xf32> to vector<2000x16xf32>
    %mul3A_162 = arith.mulf %logistic3A_158, %slice3A_161 : vector<2000x16xf32>
    %slice3A_163 = vector.extract_strided_slice %dot_general3A_114 {offsets = [0, 32], sizes = [2000, 16], strides = [1, 1]} : vector<2000x48xf32> to vector<2000x16xf32>
    %mul3A_164 = arith.mulf %logistic3A_158, %slice3A_163 : vector<2000x16xf32>
    %concatenate3A_165 = tpu.concatenate %mul3A_160, %mul3A_162, %mul3A_164 in 1 : vector<2000x16xf32>, vector<2000x16xf32>, vector<2000x16xf32> -> vector<2000x48xf32>
    %slice3A_166 = vector.extract_strided_slice %get3A_31 {offsets = [0, 0], sizes = [2000, 128], strides = [1, 1]} : vector<2000x256xf32> to vector<2000x128xf32>
    %add3A_167 = arith.addf %slice3A_166, %mul3A_140 : vector<2000x128xf32>
    %slice3A_168 = vector.extract_strided_slice %get3A_31 {offsets = [0, 128], sizes = [2000, 16], strides = [1, 1]} : vector<2000x256xf32> to vector<2000x16xf32>
    %slice3A_169 = vector.extract_strided_slice %concatenate3A_165 {offsets = [0, 0], sizes = [2000, 16], strides = [1, 1]} : vector<2000x48xf32> to vector<2000x16xf32>
    %add3A_170 = arith.addf %slice3A_168, %slice3A_169 : vector<2000x16xf32>
    %slice3A_171 = vector.extract_strided_slice %get3A_31 {offsets = [0, 144], sizes = [2000, 16], strides = [1, 1]} : vector<2000x256xf32> to vector<2000x16xf32>
    %slice3A_172 = vector.extract_strided_slice %concatenate3A_165 {offsets = [0, 16], sizes = [2000, 16], strides = [1, 1]} : vector<2000x48xf32> to vector<2000x16xf32>
    %add3A_173 = arith.addf %slice3A_171, %slice3A_172 : vector<2000x16xf32>
    %slice3A_174 = vector.extract_strided_slice %get3A_31 {offsets = [0, 160], sizes = [2000, 16], strides = [1, 1]} : vector<2000x256xf32> to vector<2000x16xf32>
    %slice3A_175 = vector.extract_strided_slice %concatenate3A_165 {offsets = [0, 32], sizes = [2000, 16], strides = [1, 1]} : vector<2000x48xf32> to vector<2000x16xf32>
    %add3A_176 = arith.addf %slice3A_174, %slice3A_175 : vector<2000x16xf32>
    %slice3A_177 = vector.extract_strided_slice %get3A_31 {offsets = [0, 176], sizes = [2000, 80], strides = [1, 1]} : vector<2000x256xf32> to vector<2000x80xf32>
    %concatenate3A_178 = tpu.concatenate %add3A_167, %add3A_170, %add3A_173, %add3A_176, %slice3A_177 in 1 : vector<2000x128xf32>, vector<2000x16xf32>, vector<2000x16xf32>, vector<2000x16xf32>, vector<2000x80xf32> -> vector<2000x256xf32>
    %swap3A = arith.constant 0 : index
    %swap3A_179 = arith.constant 0 : index
    %swap3A_180 = vector.load %arg14[%swap3A, %swap3A_179] : memref<2000x256xf32, #tpu.memory_space<vmem>>, vector<2000x256xf32>
    tpu.vector_store %arg14[%swap3A, %swap3A_179], %concatenate3A_178 {strides = array<i32>} : memref<2000x256xf32, #tpu.memory_space<vmem>>, vector<2000x256xf32>,
    return
  }
  func.func @transform_0(%arg0: i32) -> (i32, i32) {
    %c0_i32 = arith.constant 0 : i32
    %c0_i32_0 = arith.constant 0 : i32
    return %arg0, %c0_i32 : i32, i32
  }
  func.func @transform_1(%arg0: i32) -> (i32, i32, i32) {
    %c0_i32 = arith.constant 0 : i32
    %c0_i32_0 = arith.constant 0 : i32
    %c0_i32_1 = arith.constant 0 : i32
    return %c0_i32, %arg0, %c0_i32_0 : i32, i32, i32
  }
  func.func @transform_2(%arg0: i32) -> (i32, i32, i32) {
    %c0_i32 = arith.constant 0 : i32
    %c0_i32_0 = arith.constant 0 : i32
    %c0_i32_1 = arith.constant 0 : i32
    return %c0_i32, %arg0, %c0_i32_0 : i32, i32, i32
  }
  func.func @transform_3(%arg0: i32) -> (i32, i32) {
    %c0_i32 = arith.constant 0 : i32
    %c0_i32_0 = arith.constant 0 : i32
    %c0_i32_1 = arith.constant 0 : i32
    return %c0_i32, %c0_i32_0 : i32, i32
  }
  func.func @transform_4(%arg0: i32) -> (i32, i32) {
    %c0_i32 = arith.constant 0 : i32
    %c0_i32_0 = arith.constant 0 : i32
    %c0_i32_1 = arith.constant 0 : i32
    return %c0_i32, %c0_i32_0 : i32, i32
  }
  func.func @transform_5(%arg0: i32) -> (i32, i32) {
    %c0_i32 = arith.constant 0 : i32
    %c0_i32_0 = arith.constant 0 : i32
    %c0_i32_1 = arith.constant 0 : i32
    return %c0_i32, %c0_i32_0 : i32, i32
  }
  func.func @transform_6(%arg0: i32) -> (i32, i32) {
    %c0_i32 = arith.constant 0 : i32
    %c0_i32_0 = arith.constant 0 : i32
    %c0_i32_1 = arith.constant 0 : i32
    return %c0_i32, %c0_i32_0 : i32, i32
  }
  func.func @transform_7(%arg0: i32) -> (i32, i32) {
    %c0_i32 = arith.constant 0 : i32
    %c0_i32_0 = arith.constant 0 : i32
    %c0_i32_1 = arith.constant 0 : i32
    return %c0_i32, %c0_i32_0 : i32, i32
  }
  func.func @transform_8(%arg0: i32) -> (i32, i32) {
    %c0_i32 = arith.constant 0 : i32
    %c0_i32_0 = arith.constant 0 : i32
    %c0_i32_1 = arith.constant 0 : i32
    return %c0_i32, %c0_i32_0 : i32, i32
  }
  func.func @transform_9(%arg0: i32) -> (i32, i32) {
    %c0_i32 = arith.constant 0 : i32
    %c0_i32_0 = arith.constant 0 : i32
    %c0_i32_1 = arith.constant 0 : i32
    return %c0_i32, %c0_i32_0 : i32, i32
  }
  func.func @transform_10(%arg0: i32) -> (i32, i32) {
    %c0_i32 = arith.constant 0 : i32
    %c0_i32_0 = arith.constant 0 : i32
    %c0_i32_1 = arith.constant 0 : i32
    return %c0_i32, %c0_i32_0 : i32, i32
  }
  func.func @transform_11(%arg0: i32) -> (i32, i32) {
    %c0_i32 = arith.constant 0 : i32
    %c0_i32_0 = arith.constant 0 : i32
    %c0_i32_1 = arith.constant 0 : i32
    return %c0_i32, %c0_i32_0 : i32, i32
  }
  func.func @transform_12(%arg0: i32) -> (i32, i32) {
    %c0_i32 = arith.constant 0 : i32
    %c0_i32_0 = arith.constant 0 : i32
    %c0_i32_1 = arith.constant 0 : i32
    return %c0_i32, %c0_i32_0 : i32, i32
  }
  func.func @transform_13(%arg0: i32) -> (i32, i32) {
    %c0_i32 = arith.constant 0 : i32
    %c0_i32_0 = arith.constant 0 : i32
    return %arg0, %c0_i32 : i32, i32
  }
}

module attributes {stable_mosaic.version = 14 : i64} {
  func.func @_noise_body(%arg0: i32, %arg1: memref<2000x256xf32, #tpu.memory_space<vmem>>, %arg2: memref<48x48xf32, #tpu.memory_space<vmem>>, %arg3: memref<48x48xf32, #tpu.memory_space<vmem>>, %arg4: memref<128x128xf32, #tpu.memory_space<vmem>>, %arg5: memref<16x128xf32, #tpu.memory_space<vmem>>, %arg6: memref<1x128xf32, #tpu.memory_space<vmem>>, %arg7: memref<48x48xf32, #tpu.memory_space<vmem>>, %arg8: memref<48x48xf32, #tpu.memory_space<vmem>>, %arg9: memref<128x128xf32, #tpu.memory_space<vmem>>, %arg10: memref<16x128xf32, #tpu.memory_space<vmem>>, %arg11: memref<1x128xf32, #tpu.memory_space<vmem>>, %arg12: memref<48x48xf32, #tpu.memory_space<vmem>>, %arg13: memref<48x3xf32, #tpu.memory_space<vmem>>, %arg14: memref<128x64xf32, #tpu.memory_space<vmem>>, %arg15: memref<16x64xf32, #tpu.memory_space<vmem>>, %arg16: memref<1x64xf32, #tpu.memory_space<vmem>>, %arg17: memref<64x128xf32, #tpu.memory_space<vmem>>, %arg18: memref<1x128xf32, #tpu.memory_space<vmem>>, %arg19: memref<2000x128xf32, #tpu.memory_space<vmem>>, %arg20: memref<2000x3xf32, #tpu.memory_space<vmem>>) attributes {dimension_semantics = [#tpu.dimension_semantics<arbitrary>], iteration_bounds = array<i64: 5>, scalar_prefetch = 0 : i64, scratch_operands = 0 : i64, tpu.core_type = #tpu.core_type<tc>, window_params = [{transform_indices = @transform_0, window_bounds = array<i64: 2000, 256>}, {pipeline_mode = #tpu.pipeline_mode<synchronous>, transform_indices = @transform_1, window_bounds = array<i64: 48, 48>}, {pipeline_mode = #tpu.pipeline_mode<synchronous>, transform_indices = @transform_2, window_bounds = array<i64: 48, 48>}, {pipeline_mode = #tpu.pipeline_mode<synchronous>, transform_indices = @transform_3, window_bounds = array<i64: 128, 128>}, {pipeline_mode = #tpu.pipeline_mode<synchronous>, transform_indices = @transform_4, window_bounds = array<i64: 16, 128>}, {pipeline_mode = #tpu.pipeline_mode<synchronous>, transform_indices = @transform_5, window_bounds = array<i64: 1, 128>}, {pipeline_mode = #tpu.pipeline_mode<synchronous>, transform_indices = @transform_6, window_bounds = array<i64: 48, 48>}, {pipeline_mode = #tpu.pipeline_mode<synchronous>, transform_indices = @transform_7, window_bounds = array<i64: 48, 48>}, {pipeline_mode = #tpu.pipeline_mode<synchronous>, transform_indices = @transform_8, window_bounds = array<i64: 128, 128>}, {pipeline_mode = #tpu.pipeline_mode<synchronous>, transform_indices = @transform_9, window_bounds = array<i64: 16, 128>}, {pipeline_mode = #tpu.pipeline_mode<synchronous>, transform_indices = @transform_10, window_bounds = array<i64: 1, 128>}, {pipeline_mode = #tpu.pipeline_mode<synchronous>, transform_indices = @transform_11, window_bounds = array<i64: 48, 48>}, {pipeline_mode = #tpu.pipeline_mode<synchronous>, transform_indices = @transform_12, window_bounds = array<i64: 48, 3>}, {pipeline_mode = #tpu.pipeline_mode<synchronous>, transform_indices = @transform_13, window_bounds = array<i64: 128, 64>}, {pipeline_mode = #tpu.pipeline_mode<synchronous>, transform_indices = @transform_14, window_bounds = array<i64: 16, 64>}, {pipeline_mode = #tpu.pipeline_mode<synchronous>, transform_indices = @transform_15, window_bounds = array<i64: 1, 64>}, {pipeline_mode = #tpu.pipeline_mode<synchronous>, transform_indices = @transform_16, window_bounds = array<i64: 64, 128>}, {pipeline_mode = #tpu.pipeline_mode<synchronous>, transform_indices = @transform_17, window_bounds = array<i64: 1, 128>}, {transform_indices = @transform_18, window_bounds = array<i64: 2000, 128>}, {transform_indices = @transform_19, window_bounds = array<i64: 2000, 3>}]} {
    %get3A = arith.constant 0 : index
    %get3A_0 = arith.constant 0 : index
    %get3A_1 = vector.load %arg2[%get3A, %get3A_0] : memref<48x48xf32, #tpu.memory_space<vmem>>, vector<48x48xf32>
    %get3A_2 = arith.constant 0 : index
    %get3A_3 = arith.constant 0 : index
    %get3A_4 = vector.load %arg3[%get3A_2, %get3A_3] : memref<48x48xf32, #tpu.memory_space<vmem>>, vector<48x48xf32>
    %get3A_5 = arith.constant 0 : index
    %get3A_6 = arith.constant 0 : index
    %get3A_7 = vector.load %arg4[%get3A_5, %get3A_6] : memref<128x128xf32, #tpu.memory_space<vmem>>, vector<128x128xf32>
    %get3A_8 = arith.constant 0 : index
    %get3A_9 = arith.constant 0 : index
    %get3A_10 = vector.load %arg5[%get3A_8, %get3A_9] : memref<16x128xf32, #tpu.memory_space<vmem>>, vector<16x128xf32>
    %get3A_11 = arith.constant 0 : index
    %get3A_12 = arith.constant 0 : index
    %get3A_13 = vector.load %arg6[%get3A_11, %get3A_12] : memref<1x128xf32, #tpu.memory_space<vmem>>, vector<1x128xf32>
    %get3A_14 = arith.constant 0 : index
    %get3A_15 = arith.constant 0 : index
    %get3A_16 = vector.load %arg7[%get3A_14, %get3A_15] : memref<48x48xf32, #tpu.memory_space<vmem>>, vector<48x48xf32>
    %get3A_17 = arith.constant 0 : index
    %get3A_18 = arith.constant 0 : index
    %get3A_19 = vector.load %arg8[%get3A_17, %get3A_18] : memref<48x48xf32, #tpu.memory_space<vmem>>, vector<48x48xf32>
    %get3A_20 = arith.constant 0 : index
    %get3A_21 = arith.constant 0 : index
    %get3A_22 = vector.load %arg9[%get3A_20, %get3A_21] : memref<128x128xf32, #tpu.memory_space<vmem>>, vector<128x128xf32>
    %get3A_23 = arith.constant 0 : index
    %get3A_24 = arith.constant 0 : index
    %get3A_25 = vector.load %arg10[%get3A_23, %get3A_24] : memref<16x128xf32, #tpu.memory_space<vmem>>, vector<16x128xf32>
    %get3A_26 = arith.constant 0 : index
    %get3A_27 = arith.constant 0 : index
    %get3A_28 = vector.load %arg11[%get3A_26, %get3A_27] : memref<1x128xf32, #tpu.memory_space<vmem>>, vector<1x128xf32>
    %get3A_29 = arith.constant 0 : index
    %get3A_30 = arith.constant 0 : index
    %get3A_31 = vector.load %arg12[%get3A_29, %get3A_30] : memref<48x48xf32, #tpu.memory_space<vmem>>, vector<48x48xf32>
    %get3A_32 = arith.constant 0 : index
    %get3A_33 = arith.constant 0 : index
    %get3A_34 = vector.load %arg13[%get3A_32, %get3A_33] : memref<48x3xf32, #tpu.memory_space<vmem>>, vector<48x3xf32>
    %get3A_35 = arith.constant 0 : index
    %get3A_36 = arith.constant 0 : index
    %get3A_37 = vector.load %arg14[%get3A_35, %get3A_36] : memref<128x64xf32, #tpu.memory_space<vmem>>, vector<128x64xf32>
    %get3A_38 = arith.constant 0 : index
    %get3A_39 = arith.constant 0 : index
    %get3A_40 = vector.load %arg15[%get3A_38, %get3A_39] : memref<16x64xf32, #tpu.memory_space<vmem>>, vector<16x64xf32>
    %get3A_41 = arith.constant 0 : index
    %get3A_42 = arith.constant 0 : index
    %get3A_43 = vector.load %arg16[%get3A_41, %get3A_42] : memref<1x64xf32, #tpu.memory_space<vmem>>, vector<1x64xf32>
    %get3A_44 = arith.constant 0 : index
    %get3A_45 = arith.constant 0 : index
    %get3A_46 = vector.load %arg17[%get3A_44, %get3A_45] : memref<64x128xf32, #tpu.memory_space<vmem>>, vector<64x128xf32>
    %get3A_47 = arith.constant 0 : index
    %get3A_48 = arith.constant 0 : index
    %get3A_49 = vector.load %arg18[%get3A_47, %get3A_48] : memref<1x128xf32, #tpu.memory_space<vmem>>, vector<1x128xf32>
    %get3A_50 = arith.constant 0 : index
    %get3A_51 = arith.constant 0 : index
    %get3A_52 = vector.load %arg1[%get3A_50, %get3A_51] : memref<2000x256xf32, #tpu.memory_space<vmem>>, vector<2000x256xf32>
    %slice3A = vector.extract_strided_slice %get3A_52 {offsets = [0, 0], sizes = [2000, 128], strides = [1, 1]} : vector<2000x256xf32> to vector<2000x128xf32>
    %slice3A_53 = vector.extract_strided_slice %get3A_52 {offsets = [0, 128], sizes = [2000, 48], strides = [1, 1]} : vector<2000x256xf32> to vector<2000x48xf32>
    %dot_general3A = arith.constant dense<0.000000e+00> : vector<2000x48xf32>
    %dot_general3A_54 = tpu.matmul %slice3A_53, %get3A_1, %dot_general3A {dimension_numbers = #tpu.dot_dimension_numbers<[1], [0], [0], [1], [0, 0, 1, 1], [], []>, transpose_lhs_hint = false} : vector<2000x48xf32>, vector<48x48xf32>, vector<2000x48xf32> -> vector<2000x48xf32>
    %dot_general3A_55 = arith.constant dense<0.000000e+00> : vector<2000x48xf32>
    %dot_general3A_56 = tpu.matmul %dot_general3A_54, %get3A_4, %dot_general3A_55 {dimension_numbers = #tpu.dot_dimension_numbers<[1], [0], [0], [1], [0, 0, 1, 1], [], []>, transpose_lhs_hint = false} : vector<2000x48xf32>, vector<48x48xf32>, vector<2000x48xf32> -> vector<2000x48xf32>
    %slice3A_57 = vector.extract_strided_slice %dot_general3A_54 {offsets = [0, 0], sizes = [2000, 16], strides = [1, 1]} : vector<2000x48xf32> to vector<2000x16xf32>
    %integer_pow3A = arith.mulf %slice3A_57, %slice3A_57 : vector<2000x16xf32>
    %slice3A_58 = vector.extract_strided_slice %dot_general3A_54 {offsets = [0, 16], sizes = [2000, 16], strides = [1, 1]} : vector<2000x48xf32> to vector<2000x16xf32>
    %integer_pow3A_59 = arith.mulf %slice3A_58, %slice3A_58 : vector<2000x16xf32>
    %add3A = arith.addf %integer_pow3A, %integer_pow3A_59 : vector<2000x16xf32>
    %slice3A_60 = vector.extract_strided_slice %dot_general3A_54 {offsets = [0, 32], sizes = [2000, 16], strides = [1, 1]} : vector<2000x48xf32> to vector<2000x16xf32>
    %integer_pow3A_61 = arith.mulf %slice3A_60, %slice3A_60 : vector<2000x16xf32>
    %add3A_62 = arith.addf %add3A, %integer_pow3A_61 : vector<2000x16xf32>
    %add3A_63 = arith.constant 9.99999993E-9 : f32
    %add3A_64 = vector.broadcast %add3A_63 : f32 to vector<2000x16xf32>
    %add3A_65 = arith.addf %add3A_62, %add3A_64 : vector<2000x16xf32>
    %sqrt3A = math.sqrt %add3A_65 : vector<2000x16xf32>
    %dot_general3A_66 = arith.constant dense<0.000000e+00> : vector<2000x128xf32>
    %dot_general3A_67 = tpu.matmul %slice3A, %get3A_7, %dot_general3A_66 {dimension_numbers = #tpu.dot_dimension_numbers<[1], [0], [0], [1], [0, 0, 1, 1], [], []>, transpose_lhs_hint = false} : vector<2000x128xf32>, vector<128x128xf32>, vector<2000x128xf32> -> vector<2000x128xf32>
    %dot_general3A_68 = arith.constant dense<0.000000e+00> : vector<2000x128xf32>
    %dot_general3A_69 = tpu.matmul %sqrt3A, %get3A_10, %dot_general3A_68 {dimension_numbers = #tpu.dot_dimension_numbers<[1], [0], [0], [1], [0, 0, 1, 1], [], []>, transpose_lhs_hint = false} : vector<2000x16xf32>, vector<16x128xf32>, vector<2000x128xf32> -> vector<2000x128xf32>
    %add3A_70 = arith.addf %dot_general3A_67, %dot_general3A_69 : vector<2000x128xf32>
    %add3A_71 = vector.broadcast %get3A_13 : vector<1x128xf32> to vector<2000x128xf32>
    %add3A_72 = arith.addf %add3A_70, %add3A_71 : vector<2000x128xf32>
    %logistic3A = arith.negf %add3A_72 : vector<2000x128xf32>
    %logistic3A_73 = math.exp %logistic3A : vector<2000x128xf32>
    %logistic3A_74 = arith.constant 1.000000e+00 : f32
    %logistic3A_75 = vector.broadcast %logistic3A_74 : f32 to vector<2000x128xf32>
    %logistic3A_76 = arith.addf %logistic3A_75, %logistic3A_73 : vector<2000x128xf32>
    %logistic3A_77 = arith.divf %logistic3A_75, %logistic3A_76 : vector<2000x128xf32>
    %mul3A = arith.mulf %add3A_72, %logistic3A_77 : vector<2000x128xf32>
    %slice3A_78 = vector.extract_strided_slice %dot_general3A_56 {offsets = [0, 0], sizes = [2000, 16], strides = [1, 1]} : vector<2000x48xf32> to vector<2000x16xf32>
    %integer_pow3A_79 = arith.mulf %slice3A_78, %slice3A_78 : vector<2000x16xf32>
    %slice3A_80 = vector.extract_strided_slice %dot_general3A_56 {offsets = [0, 16], sizes = [2000, 16], strides = [1, 1]} : vector<2000x48xf32> to vector<2000x16xf32>
    %integer_pow3A_81 = arith.mulf %slice3A_80, %slice3A_80 : vector<2000x16xf32>
    %add3A_82 = arith.addf %integer_pow3A_79, %integer_pow3A_81 : vector<2000x16xf32>
    %slice3A_83 = vector.extract_strided_slice %dot_general3A_56 {offsets = [0, 32], sizes = [2000, 16], strides = [1, 1]} : vector<2000x48xf32> to vector<2000x16xf32>
    %integer_pow3A_84 = arith.mulf %slice3A_83, %slice3A_83 : vector<2000x16xf32>
    %add3A_85 = arith.addf %add3A_82, %integer_pow3A_84 : vector<2000x16xf32>
    %add3A_86 = arith.constant 9.99999993E-9 : f32
    %add3A_87 = vector.broadcast %add3A_86 : f32 to vector<2000x16xf32>
    %add3A_88 = arith.addf %add3A_85, %add3A_87 : vector<2000x16xf32>
    %sqrt3A_89 = math.sqrt %add3A_88 : vector<2000x16xf32>
    %logistic3A_90 = arith.negf %sqrt3A_89 : vector<2000x16xf32>
    %logistic3A_91 = math.exp %logistic3A_90 : vector<2000x16xf32>
    %logistic3A_92 = arith.constant 1.000000e+00 : f32
    %logistic3A_93 = vector.broadcast %logistic3A_92 : f32 to vector<2000x16xf32>
    %logistic3A_94 = arith.addf %logistic3A_93, %logistic3A_91 : vector<2000x16xf32>
    %logistic3A_95 = arith.divf %logistic3A_93, %logistic3A_94 : vector<2000x16xf32>
    %slice3A_96 = vector.extract_strided_slice %dot_general3A_56 {offsets = [0, 0], sizes = [2000, 16], strides = [1, 1]} : vector<2000x48xf32> to vector<2000x16xf32>
    %mul3A_97 = arith.mulf %logistic3A_95, %slice3A_96 : vector<2000x16xf32>
    %slice3A_98 = vector.extract_strided_slice %dot_general3A_56 {offsets = [0, 16], sizes = [2000, 16], strides = [1, 1]} : vector<2000x48xf32> to vector<2000x16xf32>
    %mul3A_99 = arith.mulf %logistic3A_95, %slice3A_98 : vector<2000x16xf32>
    %slice3A_100 = vector.extract_strided_slice %dot_general3A_56 {offsets = [0, 32], sizes = [2000, 16], strides = [1, 1]} : vector<2000x48xf32> to vector<2000x16xf32>
    %mul3A_101 = arith.mulf %logistic3A_95, %slice3A_100 : vector<2000x16xf32>
    %concatenate3A = tpu.concatenate %mul3A_97, %mul3A_99, %mul3A_101 in 1 : vector<2000x16xf32>, vector<2000x16xf32>, vector<2000x16xf32> -> vector<2000x48xf32>
    %dot_general3A_102 = arith.constant dense<0.000000e+00> : vector<2000x48xf32>
    %dot_general3A_103 = tpu.matmul %concatenate3A, %get3A_16, %dot_general3A_102 {dimension_numbers = #tpu.dot_dimension_numbers<[1], [0], [0], [1], [0, 0, 1, 1], [], []>, transpose_lhs_hint = false} : vector<2000x48xf32>, vector<48x48xf32>, vector<2000x48xf32> -> vector<2000x48xf32>
    %dot_general3A_104 = arith.constant dense<0.000000e+00> : vector<2000x48xf32>
    %dot_general3A_105 = tpu.matmul %dot_general3A_103, %get3A_19, %dot_general3A_104 {dimension_numbers = #tpu.dot_dimension_numbers<[1], [0], [0], [1], [0, 0, 1, 1], [], []>, transpose_lhs_hint = false} : vector<2000x48xf32>, vector<48x48xf32>, vector<2000x48xf32> -> vector<2000x48xf32>
    %slice3A_106 = vector.extract_strided_slice %dot_general3A_103 {offsets = [0, 0], sizes = [2000, 16], strides = [1, 1]} : vector<2000x48xf32> to vector<2000x16xf32>
    %integer_pow3A_107 = arith.mulf %slice3A_106, %slice3A_106 : vector<2000x16xf32>
    %slice3A_108 = vector.extract_strided_slice %dot_general3A_103 {offsets = [0, 16], sizes = [2000, 16], strides = [1, 1]} : vector<2000x48xf32> to vector<2000x16xf32>
    %integer_pow3A_109 = arith.mulf %slice3A_108, %slice3A_108 : vector<2000x16xf32>
    %add3A_110 = arith.addf %integer_pow3A_107, %integer_pow3A_109 : vector<2000x16xf32>
    %slice3A_111 = vector.extract_strided_slice %dot_general3A_103 {offsets = [0, 32], sizes = [2000, 16], strides = [1, 1]} : vector<2000x48xf32> to vector<2000x16xf32>
    %integer_pow3A_112 = arith.mulf %slice3A_111, %slice3A_111 : vector<2000x16xf32>
    %add3A_113 = arith.addf %add3A_110, %integer_pow3A_112 : vector<2000x16xf32>
    %add3A_114 = arith.constant 9.99999993E-9 : f32
    %add3A_115 = vector.broadcast %add3A_114 : f32 to vector<2000x16xf32>
    %add3A_116 = arith.addf %add3A_113, %add3A_115 : vector<2000x16xf32>
    %sqrt3A_117 = math.sqrt %add3A_116 : vector<2000x16xf32>
    %dot_general3A_118 = arith.constant dense<0.000000e+00> : vector<2000x128xf32>
    %dot_general3A_119 = tpu.matmul %mul3A, %get3A_22, %dot_general3A_118 {dimension_numbers = #tpu.dot_dimension_numbers<[1], [0], [0], [1], [0, 0, 1, 1], [], []>, transpose_lhs_hint = false} : vector<2000x128xf32>, vector<128x128xf32>, vector<2000x128xf32> -> vector<2000x128xf32>
    %dot_general3A_120 = arith.constant dense<0.000000e+00> : vector<2000x128xf32>
    %dot_general3A_121 = tpu.matmul %sqrt3A_117, %get3A_25, %dot_general3A_120 {dimension_numbers = #tpu.dot_dimension_numbers<[1], [0], [0], [1], [0, 0, 1, 1], [], []>, transpose_lhs_hint = false} : vector<2000x16xf32>, vector<16x128xf32>, vector<2000x128xf32> -> vector<2000x128xf32>
    %add3A_122 = arith.addf %dot_general3A_119, %dot_general3A_121 : vector<2000x128xf32>
    %add3A_123 = vector.broadcast %get3A_28 : vector<1x128xf32> to vector<2000x128xf32>
    %add3A_124 = arith.addf %add3A_122, %add3A_123 : vector<2000x128xf32>
    %logistic3A_125 = arith.negf %add3A_124 : vector<2000x128xf32>
    %logistic3A_126 = math.exp %logistic3A_125 : vector<2000x128xf32>
    %logistic3A_127 = arith.constant 1.000000e+00 : f32
    %logistic3A_128 = vector.broadcast %logistic3A_127 : f32 to vector<2000x128xf32>
    %logistic3A_129 = arith.addf %logistic3A_128, %logistic3A_126 : vector<2000x128xf32>
    %logistic3A_130 = arith.divf %logistic3A_128, %logistic3A_129 : vector<2000x128xf32>
    %mul3A_131 = arith.mulf %add3A_124, %logistic3A_130 : vector<2000x128xf32>
    %slice3A_132 = vector.extract_strided_slice %dot_general3A_105 {offsets = [0, 0], sizes = [2000, 16], strides = [1, 1]} : vector<2000x48xf32> to vector<2000x16xf32>
    %integer_pow3A_133 = arith.mulf %slice3A_132, %slice3A_132 : vector<2000x16xf32>
    %slice3A_134 = vector.extract_strided_slice %dot_general3A_105 {offsets = [0, 16], sizes = [2000, 16], strides = [1, 1]} : vector<2000x48xf32> to vector<2000x16xf32>
    %integer_pow3A_135 = arith.mulf %slice3A_134, %slice3A_134 : vector<2000x16xf32>
    %add3A_136 = arith.addf %integer_pow3A_133, %integer_pow3A_135 : vector<2000x16xf32>
    %slice3A_137 = vector.extract_strided_slice %dot_general3A_105 {offsets = [0, 32], sizes = [2000, 16], strides = [1, 1]} : vector<2000x48xf32> to vector<2000x16xf32>
    %integer_pow3A_138 = arith.mulf %slice3A_137, %slice3A_137 : vector<2000x16xf32>
    %add3A_139 = arith.addf %add3A_136, %integer_pow3A_138 : vector<2000x16xf32>
    %add3A_140 = arith.constant 9.99999993E-9 : f32
    %add3A_141 = vector.broadcast %add3A_140 : f32 to vector<2000x16xf32>
    %add3A_142 = arith.addf %add3A_139, %add3A_141 : vector<2000x16xf32>
    %sqrt3A_143 = math.sqrt %add3A_142 : vector<2000x16xf32>
    %logistic3A_144 = arith.negf %sqrt3A_143 : vector<2000x16xf32>
    %logistic3A_145 = math.exp %logistic3A_144 : vector<2000x16xf32>
    %logistic3A_146 = arith.constant 1.000000e+00 : f32
    %logistic3A_147 = vector.broadcast %logistic3A_146 : f32 to vector<2000x16xf32>
    %logistic3A_148 = arith.addf %logistic3A_147, %logistic3A_145 : vector<2000x16xf32>
    %logistic3A_149 = arith.divf %logistic3A_147, %logistic3A_148 : vector<2000x16xf32>
    %slice3A_150 = vector.extract_strided_slice %dot_general3A_105 {offsets = [0, 0], sizes = [2000, 16], strides = [1, 1]} : vector<2000x48xf32> to vector<2000x16xf32>
    %mul3A_151 = arith.mulf %logistic3A_149, %slice3A_150 : vector<2000x16xf32>
    %slice3A_152 = vector.extract_strided_slice %dot_general3A_105 {offsets = [0, 16], sizes = [2000, 16], strides = [1, 1]} : vector<2000x48xf32> to vector<2000x16xf32>
    %mul3A_153 = arith.mulf %logistic3A_149, %slice3A_152 : vector<2000x16xf32>
    %slice3A_154 = vector.extract_strided_slice %dot_general3A_105 {offsets = [0, 32], sizes = [2000, 16], strides = [1, 1]} : vector<2000x48xf32> to vector<2000x16xf32>
    %mul3A_155 = arith.mulf %logistic3A_149, %slice3A_154 : vector<2000x16xf32>
    %concatenate3A_156 = tpu.concatenate %mul3A_151, %mul3A_153, %mul3A_155 in 1 : vector<2000x16xf32>, vector<2000x16xf32>, vector<2000x16xf32> -> vector<2000x48xf32>
    %dot_general3A_157 = arith.constant dense<0.000000e+00> : vector<2000x48xf32>
    %dot_general3A_158 = tpu.matmul %concatenate3A_156, %get3A_31, %dot_general3A_157 {dimension_numbers = #tpu.dot_dimension_numbers<[1], [0], [0], [1], [0, 0, 1, 1], [], []>, transpose_lhs_hint = false} : vector<2000x48xf32>, vector<48x48xf32>, vector<2000x48xf32> -> vector<2000x48xf32>
    %dot_general3A_159 = arith.constant dense<0.000000e+00> : vector<2000x3xf32>
    %dot_general3A_160 = tpu.matmul %dot_general3A_158, %get3A_34, %dot_general3A_159 {dimension_numbers = #tpu.dot_dimension_numbers<[1], [0], [0], [1], [0, 0, 1, 1], [], []>, transpose_lhs_hint = false} : vector<2000x48xf32>, vector<48x3xf32>, vector<2000x3xf32> -> vector<2000x3xf32>
    %slice3A_161 = vector.extract_strided_slice %dot_general3A_158 {offsets = [0, 0], sizes = [2000, 16], strides = [1, 1]} : vector<2000x48xf32> to vector<2000x16xf32>
    %integer_pow3A_162 = arith.mulf %slice3A_161, %slice3A_161 : vector<2000x16xf32>
    %slice3A_163 = vector.extract_strided_slice %dot_general3A_158 {offsets = [0, 16], sizes = [2000, 16], strides = [1, 1]} : vector<2000x48xf32> to vector<2000x16xf32>
    %integer_pow3A_164 = arith.mulf %slice3A_163, %slice3A_163 : vector<2000x16xf32>
    %add3A_165 = arith.addf %integer_pow3A_162, %integer_pow3A_164 : vector<2000x16xf32>
    %slice3A_166 = vector.extract_strided_slice %dot_general3A_158 {offsets = [0, 32], sizes = [2000, 16], strides = [1, 1]} : vector<2000x48xf32> to vector<2000x16xf32>
    %integer_pow3A_167 = arith.mulf %slice3A_166, %slice3A_166 : vector<2000x16xf32>
    %add3A_168 = arith.addf %add3A_165, %integer_pow3A_167 : vector<2000x16xf32>
    %add3A_169 = arith.constant 9.99999993E-9 : f32
    %add3A_170 = vector.broadcast %add3A_169 : f32 to vector<2000x16xf32>
    %add3A_171 = arith.addf %add3A_168, %add3A_170 : vector<2000x16xf32>
    %sqrt3A_172 = math.sqrt %add3A_171 : vector<2000x16xf32>
    %dot_general3A_173 = arith.constant dense<0.000000e+00> : vector<2000x64xf32>
    %dot_general3A_174 = tpu.matmul %mul3A_131, %get3A_37, %dot_general3A_173 {dimension_numbers = #tpu.dot_dimension_numbers<[1], [0], [0], [1], [0, 0, 1, 1], [], []>, transpose_lhs_hint = false} : vector<2000x128xf32>, vector<128x64xf32>, vector<2000x64xf32> -> vector<2000x64xf32>
    %dot_general3A_175 = arith.constant dense<0.000000e+00> : vector<2000x64xf32>
    %dot_general3A_176 = tpu.matmul %sqrt3A_172, %get3A_40, %dot_general3A_175 {dimension_numbers = #tpu.dot_dimension_numbers<[1], [0], [0], [1], [0, 0, 1, 1], [], []>, transpose_lhs_hint = false} : vector<2000x16xf32>, vector<16x64xf32>, vector<2000x64xf32> -> vector<2000x64xf32>
    %add3A_177 = arith.addf %dot_general3A_174, %dot_general3A_176 : vector<2000x64xf32>
    %add3A_178 = vector.broadcast %get3A_43 : vector<1x64xf32> to vector<2000x64xf32>
    %add3A_179 = arith.addf %add3A_177, %add3A_178 : vector<2000x64xf32>
    %logistic3A_180 = arith.negf %add3A_179 : vector<2000x64xf32>
    %logistic3A_181 = math.exp %logistic3A_180 : vector<2000x64xf32>
    %logistic3A_182 = arith.constant 1.000000e+00 : f32
    %logistic3A_183 = vector.broadcast %logistic3A_182 : f32 to vector<2000x64xf32>
    %logistic3A_184 = arith.addf %logistic3A_183, %logistic3A_181 : vector<2000x64xf32>
    %logistic3A_185 = arith.divf %logistic3A_183, %logistic3A_184 : vector<2000x64xf32>
    %mul3A_186 = arith.mulf %add3A_179, %logistic3A_185 : vector<2000x64xf32>
    %slice3A_187 = vector.extract_strided_slice %dot_general3A_160 {offsets = [0, 0], sizes = [2000, 1], strides = [1, 1]} : vector<2000x3xf32> to vector<2000x1xf32>
    %integer_pow3A_188 = arith.mulf %slice3A_187, %slice3A_187 : vector<2000x1xf32>
    %slice3A_189 = vector.extract_strided_slice %dot_general3A_160 {offsets = [0, 1], sizes = [2000, 1], strides = [1, 1]} : vector<2000x3xf32> to vector<2000x1xf32>
    %integer_pow3A_190 = arith.mulf %slice3A_189, %slice3A_189 : vector<2000x1xf32>
    %add3A_191 = arith.addf %integer_pow3A_188, %integer_pow3A_190 : vector<2000x1xf32>
    %slice3A_192 = vector.extract_strided_slice %dot_general3A_160 {offsets = [0, 2], sizes = [2000, 1], strides = [1, 1]} : vector<2000x3xf32> to vector<2000x1xf32>
    %integer_pow3A_193 = arith.mulf %slice3A_192, %slice3A_192 : vector<2000x1xf32>
    %add3A_194 = arith.addf %add3A_191, %integer_pow3A_193 : vector<2000x1xf32>
    %add3A_195 = arith.constant 9.99999993E-9 : f32
    %add3A_196 = vector.broadcast %add3A_195 : f32 to vector<2000x1xf32>
    %add3A_197 = arith.addf %add3A_194, %add3A_196 : vector<2000x1xf32>
    %sqrt3A_198 = math.sqrt %add3A_197 : vector<2000x1xf32>
    %slice3A_199 = vector.extract_strided_slice %dot_general3A_160 {offsets = [0, 0], sizes = [2000, 1], strides = [1, 1]} : vector<2000x3xf32> to vector<2000x1xf32>
    %mul3A_200 = arith.mulf %sqrt3A_198, %slice3A_199 : vector<2000x1xf32>
    %slice3A_201 = vector.extract_strided_slice %dot_general3A_160 {offsets = [0, 1], sizes = [2000, 1], strides = [1, 1]} : vector<2000x3xf32> to vector<2000x1xf32>
    %mul3A_202 = arith.mulf %sqrt3A_198, %slice3A_201 : vector<2000x1xf32>
    %slice3A_203 = vector.extract_strided_slice %dot_general3A_160 {offsets = [0, 2], sizes = [2000, 1], strides = [1, 1]} : vector<2000x3xf32> to vector<2000x1xf32>
    %mul3A_204 = arith.mulf %sqrt3A_198, %slice3A_203 : vector<2000x1xf32>
    %concatenate3A_205 = tpu.concatenate %mul3A_200, %mul3A_202, %mul3A_204 in 1 : vector<2000x1xf32>, vector<2000x1xf32>, vector<2000x1xf32> -> vector<2000x3xf32>
    %dot_general3A_206 = arith.constant dense<0.000000e+00> : vector<2000x128xf32>
    %dot_general3A_207 = tpu.matmul %mul3A_186, %get3A_46, %dot_general3A_206 {dimension_numbers = #tpu.dot_dimension_numbers<[1], [0], [0], [1], [0, 0, 1, 1], [], []>, transpose_lhs_hint = false} : vector<2000x64xf32>, vector<64x128xf32>, vector<2000x128xf32> -> vector<2000x128xf32>
    %add3A_208 = vector.broadcast %get3A_49 : vector<1x128xf32> to vector<2000x128xf32>
    %add3A_209 = arith.addf %dot_general3A_207, %add3A_208 : vector<2000x128xf32>
    %swap3A = arith.constant 0 : index
    %swap3A_210 = arith.constant 0 : index
    %swap3A_211 = vector.load %arg19[%swap3A, %swap3A_210] : memref<2000x128xf32, #tpu.memory_space<vmem>>, vector<2000x128xf32>
    tpu.vector_store %arg19[%swap3A, %swap3A_210], %add3A_209 {strides = array<i32>} : memref<2000x128xf32, #tpu.memory_space<vmem>>, vector<2000x128xf32>,
    %swap3A_212 = arith.constant 0 : index
    %swap3A_213 = arith.constant 0 : index
    %swap3A_214 = vector.load %arg20[%swap3A_212, %swap3A_213] : memref<2000x3xf32, #tpu.memory_space<vmem>>, vector<2000x3xf32>
    tpu.vector_store %arg20[%swap3A_212, %swap3A_213], %concatenate3A_205 {strides = array<i32>} : memref<2000x3xf32, #tpu.memory_space<vmem>>, vector<2000x3xf32>,
    return
  }
  func.func @transform_0(%arg0: i32) -> (i32, i32) {
    %c0_i32 = arith.constant 0 : i32
    %c0_i32_0 = arith.constant 0 : i32
    return %arg0, %c0_i32 : i32, i32
  }
  func.func @transform_1(%arg0: i32) -> (i32, i32) {
    %c0_i32 = arith.constant 0 : i32
    %c0_i32_0 = arith.constant 0 : i32
    %c0_i32_1 = arith.constant 0 : i32
    return %c0_i32, %c0_i32_0 : i32, i32
  }
  func.func @transform_2(%arg0: i32) -> (i32, i32) {
    %c0_i32 = arith.constant 0 : i32
    %c0_i32_0 = arith.constant 0 : i32
    %c0_i32_1 = arith.constant 0 : i32
    return %c0_i32, %c0_i32_0 : i32, i32
  }
  func.func @transform_3(%arg0: i32) -> (i32, i32) {
    %c0_i32 = arith.constant 0 : i32
    %c0_i32_0 = arith.constant 0 : i32
    %c0_i32_1 = arith.constant 0 : i32
    return %c0_i32, %c0_i32_0 : i32, i32
  }
  func.func @transform_4(%arg0: i32) -> (i32, i32) {
    %c0_i32 = arith.constant 0 : i32
    %c0_i32_0 = arith.constant 0 : i32
    %c0_i32_1 = arith.constant 0 : i32
    return %c0_i32, %c0_i32_0 : i32, i32
  }
  func.func @transform_5(%arg0: i32) -> (i32, i32) {
    %c0_i32 = arith.constant 0 : i32
    %c0_i32_0 = arith.constant 0 : i32
    %c0_i32_1 = arith.constant 0 : i32
    return %c0_i32, %c0_i32_0 : i32, i32
  }
  func.func @transform_6(%arg0: i32) -> (i32, i32) {
    %c0_i32 = arith.constant 0 : i32
    %c0_i32_0 = arith.constant 0 : i32
    %c0_i32_1 = arith.constant 0 : i32
    return %c0_i32, %c0_i32_0 : i32, i32
  }
  func.func @transform_7(%arg0: i32) -> (i32, i32) {
    %c0_i32 = arith.constant 0 : i32
    %c0_i32_0 = arith.constant 0 : i32
    %c0_i32_1 = arith.constant 0 : i32
    return %c0_i32, %c0_i32_0 : i32, i32
  }
  func.func @transform_8(%arg0: i32) -> (i32, i32) {
    %c0_i32 = arith.constant 0 : i32
    %c0_i32_0 = arith.constant 0 : i32
    %c0_i32_1 = arith.constant 0 : i32
    return %c0_i32, %c0_i32_0 : i32, i32
  }
  func.func @transform_9(%arg0: i32) -> (i32, i32) {
    %c0_i32 = arith.constant 0 : i32
    %c0_i32_0 = arith.constant 0 : i32
    %c0_i32_1 = arith.constant 0 : i32
    return %c0_i32, %c0_i32_0 : i32, i32
  }
  func.func @transform_10(%arg0: i32) -> (i32, i32) {
    %c0_i32 = arith.constant 0 : i32
    %c0_i32_0 = arith.constant 0 : i32
    %c0_i32_1 = arith.constant 0 : i32
    return %c0_i32, %c0_i32_0 : i32, i32
  }
  func.func @transform_11(%arg0: i32) -> (i32, i32) {
    %c0_i32 = arith.constant 0 : i32
    %c0_i32_0 = arith.constant 0 : i32
    %c0_i32_1 = arith.constant 0 : i32
    return %c0_i32, %c0_i32_0 : i32, i32
  }
  func.func @transform_12(%arg0: i32) -> (i32, i32) {
    %c0_i32 = arith.constant 0 : i32
    %c0_i32_0 = arith.constant 0 : i32
    %c0_i32_1 = arith.constant 0 : i32
    return %c0_i32, %c0_i32_0 : i32, i32
  }
  func.func @transform_13(%arg0: i32) -> (i32, i32) {
    %c0_i32 = arith.constant 0 : i32
    %c0_i32_0 = arith.constant 0 : i32
    %c0_i32_1 = arith.constant 0 : i32
    return %c0_i32, %c0_i32_0 : i32, i32
  }
  func.func @transform_14(%arg0: i32) -> (i32, i32) {
    %c0_i32 = arith.constant 0 : i32
    %c0_i32_0 = arith.constant 0 : i32
    %c0_i32_1 = arith.constant 0 : i32
    return %c0_i32, %c0_i32_0 : i32, i32
  }
  func.func @transform_15(%arg0: i32) -> (i32, i32) {
    %c0_i32 = arith.constant 0 : i32
    %c0_i32_0 = arith.constant 0 : i32
    %c0_i32_1 = arith.constant 0 : i32
    return %c0_i32, %c0_i32_0 : i32, i32
  }
  func.func @transform_16(%arg0: i32) -> (i32, i32) {
    %c0_i32 = arith.constant 0 : i32
    %c0_i32_0 = arith.constant 0 : i32
    %c0_i32_1 = arith.constant 0 : i32
    return %c0_i32, %c0_i32_0 : i32, i32
  }
  func.func @transform_17(%arg0: i32) -> (i32, i32) {
    %c0_i32 = arith.constant 0 : i32
    %c0_i32_0 = arith.constant 0 : i32
    %c0_i32_1 = arith.constant 0 : i32
    return %c0_i32, %c0_i32_0 : i32, i32
  }
  func.func @transform_18(%arg0: i32) -> (i32, i32) {
    %c0_i32 = arith.constant 0 : i32
    %c0_i32_0 = arith.constant 0 : i32
    return %arg0, %c0_i32 : i32, i32
  }
  func.func @transform_19(%arg0: i32) -> (i32, i32) {
    %c0_i32 = arith.constant 0 : i32
    %c0_i32_0 = arith.constant 0 : i32
    return %arg0, %c0_i32 : i32, i32
  }
}

</mosaic_0001>

<sc_bundles>
// kernel: kernel.16.cloned.1.call-start
scs
__scs_entry_jumppad:
0x0: {  	(pc) =	sbr.rel $0x88, $3  }
0x1: {  	(tag) =	ssettag $0x0;
	lr =	simm.s32 $0x1  }
0x2: {  	[smem:$0x3F4B] =	sst lr;
	_ =	strace $0xD0000000  }
0x3: {  	_ = 	snop  }
0x4: {  	_ = 	snop  }
0x5: {  	_ = 	snop  }
0x6: {  	_ = 	snop  }
0x7: {  	_ = 	snop  }
__scs_overlays_trampoline_lowered:
0x8: {  	[smem:$0x3F5A] =	sst s0  }
0x9: {  	[smem:$0x3F5B] =	sst s1  }
0xa: {  	[smem:$0x3F5C] =	sst s2  }
0xb: {  	[smem:$0x3F5D] =	sst s3  }
0xc: {  	[smem:$0x3F5E] =	sst s4  }
0xd: {  	[smem:$0x3F5F] =	sst s5  }
0xe: {  	[smem:$0x3F60] =	sst s6  }
0xf: {  	[smem:$0x3F61] =	sst s7  }
0x10: {  	[smem:$0x3F62] =	sst s8  }
0x11: {  	[smem:$0x3F63] =	sst s9;
	s0 =	simm.s32 @!p0 $0x0  }
0x12: {  	s1 =	sld [smem:$0x3F49];
	s0 =	simm.s32 @p0 $0x1  }
0x13: {  	[smem:$0x3F64] =	sst s0;
	s0 =	simm.s32 @!p1 $0x0  }
0x14: {  	s2 =	sld [smem:$0x3F48];
	s0 =	simm.s32 @p1 $0x1  }
0x15: {  	[smem:$0x3F65] =	sst s0;
	s0 =	simm.s32 @!p2 $0x0  }
0x16: {  	s3 =	sld [smem:$0x3FDB];
	s0 =	simm.s32 @p2 $0x1  }
0x17: {  	s4 =	simm.s32 $0x1BF5;
	[smem:$0x3F67] =	sst s0  }
0x18: {  	s0 =	sld [smem:$0x3F4A];
	_ =	swait.ge [sflag:s4], $0x0  }
0x19: {  	s7 =	sld [smem:$0x3F4B]  }
0x1a: {  	s8 =	sadd.s32 $0xFFFFE003, lr  }
0x1b: {  	s9 =	sadd.s32 $0xFFFFFEF7, lr;
	s5 =	simm.s32 $0xFFFFFFFF;
	p2 =	slt.u32 s8, $0xFFFFF086  }
0x1c: {  	p1 =	slt.u32 s9, $0xF7A;
	s5 =	simm.s32 @!p2 $0x0  }
0x1d: {  	s5 =	simm.s32 @p1 $0x1;
	p0 =	seq.s32 s7, s2  }
0x1e: {  	s7 =	smul.u32 @!p0 $0xF7A, s2;
	p2 =	seq.s32 @!p0 s5, $0x0  }
0x1f: {  	s9 =	smul.u32 $0xF7A, s1;
	s8 =	simm.s32 @!p0 $0x1BF5;
	p2 =	por !p2, p0  }
0x20: {  	[sflag:s8] =	ssyncset.s32 @!p0 $0xFFFFF086;
	s6 =	sadd.s32 @!p0 s3, s7;
	s7 =	simm.s32 @!p0 $0x108  }
0x21: {  	s3 =	sadd.s32 s3, s9;
	s6 =	sadd.s32 @!p0 $0x88, s6;
	s7 =	simm.s32 @p2 $0x1082  }
0x22: {  	[simem:s7], [sflag:s8] =	dma.local @!p0 [hbm:s6], $0xF7A  }
0x23: {  	s9 =	sor.u32 $0xD0000000, s2;
	s6 =	simm.s32 $0x108;
	_ =	swait.ge @!p0 [sflag:s8], $0x0  }
0x24: {  	s3 =	sadd.s32 $0x88, s3;
	s6 =	simm.s32 @!p1 $0x1082;
	[sflag:s4] =	ssyncset.s32 $0xFFFFF086  }
0x25: {  	[simem:s6], [sflag:s4] =	dma.local [hbm:s3], $0xF7A  }
0x26: {  	[smem:$0x3F4B] =	sst s1;
	(tag) =	ssettag s2;
	_ =	strace s9  }
0x27: {  	s1 =	sld [smem:$0x3F5B]  }
0x28: {  	s2 =	sld [smem:$0x3F5C]  }
0x29: {  	s4 =	sld [smem:$0x3F5E]  }
0x2a: {  	p0 =	seq.s32 s5, $0x0;
	s5 =	sld [smem:$0x3F5F]  }
0x2b: {  	s6 =	sld [smem:$0x3F60]  }
0x2c: {  	s7 =	sld [smem:$0x3F61]  }
0x2d: {  	s3 =	simm.s32 $0x108;
	s8 =	sld [smem:$0x3F62]  }
0x2e: {  	s3 =	simm.s32 @!p0 $0x1082;
	s9 =	sld [smem:$0x3F63]  }
0x2f: {  	lr =	sadd.s32 s0, s3;
	s0 =	sld [smem:$0x3F5A]  }
0x30: {  	s3 =	sld [smem:$0x3F5D]  }
0x31: {  	[smem:$0x3F66] =	sst s10  }
0x32: {  	s10 =	sld [smem:$0x3F64];
	_ =	sdelay $0x3  }
0x33: {  	p0 =	seq.s32 s10, $0x1;
	s10 =	sld [smem:$0x3F66];
	_ =	sdelay $0x3  }
0x34: {  	[smem:$0x3F66] =	sst s10  }
0x35: {  	s10 =	sld [smem:$0x3F65];
	_ =	sdelay $0x3  }
0x36: {  	p1 =	seq.s32 s10, $0x1;
	s10 =	sld [smem:$0x3F66];
	_ =	sdelay $0x3  }
0x37: {  	[smem:$0x3F66] =	sst s10  }
0x38: {  	s10 =	sld [smem:$0x3F67]  }
0x39: {  	_ = 	snop;
	(pc) =	sbr.ind lr, $3  }
0x3a: {  	_ = 	snop  }
0x3b: {  	_ = 	snop  }
0x3c: {  	p2 =	seq.s32 s10, $0x1;
	s10 =	sld [smem:$0x3F66]  }
0x3d: {  	_ =	shalt  }
0x3e: {  	_ =	shalt  }
0x3f: {  	_ =	shalt  }
0x40: {  	_ =	shalt  }
0x41: {  	_ =	shalt  }
0x42: {  	_ =	shalt  }
0x43: {  	_ =	shalt  }
0x44: {  	_ =	shalt  }
0x45: {  	_ =	shalt  }
0x46: {  	_ =	shalt  }
0x47: {  	_ =	shalt  }
0x48: {  	_ =	shalt  }
0x49: {  	_ =	shalt  }
0x4a: {  	_ =	shalt  }
0x4b: {  	_ =	shalt  }
0x4c: {  	_ =	shalt  }
0x4d: {  	_ =	shalt  }
0x4e: {  	_ =	shalt  }
0x4f: {  	_ =	shalt  }
0x50: {  	_ =	shalt  }
0x51: {  	_ =	shalt  }
0x52: {  	_ =	shalt  }
0x53: {  	_ =	shalt  }
0x54: {  	_ =	shalt  }
0x55: {  	_ =	shalt  }
0x56: {  	_ =	shalt  }
0x57: {  	_ =	shalt  }
0x58: {  	_ =	shalt  }
0x59: {  	_ =	shalt  }
0x5a: {  	_ =	shalt  }
0x5b: {  	_ =	shalt  }
0x5c: {  	_ =	shalt  }
0x5d: {  	_ =	shalt  }
0x5e: {  	_ =	shalt  }
0x5f: {  	_ =	shalt  }
0x60: {  	_ =	shalt  }
0x61: {  	_ =	shalt  }
0x62: {  	_ =	shalt  }
0x63: {  	_ =	shalt  }
0x64: {  	_ =	shalt  }
0x65: {  	_ =	shalt  }
0x66: {  	_ =	shalt  }
0x67: {  	_ =	shalt  }
0x68: {  	_ =	shalt  }
0x69: {  	_ =	shalt  }
0x6a: {  	_ =	shalt  }
0x6b: {  	_ =	shalt  }
0x6c: {  	_ =	shalt  }
0x6d: {  	_ =	shalt  }
0x6e: {  	_ =	shalt  }
0x6f: {  	_ =	shalt  }
0x70: {  	_ =	shalt  }
0x71: {  	_ =	shalt  }
0x72: {  	_ =	shalt  }
0x73: {  	_ =	shalt  }
0x74: {  	_ =	shalt  }
0x75: {  	_ =	shalt  }
0x76: {  	_ =	shalt  }
0x77: {  	_ =	shalt  }
0x78: {  	_ =	shalt  }
0x79: {  	_ =	shalt  }
0x7a: {  	_ =	shalt  }
0x7b: {  	_ =	shalt  }
0x7c: {  	_ =	shalt  }
0x7d: {  	_ =	shalt  }
0x7e: {  	_ =	shalt  }
0x7f: {  	_ =	shalt  }
0x80: {  	_ =	shalt  }
0x81: {  	_ =	shalt  }
0x82: {  	_ =	shalt  }
0x83: {  	_ =	shalt  }
0x84: {  	_ =	shalt  }
0x85: {  	_ =	shalt  }
0x86: {  	_ =	shalt  }
0x87: {  	_ =	shalt  }
.Lfunc_end0:
.L_simem_size_0:
called_computation_lowered:
.L_overlay_start_0:
0x88: {  	s2 =	sld [smem:$0x3FD9]  }
0x89: {  	s3 =	sld [smem:$0x3FFE];
	_ =	sdelay $0x1  }
0x8a: {  	s1 =	srdreg.scid  }
0x8b: {  	s0 =	sand.u32 $0x1, s1  }
0x8c: {  	s17 =	sshll.u32 s0, $0xA;
	s2 =	sadd.s32 s3, s2  }
0x8d: {  	s2 =	sadd.s32 s2, s17  }
0x8e: {  	[smem:$0x3F72] =	sst s2  }
0x8f: {  	_ = 	snop  }
0x90: {  	(tm) =	ssettm $0x1  }
0x91: {  	s18 =	sld [smem:$0x3FFB];
	_ =	sdelay $0x3  }
0x92: {  	_ =	strace s18  }
0x93: {  	s2 =	sld [smem:$0x3FFC];
	_ =	sdelay $0x3  }
0x94: {  	_ =	strace s2  }
0x95: {  	s2 =	sld [smem:$0x3FFD];
	_ =	sdelay $0x3  }
0x96: {  	_ =	strace s2  }
0x97: {  	_ =	strace $0x8FFFFFFF  }
0x98: {  	s19 =	sld [smem:$0x3FDB];
	_ =	sdelay $0x1  }
0x99: {  	s20 =	simm.s32 $_scs_section_size  }
0x9a: {  	s4 =	simm.s32 $_size__tile_overlayer_lowered;
	s5 =	simm.s32 $_tile_overlayer_lowered  }
0x9b: {  	s6 =	simm.s32 $0x1BFF;
	s21 =	sshll.u32 s5, $0x1;
	s3 =	sadd.s32 s20, s19  }
0x9c: {  	s22 =	simm.s32 $0x0;
	s4 =	sshll.u32 s4, $0x1;
	s5 =	sadd.s32 s21, s3  }
0x9d: {  	[timem:s22], [sflag:s6] =	dma.local [hbm:s5], s4  }
0x9e: {  	_ =	swait.ge [sflag:s6], s4  }
0x9f: {  	s4 =	ssub.s32 $0x0, s4;
	[sflag:s6] =	ssyncset.done $0x0  }
0xa0: {  	[sflag:s6] =	ssyncadd.s32 s4;
	_ =	sdelay $0x1  }
0xa1: {  	s23 =	simm.s32 $0x1B8B  }
0xa2: {  	_ =	swait.ge [sflag:s23], $0x1  }
0xa3: {  	[sflag:s23] =	ssyncset.done $0x0  }
0xa4: {  	[sflag:s23] =	ssyncadd.s32 $0xFFFFFFFF  }
0xa5: {  	s4 =	sld [smem:$0x0]  }
0xa6: {  	s5 =	sand.u32 $0xFFFFFFFE, s1  }
0xa7: {  	p0 =	sne.s32 s1, s5  }
0xa8: {  	s5 =	sshll.u32 @p0 s5, $0xE  }
0xa9: {  	s5 =	sadd.s32 @p0 $0x11B8D, s5;
	s6 =	sshll.u32 @p0 s4, $0x11  }
0xaa: {  	s5 =	sor.u32 @p0 s6, s5  }
0xab: {  	[sflag:s5] =	ssyncadd.remote.s32 @p0 $0x1;
	_ =	sdelay $0x1  }
0xac: {  	s5 =	simm.s32 @p0 $0x1B8D  }
0xad: {  	_ =	swait.eq @p0 [sflag:s5], $0x1  }
0xae: {  	[sflag:s5] =	ssyncadd.s32 @p0 $0xFFFFFFFF  }
0xaf: {  	s6 =	sshll.u32 @!p0 s1, $0xE  }
0xb0: {  	s6 =	sor.u32 @!p0 $0x4000, s6;
	s5 =	simm.s32 @!p0 $0x1B8D  }
0xb1: {  	s4 =	sshll.u32 @!p0 s4, $0x11;
	s6 =	sadd.s32 @!p0 $0x11B8D, s6;
	_ =	swait.eq @!p0 [sflag:s5], $0x1  }
0xb2: {  	s4 =	sor.u32 @!p0 s4, s6;
	[sflag:s5] =	ssyncadd.s32 @!p0 $0xFFFFFFFF  }
0xb3: {  	s25 =	simm.s32 $0x1B8E;
	s24 =	sld [smem:$0x3FFE];
	[sflag:s4] =	ssyncadd.remote.s32 @!p0 $0x1  }
0xb4: {  	s26 =	simm.s32 $execute0_lowered;
	[smem:$0x3FD2] =	sst s25  }
0xb5: {  	s5 =	sshll.u32 s26, $0x1;
	_ =	strace $0x80000049;
	[dreg:$0x1] =	wrdreg $0xFFFFFFFF  }
0xb6: {  	s28 =	simm.s32 $_size_execute0_lowered;
	s3 =	sadd.s32 s3, s5;
	[dreg:$0x0] =	wrdreg $0x0  }
0xb7: {  	s5 =	sshll.u32 s28, $0x1;
	[dreg:$0x2] =	wrdreg s3  }
0xb8: {  	[dreg:$0x3] =	wrdreg s5  }
0xb9: {  	[dreg:$0x4] =	wrdreg $0xC0  }
0xba: {  	_ =	task [dreg:s22], $0x5FFFF  }
0xbb: {  	[dreg:$0x1] =	wrdreg $0xFFFFFFFF  }
0xbc: {  	[dreg:$0x0] =	wrdreg $0x60  }
0xbd: {  	[dreg:$0x2] =	wrdreg s24  }
0xbe: {  	[dreg:$0x3] =	wrdreg $0x9  }
0xbf: {  	_ =	task.clear_ibuf [dreg:s22], $0x4FFFF;
	_ =	strace $0x90000049  }
0xc0: {  	s29 =	simm.s32 $0x9;
	_ =	strace $0x8000004B  }
0xc1: {  	_ =	swait.ge [sflag:s29], $0x1  }
0xc2: {  	[sflag:s29] =	ssyncadd.s32 $0xFFFFFFFF  }
0xc3: {  	_ =	strace $0x9000004B  }
0xc4: {  	_ =	sfence  }
0xc5: {  	s30 =	sld [smem:$0x0];
	_ =	sdelay $0x2  }
0xc6: {  	s31 =	sshll.u32 s1, $0xD;
	s1 =	sshrl.u32 s1, $0x2  }
0xc7: {  	s4 =	sand.u32 $0x4000, s31;
	s1 =	sadd.s32 s1, s30  }
0xc8: {  	s0 =	sor.u32 s4, s0;
	s1 =	sshll.u32 s1, $0x11  }
0xc9: {  	s0 =	sor.u32 s1, s0  }
0xca: {  	s0 =	sadd.s32 $0x8F2B, s0  }
0xcb: {  	[sflag:s0] =	ssyncadd.remote.s32 $0x1  }
0xcc: {  	_ =	sfence.sel $0xFFFF  }
0xcd: {  	[dreg:$0x0] =	wrdreg $0xFFFFFFFF;
	(pc) =	sbr.abs _section_cstart, $3  }
0xce: {  	[dreg:$0x1] =	wrdreg $0xFFFFFFFF  }
0xcf: {  	_ =	task.clear_ibuf [dreg:s22], $0x2FFFF;
	_ =	strace $0x9FFFFFFF  }
0xd0: {  	(tm) =	ssettm $0x7FFFFFFF  }
0xd1: {  	_ =	shalt  }
tec
execute0_lowered:
.L_overlay_start_1:
0x0: {  	(tag) =	ssettag $0x1  }
0x1: {  	s4 =	rddreg [dreg:$0x0]  }
0x2: {  	s0 =	rddreg [dreg:$0x1]  }
0x3: {  	s3 =	srdreg.scid;
	s1 =	stileid.u32;
	s2 =	simm.s32 $0x0  }
0x4: {  	s10 =	simm.s32 $0x1080;
	s11 =	simm.s32 $0x1880;
	s12 =	simm.s32 $0x2080  }
0x5: {  	s13 =	simm.s32 $0x2880;
	s14 =	simm.s32 $0x3080;
	s15 =	simm.s32 $0x3880  }
0x6: {  	s16 =	simm.s32 $0x4080;
	s17 =	simm.s32 $0x4880;
	s18 =	simm.s32 $0x5080  }
0x7: {  	s19 =	simm.s32 $0x5880;
	s20 =	simm.s32 $0x6080;
	s21 =	simm.s32 $0x6880  }
0x8: {  	s22 =	simm.s32 $0x7080;
	s23 =	simm.s32 $0x7880;
	s24 =	simm.s32 $0x2  }
0x9: {  	s25 =	simm.s32 $0x3;
	s26 =	simm.s32 $0x0;
	s6 =	smul.u32 $0x2800, s1  }
0xa: {  	s5 =	sand.u32 $0x1, s3;
	[smem:$0x7FF] =	sst s2;
	s8 =	smul.u32 $0x50000, s1  }
0xb: {  	s3 =	sadd.s32 $0xF7AC00, s4;
	s7 =	smul.u32 $0x1400, s5;
	s9 =	ssub.s32 $0x2, s5  }
0xc: {  	_ =	strace $0x8000004A;
	s5 =	smul.u32 $0x28000, s5;
	s31 =	sshrl.u32 s9, $0x1  }
0xd: {  	s30 =	sadd.s32 s8, s4;
	s6 =	sadd.s32 s7, s6;
	s8 =	ssub.s32 s9, s31  }
0xe: {  	v2 =	vlaneseq.u32;
	s5 =	sadd.s32 s5, s30;
	s7 =	simm.s32 $0x1;
	s6 =	sshrl.u32 s6, $0x3  }
0xf: {  	vm0 =	vmmov $0xffff;
	v1 =	vshrl.u32 v2, $0x3;
	s9 =	simm.s32 $0x880;
	s5 =	sadd.s32 $0xFC8E00, s5;
	s6 =	sadd.s32 s6, s4  }
0x10: {  	v0 =	vand.u32 $0x7, v2;
	v2 =	vor.u32 $0x8, v2;
	v1 =	vmul.u32 $0x8, v1;
	s4 =	smax.u32 s8, $0x1;
	s8 =	simm.s32 $0x80;
	s6 =	sadd.s32 $0xF75C00, s6  }
.LBB2_1:
0x11: {  	s28 =	smov.u32 s5;
	s29 =	simm.s32 $0x0  }
.LBB2_2:
0x12: {  	s30 =	sadd.s32 s29, s6  }
0x13: {  	[tilespmem:s2], [sflag:$0x1] =	stream.linear.gather [hbm4b:s30+s2], $0x80, $0x38;
	[tilespmem:$0x8080] =	vst v63  }
0x14: {  	_ =	swait.ge [sflag:s7], $0x80  }
0x15: {  	[sflag:s7] =	ssyncset.done $0x0  }
0x16: {  	[sflag:s7] =	ssyncadd.s32 $0xFFFFFF80  }
0x17: {  	v3 =	vld [tilespmem:$0x0];
	_ =	sdelay $0x4  }
0x18: {  	v4 =	vshll.u32 v3, $0x1  }
0x19: {  	v3 =	vand.u32 $0x7, v3;
	v4 =	vand.u32 $0xFFFFFFF0, v4  }
0x1a: {  	v3 =	vor.u32 v3, v4  }
0x1b: {  	v4 =	vperm.xlane v3, v0;
	_ =	sdelay $0x1  }
0x1c: {  	v3 =	vperm.xlane v3, v2;
	v4 =	vadd.s32 v1, v4;
	_ =	sdelay $0x1  }
0x1d: {  	v3 =	vadd.s32 v1, v3;
	_ =	sdelay $0x2  }
0x1e: {  	[tilespmem:s8], [sflag:$0x2] =	stream.indirect_vreg.gather [hbm4b:s3+s2], $0x80, v4, vm0, $0xb8;
	[tilespmem:$0x8080] =	vst v63  }
0x1f: {  	_ = 	snop  }
0x20: {  	[tilespmem:s9], [sflag:$0x2] =	stream.indirect_vreg.gather [hbm4b:s3+s2], $0x80, v3, vm0, $0xb8;
	[tilespmem:$0x8080] =	vst v63  }
0x21: {  	v3 =	vld [tilespmem:$0x10];
	_ =	sdelay $0x4  }
0x22: {  	v57 =	vshll.u32 v3, $0x1  }
0x23: {  	v3 =	vand.u32 $0x7, v3;
	v4 =	vand.u32 $0xFFFFFFF0, v57  }
0x24: {  	v3 =	vor.u32 v3, v4  }
0x25: {  	v4 =	vperm.xlane v3, v0;
	_ =	sdelay $0x1  }
0x26: {  	v3 =	vperm.xlane v3, v2;
	v4 =	vadd.s32 v1, v4;
	_ =	sdelay $0x1  }
0x27: {  	v3 =	vadd.s32 v1, v3;
	_ =	sdelay $0x2  }
0x28: {  	[tilespmem:s10], [sflag:$0x2] =	stream.indirect_vreg.gather [hbm4b:s3+s2], $0x80, v4, vm0, $0xb8;
	[tilespmem:$0x8080] =	vst v63  }
0x29: {  	_ = 	snop  }
0x2a: {  	[tilespmem:s11], [sflag:$0x2] =	stream.indirect_vreg.gather [hbm4b:s3+s2], $0x80, v3, vm0, $0xb8;
	[tilespmem:$0x8080] =	vst v63  }
0x2b: {  	v3 =	vld [tilespmem:$0x20];
	_ =	sdelay $0x4  }
0x2c: {  	v58 =	vshll.u32 v3, $0x1  }
0x2d: {  	v3 =	vand.u32 $0x7, v3;
	v4 =	vand.u32 $0xFFFFFFF0, v58  }
0x2e: {  	v3 =	vor.u32 v3, v4  }
0x2f: {  	v4 =	vperm.xlane v3, v0;
	_ =	sdelay $0x1  }
0x30: {  	v3 =	vperm.xlane v3, v2;
	v4 =	vadd.s32 v1, v4;
	_ =	sdelay $0x1  }
0x31: {  	v3 =	vadd.s32 v1, v3;
	_ =	sdelay $0x2  }
0x32: {  	[tilespmem:s12], [sflag:$0x2] =	stream.indirect_vreg.gather [hbm4b:s3+s2], $0x80, v4, vm0, $0xb8;
	[tilespmem:$0x8080] =	vst v63  }
0x33: {  	_ = 	snop  }
0x34: {  	[tilespmem:s13], [sflag:$0x2] =	stream.indirect_vreg.gather [hbm4b:s3+s2], $0x80, v3, vm0, $0xb8;
	[tilespmem:$0x8080] =	vst v63  }
0x35: {  	v3 =	vld [tilespmem:$0x30];
	_ =	sdelay $0x4  }
0x36: {  	v59 =	vshll.u32 v3, $0x1  }
0x37: {  	v3 =	vand.u32 $0x7, v3;
	v4 =	vand.u32 $0xFFFFFFF0, v59  }
0x38: {  	v3 =	vor.u32 v3, v4  }
0x39: {  	v4 =	vperm.xlane v3, v0;
	_ =	sdelay $0x1  }
0x3a: {  	v3 =	vperm.xlane v3, v2;
	v4 =	vadd.s32 v1, v4;
	_ =	sdelay $0x1  }
0x3b: {  	v3 =	vadd.s32 v1, v3;
	_ =	sdelay $0x2  }
0x3c: {  	[tilespmem:s14], [sflag:$0x2] =	stream.indirect_vreg.gather [hbm4b:s3+s2], $0x80, v4, vm0, $0xb8;
	[tilespmem:$0x8080] =	vst v63  }
0x3d: {  	_ = 	snop  }
0x3e: {  	[tilespmem:s15], [sflag:$0x2] =	stream.indirect_vreg.gather [hbm4b:s3+s2], $0x80, v3, vm0, $0xb8;
	[tilespmem:$0x8080] =	vst v63  }
0x3f: {  	v3 =	vld [tilespmem:$0x40];
	_ =	sdelay $0x4  }
0x40: {  	v60 =	vshll.u32 v3, $0x1  }
0x41: {  	v3 =	vand.u32 $0x7, v3;
	v4 =	vand.u32 $0xFFFFFFF0, v60  }
0x42: {  	v3 =	vor.u32 v3, v4  }
0x43: {  	v4 =	vperm.xlane v3, v0;
	_ =	sdelay $0x1  }
0x44: {  	v3 =	vperm.xlane v3, v2;
	v4 =	vadd.s32 v1, v4;
	_ =	sdelay $0x1  }
0x45: {  	v3 =	vadd.s32 v1, v3;
	_ =	sdelay $0x2  }
0x46: {  	[tilespmem:s16], [sflag:$0x2] =	stream.indirect_vreg.gather [hbm4b:s3+s2], $0x80, v4, vm0, $0xb8;
	[tilespmem:$0x8080] =	vst v63  }
0x47: {  	_ = 	snop  }
0x48: {  	[tilespmem:s17], [sflag:$0x2] =	stream.indirect_vreg.gather [hbm4b:s3+s2], $0x80, v3, vm0, $0xb8;
	[tilespmem:$0x8080] =	vst v63  }
0x49: {  	v3 =	vld [tilespmem:$0x50];
	_ =	sdelay $0x4  }
0x4a: {  	v61 =	vshll.u32 v3, $0x1  }
0x4b: {  	v3 =	vand.u32 $0x7, v3;
	v4 =	vand.u32 $0xFFFFFFF0, v61  }
0x4c: {  	v3 =	vor.u32 v3, v4  }
0x4d: {  	v4 =	vperm.xlane v3, v0;
	_ =	sdelay $0x1  }
0x4e: {  	v3 =	vperm.xlane v3, v2;
	v4 =	vadd.s32 v1, v4;
	_ =	sdelay $0x1  }
0x4f: {  	v3 =	vadd.s32 v1, v3;
	_ =	sdelay $0x2  }
0x50: {  	[tilespmem:s18], [sflag:$0x2] =	stream.indirect_vreg.gather [hbm4b:s3+s2], $0x80, v4, vm0, $0xb8;
	[tilespmem:$0x8080] =	vst v63  }
0x51: {  	_ = 	snop  }
0x52: {  	[tilespmem:s19], [sflag:$0x2] =	stream.indirect_vreg.gather [hbm4b:s3+s2], $0x80, v3, vm0, $0xb8;
	[tilespmem:$0x8080] =	vst v63  }
0x53: {  	v3 =	vld [tilespmem:$0x60];
	_ =	sdelay $0x4  }
0x54: {  	v62 =	vshll.u32 v3, $0x1  }
0x55: {  	v3 =	vand.u32 $0x7, v3;
	v4 =	vand.u32 $0xFFFFFFF0, v62  }
0x56: {  	v3 =	vor.u32 v3, v4  }
0x57: {  	v4 =	vperm.xlane v3, v0;
	_ =	sdelay $0x1  }
0x58: {  	v3 =	vperm.xlane v3, v2;
	v4 =	vadd.s32 v1, v4;
	_ =	sdelay $0x1  }
0x59: {  	v3 =	vadd.s32 v1, v3;
	_ =	sdelay $0x2  }
0x5a: {  	[tilespmem:s20], [sflag:$0x2] =	stream.indirect_vreg.gather [hbm4b:s3+s2], $0x80, v4, vm0, $0xb8;
	[tilespmem:$0x8080] =	vst v63  }
0x5b: {  	_ = 	snop  }
0x5c: {  	[tilespmem:s21], [sflag:$0x2] =	stream.indirect_vreg.gather [hbm4b:s3+s2], $0x80, v3, vm0, $0xb8;
	[tilespmem:$0x8080] =	vst v63  }
0x5d: {  	v3 =	vld [tilespmem:$0x70];
	_ =	sdelay $0x4  }
0x5e: {  	v63 =	vshll.u32 v3, $0x1  }
0x5f: {  	v3 =	vand.u32 $0x7, v3;
	v4 =	vand.u32 $0xFFFFFFF0, v63  }
0x60: {  	v3 =	vor.u32 v3, v4  }
0x61: {  	v4 =	vperm.xlane v3, v0;
	_ =	sdelay $0x1  }
0x62: {  	v3 =	vperm.xlane v3, v2;
	v4 =	vadd.s32 v1, v4;
	_ =	sdelay $0x1  }
0x63: {  	v3 =	vadd.s32 v1, v3;
	_ =	sdelay $0x2  }
0x64: {  	[tilespmem:s22], [sflag:$0x2] =	stream.indirect_vreg.gather [hbm4b:s3+s2], $0x80, v4, vm0, $0xb8;
	[tilespmem:$0x8080] =	vst v63  }
0x65: {  	_ = 	snop  }
0x66: {  	[tilespmem:s23], [sflag:$0x2] =	stream.indirect_vreg.gather [hbm4b:s3+s2], $0x80, v3, vm0, $0xb8;
	[tilespmem:$0x8080] =	vst v63  }
0x67: {  	_ =	swait.ge [sflag:s24], $0x8000  }
0x68: {  	p0 =	sne.s32 s29, $0x270;
	[sflag:s24] =	ssyncset.done $0x0  }
.Ltmp0:
0x69: {  	[sflag:s24] =	ssyncadd.s32 $0xFFFF8000;
	(pc) =	sbr.rel @p0 .LBB2_2-.Ltmp0, $4  }
0x6a: {  	[hbm4b:s28+s2] =	stream.linear.scatter [tilespmem:s8], [sflag:$0x3], $0x8000, $0x38;
	[tilespmem:$0x8080] =	vst v63  }
0x6b: {  	_ =	swait.ge [sflag:s25], $0x8000  }
0x6c: {  	[sflag:s25] =	ssyncset.done $0x0  }
0x6d: {  	s29 =	sadd.s32 $0x10, s29;
	s28 =	sadd.s32 $0x1000, s28;
	[sflag:s25] =	ssyncadd.s32 $0xFFFF8000  }
0x6e: {  	s26 =	sadd.s32 $0x1, s26  }
0x6f: {  	p0 =	sne.s32 s26, s4  }
.Ltmp1:
0x70: {  	_ = 	snop;
	(pc) =	sbr.rel @p0 .LBB2_1-.Ltmp1, $1  }
0x71: {  	_ =	sdelay $0x3  }
0x72: {  	_ =	sfence.sel $0x180000  }
0x73: {  	[bflag:$0x0] =	sbarrier.arrive $0xFFFF  }
0x74: {  	p0 =	sne.s32 s1, $0x0;
	_ =	strace $0x9000004A  }
0x75: {  	s0 =	sadd.s32 @!p0 $0x100000, s0;
	[bflag:$0x2] =	sbarrier.arrive $0xFFFF  }
0x76: {  	[sflag:s0] =	ssyncadd.tile.s32 @!p0 $0x1;
	_ =	shalt  }
.Lfunc_end2:
_tile_overlayer_lowered:
.L_overlay_start_2:
0x77: {  	(tag) =	ssettag $0x2  }
0x78: {  	s0 =	rddreg [dreg:$0x0];
	s2 =	stileid.u32  }
0x79: {  	s1 =	rddreg [dreg:$0x1];
	p0 =	sne.s32 s2, $0x0  }
0x7a: {  	s3 =	rddreg [dreg:$0x2];
	[bflag:$0x3] =	sbarrier.arrive $0xFFFF;
	s2 =	simm.s32 @!p0 $0x1C03  }
0x7b: {  	[timem:s3], [sflag:s2] =	dma.local @!p0 [hbm:s0], s1  }
0x7c: {  	s0 =	simm.s32 @!p0 $0x3  }
0x7d: {  	_ =	swait.ge @!p0 [sflag:s0], s1  }
0x7e: {  	s1 =	ssub.s32 @!p0 $0x0, s1;
	[sflag:s0] =	ssyncset.done @!p0 $0x0  }
0x7f: {  	[sflag:s0] =	ssyncadd.s32 @!p0 s1  }
0x80: {  	[bflag:$0x3] =	sbarrier.arrive $0xFFFF  }
0x81: {  	_ =	shalt  }

// kernel: kernel.19.cloned.1.call-start
scs
__scs_entry_jumppad:
0x0: {  	(pc) =	sbr.rel $0x88, $3  }
0x1: {  	(tag) =	ssettag $0x0;
	lr =	simm.s32 $0x1  }
0x2: {  	[smem:$0x3F4B] =	sst lr;
	_ =	strace $0xD0000000  }
0x3: {  	_ = 	snop  }
0x4: {  	_ = 	snop  }
0x5: {  	_ = 	snop  }
0x6: {  	_ = 	snop  }
0x7: {  	_ = 	snop  }
__scs_overlays_trampoline_lowered:
0x8: {  	[smem:$0x3F5A] =	sst s0  }
0x9: {  	[smem:$0x3F5B] =	sst s1  }
0xa: {  	[smem:$0x3F5C] =	sst s2  }
0xb: {  	[smem:$0x3F5D] =	sst s3  }
0xc: {  	[smem:$0x3F5E] =	sst s4  }
0xd: {  	[smem:$0x3F5F] =	sst s5  }
0xe: {  	[smem:$0x3F60] =	sst s6  }
0xf: {  	[smem:$0x3F61] =	sst s7  }
0x10: {  	[smem:$0x3F62] =	sst s8  }
0x11: {  	[smem:$0x3F63] =	sst s9;
	s0 =	simm.s32 @!p0 $0x0  }
0x12: {  	s1 =	sld [smem:$0x3F49];
	s0 =	simm.s32 @p0 $0x1  }
0x13: {  	[smem:$0x3F64] =	sst s0;
	s0 =	simm.s32 @!p1 $0x0  }
0x14: {  	s2 =	sld [smem:$0x3F48];
	s0 =	simm.s32 @p1 $0x1  }
0x15: {  	[smem:$0x3F65] =	sst s0;
	s0 =	simm.s32 @!p2 $0x0  }
0x16: {  	s3 =	sld [smem:$0x3FDB];
	s0 =	simm.s32 @p2 $0x1  }
0x17: {  	s4 =	simm.s32 $0x1BF5;
	[smem:$0x3F67] =	sst s0  }
0x18: {  	s0 =	sld [smem:$0x3F4A];
	_ =	swait.ge [sflag:s4], $0x0  }
0x19: {  	s7 =	sld [smem:$0x3F4B]  }
0x1a: {  	s8 =	sadd.s32 $0xFFFFE003, lr  }
0x1b: {  	s9 =	sadd.s32 $0xFFFFFEF7, lr;
	s5 =	simm.s32 $0xFFFFFFFF;
	p2 =	slt.u32 s8, $0xFFFFF086  }
0x1c: {  	p1 =	slt.u32 s9, $0xF7A;
	s5 =	simm.s32 @!p2 $0x0  }
0x1d: {  	s5 =	simm.s32 @p1 $0x1;
	p0 =	seq.s32 s7, s2  }
0x1e: {  	s7 =	smul.u32 @!p0 $0xF7A, s2;
	p2 =	seq.s32 @!p0 s5, $0x0  }
0x1f: {  	s9 =	smul.u32 $0xF7A, s1;
	s8 =	simm.s32 @!p0 $0x1BF5;
	p2 =	por !p2, p0  }
0x20: {  	[sflag:s8] =	ssyncset.s32 @!p0 $0xFFFFF086;
	s6 =	sadd.s32 @!p0 s3, s7;
	s7 =	simm.s32 @!p0 $0x108  }
0x21: {  	s3 =	sadd.s32 s3, s9;
	s6 =	sadd.s32 @!p0 $0x88, s6;
	s7 =	simm.s32 @p2 $0x1082  }
0x22: {  	[simem:s7], [sflag:s8] =	dma.local @!p0 [hbm:s6], $0xF7A  }
0x23: {  	s9 =	sor.u32 $0xD0000000, s2;
	s6 =	simm.s32 $0x108;
	_ =	swait.ge @!p0 [sflag:s8], $0x0  }
0x24: {  	s3 =	sadd.s32 $0x88, s3;
	s6 =	simm.s32 @!p1 $0x1082;
	[sflag:s4] =	ssyncset.s32 $0xFFFFF086  }
0x25: {  	[simem:s6], [sflag:s4] =	dma.local [hbm:s3], $0xF7A  }
0x26: {  	[smem:$0x3F4B] =	sst s1;
	(tag) =	ssettag s2;
	_ =	strace s9  }
0x27: {  	s1 =	sld [smem:$0x3F5B]  }
0x28: {  	s2 =	sld [smem:$0x3F5C]  }
0x29: {  	s4 =	sld [smem:$0x3F5E]  }
0x2a: {  	p0 =	seq.s32 s5, $0x0;
	s5 =	sld [smem:$0x3F5F]  }
0x2b: {  	s6 =	sld [smem:$0x3F60]  }
0x2c: {  	s7 =	sld [smem:$0x3F61]  }
0x2d: {  	s3 =	simm.s32 $0x108;
	s8 =	sld [smem:$0x3F62]  }
0x2e: {  	s3 =	simm.s32 @!p0 $0x1082;
	s9 =	sld [smem:$0x3F63]  }
0x2f: {  	lr =	sadd.s32 s0, s3;
	s0 =	sld [smem:$0x3F5A]  }
0x30: {  	s3 =	sld [smem:$0x3F5D]  }
0x31: {  	[smem:$0x3F66] =	sst s10  }
0x32: {  	s10 =	sld [smem:$0x3F64];
	_ =	sdelay $0x3  }
0x33: {  	p0 =	seq.s32 s10, $0x1;
	s10 =	sld [smem:$0x3F66];
	_ =	sdelay $0x3  }
0x34: {  	[smem:$0x3F66] =	sst s10  }
0x35: {  	s10 =	sld [smem:$0x3F65];
	_ =	sdelay $0x3  }
0x36: {  	p1 =	seq.s32 s10, $0x1;
	s10 =	sld [smem:$0x3F66];
	_ =	sdelay $0x3  }
0x37: {  	[smem:$0x3F66] =	sst s10  }
0x38: {  	s10 =	sld [smem:$0x3F67]  }
0x39: {  	_ = 	snop;
	(pc) =	sbr.ind lr, $3  }
0x3a: {  	_ = 	snop  }
0x3b: {  	_ = 	snop  }
0x3c: {  	p2 =	seq.s32 s10, $0x1;
	s10 =	sld [smem:$0x3F66]  }
0x3d: {  	_ =	shalt  }
0x3e: {  	_ =	shalt  }
0x3f: {  	_ =	shalt  }
0x40: {  	_ =	shalt  }
0x41: {  	_ =	shalt  }
0x42: {  	_ =	shalt  }
0x43: {  	_ =	shalt  }
0x44: {  	_ =	shalt  }
0x45: {  	_ =	shalt  }
0x46: {  	_ =	shalt  }
0x47: {  	_ =	shalt  }
0x48: {  	_ =	shalt  }
0x49: {  	_ =	shalt  }
0x4a: {  	_ =	shalt  }
0x4b: {  	_ =	shalt  }
0x4c: {  	_ =	shalt  }
0x4d: {  	_ =	shalt  }
0x4e: {  	_ =	shalt  }
0x4f: {  	_ =	shalt  }
0x50: {  	_ =	shalt  }
0x51: {  	_ =	shalt  }
0x52: {  	_ =	shalt  }
0x53: {  	_ =	shalt  }
0x54: {  	_ =	shalt  }
0x55: {  	_ =	shalt  }
0x56: {  	_ =	shalt  }
0x57: {  	_ =	shalt  }
0x58: {  	_ =	shalt  }
0x59: {  	_ =	shalt  }
0x5a: {  	_ =	shalt  }
0x5b: {  	_ =	shalt  }
0x5c: {  	_ =	shalt  }
0x5d: {  	_ =	shalt  }
0x5e: {  	_ =	shalt  }
0x5f: {  	_ =	shalt  }
0x60: {  	_ =	shalt  }
0x61: {  	_ =	shalt  }
0x62: {  	_ =	shalt  }
0x63: {  	_ =	shalt  }
0x64: {  	_ =	shalt  }
0x65: {  	_ =	shalt  }
0x66: {  	_ =	shalt  }
0x67: {  	_ =	shalt  }
0x68: {  	_ =	shalt  }
0x69: {  	_ =	shalt  }
0x6a: {  	_ =	shalt  }
0x6b: {  	_ =	shalt  }
0x6c: {  	_ =	shalt  }
0x6d: {  	_ =	shalt  }
0x6e: {  	_ =	shalt  }
0x6f: {  	_ =	shalt  }
0x70: {  	_ =	shalt  }
0x71: {  	_ =	shalt  }
0x72: {  	_ =	shalt  }
0x73: {  	_ =	shalt  }
0x74: {  	_ =	shalt  }
0x75: {  	_ =	shalt  }
0x76: {  	_ =	shalt  }
0x77: {  	_ =	shalt  }
0x78: {  	_ =	shalt  }
0x79: {  	_ =	shalt  }
0x7a: {  	_ =	shalt  }
0x7b: {  	_ =	shalt  }
0x7c: {  	_ =	shalt  }
0x7d: {  	_ =	shalt  }
0x7e: {  	_ =	shalt  }
0x7f: {  	_ =	shalt  }
0x80: {  	_ =	shalt  }
0x81: {  	_ =	shalt  }
0x82: {  	_ =	shalt  }
0x83: {  	_ =	shalt  }
0x84: {  	_ =	shalt  }
0x85: {  	_ =	shalt  }
0x86: {  	_ =	shalt  }
0x87: {  	_ =	shalt  }
.Lfunc_end0:
.L_simem_size_0:
called_computation.1_lowered:
.L_overlay_start_0:
0x88: {  	s2 =	sld [smem:$0x3FD9]  }
0x89: {  	s3 =	sld [smem:$0x3FFE];
	_ =	sdelay $0x1  }
0x8a: {  	s1 =	srdreg.scid  }
0x8b: {  	s0 =	sand.u32 $0x1, s1  }
0x8c: {  	s14 =	sshll.u32 s0, $0xA;
	s2 =	sadd.s32 s3, s2  }
0x8d: {  	s2 =	sadd.s32 s2, s14  }
0x8e: {  	[smem:$0x3F72] =	sst s2  }
0x8f: {  	_ = 	snop  }
0x90: {  	s2 =	sld [smem:$0x3FD0];
	_ =	sdelay $0x2  }
0x91: {  	s15 =	simm.s32 $0xB;
	s4 =	simm.s32 $0x10  }
0x92: {  	[smem:s4], [sflag:s15] =	dma.local [hbm:s2], $0x1  }
0x93: {  	_ =	swait.eq [sflag:s15], $0x1  }
0x94: {  	[sflag:s15] =	ssyncset.done $0x0  }
0x95: {  	[sflag:s15] =	ssyncadd.s32 $0xFFFFFFFF  }
0x96: {  	s16 =	sld [smem:$0x10];
	(tm) =	ssettm $0x1  }
0x97: {  	s17 =	sld [smem:$0x3FFB];
	_ =	sdelay $0x3  }
0x98: {  	_ =	strace s17  }
0x99: {  	s3 =	sld [smem:$0x3FFC];
	_ =	sdelay $0x3  }
0x9a: {  	_ =	strace s3  }
0x9b: {  	s3 =	sld [smem:$0x3FFD];
	_ =	sdelay $0x3  }
0x9c: {  	_ =	strace s3  }
0x9d: {  	_ =	strace $0x8FFFFFFF  }
0x9e: {  	s18 =	sld [smem:$0x3FDB];
	_ =	sdelay $0x1  }
0x9f: {  	s19 =	simm.s32 $_scs_section_size  }
0xa0: {  	s5 =	simm.s32 $_size__tile_overlayer_lowered;
	s6 =	simm.s32 $_tile_overlayer_lowered  }
0xa1: {  	s22 =	simm.s32 $0x1BFF;
	s21 =	sshll.u32 s6, $0x1;
	s3 =	sadd.s32 s19, s18  }
0xa2: {  	s7 =	simm.s32 $0x0;
	s20 =	sshll.u32 s5, $0x1;
	s5 =	sadd.s32 s21, s3  }
0xa3: {  	[timem:s7], [sflag:s22] =	dma.local [hbm:s5], s20  }
0xa4: {  	_ =	swait.ge [sflag:s22], s20  }
0xa5: {  	s4 =	ssub.s32 $0x0, s20;
	[sflag:s22] =	ssyncset.done $0x0  }
0xa6: {  	[sflag:s22] =	ssyncadd.s32 s4;
	_ =	sdelay $0x1  }
0xa7: {  	s23 =	simm.s32 $0x1B8B  }
0xa8: {  	_ =	swait.ge [sflag:s23], $0x1  }
0xa9: {  	[sflag:s23] =	ssyncset.done $0x0  }
0xaa: {  	s25 =	simm.s32 $0x1B8E;
	s24 =	sld [smem:$0x3FFE];
	[sflag:s23] =	ssyncadd.s32 $0xFFFFFFFF  }
0xab: {  	s26 =	simm.s32 $execute0_lowered;
	[smem:$0x3FD2] =	sst s25  }
0xac: {  	s5 =	sshll.u32 s26, $0x1;
	_ =	strace $0x80000046;
	[dreg:$0x1] =	wrdreg $0xFFFFFFFF  }
0xad: {  	s28 =	simm.s32 $_size_execute0_lowered;
	s3 =	sadd.s32 s3, s5;
	[dreg:$0x0] =	wrdreg $0x0  }
0xae: {  	s5 =	sshll.u32 s28, $0x1;
	[dreg:$0x2] =	wrdreg s3  }
0xaf: {  	[dreg:$0x3] =	wrdreg s5  }
0xb0: {  	[dreg:$0x4] =	wrdreg $0xC0  }
0xb1: {  	_ =	task [dreg:s7], $0x5FFFF  }
0xb2: {  	[dreg:$0x1] =	wrdreg $0xFFFFFFFF  }
0xb3: {  	[dreg:$0x0] =	wrdreg $0x60  }
0xb4: {  	[dreg:$0x2] =	wrdreg s24  }
0xb5: {  	[dreg:$0x3] =	wrdreg s16  }
0xb6: {  	[dreg:$0x4] =	wrdreg $0xA  }
0xb7: {  	_ =	task.clear_ibuf [dreg:s7], $0x5FFFF;
	_ =	strace $0x90000046  }
0xb8: {  	s29 =	simm.s32 $0xA;
	_ =	strace $0x80000048  }
0xb9: {  	_ =	swait.ge [sflag:s29], $0x1  }
0xba: {  	[sflag:s29] =	ssyncadd.s32 $0xFFFFFFFF  }
0xbb: {  	_ =	strace $0x90000048  }
0xbc: {  	_ =	sfence  }
0xbd: {  	s30 =	sld [smem:$0x0];
	_ =	sdelay $0x2  }
0xbe: {  	s31 =	sshll.u32 s1, $0xD;
	s1 =	sshrl.u32 s1, $0x2  }
0xbf: {  	s3 =	sand.u32 $0x4000, s31;
	s1 =	sadd.s32 s1, s30  }
0xc0: {  	s0 =	sor.u32 s3, s0;
	s1 =	sshll.u32 s1, $0x11  }
0xc1: {  	s0 =	sor.u32 s1, s0  }
0xc2: {  	s0 =	sadd.s32 $0x8F2B, s0  }
0xc3: {  	[sflag:s0] =	ssyncadd.remote.s32 $0x1  }
0xc4: {  	_ =	sfence.sel $0xFFFF  }
0xc5: {  	[dreg:$0x0] =	wrdreg $0xFFFFFFFF;
	(pc) =	sbr.abs _section_cstart, $3  }
0xc6: {  	[dreg:$0x1] =	wrdreg $0xFFFFFFFF  }
0xc7: {  	_ =	task.clear_ibuf [dreg:s7], $0x2FFFF;
	_ =	strace $0x9FFFFFFF  }
0xc8: {  	(tm) =	ssettm $0x7FFFFFFF  }
0xc9: {  	_ =	shalt  }
tec
execute0_lowered:
.L_overlay_start_1:
0x0: {  	(tag) =	ssettag $0x1  }
0x1: {  	s0 =	srdreg.scid  }
0x2: {  	s6 =	stileid.u32;
	s1 =	rddreg [dreg:$0x0]  }
0x3: {  	s4 =	rddreg [dreg:$0x1];
	s2 =	simm.s32 $0x0;
	s9 =	simm.s32 $0x100  }
0x4: {  	s12 =	simm.s32 $0x8980;
	s13 =	simm.s32 $0x9180;
	s14 =	simm.s32 $0x9980  }
0x5: {  	s15 =	simm.s32 $0xA180;
	s16 =	simm.s32 $0xA980;
	s17 =	simm.s32 $0xB180  }
0x6: {  	s18 =	simm.s32 $0xB980;
	s19 =	simm.s32 $0xC180;
	s20 =	simm.s32 $0xC980  }
0x7: {  	s21 =	simm.s32 $0xD180;
	s22 =	simm.s32 $0xD980;
	[smem:$0x7FF] =	sst s2  }
0x8: {  	s23 =	simm.s32 $0xE180;
	_ =	strace $0x80000047;
	[dreg:$0x7] =	wrdreg s9  }
0x9: {  	s24 =	simm.s32 $0xE980;
	s25 =	simm.s32 $0xF180;
	[dreg:$0x8] =	wrdreg s12  }
0xa: {  	s28 =	simm.s32 $0x4;
	s29 =	simm.s32 $0x6;
	[dreg:$0x9] =	wrdreg s13  }
0xb: {  	s30 =	simm.s32 $0x3;
	s3 =	smul.u32 $0x2800, s6;
	[dreg:$0xa] =	wrdreg s14  }
0xc: {  	s0 =	sand.u32 $0x1, s0;
	s6 =	smul.u32 $0x50000, s6;
	[dreg:$0xb] =	wrdreg s15  }
0xd: {  	s31 =	simm.s32 $0x5;
	s5 =	smul.u32 $0x1400, s0;
	[dreg:$0xc] =	wrdreg s16  }
0xe: {  	s7 =	smul.u32 $0x28000, s0;
	s0 =	ssub.s32 $0x2, s0;
	[dreg:$0xd] =	wrdreg s17  }
0xf: {  	s9 =	simm.s32 $0x180;
	s12 =	simm.s32 $0x1980;
	[dreg:$0xe] =	wrdreg s18  }
0x10: {  	s13 =	simm.s32 $0x2180;
	s14 =	simm.s32 $0x2980;
	[dreg:$0xf] =	wrdreg s19  }
0x11: {  	s15 =	simm.s32 $0x3180;
	s16 =	simm.s32 $0x3980;
	[dreg:$0x10] =	wrdreg s20  }
0x12: {  	s17 =	simm.s32 $0x4180;
	s18 =	simm.s32 $0x4980;
	[dreg:$0x11] =	wrdreg s21  }
0x13: {  	s19 =	simm.s32 $0x5180;
	s20 =	simm.s32 $0x5980;
	[dreg:$0x12] =	wrdreg s22  }
0x14: {  	s21 =	simm.s32 $0x6180;
	[dreg:$0x13] =	wrdreg s23;
	s22 =	simm.s32 $0x6980  }
0x15: {  	[dreg:$0x14] =	wrdreg s24;
	s23 =	simm.s32 $0x7180;
	s6 =	sadd.s32 s6, s1  }
0x16: {  	[dreg:$0x15] =	wrdreg s25;
	s24 =	simm.s32 $0x7980;
	s6 =	sadd.s32 s7, s6  }
0x17: {  	s25 =	simm.s32 $0x2;
	s8 =	sshrl.u32 s0, $0x1;
	s7 =	sadd.s32 $0x75C00, s6  }
0x18: {  	s0 =	ssub.s32 s0, s8;
	s26 =	sadd.s32 $0x575C00, s6;
	[dreg:$0x3] =	wrdreg s7  }
0x19: {  	s5 =	sadd.s32 s5, s3;
	s0 =	smax.u32 s0, $0x1;
	[dreg:$0x4] =	wrdreg s26  }
0x1a: {  	s3 =	sadd.s32 $0x27A00, s1;
	s6 =	sadd.s32 $0xA75C00, s6;
	[dreg:$0x17] =	wrdreg s0  }
0x1b: {  	s5 =	sshrl.u32 s5, $0x3;
	[dreg:$0x5] =	wrdreg s6;
	s7 =	simm.s32 $0x80  }
0x1c: {  	s1 =	sadd.s32 s5, s1;
	s11 =	sadd.s32 s5, s4;
	[dreg:$0x6] =	wrdreg s7  }
0x1d: {  	s26 =	simm.s32 $0xF980;
	s8 =	sadd.s32 $0x13A00, s1;
	[dreg:$0x1a] =	wrdreg s11  }
0x1e: {  	v2 =	vlaneseq.u32;
	s10 =	sadd.s32 $0x18A00, s1;
	s11 =	simm.s32 $0x1180;
	[dreg:$0x16] =	wrdreg s26  }
0x1f: {  	vm0 =	vmmov $0xffff;
	v1 =	vshrl.u32 v2, $0x3;
	s26 =	simm.s32 $0x8180;
	s1 =	simm.s32 $0x0;
	[dreg:$0x18] =	wrdreg s8  }
0x20: {  	v0 =	vand.u32 $0x7, v2;
	v2 =	vor.u32 $0x8, v2;
	v1 =	vmul.u32 $0x8, v1;
	[dreg:$0x19] =	wrdreg s10;
	s8 =	simm.s32 $0x1;
	s10 =	simm.s32 $0x980  }
.LBB2_1:
0x21: {  	[dreg:$0x1b] =	wrdreg s1  }
0x22: {  	s7 =	rddreg [dreg:$0x1a]  }
0x23: {  	s6 =	rddreg [dreg:$0x19]  }
0x24: {  	s5 =	rddreg [dreg:$0x18];
	s4 =	simm.s32 $0x0  }
.LBB2_2:
0x25: {  	[tilespmem:s2], [sflag:$0x1] =	stream.linear.gather [hbm4b:s7+s2], $0x80, $0x38;
	[tilespmem:$0x10180] =	vst v63  }
0x26: {  	s0 =	rddreg [dreg:$0x6]  }
0x27: {  	[tilespmem:s0], [sflag:$0x2] =	stream.linear.gather [hbm4b:s6+s2], $0x80, $0x38;
	[tilespmem:$0x10180] =	vst v63  }
0x28: {  	s1 =	rddreg [dreg:$0x7]  }
0x29: {  	[tilespmem:s1], [sflag:$0x3] =	stream.linear.gather [hbm4b:s5+s2], $0x80, $0x38;
	[tilespmem:$0x10180] =	vst v63  }
0x2a: {  	_ =	swait.ge [sflag:s8], $0x80  }
0x2b: {  	[sflag:s8] =	ssyncset.done $0x0  }
0x2c: {  	[sflag:s8] =	ssyncadd.s32 $0xFFFFFF80  }
0x2d: {  	v3 =	vld [tilespmem:$0x0];
	_ =	sdelay $0x4  }
0x2e: {  	v4 =	vshll.u32 v3, $0x1  }
0x2f: {  	v3 =	vand.u32 $0x7, v3;
	v4 =	vand.u32 $0xFFFFFFF0, v4  }
0x30: {  	v3 =	vor.u32 v3, v4  }
0x31: {  	v4 =	vperm.xlane v3, v0;
	_ =	sdelay $0x1  }
0x32: {  	v3 =	vperm.xlane v3, v2;
	v4 =	vadd.s32 v1, v4;
	_ =	sdelay $0x1  }
0x33: {  	v3 =	vadd.s32 v1, v3;
	_ =	sdelay $0x2  }
0x34: {  	[tilespmem:s9], [sflag:$0x4] =	stream.indirect_vreg.gather [hbm4b:s3+s2], $0x80, v4, vm0, $0xb8;
	[tilespmem:$0x10180] =	vst v63  }
0x35: {  	_ = 	snop  }
0x36: {  	[tilespmem:s10], [sflag:$0x4] =	stream.indirect_vreg.gather [hbm4b:s3+s2], $0x80, v3, vm0, $0xb8;
	[tilespmem:$0x10180] =	vst v63  }
0x37: {  	v3 =	vld [tilespmem:$0x10];
	_ =	sdelay $0x4  }
0x38: {  	v41 =	vshll.u32 v3, $0x1  }
0x39: {  	v3 =	vand.u32 $0x7, v3;
	v4 =	vand.u32 $0xFFFFFFF0, v41  }
0x3a: {  	v3 =	vor.u32 v3, v4  }
0x3b: {  	v4 =	vperm.xlane v3, v0;
	_ =	sdelay $0x1  }
0x3c: {  	v3 =	vperm.xlane v3, v2;
	v4 =	vadd.s32 v1, v4;
	_ =	sdelay $0x1  }
0x3d: {  	v3 =	vadd.s32 v1, v3;
	_ =	sdelay $0x2  }
0x3e: {  	[tilespmem:s11], [sflag:$0x4] =	stream.indirect_vreg.gather [hbm4b:s3+s2], $0x80, v4, vm0, $0xb8;
	[tilespmem:$0x10180] =	vst v63  }
0x3f: {  	_ = 	snop  }
0x40: {  	[tilespmem:s12], [sflag:$0x4] =	stream.indirect_vreg.gather [hbm4b:s3+s2], $0x80, v3, vm0, $0xb8;
	[tilespmem:$0x10180] =	vst v63  }
0x41: {  	v3 =	vld [tilespmem:$0x20];
	_ =	sdelay $0x4  }
0x42: {  	v42 =	vshll.u32 v3, $0x1  }
0x43: {  	v3 =	vand.u32 $0x7, v3;
	v4 =	vand.u32 $0xFFFFFFF0, v42  }
0x44: {  	v3 =	vor.u32 v3, v4  }
0x45: {  	v4 =	vperm.xlane v3, v0;
	_ =	sdelay $0x1  }
0x46: {  	v3 =	vperm.xlane v3, v2;
	v4 =	vadd.s32 v1, v4;
	_ =	sdelay $0x1  }
0x47: {  	v3 =	vadd.s32 v1, v3;
	_ =	sdelay $0x2  }
0x48: {  	[tilespmem:s13], [sflag:$0x4] =	stream.indirect_vreg.gather [hbm4b:s3+s2], $0x80, v4, vm0, $0xb8;
	[tilespmem:$0x10180] =	vst v63  }
0x49: {  	_ = 	snop  }
0x4a: {  	[tilespmem:s14], [sflag:$0x4] =	stream.indirect_vreg.gather [hbm4b:s3+s2], $0x80, v3, vm0, $0xb8;
	[tilespmem:$0x10180] =	vst v63  }
0x4b: {  	v3 =	vld [tilespmem:$0x30];
	_ =	sdelay $0x4  }
0x4c: {  	v43 =	vshll.u32 v3, $0x1  }
0x4d: {  	v3 =	vand.u32 $0x7, v3;
	v4 =	vand.u32 $0xFFFFFFF0, v43  }
0x4e: {  	v3 =	vor.u32 v3, v4  }
0x4f: {  	v4 =	vperm.xlane v3, v0;
	_ =	sdelay $0x1  }
0x50: {  	v3 =	vperm.xlane v3, v2;
	v4 =	vadd.s32 v1, v4;
	_ =	sdelay $0x1  }
0x51: {  	v3 =	vadd.s32 v1, v3;
	_ =	sdelay $0x2  }
0x52: {  	[tilespmem:s15], [sflag:$0x4] =	stream.indirect_vreg.gather [hbm4b:s3+s2], $0x80, v4, vm0, $0xb8;
	[tilespmem:$0x10180] =	vst v63  }
0x53: {  	_ = 	snop  }
0x54: {  	[tilespmem:s16], [sflag:$0x4] =	stream.indirect_vreg.gather [hbm4b:s3+s2], $0x80, v3, vm0, $0xb8;
	[tilespmem:$0x10180] =	vst v63  }
0x55: {  	v3 =	vld [tilespmem:$0x40];
	_ =	sdelay $0x4  }
0x56: {  	v44 =	vshll.u32 v3, $0x1  }
0x57: {  	v3 =	vand.u32 $0x7, v3;
	v4 =	vand.u32 $0xFFFFFFF0, v44  }
0x58: {  	v3 =	vor.u32 v3, v4  }
0x59: {  	v4 =	vperm.xlane v3, v0;
	_ =	sdelay $0x1  }
0x5a: {  	v3 =	vperm.xlane v3, v2;
	v4 =	vadd.s32 v1, v4;
	_ =	sdelay $0x1  }
0x5b: {  	v3 =	vadd.s32 v1, v3;
	_ =	sdelay $0x2  }
0x5c: {  	[tilespmem:s17], [sflag:$0x4] =	stream.indirect_vreg.gather [hbm4b:s3+s2], $0x80, v4, vm0, $0xb8;
	[tilespmem:$0x10180] =	vst v63  }
0x5d: {  	_ = 	snop  }
0x5e: {  	[tilespmem:s18], [sflag:$0x4] =	stream.indirect_vreg.gather [hbm4b:s3+s2], $0x80, v3, vm0, $0xb8;
	[tilespmem:$0x10180] =	vst v63  }
0x5f: {  	v3 =	vld [tilespmem:$0x50];
	_ =	sdelay $0x4  }
0x60: {  	v45 =	vshll.u32 v3, $0x1  }
0x61: {  	v3 =	vand.u32 $0x7, v3;
	v4 =	vand.u32 $0xFFFFFFF0, v45  }
0x62: {  	v3 =	vor.u32 v3, v4  }
0x63: {  	v4 =	vperm.xlane v3, v0;
	_ =	sdelay $0x1  }
0x64: {  	v3 =	vperm.xlane v3, v2;
	v4 =	vadd.s32 v1, v4;
	_ =	sdelay $0x1  }
0x65: {  	v3 =	vadd.s32 v1, v3;
	_ =	sdelay $0x2  }
0x66: {  	[tilespmem:s19], [sflag:$0x4] =	stream.indirect_vreg.gather [hbm4b:s3+s2], $0x80, v4, vm0, $0xb8;
	[tilespmem:$0x10180] =	vst v63  }
0x67: {  	_ = 	snop  }
0x68: {  	[tilespmem:s20], [sflag:$0x4] =	stream.indirect_vreg.gather [hbm4b:s3+s2], $0x80, v3, vm0, $0xb8;
	[tilespmem:$0x10180] =	vst v63  }
0x69: {  	v3 =	vld [tilespmem:$0x60];
	_ =	sdelay $0x4  }
0x6a: {  	v46 =	vshll.u32 v3, $0x1  }
0x6b: {  	v3 =	vand.u32 $0x7, v3;
	v4 =	vand.u32 $0xFFFFFFF0, v46  }
0x6c: {  	v3 =	vor.u32 v3, v4  }
0x6d: {  	v4 =	vperm.xlane v3, v0;
	_ =	sdelay $0x1  }
0x6e: {  	v3 =	vperm.xlane v3, v2;
	v4 =	vadd.s32 v1, v4;
	_ =	sdelay $0x1  }
0x6f: {  	v3 =	vadd.s32 v1, v3;
	_ =	sdelay $0x2  }
0x70: {  	[tilespmem:s21], [sflag:$0x4] =	stream.indirect_vreg.gather [hbm4b:s3+s2], $0x80, v4, vm0, $0xb8;
	[tilespmem:$0x10180] =	vst v63  }
0x71: {  	_ = 	snop  }
0x72: {  	[tilespmem:s22], [sflag:$0x4] =	stream.indirect_vreg.gather [hbm4b:s3+s2], $0x80, v3, vm0, $0xb8;
	[tilespmem:$0x10180] =	vst v63  }
0x73: {  	v3 =	vld [tilespmem:$0x70];
	_ =	sdelay $0x4  }
0x74: {  	v47 =	vshll.u32 v3, $0x1  }
0x75: {  	v3 =	vand.u32 $0x7, v3;
	v4 =	vand.u32 $0xFFFFFFF0, v47  }
0x76: {  	v3 =	vor.u32 v3, v4  }
0x77: {  	v4 =	vperm.xlane v3, v0;
	_ =	sdelay $0x1  }
0x78: {  	v3 =	vperm.xlane v3, v2;
	v4 =	vadd.s32 v1, v4;
	_ =	sdelay $0x1  }
0x79: {  	v3 =	vadd.s32 v1, v3;
	_ =	sdelay $0x2  }
0x7a: {  	[tilespmem:s23], [sflag:$0x4] =	stream.indirect_vreg.gather [hbm4b:s3+s2], $0x80, v4, vm0, $0xb8;
	[tilespmem:$0x10180] =	vst v63  }
0x7b: {  	_ = 	snop  }
0x7c: {  	[tilespmem:s24], [sflag:$0x4] =	stream.indirect_vreg.gather [hbm4b:s3+s2], $0x80, v3, vm0, $0xb8;
	[tilespmem:$0x10180] =	vst v63  }
0x7d: {  	_ =	swait.ge [sflag:s25], $0x80  }
0x7e: {  	[sflag:s25] =	ssyncset.done $0x0  }
0x7f: {  	[sflag:s25] =	ssyncadd.s32 $0xFFFFFF80  }
0x80: {  	v3 =	vld [tilespmem:$0x80];
	_ =	sdelay $0x4  }
0x81: {  	v48 =	vshll.u32 v3, $0x1  }
0x82: {  	v3 =	vand.u32 $0x7, v3;
	v4 =	vand.u32 $0xFFFFFFF0, v48  }
0x83: {  	v3 =	vor.u32 v3, v4  }
0x84: {  	v4 =	vperm.xlane v3, v0;
	_ =	sdelay $0x1  }
0x85: {  	v3 =	vperm.xlane v3, v2;
	v4 =	vadd.s32 v1, v4;
	_ =	sdelay $0x1  }
0x86: {  	v3 =	vadd.s32 v1, v3;
	_ =	sdelay $0x2  }
0x87: {  	[tilespmem:s26], [sflag:$0x5] =	stream.indirect_vreg.gather [hbm4b:s3+s2], $0x80, v4, vm0, $0xb8;
	[tilespmem:$0x10180] =	vst v63  }
0x88: {  	s1 =	rddreg [dreg:$0x8]  }
0x89: {  	[tilespmem:s1], [sflag:$0x5] =	stream.indirect_vreg.gather [hbm4b:s3+s2], $0x80, v3, vm0, $0xb8;
	[tilespmem:$0x10180] =	vst v63  }
0x8a: {  	v3 =	vld [tilespmem:$0x90];
	_ =	sdelay $0x4  }
0x8b: {  	v49 =	vshll.u32 v3, $0x1  }
0x8c: {  	v3 =	vand.u32 $0x7, v3;
	v4 =	vand.u32 $0xFFFFFFF0, v49  }
0x8d: {  	v3 =	vor.u32 v3, v4  }
0x8e: {  	v4 =	vperm.xlane v3, v0;
	_ =	sdelay $0x1  }
0x8f: {  	v3 =	vperm.xlane v3, v2;
	v4 =	vadd.s32 v1, v4;
	_ =	sdelay $0x1  }
0x90: {  	v3 =	vadd.s32 v1, v3;
	_ =	sdelay $0x1  }
0x91: {  	s0 =	rddreg [dreg:$0x9]  }
0x92: {  	[tilespmem:s0], [sflag:$0x5] =	stream.indirect_vreg.gather [hbm4b:s3+s2], $0x80, v4, vm0, $0xb8;
	[tilespmem:$0x10180] =	vst v63  }
0x93: {  	s1 =	rddreg [dreg:$0xa]  }
0x94: {  	[tilespmem:s1], [sflag:$0x5] =	stream.indirect_vreg.gather [hbm4b:s3+s2], $0x80, v3, vm0, $0xb8;
	[tilespmem:$0x10180] =	vst v63  }
0x95: {  	v3 =	vld [tilespmem:$0xA0];
	_ =	sdelay $0x4  }
0x96: {  	v50 =	vshll.u32 v3, $0x1  }
0x97: {  	v3 =	vand.u32 $0x7, v3;
	v4 =	vand.u32 $0xFFFFFFF0, v50  }
0x98: {  	v3 =	vor.u32 v3, v4  }
0x99: {  	v4 =	vperm.xlane v3, v0;
	_ =	sdelay $0x1  }
0x9a: {  	v3 =	vperm.xlane v3, v2;
	v4 =	vadd.s32 v1, v4;
	_ =	sdelay $0x1  }
0x9b: {  	v3 =	vadd.s32 v1, v3;
	_ =	sdelay $0x1  }
0x9c: {  	s0 =	rddreg [dreg:$0xb]  }
0x9d: {  	[tilespmem:s0], [sflag:$0x5] =	stream.indirect_vreg.gather [hbm4b:s3+s2], $0x80, v4, vm0, $0xb8;
	[tilespmem:$0x10180] =	vst v63  }
0x9e: {  	s1 =	rddreg [dreg:$0xc]  }
0x9f: {  	[tilespmem:s1], [sflag:$0x5] =	stream.indirect_vreg.gather [hbm4b:s3+s2], $0x80, v3, vm0, $0xb8;
	[tilespmem:$0x10180] =	vst v63  }
0xa0: {  	v3 =	vld [tilespmem:$0xB0];
	_ =	sdelay $0x4  }
0xa1: {  	v51 =	vshll.u32 v3, $0x1  }
0xa2: {  	v3 =	vand.u32 $0x7, v3;
	v4 =	vand.u32 $0xFFFFFFF0, v51  }
0xa3: {  	v3 =	vor.u32 v3, v4  }
0xa4: {  	v4 =	vperm.xlane v3, v0;
	_ =	sdelay $0x1  }
0xa5: {  	v3 =	vperm.xlane v3, v2;
	v4 =	vadd.s32 v1, v4;
	_ =	sdelay $0x1  }
0xa6: {  	v3 =	vadd.s32 v1, v3;
	_ =	sdelay $0x1  }
0xa7: {  	s0 =	rddreg [dreg:$0xd]  }
0xa8: {  	[tilespmem:s0], [sflag:$0x5] =	stream.indirect_vreg.gather [hbm4b:s3+s2], $0x80, v4, vm0, $0xb8;
	[tilespmem:$0x10180] =	vst v63  }
0xa9: {  	s1 =	rddreg [dreg:$0xe]  }
0xaa: {  	[tilespmem:s1], [sflag:$0x5] =	stream.indirect_vreg.gather [hbm4b:s3+s2], $0x80, v3, vm0, $0xb8;
	[tilespmem:$0x10180] =	vst v63  }
0xab: {  	v3 =	vld [tilespmem:$0xC0];
	_ =	sdelay $0x4  }
0xac: {  	v52 =	vshll.u32 v3, $0x1  }
0xad: {  	v3 =	vand.u32 $0x7, v3;
	v4 =	vand.u32 $0xFFFFFFF0, v52  }
0xae: {  	v3 =	vor.u32 v3, v4  }
0xaf: {  	v4 =	vperm.xlane v3, v0;
	_ =	sdelay $0x1  }
0xb0: {  	v3 =	vperm.xlane v3, v2;
	v4 =	vadd.s32 v1, v4;
	_ =	sdelay $0x1  }
0xb1: {  	v3 =	vadd.s32 v1, v3;
	_ =	sdelay $0x1  }
0xb2: {  	s0 =	rddreg [dreg:$0xf]  }
0xb3: {  	[tilespmem:s0], [sflag:$0x5] =	stream.indirect_vreg.gather [hbm4b:s3+s2], $0x80, v4, vm0, $0xb8;
	[tilespmem:$0x10180] =	vst v63  }
0xb4: {  	s1 =	rddreg [dreg:$0x10]  }
0xb5: {  	[tilespmem:s1], [sflag:$0x5] =	stream.indirect_vreg.gather [hbm4b:s3+s2], $0x80, v3, vm0, $0xb8;
	[tilespmem:$0x10180] =	vst v63  }
0xb6: {  	v3 =	vld [tilespmem:$0xD0];
	_ =	sdelay $0x4  }
0xb7: {  	v53 =	vshll.u32 v3, $0x1  }
0xb8: {  	v3 =	vand.u32 $0x7, v3;
	v4 =	vand.u32 $0xFFFFFFF0, v53  }
0xb9: {  	v3 =	vor.u32 v3, v4  }
0xba: {  	v4 =	vperm.xlane v3, v0;
	_ =	sdelay $0x1  }
0xbb: {  	v3 =	vperm.xlane v3, v2;
	v4 =	vadd.s32 v1, v4;
	_ =	sdelay $0x1  }
0xbc: {  	v3 =	vadd.s32 v1, v3;
	_ =	sdelay $0x1  }
0xbd: {  	s0 =	rddreg [dreg:$0x11]  }
0xbe: {  	[tilespmem:s0], [sflag:$0x5] =	stream.indirect_vreg.gather [hbm4b:s3+s2], $0x80, v4, vm0, $0xb8;
	[tilespmem:$0x10180] =	vst v63  }
0xbf: {  	s1 =	rddreg [dreg:$0x12]  }
0xc0: {  	[tilespmem:s1], [sflag:$0x5] =	stream.indirect_vreg.gather [hbm4b:s3+s2], $0x80, v3, vm0, $0xb8;
	[tilespmem:$0x10180] =	vst v63  }
0xc1: {  	v3 =	vld [tilespmem:$0xE0];
	_ =	sdelay $0x4  }
0xc2: {  	v54 =	vshll.u32 v3, $0x1  }
0xc3: {  	v3 =	vand.u32 $0x7, v3;
	v4 =	vand.u32 $0xFFFFFFF0, v54  }
0xc4: {  	v3 =	vor.u32 v3, v4  }
0xc5: {  	v4 =	vperm.xlane v3, v0;
	_ =	sdelay $0x1  }
0xc6: {  	v3 =	vperm.xlane v3, v2;
	v4 =	vadd.s32 v1, v4;
	_ =	sdelay $0x1  }
0xc7: {  	v3 =	vadd.s32 v1, v3;
	_ =	sdelay $0x1  }
0xc8: {  	s0 =	rddreg [dreg:$0x13]  }
0xc9: {  	[tilespmem:s0], [sflag:$0x5] =	stream.indirect_vreg.gather [hbm4b:s3+s2], $0x80, v4, vm0, $0xb8;
	[tilespmem:$0x10180] =	vst v63  }
0xca: {  	s1 =	rddreg [dreg:$0x14]  }
0xcb: {  	[tilespmem:s1], [sflag:$0x5] =	stream.indirect_vreg.gather [hbm4b:s3+s2], $0x80, v3, vm0, $0xb8;
	[tilespmem:$0x10180] =	vst v63  }
0xcc: {  	v3 =	vld [tilespmem:$0xF0];
	_ =	sdelay $0x4  }
0xcd: {  	v55 =	vshll.u32 v3, $0x1  }
0xce: {  	v3 =	vand.u32 $0x7, v3;
	v4 =	vand.u32 $0xFFFFFFF0, v55  }
0xcf: {  	v3 =	vor.u32 v3, v4  }
0xd0: {  	v4 =	vperm.xlane v3, v0;
	_ =	sdelay $0x1  }
0xd1: {  	v3 =	vperm.xlane v3, v2;
	v4 =	vadd.s32 v1, v4;
	_ =	sdelay $0x1  }
0xd2: {  	v3 =	vadd.s32 v1, v3;
	_ =	sdelay $0x1  }
0xd3: {  	s0 =	rddreg [dreg:$0x15]  }
0xd4: {  	[tilespmem:s0], [sflag:$0x5] =	stream.indirect_vreg.gather [hbm4b:s3+s2], $0x80, v4, vm0, $0xb8;
	[tilespmem:$0x10180] =	vst v63  }
0xd5: {  	s1 =	rddreg [dreg:$0x16]  }
0xd6: {  	[tilespmem:s1], [sflag:$0x5] =	stream.indirect_vreg.gather [hbm4b:s3+s2], $0x80, v3, vm0, $0xb8;
	[tilespmem:$0x10180] =	vst v63  }
0xd7: {  	_ =	swait.ge [sflag:s28], $0x8000  }
0xd8: {  	s1 =	rddreg [dreg:$0x3];
	[sflag:s28] =	ssyncset.done $0x0  }
0xd9: {  	[sflag:s28] =	ssyncadd.s32 $0xFFFF8000;
	s0 =	sadd.s32 s4, s1  }
0xda: {  	[hbm4b:s0+s2] =	stream.linear.scatter [tilespmem:s9], [sflag:$0x6], $0x8000, $0x38;
	[tilespmem:$0x10180] =	vst v63  }
0xdb: {  	_ =	swait.ge [sflag:s29], $0x8000  }
0xdc: {  	[sflag:s29] =	ssyncset.done $0x0  }
0xdd: {  	[sflag:s29] =	ssyncadd.s32 $0xFFFF8000  }
0xde: {  	_ =	swait.ge [sflag:s30], $0x80  }
0xdf: {  	[sflag:s30] =	ssyncset.done $0x0  }
0xe0: {  	[sflag:s30] =	ssyncadd.s32 $0xFFFFFF80  }
0xe1: {  	v3 =	vld [tilespmem:$0x100];
	_ =	sdelay $0x4  }
0xe2: {  	v56 =	vshll.u32 v3, $0x1  }
0xe3: {  	v3 =	vand.u32 $0x7, v3;
	v4 =	vand.u32 $0xFFFFFFF0, v56  }
0xe4: {  	v3 =	vor.u32 v3, v4  }
0xe5: {  	v4 =	vperm.xlane v3, v0;
	_ =	sdelay $0x1  }
0xe6: {  	v3 =	vperm.xlane v3, v2;
	v4 =	vadd.s32 v1, v4;
	_ =	sdelay $0x1  }
0xe7: {  	v3 =	vadd.s32 v1, v3;
	_ =	sdelay $0x2  }
0xe8: {  	[tilespmem:s9], [sflag:$0x4] =	stream.indirect_vreg.gather [hbm4b:s3+s2], $0x80, v4, vm0, $0xb8;
	[tilespmem:$0x10180] =	vst v63  }
0xe9: {  	_ = 	snop  }
0xea: {  	[tilespmem:s10], [sflag:$0x4] =	stream.indirect_vreg.gather [hbm4b:s3+s2], $0x80, v3, vm0, $0xb8;
	[tilespmem:$0x10180] =	vst v63  }
0xeb: {  	v3 =	vld [tilespmem:$0x110];
	_ =	sdelay $0x4  }
0xec: {  	v57 =	vshll.u32 v3, $0x1  }
0xed: {  	v3 =	vand.u32 $0x7, v3;
	v4 =	vand.u32 $0xFFFFFFF0, v57  }
0xee: {  	v3 =	vor.u32 v3, v4  }
0xef: {  	v4 =	vperm.xlane v3, v0;
	_ =	sdelay $0x1  }
0xf0: {  	v3 =	vperm.xlane v3, v2;
	v4 =	vadd.s32 v1, v4;
	_ =	sdelay $0x1  }
0xf1: {  	v3 =	vadd.s32 v1, v3;
	_ =	sdelay $0x2  }
0xf2: {  	[tilespmem:s11], [sflag:$0x4] =	stream.indirect_vreg.gather [hbm4b:s3+s2], $0x80, v4, vm0, $0xb8;
	[tilespmem:$0x10180] =	vst v63  }
0xf3: {  	_ = 	snop  }
0xf4: {  	[tilespmem:s12], [sflag:$0x4] =	stream.indirect_vreg.gather [hbm4b:s3+s2], $0x80, v3, vm0, $0xb8;
	[tilespmem:$0x10180] =	vst v63  }
0xf5: {  	v3 =	vld [tilespmem:$0x120];
	_ =	sdelay $0x4  }
0xf6: {  	v58 =	vshll.u32 v3, $0x1  }
0xf7: {  	v3 =	vand.u32 $0x7, v3;
	v4 =	vand.u32 $0xFFFFFFF0, v58  }
0xf8: {  	v3 =	vor.u32 v3, v4  }
0xf9: {  	v4 =	vperm.xlane v3, v0;
	_ =	sdelay $0x1  }
0xfa: {  	v3 =	vperm.xlane v3, v2;
	v4 =	vadd.s32 v1, v4;
	_ =	sdelay $0x1  }
0xfb: {  	v3 =	vadd.s32 v1, v3;
	_ =	sdelay $0x2  }
0xfc: {  	[tilespmem:s13], [sflag:$0x4] =	stream.indirect_vreg.gather [hbm4b:s3+s2], $0x80, v4, vm0, $0xb8;
	[tilespmem:$0x10180] =	vst v63  }
0xfd: {  	_ = 	snop  }
0xfe: {  	[tilespmem:s14], [sflag:$0x4] =	stream.indirect_vreg.gather [hbm4b:s3+s2], $0x80, v3, vm0, $0xb8;
	[tilespmem:$0x10180] =	vst v63  }
0xff: {  	v3 =	vld [tilespmem:$0x130];
	_ =	sdelay $0x4  }
0x100: {  	v59 =	vshll.u32 v3, $0x1  }
0x101: {  	v3 =	vand.u32 $0x7, v3;
	v4 =	vand.u32 $0xFFFFFFF0, v59  }
0x102: {  	v3 =	vor.u32 v3, v4  }
0x103: {  	v4 =	vperm.xlane v3, v0;
	_ =	sdelay $0x1  }
0x104: {  	v3 =	vperm.xlane v3, v2;
	v4 =	vadd.s32 v1, v4;
	_ =	sdelay $0x1  }
0x105: {  	v3 =	vadd.s32 v1, v3;
	_ =	sdelay $0x2  }
0x106: {  	[tilespmem:s15], [sflag:$0x4] =	stream.indirect_vreg.gather [hbm4b:s3+s2], $0x80, v4, vm0, $0xb8;
	[tilespmem:$0x10180] =	vst v63  }
0x107: {  	_ = 	snop  }
0x108: {  	[tilespmem:s16], [sflag:$0x4] =	stream.indirect_vreg.gather [hbm4b:s3+s2], $0x80, v3, vm0, $0xb8;
	[tilespmem:$0x10180] =	vst v63  }
0x109: {  	v3 =	vld [tilespmem:$0x140];
	_ =	sdelay $0x4  }
0x10a: {  	v60 =	vshll.u32 v3, $0x1  }
0x10b: {  	v3 =	vand.u32 $0x7, v3;
	v4 =	vand.u32 $0xFFFFFFF0, v60  }
0x10c: {  	v3 =	vor.u32 v3, v4  }
0x10d: {  	v4 =	vperm.xlane v3, v0;
	_ =	sdelay $0x1  }
0x10e: {  	v3 =	vperm.xlane v3, v2;
	v4 =	vadd.s32 v1, v4;
	_ =	sdelay $0x1  }
0x10f: {  	v3 =	vadd.s32 v1, v3;
	_ =	sdelay $0x2  }
0x110: {  	[tilespmem:s17], [sflag:$0x4] =	stream.indirect_vreg.gather [hbm4b:s3+s2], $0x80, v4, vm0, $0xb8;
	[tilespmem:$0x10180] =	vst v63  }
0x111: {  	_ = 	snop  }
0x112: {  	[tilespmem:s18], [sflag:$0x4] =	stream.indirect_vreg.gather [hbm4b:s3+s2], $0x80, v3, vm0, $0xb8;
	[tilespmem:$0x10180] =	vst v63  }
0x113: {  	v3 =	vld [tilespmem:$0x150];
	_ =	sdelay $0x4  }
0x114: {  	v61 =	vshll.u32 v3, $0x1  }
0x115: {  	v3 =	vand.u32 $0x7, v3;
	v4 =	vand.u32 $0xFFFFFFF0, v61  }
0x116: {  	v3 =	vor.u32 v3, v4  }
0x117: {  	v4 =	vperm.xlane v3, v0;
	_ =	sdelay $0x1  }
0x118: {  	v3 =	vperm.xlane v3, v2;
	v4 =	vadd.s32 v1, v4;
	_ =	sdelay $0x1  }
0x119: {  	v3 =	vadd.s32 v1, v3;
	_ =	sdelay $0x2  }
0x11a: {  	[tilespmem:s19], [sflag:$0x4] =	stream.indirect_vreg.gather [hbm4b:s3+s2], $0x80, v4, vm0, $0xb8;
	[tilespmem:$0x10180] =	vst v63  }
0x11b: {  	_ = 	snop  }
0x11c: {  	[tilespmem:s20], [sflag:$0x4] =	stream.indirect_vreg.gather [hbm4b:s3+s2], $0x80, v3, vm0, $0xb8;
	[tilespmem:$0x10180] =	vst v63  }
0x11d: {  	v3 =	vld [tilespmem:$0x160];
	_ =	sdelay $0x4  }
0x11e: {  	v62 =	vshll.u32 v3, $0x1  }
0x11f: {  	v3 =	vand.u32 $0x7, v3;
	v4 =	vand.u32 $0xFFFFFFF0, v62  }
0x120: {  	v3 =	vor.u32 v3, v4  }
0x121: {  	v4 =	vperm.xlane v3, v0;
	_ =	sdelay $0x1  }
0x122: {  	v3 =	vperm.xlane v3, v2;
	v4 =	vadd.s32 v1, v4;
	_ =	sdelay $0x1  }
0x123: {  	v3 =	vadd.s32 v1, v3;
	_ =	sdelay $0x2  }
0x124: {  	[tilespmem:s21], [sflag:$0x4] =	stream.indirect_vreg.gather [hbm4b:s3+s2], $0x80, v4, vm0, $0xb8;
	[tilespmem:$0x10180] =	vst v63  }
0x125: {  	_ = 	snop  }
0x126: {  	[tilespmem:s22], [sflag:$0x4] =	stream.indirect_vreg.gather [hbm4b:s3+s2], $0x80, v3, vm0, $0xb8;
	[tilespmem:$0x10180] =	vst v63  }
0x127: {  	v3 =	vld [tilespmem:$0x170];
	_ =	sdelay $0x4  }
0x128: {  	v63 =	vshll.u32 v3, $0x1  }
0x129: {  	v3 =	vand.u32 $0x7, v3;
	v4 =	vand.u32 $0xFFFFFFF0, v63  }
0x12a: {  	v3 =	vor.u32 v3, v4  }
0x12b: {  	v4 =	vperm.xlane v3, v0;
	_ =	sdelay $0x1  }
0x12c: {  	v3 =	vperm.xlane v3, v2;
	v4 =	vadd.s32 v1, v4;
	_ =	sdelay $0x1  }
0x12d: {  	v3 =	vadd.s32 v1, v3;
	_ =	sdelay $0x2  }
0x12e: {  	[tilespmem:s23], [sflag:$0x4] =	stream.indirect_vreg.gather [hbm4b:s3+s2], $0x80, v4, vm0, $0xb8;
	[tilespmem:$0x10180] =	vst v63  }
0x12f: {  	_ = 	snop  }
0x130: {  	[tilespmem:s24], [sflag:$0x4] =	stream.indirect_vreg.gather [hbm4b:s3+s2], $0x80, v3, vm0, $0xb8;
	[tilespmem:$0x10180] =	vst v63  }
0x131: {  	_ =	swait.ge [sflag:s31], $0x8000  }
0x132: {  	s1 =	rddreg [dreg:$0x4];
	[sflag:s31] =	ssyncset.done $0x0  }
0x133: {  	[sflag:s31] =	ssyncadd.s32 $0xFFFF8000;
	s0 =	sadd.s32 s4, s1  }
0x134: {  	[hbm4b:s0+s2] =	stream.linear.scatter [tilespmem:s26], [sflag:$0x6], $0x8000, $0x38;
	[tilespmem:$0x10180] =	vst v63  }
0x135: {  	_ =	swait.ge [sflag:s29], $0x8000  }
0x136: {  	[sflag:s29] =	ssyncset.done $0x0  }
0x137: {  	[sflag:s29] =	ssyncadd.s32 $0xFFFF8000  }
0x138: {  	_ =	swait.ge [sflag:s28], $0x8000  }
0x139: {  	p0 =	sne.s32 s4, $0x27000;
	s1 =	rddreg [dreg:$0x5];
	[sflag:s28] =	ssyncset.done $0x0  }
.Ltmp0:
0x13a: {  	[sflag:s28] =	ssyncadd.s32 $0xFFFF8000;
	s0 =	sadd.s32 s4, s1;
	(pc) =	sbr.rel @p0 .LBB2_2-.Ltmp0, $4  }
0x13b: {  	[hbm4b:s0+s2] =	stream.linear.scatter [tilespmem:s9], [sflag:$0x6], $0x8000, $0x38;
	[tilespmem:$0x10180] =	vst v63  }
0x13c: {  	_ =	swait.ge [sflag:s29], $0x8000  }
0x13d: {  	s7 =	sadd.s32 $0x10, s7;
	s6 =	sadd.s32 $0x10, s6;
	[sflag:s29] =	ssyncset.done $0x0  }
0x13e: {  	s5 =	sadd.s32 $0x10, s5;
	s4 =	sadd.s32 $0x1000, s4;
	[sflag:s29] =	ssyncadd.s32 $0xFFFF8000  }
0x13f: {  	s1 =	rddreg [dreg:$0x1b]  }
0x140: {  	s0 =	rddreg [dreg:$0x17];
	s1 =	sadd.s32 $0x1, s1  }
0x141: {  	p0 =	sne.s32 s1, s0  }
.Ltmp1:
0x142: {  	_ = 	snop;
	(pc) =	sbr.rel @p0 .LBB2_1-.Ltmp1, $1  }
0x143: {  	_ =	sdelay $0x3  }
0x144: {  	_ =	sfence.sel $0x180000  }
0x145: {  	[bflag:$0x0] =	sbarrier.arrive $0xFFFF  }
0x146: {  	_ =	strace $0x90000047  }
0x147: {  	s0 =	stileid.u32;
	[bflag:$0x2] =	sbarrier.arrive $0xFFFF  }
0x148: {  	p0 =	sne.s32 s0, $0x0;
	s0 =	rddreg [dreg:$0x2]  }
0x149: {  	s0 =	sadd.s32 @!p0 $0x100000, s0  }
0x14a: {  	[sflag:s0] =	ssyncadd.tile.s32 @!p0 $0x1;
	_ =	shalt  }
.Lfunc_end2:
_tile_overlayer_lowered:
.L_overlay_start_2:
0x14b: {  	(tag) =	ssettag $0x2  }
0x14c: {  	s0 =	rddreg [dreg:$0x0];
	s2 =	stileid.u32  }
0x14d: {  	s1 =	rddreg [dreg:$0x1];
	p0 =	sne.s32 s2, $0x0  }
0x14e: {  	s3 =	rddreg [dreg:$0x2];
	[bflag:$0x3] =	sbarrier.arrive $0xFFFF;
	s2 =	simm.s32 @!p0 $0x1C06  }
0x14f: {  	[timem:s3], [sflag:s2] =	dma.local @!p0 [hbm:s0], s1  }
0x150: {  	s0 =	simm.s32 @!p0 $0x6  }
0x151: {  	_ =	swait.ge @!p0 [sflag:s0], s1  }
0x152: {  	s1 =	ssub.s32 @!p0 $0x0, s1;
	[sflag:s0] =	ssyncset.done @!p0 $0x0  }
0x153: {  	[sflag:s0] =	ssyncadd.s32 @!p0 s1  }
0x154: {  	[bflag:$0x3] =	sbarrier.arrive $0xFFFF  }
0x155: {  	_ =	shalt  }

// kernel: kernel.22.cloned.1.call-start
scs
__scs_entry_jumppad:
0x0: {  	(pc) =	sbr.rel $0x88, $3  }
0x1: {  	(tag) =	ssettag $0x0;
	lr =	simm.s32 $0x1  }
0x2: {  	[smem:$0x3F4B] =	sst lr;
	_ =	strace $0xD0000000  }
0x3: {  	_ = 	snop  }
0x4: {  	_ = 	snop  }
0x5: {  	_ = 	snop  }
0x6: {  	_ = 	snop  }
0x7: {  	_ = 	snop  }
__scs_overlays_trampoline_lowered:
0x8: {  	[smem:$0x3F5A] =	sst s0  }
0x9: {  	[smem:$0x3F5B] =	sst s1  }
0xa: {  	[smem:$0x3F5C] =	sst s2  }
0xb: {  	[smem:$0x3F5D] =	sst s3  }
0xc: {  	[smem:$0x3F5E] =	sst s4  }
0xd: {  	[smem:$0x3F5F] =	sst s5  }
0xe: {  	[smem:$0x3F60] =	sst s6  }
0xf: {  	[smem:$0x3F61] =	sst s7  }
0x10: {  	[smem:$0x3F62] =	sst s8  }
0x11: {  	[smem:$0x3F63] =	sst s9;
	s0 =	simm.s32 @!p0 $0x0  }
0x12: {  	s1 =	sld [smem:$0x3F49];
	s0 =	simm.s32 @p0 $0x1  }
0x13: {  	[smem:$0x3F64] =	sst s0;
	s0 =	simm.s32 @!p1 $0x0  }
0x14: {  	s2 =	sld [smem:$0x3F48];
	s0 =	simm.s32 @p1 $0x1  }
0x15: {  	[smem:$0x3F65] =	sst s0;
	s0 =	simm.s32 @!p2 $0x0  }
0x16: {  	s3 =	sld [smem:$0x3FDB];
	s0 =	simm.s32 @p2 $0x1  }
0x17: {  	s4 =	simm.s32 $0x1BF5;
	[smem:$0x3F67] =	sst s0  }
0x18: {  	s0 =	sld [smem:$0x3F4A];
	_ =	swait.ge [sflag:s4], $0x0  }
0x19: {  	s7 =	sld [smem:$0x3F4B]  }
0x1a: {  	s8 =	sadd.s32 $0xFFFFE003, lr  }
0x1b: {  	s9 =	sadd.s32 $0xFFFFFEF7, lr;
	s5 =	simm.s32 $0xFFFFFFFF;
	p2 =	slt.u32 s8, $0xFFFFF086  }
0x1c: {  	p1 =	slt.u32 s9, $0xF7A;
	s5 =	simm.s32 @!p2 $0x0  }
0x1d: {  	s5 =	simm.s32 @p1 $0x1;
	p0 =	seq.s32 s7, s2  }
0x1e: {  	s7 =	smul.u32 @!p0 $0xF7A, s2;
	p2 =	seq.s32 @!p0 s5, $0x0  }
0x1f: {  	s9 =	smul.u32 $0xF7A, s1;
	s8 =	simm.s32 @!p0 $0x1BF5;
	p2 =	por !p2, p0  }
0x20: {  	[sflag:s8] =	ssyncset.s32 @!p0 $0xFFFFF086;
	s6 =	sadd.s32 @!p0 s3, s7;
	s7 =	simm.s32 @!p0 $0x108  }
0x21: {  	s3 =	sadd.s32 s3, s9;
	s6 =	sadd.s32 @!p0 $0x88, s6;
	s7 =	simm.s32 @p2 $0x1082  }
0x22: {  	[simem:s7], [sflag:s8] =	dma.local @!p0 [hbm:s6], $0xF7A  }
0x23: {  	s9 =	sor.u32 $0xD0000000, s2;
	s6 =	simm.s32 $0x108;
	_ =	swait.ge @!p0 [sflag:s8], $0x0  }
0x24: {  	s3 =	sadd.s32 $0x88, s3;
	s6 =	simm.s32 @!p1 $0x1082;
	[sflag:s4] =	ssyncset.s32 $0xFFFFF086  }
0x25: {  	[simem:s6], [sflag:s4] =	dma.local [hbm:s3], $0xF7A  }
0x26: {  	[smem:$0x3F4B] =	sst s1;
	(tag) =	ssettag s2;
	_ =	strace s9  }
0x27: {  	s1 =	sld [smem:$0x3F5B]  }
0x28: {  	s2 =	sld [smem:$0x3F5C]  }
0x29: {  	s4 =	sld [smem:$0x3F5E]  }
0x2a: {  	p0 =	seq.s32 s5, $0x0;
	s5 =	sld [smem:$0x3F5F]  }
0x2b: {  	s6 =	sld [smem:$0x3F60]  }
0x2c: {  	s7 =	sld [smem:$0x3F61]  }
0x2d: {  	s3 =	simm.s32 $0x108;
	s8 =	sld [smem:$0x3F62]  }
0x2e: {  	s3 =	simm.s32 @!p0 $0x1082;
	s9 =	sld [smem:$0x3F63]  }
0x2f: {  	lr =	sadd.s32 s0, s3;
	s0 =	sld [smem:$0x3F5A]  }
0x30: {  	s3 =	sld [smem:$0x3F5D]  }
0x31: {  	[smem:$0x3F66] =	sst s10  }
0x32: {  	s10 =	sld [smem:$0x3F64];
	_ =	sdelay $0x3  }
0x33: {  	p0 =	seq.s32 s10, $0x1;
	s10 =	sld [smem:$0x3F66];
	_ =	sdelay $0x3  }
0x34: {  	[smem:$0x3F66] =	sst s10  }
0x35: {  	s10 =	sld [smem:$0x3F65];
	_ =	sdelay $0x3  }
0x36: {  	p1 =	seq.s32 s10, $0x1;
	s10 =	sld [smem:$0x3F66];
	_ =	sdelay $0x3  }
0x37: {  	[smem:$0x3F66] =	sst s10  }
0x38: {  	s10 =	sld [smem:$0x3F67]  }
0x39: {  	_ = 	snop;
	(pc) =	sbr.ind lr, $3  }
0x3a: {  	_ = 	snop  }
0x3b: {  	_ = 	snop  }
0x3c: {  	p2 =	seq.s32 s10, $0x1;
	s10 =	sld [smem:$0x3F66]  }
0x3d: {  	_ =	shalt  }
0x3e: {  	_ =	shalt  }
0x3f: {  	_ =	shalt  }
0x40: {  	_ =	shalt  }
0x41: {  	_ =	shalt  }
0x42: {  	_ =	shalt  }
0x43: {  	_ =	shalt  }
0x44: {  	_ =	shalt  }
0x45: {  	_ =	shalt  }
0x46: {  	_ =	shalt  }
0x47: {  	_ =	shalt  }
0x48: {  	_ =	shalt  }
0x49: {  	_ =	shalt  }
0x4a: {  	_ =	shalt  }
0x4b: {  	_ =	shalt  }
0x4c: {  	_ =	shalt  }
0x4d: {  	_ =	shalt  }
0x4e: {  	_ =	shalt  }
0x4f: {  	_ =	shalt  }
0x50: {  	_ =	shalt  }
0x51: {  	_ =	shalt  }
0x52: {  	_ =	shalt  }
0x53: {  	_ =	shalt  }
0x54: {  	_ =	shalt  }
0x55: {  	_ =	shalt  }
0x56: {  	_ =	shalt  }
0x57: {  	_ =	shalt  }
0x58: {  	_ =	shalt  }
0x59: {  	_ =	shalt  }
0x5a: {  	_ =	shalt  }
0x5b: {  	_ =	shalt  }
0x5c: {  	_ =	shalt  }
0x5d: {  	_ =	shalt  }
0x5e: {  	_ =	shalt  }
0x5f: {  	_ =	shalt  }
0x60: {  	_ =	shalt  }
0x61: {  	_ =	shalt  }
0x62: {  	_ =	shalt  }
0x63: {  	_ =	shalt  }
0x64: {  	_ =	shalt  }
0x65: {  	_ =	shalt  }
0x66: {  	_ =	shalt  }
0x67: {  	_ =	shalt  }
0x68: {  	_ =	shalt  }
0x69: {  	_ =	shalt  }
0x6a: {  	_ =	shalt  }
0x6b: {  	_ =	shalt  }
0x6c: {  	_ =	shalt  }
0x6d: {  	_ =	shalt  }
0x6e: {  	_ =	shalt  }
0x6f: {  	_ =	shalt  }
0x70: {  	_ =	shalt  }
0x71: {  	_ =	shalt  }
0x72: {  	_ =	shalt  }
0x73: {  	_ =	shalt  }
0x74: {  	_ =	shalt  }
0x75: {  	_ =	shalt  }
0x76: {  	_ =	shalt  }
0x77: {  	_ =	shalt  }
0x78: {  	_ =	shalt  }
0x79: {  	_ =	shalt  }
0x7a: {  	_ =	shalt  }
0x7b: {  	_ =	shalt  }
0x7c: {  	_ =	shalt  }
0x7d: {  	_ =	shalt  }
0x7e: {  	_ =	shalt  }
0x7f: {  	_ =	shalt  }
0x80: {  	_ =	shalt  }
0x81: {  	_ =	shalt  }
0x82: {  	_ =	shalt  }
0x83: {  	_ =	shalt  }
0x84: {  	_ =	shalt  }
0x85: {  	_ =	shalt  }
0x86: {  	_ =	shalt  }
0x87: {  	_ =	shalt  }
.Lfunc_end0:
.L_simem_size_0:
called_computation.2_lowered:
.L_overlay_start_0:
0x88: {  	s2 =	sld [smem:$0x3FD9]  }
0x89: {  	s3 =	sld [smem:$0x3FFE];
	_ =	sdelay $0x1  }
0x8a: {  	s1 =	srdreg.scid  }
0x8b: {  	s0 =	sand.u32 $0x1, s1  }
0x8c: {  	s16 =	sshll.u32 s0, $0xA;
	s2 =	sadd.s32 s3, s2  }
0x8d: {  	s2 =	sadd.s32 s2, s16  }
0x8e: {  	[smem:$0x3F72] =	sst s2  }
0x8f: {  	_ = 	snop  }
0x90: {  	(tm) =	ssettm $0x1  }
0x91: {  	s17 =	sld [smem:$0x3FFB];
	_ =	sdelay $0x3  }
0x92: {  	_ =	strace s17  }
0x93: {  	s2 =	sld [smem:$0x3FFC];
	_ =	sdelay $0x3  }
0x94: {  	_ =	strace s2  }
0x95: {  	s2 =	sld [smem:$0x3FFD];
	_ =	sdelay $0x3  }
0x96: {  	_ =	strace s2  }
0x97: {  	_ =	strace $0x8FFFFFFF  }
0x98: {  	s18 =	sld [smem:$0x3FDB];
	_ =	sdelay $0x1  }
0x99: {  	s19 =	simm.s32 $_scs_section_size  }
0x9a: {  	s4 =	simm.s32 $_size__tile_overlayer_lowered;
	s5 =	simm.s32 $_tile_overlayer_lowered  }
0x9b: {  	s22 =	simm.s32 $0x1BFF;
	s21 =	sshll.u32 s5, $0x1;
	s2 =	sadd.s32 s19, s18  }
0x9c: {  	s6 =	simm.s32 $0x0;
	s20 =	sshll.u32 s4, $0x1;
	s4 =	sadd.s32 s21, s2  }
0x9d: {  	[timem:s6], [sflag:s22] =	dma.local [hbm:s4], s20  }
0x9e: {  	_ =	swait.ge [sflag:s22], s20  }
0x9f: {  	s3 =	ssub.s32 $0x0, s20;
	[sflag:s22] =	ssyncset.done $0x0  }
0xa0: {  	[sflag:s22] =	ssyncadd.s32 s3;
	_ =	sdelay $0x1  }
0xa1: {  	s23 =	simm.s32 $0x1B8B  }
0xa2: {  	_ =	swait.ge [sflag:s23], $0x1  }
0xa3: {  	[sflag:s23] =	ssyncset.done $0x0  }
0xa4: {  	s25 =	simm.s32 $0x1B8E;
	s24 =	sld [smem:$0x3FFE];
	[sflag:s23] =	ssyncadd.s32 $0xFFFFFFFF  }
0xa5: {  	s26 =	simm.s32 $execute0_lowered;
	[smem:$0x3FD2] =	sst s25  }
0xa6: {  	s4 =	sshll.u32 s26, $0x1;
	_ =	strace $0x8000004C;
	[dreg:$0x1] =	wrdreg $0xFFFFFFFF  }
0xa7: {  	s28 =	simm.s32 $_size_execute0_lowered;
	s2 =	sadd.s32 s2, s4;
	[dreg:$0x0] =	wrdreg $0x0  }
0xa8: {  	s4 =	sshll.u32 s28, $0x1;
	[dreg:$0x2] =	wrdreg s2  }
0xa9: {  	[dreg:$0x3] =	wrdreg s4  }
0xaa: {  	[dreg:$0x4] =	wrdreg $0xC0  }
0xab: {  	_ =	task [dreg:s6], $0x5FFFF  }
0xac: {  	[dreg:$0x1] =	wrdreg $0xFFFFFFFF  }
0xad: {  	[dreg:$0x0] =	wrdreg $0x60  }
0xae: {  	[dreg:$0x2] =	wrdreg s24  }
0xaf: {  	[dreg:$0x3] =	wrdreg $0x81000  }
0xb0: {  	[dreg:$0x4] =	wrdreg $0x9  }
0xb1: {  	_ =	task.clear_ibuf [dreg:s6], $0x5FFFF;
	_ =	strace $0x9000004C  }
0xb2: {  	s29 =	simm.s32 $0x9;
	_ =	strace $0x8000004E  }
0xb3: {  	_ =	swait.ge [sflag:s29], $0x1  }
0xb4: {  	[sflag:s29] =	ssyncadd.s32 $0xFFFFFFFF  }
0xb5: {  	_ =	strace $0x9000004E  }
0xb6: {  	_ =	sfence  }
0xb7: {  	s30 =	sld [smem:$0x0];
	_ =	sdelay $0x2  }
0xb8: {  	s31 =	sshll.u32 s1, $0xD;
	s1 =	sshrl.u32 s1, $0x2  }
0xb9: {  	s3 =	sand.u32 $0x4000, s31;
	s1 =	sadd.s32 s1, s30  }
0xba: {  	s0 =	sor.u32 s3, s0;
	s1 =	sshll.u32 s1, $0x11  }
0xbb: {  	s0 =	sor.u32 s1, s0  }
0xbc: {  	s0 =	sadd.s32 $0x8F2B, s0  }
0xbd: {  	[sflag:s0] =	ssyncadd.remote.s32 $0x1  }
0xbe: {  	_ =	sfence.sel $0xFFFF  }
0xbf: {  	[dreg:$0x0] =	wrdreg $0xFFFFFFFF;
	(pc) =	sbr.abs _section_cstart, $3  }
0xc0: {  	[dreg:$0x1] =	wrdreg $0xFFFFFFFF  }
0xc1: {  	_ =	task.clear_ibuf [dreg:s6], $0x2FFFF;
	_ =	strace $0x9FFFFFFF  }
0xc2: {  	(tm) =	ssettm $0x7FFFFFFF  }
0xc3: {  	_ =	shalt  }
tec
execute0_lowered:
.L_overlay_start_1:
0x0: {  	(tag) =	ssettag $0x1  }
0x1: {  	s0 =	stileid.u32;
	s4 =	rddreg [dreg:$0x0]  }
0x2: {  	s1 =	srdreg.scid;
	s2 =	rddreg [dreg:$0x1]  }
0x3: {  	s3 =	simm.s32 $0x0;
	s15 =	simm.s32 $0x100;
	s16 =	simm.s32 $0x5  }
0x4: {  	s17 =	simm.s32 $0x80;
	s18 =	simm.s32 $0x4100;
	s6 =	smul.u32 $0x2800, s0  }
0x5: {  	s19 =	simm.s32 $0x1;
	s20 =	simm.s32 $0x3;
	s8 =	smul.u32 $0x28000, s0  }
0x6: {  	s21 =	simm.s32 $0x2;
	s5 =	sand.u32 $0x1, s1;
	s10 =	smul.u32 $0x50000, s0  }
0x7: {  	s22 =	simm.s32 $0x4;
	s1 =	rddreg [dreg:$0x2];
	s7 =	smul.u32 $0x1400, s5  }
0x8: {  	s23 =	simm.s32 $0x0;
	[smem:$0x7FF] =	sst s3;
	s9 =	smul.u32 $0x28000, s5  }
0x9: {  	_ =	strace $0x8000004D;
	s28 =	ssub.s32 $0x2, s5;
	s31 =	smul.u32 $0x14000, s5  }
0xa: {  	s11 =	sadd.s32 s8, s4;
	s29 =	sshrl.u32 s10, $0x2;
	s30 =	sshrl.u32 s28, $0x1  }
0xb: {  	s7 =	sadd.s32 s7, s6;
	s6 =	sadd.s32 s6, s9;
	s12 =	ssub.s32 s28, s30  }
0xc: {  	s13 =	sadd.s32 s31, s11;
	s7 =	sshrl.u32 s7, $0x3;
	s9 =	sadd.s32 s6, s4  }
0xd: {  	s10 =	smax.u32 s12, $0x1;
	s11 =	sadd.s32 $0x14D4A00, s13;
	s12 =	sadd.s32 $0x75C00, s13  }
0xe: {  	s14 =	sadd.s32 s7, s4;
	s4 =	sadd.s32 s29, s2;
	s9 =	sadd.s32 $0x575C00, s9  }
0xf: {  	s5 =	sadd.s32 $0x4000, s4;
	s6 =	sadd.s32 $0x8000, s4;
	s7 =	sadd.s32 $0xC000, s4  }
0x10: {  	v0 =	vimm.f32 $0.0e+00;
	s8 =	sadd.s32 $0x10000, s4;
	s13 =	sadd.s32 $0x1DA00, s14;
	s14 =	sadd.s32 $0x22A00, s14  }
.LBB2_1:
0x11: {  	s24 =	simm.s32 $0x0;
	s25 =	simm.s32 $0x200  }
.LBB2_2:
0x12: {  	p0 =	sne.s32 s25, $0xFE00;
	[tilespmem:s24+$0x170] =	vst v0  }
0x13: {  	[tilespmem:s24+$0x100] =	vst v0  }
0x14: {  	[tilespmem:s24+$0x110] =	vst v0  }
.Ltmp0:
0x15: {  	[tilespmem:s24+$0x120] =	vst v0;
	(pc) =	sbr.rel @p0 .LBB2_2-.Ltmp0, $4  }
0x16: {  	[tilespmem:s24+$0x130] =	vst v0  }
0x17: {  	[tilespmem:s24+$0x140] =	vst v0  }
0x18: {  	[tilespmem:s24+$0x150] =	vst v0  }
0x19: {  	[tilespmem:s24+$0x160] =	vst v0;
	s24 =	sshra.s32 s25, $0x2;
	s25 =	sadd.s32 $0x200, s25  }
0x1a: {  	[tilespmem:s24+$0x170] =	vst v0  }
0x1b: {  	[tilespmem:s24+$0x100] =	vst v0  }
0x1c: {  	[tilespmem:s24+$0x110] =	vst v0  }
0x1d: {  	[tilespmem:s24+$0x120] =	vst v0  }
0x1e: {  	[tilespmem:s24+$0x130] =	vst v0  }
0x1f: {  	[tilespmem:s24+$0x140] =	vst v0  }
0x20: {  	[tilespmem:s24+$0x150] =	vst v0  }
0x21: {  	[tilespmem:s24+$0x160] =	vst v0  }
0x22: {  	[spmem:s4] =	stream.linear.scatter [tilespmem:s15], [sflag:$0x5], $0x4000, $0x38;
	[tilespmem:$0x1C100] =	vst v63  }
0x23: {  	_ =	swait.ge [sflag:s16], $0x4000  }
0x24: {  	[sflag:s16] =	ssyncset.done $0x0  }
0x25: {  	[sflag:s16] =	ssyncadd.s32 $0xFFFFC000  }
0x26: {  	[spmem:s5] =	stream.linear.scatter [tilespmem:s15], [sflag:$0x5], $0x4000, $0x38;
	[tilespmem:$0x1C100] =	vst v63  }
0x27: {  	_ =	swait.ge [sflag:s16], $0x4000  }
0x28: {  	[sflag:s16] =	ssyncset.done $0x0  }
0x29: {  	[sflag:s16] =	ssyncadd.s32 $0xFFFFC000  }
0x2a: {  	[spmem:s6] =	stream.linear.scatter [tilespmem:s15], [sflag:$0x5], $0x4000, $0x38;
	[tilespmem:$0x1C100] =	vst v63  }
0x2b: {  	_ =	swait.ge [sflag:s16], $0x4000  }
0x2c: {  	[sflag:s16] =	ssyncset.done $0x0  }
0x2d: {  	[sflag:s16] =	ssyncadd.s32 $0xFFFFC000  }
0x2e: {  	[spmem:s7] =	stream.linear.scatter [tilespmem:s15], [sflag:$0x5], $0x4000, $0x38;
	[tilespmem:$0x1C100] =	vst v63  }
0x2f: {  	_ =	swait.ge [sflag:s16], $0x4000  }
0x30: {  	[sflag:s16] =	ssyncset.done $0x0  }
0x31: {  	[sflag:s16] =	ssyncadd.s32 $0xFFFFC000  }
0x32: {  	[spmem:s8] =	stream.linear.scatter [tilespmem:s15], [sflag:$0x5], $0x4000, $0x38;
	[tilespmem:$0x1C100] =	vst v63  }
0x33: {  	_ =	swait.ge [sflag:s16], $0x4000  }
0x34: {  	[sflag:s16] =	ssyncset.done $0x0  }
0x35: {  	[sflag:s16] =	ssyncadd.s32 $0xFFFFC000  }
0x36: {  	s30 =	sadd.s32 $0x0, s14;
	[bflag:$0x0] =	sbarrier.arrive $0xFFFF  }
0x37: {  	[tilespmem:s3], [sflag:$0x1] =	stream.linear.gather [hbm4b:s30+s3], $0x80, $0x38;
	[tilespmem:$0x1C100] =	vst v63  }
0x38: {  	_ = 	snop  }
0x39: {  	[tilespmem:s15], [sflag:$0x3] =	stream.linear.gather [hbm4b:s11+s3], $0x4000, $0x38;
	[tilespmem:$0x1C100] =	vst v63  }
0x3a: {  	s31 =	sadd.s32 $0x0, s13  }
0x3b: {  	[tilespmem:s17], [sflag:$0x2] =	stream.linear.gather [hbm4b:s31+s3], $0x80, $0x38;
	[tilespmem:$0x1C100] =	vst v63  }
0x3c: {  	_ = 	snop  }
0x3d: {  	[tilespmem:s18], [sflag:$0x4] =	stream.linear.gather [hbm4b:s12+s3], $0x4000, $0x38;
	[tilespmem:$0x1C100] =	vst v63  }
0x3e: {  	_ =	swait.ge [sflag:s19], $0x80  }
0x3f: {  	[sflag:s19] =	ssyncset.done $0x0  }
0x40: {  	[sflag:s19] =	ssyncadd.s32 $0xFFFFFF80  }
0x41: {  	_ =	swait.ge [sflag:s20], $0x4000  }
0x42: {  	[sflag:s20] =	ssyncset.done $0x0  }
0x43: {  	[sflag:s20] =	ssyncadd.s32 $0xFFFFC000  }
0x44: {  	[spmem:s2] =	stream.indirect.scatter.add.f32 [tilespmem:s15], [sflag:$0x5], $0x80, s3, s17, $0xb8;
	[tilespmem:$0x1C100] =	vst v63  }
0x45: {  	_ =	swait.ge [sflag:s16], $0x4000  }
0x46: {  	[sflag:s16] =	ssyncset.done $0x0  }
0x47: {  	[sflag:s16] =	ssyncadd.s32 $0xFFFFC000  }
0x48: {  	_ =	swait.ge [sflag:s21], $0x80  }
0x49: {  	[sflag:s21] =	ssyncset.done $0x0  }
0x4a: {  	[sflag:s21] =	ssyncadd.s32 $0xFFFFFF80  }
0x4b: {  	_ =	swait.ge [sflag:s22], $0x4000  }
0x4c: {  	[sflag:s22] =	ssyncset.done $0x0  }
0x4d: {  	[sflag:s22] =	ssyncadd.s32 $0xFFFFC000  }
0x4e: {  	[spmem:s2] =	stream.indirect.scatter.add.f32 [tilespmem:s18], [sflag:$0x5], $0x80, s17, s17, $0xb8;
	[tilespmem:$0x1C100] =	vst v63  }
0x4f: {  	s24 =	simm.s32 $0x10;
	s28 =	simm.s32 $0x20;
	_ =	swait.ge [sflag:s16], $0x4000  }
0x50: {  	s26 =	sadd.s32 $0x800, s11;
	s25 =	sadd.s32 $0x800, s12;
	[sflag:s16] =	ssyncset.done $0x0  }
.LBB2_4:
0x51: {  	s29 =	sadd.s32 s24, s14  }
0x52: {  	[sflag:s16] =	ssyncadd.s32 $0xFFFFC000;
	s30 =	smov.u32 s28;
	s31 =	sadd.s32 $0x10, s28  }
0x53: {  	[tilespmem:s3], [sflag:$0x1] =	stream.linear.gather [hbm4b:s29+s3], $0x80, $0x38;
	[tilespmem:$0x1C100] =	vst v63  }
0x54: {  	p0 =	sne.s32 s28, $0x270  }
0x55: {  	[tilespmem:s15], [sflag:$0x3] =	stream.linear.gather [hbm4b:s26+s3], $0x4000, $0x38;
	[tilespmem:$0x1C100] =	vst v63  }
0x56: {  	s28 =	sadd.s32 s24, s13;
	s24 =	smov.u32 s30  }
0x57: {  	[tilespmem:s17], [sflag:$0x2] =	stream.linear.gather [hbm4b:s28+s3], $0x80, $0x38;
	[tilespmem:$0x1C100] =	vst v63  }
0x58: {  	_ = 	snop  }
0x59: {  	[tilespmem:s18], [sflag:$0x4] =	stream.linear.gather [hbm4b:s25+s3], $0x4000, $0x38;
	[tilespmem:$0x1C100] =	vst v63  }
0x5a: {  	_ =	swait.ge [sflag:s19], $0x80  }
0x5b: {  	[sflag:s19] =	ssyncset.done $0x0  }
0x5c: {  	[sflag:s19] =	ssyncadd.s32 $0xFFFFFF80  }
0x5d: {  	_ =	swait.ge [sflag:s20], $0x4000  }
0x5e: {  	[sflag:s20] =	ssyncset.done $0x0  }
0x5f: {  	[sflag:s20] =	ssyncadd.s32 $0xFFFFC000  }
0x60: {  	[spmem:s2] =	stream.indirect.scatter.add.f32 [tilespmem:s15], [sflag:$0x5], $0x80, s3, s17, $0xb8;
	[tilespmem:$0x1C100] =	vst v63  }
0x61: {  	_ =	swait.ge [sflag:s16], $0x4000  }
0x62: {  	[sflag:s16] =	ssyncset.done $0x0  }
0x63: {  	[sflag:s16] =	ssyncadd.s32 $0xFFFFC000  }
0x64: {  	_ =	swait.ge [sflag:s21], $0x80  }
0x65: {  	[sflag:s21] =	ssyncset.done $0x0  }
0x66: {  	[sflag:s21] =	ssyncadd.s32 $0xFFFFFF80  }
0x67: {  	_ =	swait.ge [sflag:s22], $0x4000  }
.Ltmp1:
0x68: {  	[sflag:s22] =	ssyncset.done $0x0;
	(pc) =	sbr.rel @p0 .LBB2_4-.Ltmp1, $4  }
0x69: {  	[sflag:s22] =	ssyncadd.s32 $0xFFFFC000  }
0x6a: {  	[spmem:s2] =	stream.indirect.scatter.add.f32 [tilespmem:s18], [sflag:$0x5], $0x80, s17, s17, $0xb8;
	[tilespmem:$0x1C100] =	vst v63  }
0x6b: {  	s26 =	sadd.s32 $0x800, s26;
	_ =	swait.ge [sflag:s16], $0x4000  }
0x6c: {  	s28 =	smov.u32 s31;
	s25 =	sadd.s32 $0x800, s25;
	[sflag:s16] =	ssyncset.done $0x0  }
0x6d: {  	s28 =	sadd.s32 s24, s14;
	[sflag:s16] =	ssyncadd.s32 $0xFFFFC000  }
0x6e: {  	[tilespmem:s3], [sflag:$0x1] =	stream.linear.gather [hbm4b:s28+s3], $0x80, $0x38;
	[tilespmem:$0x1C100] =	vst v63  }
0x6f: {  	_ = 	snop  }
0x70: {  	[tilespmem:s15], [sflag:$0x3] =	stream.linear.gather [hbm4b:s26+s3], $0x4000, $0x38;
	[tilespmem:$0x1C100] =	vst v63  }
0x71: {  	s29 =	sadd.s32 s24, s13  }
0x72: {  	[tilespmem:s17], [sflag:$0x2] =	stream.linear.gather [hbm4b:s29+s3], $0x80, $0x38;
	[tilespmem:$0x1C100] =	vst v63  }
0x73: {  	_ = 	snop  }
0x74: {  	[tilespmem:s18], [sflag:$0x4] =	stream.linear.gather [hbm4b:s25+s3], $0x4000, $0x38;
	[tilespmem:$0x1C100] =	vst v63  }
0x75: {  	_ =	swait.ge [sflag:s19], $0x80  }
0x76: {  	[sflag:s19] =	ssyncset.done $0x0  }
0x77: {  	[sflag:s19] =	ssyncadd.s32 $0xFFFFFF80  }
0x78: {  	_ =	swait.ge [sflag:s20], $0x4000  }
0x79: {  	[sflag:s20] =	ssyncset.done $0x0  }
0x7a: {  	[sflag:s20] =	ssyncadd.s32 $0xFFFFC000  }
0x7b: {  	[spmem:s2] =	stream.indirect.scatter.add.f32 [tilespmem:s15], [sflag:$0x5], $0x80, s3, s17, $0xb8;
	[tilespmem:$0x1C100] =	vst v63  }
0x7c: {  	_ =	swait.ge [sflag:s16], $0x4000  }
0x7d: {  	[sflag:s16] =	ssyncset.done $0x0  }
0x7e: {  	[sflag:s16] =	ssyncadd.s32 $0xFFFFC000  }
0x7f: {  	_ =	swait.ge [sflag:s21], $0x80  }
0x80: {  	[sflag:s21] =	ssyncset.done $0x0  }
0x81: {  	[sflag:s21] =	ssyncadd.s32 $0xFFFFFF80  }
0x82: {  	_ =	swait.ge [sflag:s22], $0x4000  }
0x83: {  	[sflag:s22] =	ssyncset.done $0x0  }
0x84: {  	[sflag:s22] =	ssyncadd.s32 $0xFFFFC000  }
0x85: {  	[spmem:s2] =	stream.indirect.scatter.add.f32 [tilespmem:s18], [sflag:$0x5], $0x80, s17, s17, $0xb8;
	[tilespmem:$0x1C100] =	vst v63  }
0x86: {  	_ =	swait.ge [sflag:s16], $0x4000  }
0x87: {  	s30 =	sshll.u32 s0, $0x6;
	s23 =	sadd.s32 $0x1, s23;
	[sflag:s16] =	ssyncset.done $0x0  }
0x88: {  	s31 =	sshrl.u32 s4, $0x3;
	p0 =	sne.s32 s23, s10;
	[sflag:s16] =	ssyncadd.s32 $0xFFFFC000  }
.Ltmp2:
0x89: {  	s24 =	sor.u32 $0x1C05, s30;
	[bflag:$0x0] =	sbarrier.arrive $0xFFFF;
	(pc) =	sbr.rel @p0 .LBB2_1-.Ltmp2, $4  }
0x8a: {  	[hbm:s9], [sflag:s24] =	dma.local [spmem:s31], $0x2800  }
0x8b: {  	_ =	swait.ge [sflag:s16], $0x2800  }
0x8c: {  	[sflag:s16] =	ssyncset.done $0x0  }
0x8d: {  	[sflag:s16] =	ssyncadd.s32 $0xFFFFD800  }
0x8e: {  	_ =	sfence.sel $0x180000  }
0x8f: {  	[bflag:$0x0] =	sbarrier.arrive $0xFFFF  }
0x90: {  	p0 =	sne.s32 s0, $0x0;
	_ =	strace $0x9000004D  }
0x91: {  	s0 =	sadd.s32 @!p0 $0x100000, s1;
	[bflag:$0x2] =	sbarrier.arrive $0xFFFF  }
0x92: {  	[sflag:s0] =	ssyncadd.tile.s32 @!p0 $0x1;
	_ =	shalt  }
.Lfunc_end2:
_tile_overlayer_lowered:
.L_overlay_start_2:
0x93: {  	(tag) =	ssettag $0x2  }
0x94: {  	s0 =	rddreg [dreg:$0x0];
	s2 =	stileid.u32  }
0x95: {  	s1 =	rddreg [dreg:$0x1];
	p0 =	sne.s32 s2, $0x0  }
0x96: {  	s3 =	rddreg [dreg:$0x2];
	[bflag:$0x3] =	sbarrier.arrive $0xFFFF;
	s2 =	simm.s32 @!p0 $0x1C05  }
0x97: {  	[timem:s3], [sflag:s2] =	dma.local @!p0 [hbm:s0], s1  }
0x98: {  	s0 =	simm.s32 @!p0 $0x5  }
0x99: {  	_ =	swait.ge @!p0 [sflag:s0], s1  }
0x9a: {  	s1 =	ssub.s32 @!p0 $0x0, s1;
	[sflag:s0] =	ssyncset.done @!p0 $0x0  }
0x9b: {  	[sflag:s0] =	ssyncadd.s32 @!p0 s1  }
0x9c: {  	[bflag:$0x3] =	sbarrier.arrive $0xFFFF  }
0x9d: {  	_ =	shalt  }

// kernel: kernel.25.cloned.1.call-start
scs
__scs_entry_jumppad:
0x0: {  	(pc) =	sbr.rel $0x88, $3  }
0x1: {  	(tag) =	ssettag $0x0;
	lr =	simm.s32 $0x1  }
0x2: {  	[smem:$0x3F4B] =	sst lr;
	_ =	strace $0xD0000000  }
0x3: {  	_ = 	snop  }
0x4: {  	_ = 	snop  }
0x5: {  	_ = 	snop  }
0x6: {  	_ = 	snop  }
0x7: {  	_ = 	snop  }
__scs_overlays_trampoline_lowered:
0x8: {  	[smem:$0x3F5A] =	sst s0  }
0x9: {  	[smem:$0x3F5B] =	sst s1  }
0xa: {  	[smem:$0x3F5C] =	sst s2  }
0xb: {  	[smem:$0x3F5D] =	sst s3  }
0xc: {  	[smem:$0x3F5E] =	sst s4  }
0xd: {  	[smem:$0x3F5F] =	sst s5  }
0xe: {  	[smem:$0x3F60] =	sst s6  }
0xf: {  	[smem:$0x3F61] =	sst s7  }
0x10: {  	[smem:$0x3F62] =	sst s8  }
0x11: {  	[smem:$0x3F63] =	sst s9;
	s0 =	simm.s32 @!p0 $0x0  }
0x12: {  	s1 =	sld [smem:$0x3F49];
	s0 =	simm.s32 @p0 $0x1  }
0x13: {  	[smem:$0x3F64] =	sst s0;
	s0 =	simm.s32 @!p1 $0x0  }
0x14: {  	s2 =	sld [smem:$0x3F48];
	s0 =	simm.s32 @p1 $0x1  }
0x15: {  	[smem:$0x3F65] =	sst s0;
	s0 =	simm.s32 @!p2 $0x0  }
0x16: {  	s3 =	sld [smem:$0x3FDB];
	s0 =	simm.s32 @p2 $0x1  }
0x17: {  	s4 =	simm.s32 $0x1BF5;
	[smem:$0x3F67] =	sst s0  }
0x18: {  	s0 =	sld [smem:$0x3F4A];
	_ =	swait.ge [sflag:s4], $0x0  }
0x19: {  	s7 =	sld [smem:$0x3F4B]  }
0x1a: {  	s8 =	sadd.s32 $0xFFFFE003, lr  }
0x1b: {  	s9 =	sadd.s32 $0xFFFFFEF7, lr;
	s5 =	simm.s32 $0xFFFFFFFF;
	p2 =	slt.u32 s8, $0xFFFFF086  }
0x1c: {  	p1 =	slt.u32 s9, $0xF7A;
	s5 =	simm.s32 @!p2 $0x0  }
0x1d: {  	s5 =	simm.s32 @p1 $0x1;
	p0 =	seq.s32 s7, s2  }
0x1e: {  	s7 =	smul.u32 @!p0 $0xF7A, s2;
	p2 =	seq.s32 @!p0 s5, $0x0  }
0x1f: {  	s9 =	smul.u32 $0xF7A, s1;
	s8 =	simm.s32 @!p0 $0x1BF5;
	p2 =	por !p2, p0  }
0x20: {  	[sflag:s8] =	ssyncset.s32 @!p0 $0xFFFFF086;
	s6 =	sadd.s32 @!p0 s3, s7;
	s7 =	simm.s32 @!p0 $0x108  }
0x21: {  	s3 =	sadd.s32 s3, s9;
	s6 =	sadd.s32 @!p0 $0x88, s6;
	s7 =	simm.s32 @p2 $0x1082  }
0x22: {  	[simem:s7], [sflag:s8] =	dma.local @!p0 [hbm:s6], $0xF7A  }
0x23: {  	s9 =	sor.u32 $0xD0000000, s2;
	s6 =	simm.s32 $0x108;
	_ =	swait.ge @!p0 [sflag:s8], $0x0  }
0x24: {  	s3 =	sadd.s32 $0x88, s3;
	s6 =	simm.s32 @!p1 $0x1082;
	[sflag:s4] =	ssyncset.s32 $0xFFFFF086  }
0x25: {  	[simem:s6], [sflag:s4] =	dma.local [hbm:s3], $0xF7A  }
0x26: {  	[smem:$0x3F4B] =	sst s1;
	(tag) =	ssettag s2;
	_ =	strace s9  }
0x27: {  	s1 =	sld [smem:$0x3F5B]  }
0x28: {  	s2 =	sld [smem:$0x3F5C]  }
0x29: {  	s4 =	sld [smem:$0x3F5E]  }
0x2a: {  	p0 =	seq.s32 s5, $0x0;
	s5 =	sld [smem:$0x3F5F]  }
0x2b: {  	s6 =	sld [smem:$0x3F60]  }
0x2c: {  	s7 =	sld [smem:$0x3F61]  }
0x2d: {  	s3 =	simm.s32 $0x108;
	s8 =	sld [smem:$0x3F62]  }
0x2e: {  	s3 =	simm.s32 @!p0 $0x1082;
	s9 =	sld [smem:$0x3F63]  }
0x2f: {  	lr =	sadd.s32 s0, s3;
	s0 =	sld [smem:$0x3F5A]  }
0x30: {  	s3 =	sld [smem:$0x3F5D]  }
0x31: {  	[smem:$0x3F66] =	sst s10  }
0x32: {  	s10 =	sld [smem:$0x3F64];
	_ =	sdelay $0x3  }
0x33: {  	p0 =	seq.s32 s10, $0x1;
	s10 =	sld [smem:$0x3F66];
	_ =	sdelay $0x3  }
0x34: {  	[smem:$0x3F66] =	sst s10  }
0x35: {  	s10 =	sld [smem:$0x3F65];
	_ =	sdelay $0x3  }
0x36: {  	p1 =	seq.s32 s10, $0x1;
	s10 =	sld [smem:$0x3F66];
	_ =	sdelay $0x3  }
0x37: {  	[smem:$0x3F66] =	sst s10  }
0x38: {  	s10 =	sld [smem:$0x3F67]  }
0x39: {  	_ = 	snop;
	(pc) =	sbr.ind lr, $3  }
0x3a: {  	_ = 	snop  }
0x3b: {  	_ = 	snop  }
0x3c: {  	p2 =	seq.s32 s10, $0x1;
	s10 =	sld [smem:$0x3F66]  }
0x3d: {  	_ =	shalt  }
0x3e: {  	_ =	shalt  }
0x3f: {  	_ =	shalt  }
0x40: {  	_ =	shalt  }
0x41: {  	_ =	shalt  }
0x42: {  	_ =	shalt  }
0x43: {  	_ =	shalt  }
0x44: {  	_ =	shalt  }
0x45: {  	_ =	shalt  }
0x46: {  	_ =	shalt  }
0x47: {  	_ =	shalt  }
0x48: {  	_ =	shalt  }
0x49: {  	_ =	shalt  }
0x4a: {  	_ =	shalt  }
0x4b: {  	_ =	shalt  }
0x4c: {  	_ =	shalt  }
0x4d: {  	_ =	shalt  }
0x4e: {  	_ =	shalt  }
0x4f: {  	_ =	shalt  }
0x50: {  	_ =	shalt  }
0x51: {  	_ =	shalt  }
0x52: {  	_ =	shalt  }
0x53: {  	_ =	shalt  }
0x54: {  	_ =	shalt  }
0x55: {  	_ =	shalt  }
0x56: {  	_ =	shalt  }
0x57: {  	_ =	shalt  }
0x58: {  	_ =	shalt  }
0x59: {  	_ =	shalt  }
0x5a: {  	_ =	shalt  }
0x5b: {  	_ =	shalt  }
0x5c: {  	_ =	shalt  }
0x5d: {  	_ =	shalt  }
0x5e: {  	_ =	shalt  }
0x5f: {  	_ =	shalt  }
0x60: {  	_ =	shalt  }
0x61: {  	_ =	shalt  }
0x62: {  	_ =	shalt  }
0x63: {  	_ =	shalt  }
0x64: {  	_ =	shalt  }
0x65: {  	_ =	shalt  }
0x66: {  	_ =	shalt  }
0x67: {  	_ =	shalt  }
0x68: {  	_ =	shalt  }
0x69: {  	_ =	shalt  }
0x6a: {  	_ =	shalt  }
0x6b: {  	_ =	shalt  }
0x6c: {  	_ =	shalt  }
0x6d: {  	_ =	shalt  }
0x6e: {  	_ =	shalt  }
0x6f: {  	_ =	shalt  }
0x70: {  	_ =	shalt  }
0x71: {  	_ =	shalt  }
0x72: {  	_ =	shalt  }
0x73: {  	_ =	shalt  }
0x74: {  	_ =	shalt  }
0x75: {  	_ =	shalt  }
0x76: {  	_ =	shalt  }
0x77: {  	_ =	shalt  }
0x78: {  	_ =	shalt  }
0x79: {  	_ =	shalt  }
0x7a: {  	_ =	shalt  }
0x7b: {  	_ =	shalt  }
0x7c: {  	_ =	shalt  }
0x7d: {  	_ =	shalt  }
0x7e: {  	_ =	shalt  }
0x7f: {  	_ =	shalt  }
0x80: {  	_ =	shalt  }
0x81: {  	_ =	shalt  }
0x82: {  	_ =	shalt  }
0x83: {  	_ =	shalt  }
0x84: {  	_ =	shalt  }
0x85: {  	_ =	shalt  }
0x86: {  	_ =	shalt  }
0x87: {  	_ =	shalt  }
.Lfunc_end0:
.L_simem_size_0:
called_computation.3_lowered:
.L_overlay_start_0:
0x88: {  	s2 =	sld [smem:$0x3FD9]  }
0x89: {  	s3 =	sld [smem:$0x3FFE];
	_ =	sdelay $0x1  }
0x8a: {  	s1 =	srdreg.scid  }
0x8b: {  	s0 =	sand.u32 $0x1, s1  }
0x8c: {  	s17 =	sshll.u32 s0, $0xA;
	s2 =	sadd.s32 s3, s2  }
0x8d: {  	s2 =	sadd.s32 s2, s17  }
0x8e: {  	[smem:$0x3F72] =	sst s2  }
0x8f: {  	_ = 	snop  }
0x90: {  	(tm) =	ssettm $0x1  }
0x91: {  	s18 =	sld [smem:$0x3FFB];
	_ =	sdelay $0x3  }
0x92: {  	_ =	strace s18  }
0x93: {  	s2 =	sld [smem:$0x3FFC];
	_ =	sdelay $0x3  }
0x94: {  	_ =	strace s2  }
0x95: {  	s2 =	sld [smem:$0x3FFD];
	_ =	sdelay $0x3  }
0x96: {  	_ =	strace s2  }
0x97: {  	_ =	strace $0x8FFFFFFF  }
0x98: {  	s19 =	sld [smem:$0x3FDB];
	_ =	sdelay $0x1  }
0x99: {  	s20 =	simm.s32 $_scs_section_size  }
0x9a: {  	s4 =	simm.s32 $_size__tile_overlayer_lowered;
	s5 =	simm.s32 $_tile_overlayer_lowered  }
0x9b: {  	s6 =	simm.s32 $0x1BFF;
	s21 =	sshll.u32 s5, $0x1;
	s3 =	sadd.s32 s20, s19  }
0x9c: {  	s22 =	simm.s32 $0x0;
	s4 =	sshll.u32 s4, $0x1;
	s5 =	sadd.s32 s21, s3  }
0x9d: {  	[timem:s22], [sflag:s6] =	dma.local [hbm:s5], s4  }
0x9e: {  	_ =	swait.ge [sflag:s6], s4  }
0x9f: {  	s4 =	ssub.s32 $0x0, s4;
	[sflag:s6] =	ssyncset.done $0x0  }
0xa0: {  	[sflag:s6] =	ssyncadd.s32 s4;
	_ =	sdelay $0x1  }
0xa1: {  	s23 =	simm.s32 $0x1B8B  }
0xa2: {  	_ =	swait.ge [sflag:s23], $0x1  }
0xa3: {  	[sflag:s23] =	ssyncset.done $0x0  }
0xa4: {  	[sflag:s23] =	ssyncadd.s32 $0xFFFFFFFF  }
0xa5: {  	s4 =	sld [smem:$0x0]  }
0xa6: {  	s5 =	sand.u32 $0xFFFFFFFE, s1  }
0xa7: {  	p0 =	sne.s32 s1, s5  }
0xa8: {  	s5 =	sshll.u32 @p0 s5, $0xE  }
0xa9: {  	s5 =	sadd.s32 @p0 $0x11B8D, s5;
	s6 =	sshll.u32 @p0 s4, $0x11  }
0xaa: {  	s5 =	sor.u32 @p0 s6, s5  }
0xab: {  	[sflag:s5] =	ssyncadd.remote.s32 @p0 $0x1;
	_ =	sdelay $0x1  }
0xac: {  	s5 =	simm.s32 @p0 $0x1B8D  }
0xad: {  	_ =	swait.eq @p0 [sflag:s5], $0x1  }
0xae: {  	[sflag:s5] =	ssyncadd.s32 @p0 $0xFFFFFFFF  }
0xaf: {  	s6 =	sshll.u32 @!p0 s1, $0xE  }
0xb0: {  	s6 =	sor.u32 @!p0 $0x4000, s6;
	s5 =	simm.s32 @!p0 $0x1B8D  }
0xb1: {  	s4 =	sshll.u32 @!p0 s4, $0x11;
	s6 =	sadd.s32 @!p0 $0x11B8D, s6;
	_ =	swait.eq @!p0 [sflag:s5], $0x1  }
0xb2: {  	s4 =	sor.u32 @!p0 s4, s6;
	[sflag:s5] =	ssyncadd.s32 @!p0 $0xFFFFFFFF  }
0xb3: {  	s25 =	simm.s32 $0x1B8E;
	s24 =	sld [smem:$0x3FFE];
	[sflag:s4] =	ssyncadd.remote.s32 @!p0 $0x1  }
0xb4: {  	s26 =	simm.s32 $execute0_lowered;
	[smem:$0x3FD2] =	sst s25  }
0xb5: {  	s5 =	sshll.u32 s26, $0x1;
	_ =	strace $0x8000004F;
	[dreg:$0x1] =	wrdreg $0xFFFFFFFF  }
0xb6: {  	s28 =	simm.s32 $_size_execute0_lowered;
	s3 =	sadd.s32 s3, s5;
	[dreg:$0x0] =	wrdreg $0x0  }
0xb7: {  	s5 =	sshll.u32 s28, $0x1;
	[dreg:$0x2] =	wrdreg s3  }
0xb8: {  	[dreg:$0x3] =	wrdreg s5  }
0xb9: {  	[dreg:$0x4] =	wrdreg $0xC0  }
0xba: {  	_ =	task [dreg:s22], $0x5FFFF  }
0xbb: {  	[dreg:$0x1] =	wrdreg $0xFFFFFFFF  }
0xbc: {  	[dreg:$0x0] =	wrdreg $0x60  }
0xbd: {  	[dreg:$0x2] =	wrdreg s24  }
0xbe: {  	[dreg:$0x3] =	wrdreg $0x81000  }
0xbf: {  	[dreg:$0x4] =	wrdreg $0xA  }
0xc0: {  	_ =	task.clear_ibuf [dreg:s22], $0x5FFFF;
	_ =	strace $0x9000004F  }
0xc1: {  	s29 =	simm.s32 $0xA;
	_ =	strace $0x80000051  }
0xc2: {  	_ =	swait.ge [sflag:s29], $0x1  }
0xc3: {  	[sflag:s29] =	ssyncadd.s32 $0xFFFFFFFF  }
0xc4: {  	_ =	strace $0x90000051  }
0xc5: {  	_ =	sfence  }
0xc6: {  	s30 =	sld [smem:$0x0];
	_ =	sdelay $0x2  }
0xc7: {  	s31 =	sshll.u32 s1, $0xD;
	s1 =	sshrl.u32 s1, $0x2  }
0xc8: {  	s4 =	sand.u32 $0x4000, s31;
	s1 =	sadd.s32 s1, s30  }
0xc9: {  	s0 =	sor.u32 s4, s0;
	s1 =	sshll.u32 s1, $0x11  }
0xca: {  	s0 =	sor.u32 s1, s0  }
0xcb: {  	s0 =	sadd.s32 $0x8F2B, s0  }
0xcc: {  	[sflag:s0] =	ssyncadd.remote.s32 $0x1  }
0xcd: {  	_ =	sfence.sel $0xFFFF  }
0xce: {  	[dreg:$0x0] =	wrdreg $0xFFFFFFFF;
	(pc) =	sbr.abs _section_cstart, $3  }
0xcf: {  	[dreg:$0x1] =	wrdreg $0xFFFFFFFF  }
0xd0: {  	_ =	task.clear_ibuf [dreg:s22], $0x2FFFF;
	_ =	strace $0x9FFFFFFF  }
0xd1: {  	(tm) =	ssettm $0x7FFFFFFF  }
tec
execute0_lowered:
.L_overlay_start_1:
0x0: {  	(tag) =	ssettag $0x1  }
0x1: {  	s0 =	stileid.u32;
	s4 =	rddreg [dreg:$0x0]  }
0x2: {  	s1 =	srdreg.scid;
	s2 =	rddreg [dreg:$0x1]  }
0x3: {  	s3 =	simm.s32 $0x0;
	s15 =	simm.s32 $0x100;
	s16 =	simm.s32 $0x5  }
0x4: {  	s17 =	simm.s32 $0x80;
	s18 =	simm.s32 $0x4100;
	s6 =	smul.u32 $0x2800, s0  }
0x5: {  	s19 =	simm.s32 $0x1;
	s20 =	simm.s32 $0x3;
	s8 =	smul.u32 $0x28000, s0  }
0x6: {  	s21 =	simm.s32 $0x2;
	s5 =	sand.u32 $0x1, s1;
	s10 =	smul.u32 $0x50000, s0  }
0x7: {  	s22 =	simm.s32 $0x4;
	s1 =	rddreg [dreg:$0x2];
	s7 =	smul.u32 $0x1400, s5  }
0x8: {  	s23 =	simm.s32 $0x0;
	[smem:$0x7FF] =	sst s3;
	s9 =	smul.u32 $0x28000, s5  }
0x9: {  	_ =	strace $0x80000050;
	s28 =	ssub.s32 $0x2, s5;
	s31 =	smul.u32 $0x14000, s5  }
0xa: {  	s11 =	sadd.s32 s8, s4;
	s29 =	sshrl.u32 s10, $0x2;
	s30 =	sshrl.u32 s28, $0x1  }
0xb: {  	s7 =	sadd.s32 s7, s6;
	s6 =	sadd.s32 s6, s9;
	s12 =	ssub.s32 s28, s30  }
0xc: {  	s13 =	sadd.s32 s31, s11;
	s7 =	sshrl.u32 s7, $0x3;
	s9 =	sadd.s32 s6, s4  }
0xd: {  	s10 =	smax.u32 s12, $0x1;
	s11 =	sadd.s32 $0x1754A00, s13;
	s12 =	sadd.s32 $0x2F5C00, s13  }
0xe: {  	s14 =	sadd.s32 s7, s4;
	s4 =	sadd.s32 s29, s2;
	s9 =	sadd.s32 $0x5C5C00, s9  }
0xf: {  	s5 =	sadd.s32 $0x4000, s4;
	s6 =	sadd.s32 $0x8000, s4;
	s7 =	sadd.s32 $0xC000, s4  }
0x10: {  	v0 =	vimm.f32 $0.0e+00;
	s8 =	sadd.s32 $0x10000, s4;
	s13 =	sadd.s32 $0x1DA00, s14;
	s14 =	sadd.s32 $0x22A00, s14  }
.LBB2_1:
0x11: {  	s24 =	simm.s32 $0x0;
	s25 =	simm.s32 $0x200  }
.LBB2_2:
0x12: {  	p0 =	sne.s32 s25, $0xFE00;
	[tilespmem:s24+$0x170] =	vst v0  }
0x13: {  	[tilespmem:s24+$0x100] =	vst v0  }
0x14: {  	[tilespmem:s24+$0x110] =	vst v0  }
.Ltmp0:
0x15: {  	[tilespmem:s24+$0x120] =	vst v0;
	(pc) =	sbr.rel @p0 .LBB2_2-.Ltmp0, $4  }
0x16: {  	[tilespmem:s24+$0x130] =	vst v0  }
0x17: {  	[tilespmem:s24+$0x140] =	vst v0  }
0x18: {  	[tilespmem:s24+$0x150] =	vst v0  }
0x19: {  	[tilespmem:s24+$0x160] =	vst v0;
	s24 =	sshra.s32 s25, $0x2;
	s25 =	sadd.s32 $0x200, s25  }
0x1a: {  	[tilespmem:s24+$0x170] =	vst v0  }
0x1b: {  	[tilespmem:s24+$0x100] =	vst v0  }
0x1c: {  	[tilespmem:s24+$0x110] =	vst v0  }
0x1d: {  	[tilespmem:s24+$0x120] =	vst v0  }
0x1e: {  	[tilespmem:s24+$0x130] =	vst v0  }
0x1f: {  	[tilespmem:s24+$0x140] =	vst v0  }
0x20: {  	[tilespmem:s24+$0x150] =	vst v0  }
0x21: {  	[tilespmem:s24+$0x160] =	vst v0  }
0x22: {  	[spmem:s4] =	stream.linear.scatter [tilespmem:s15], [sflag:$0x5], $0x4000, $0x38;
	[tilespmem:$0x1C100] =	vst v63  }
0x23: {  	_ =	swait.ge [sflag:s16], $0x4000  }
0x24: {  	[sflag:s16] =	ssyncset.done $0x0  }
0x25: {  	[sflag:s16] =	ssyncadd.s32 $0xFFFFC000  }
0x26: {  	[spmem:s5] =	stream.linear.scatter [tilespmem:s15], [sflag:$0x5], $0x4000, $0x38;
	[tilespmem:$0x1C100] =	vst v63  }
0x27: {  	_ =	swait.ge [sflag:s16], $0x4000  }
0x28: {  	[sflag:s16] =	ssyncset.done $0x0  }
0x29: {  	[sflag:s16] =	ssyncadd.s32 $0xFFFFC000  }
0x2a: {  	[spmem:s6] =	stream.linear.scatter [tilespmem:s15], [sflag:$0x5], $0x4000, $0x38;
	[tilespmem:$0x1C100] =	vst v63  }
0x2b: {  	_ =	swait.ge [sflag:s16], $0x4000  }
0x2c: {  	[sflag:s16] =	ssyncset.done $0x0  }
0x2d: {  	[sflag:s16] =	ssyncadd.s32 $0xFFFFC000  }
0x2e: {  	[spmem:s7] =	stream.linear.scatter [tilespmem:s15], [sflag:$0x5], $0x4000, $0x38;
	[tilespmem:$0x1C100] =	vst v63  }
0x2f: {  	_ =	swait.ge [sflag:s16], $0x4000  }
0x30: {  	[sflag:s16] =	ssyncset.done $0x0  }
0x31: {  	[sflag:s16] =	ssyncadd.s32 $0xFFFFC000  }
0x32: {  	[spmem:s8] =	stream.linear.scatter [tilespmem:s15], [sflag:$0x5], $0x4000, $0x38;
	[tilespmem:$0x1C100] =	vst v63  }
0x33: {  	_ =	swait.ge [sflag:s16], $0x4000  }
0x34: {  	[sflag:s16] =	ssyncset.done $0x0  }
0x35: {  	[sflag:s16] =	ssyncadd.s32 $0xFFFFC000  }
0x36: {  	s30 =	sadd.s32 $0x0, s14;
	[bflag:$0x0] =	sbarrier.arrive $0xFFFF  }
0x37: {  	[tilespmem:s3], [sflag:$0x1] =	stream.linear.gather [hbm4b:s30+s3], $0x80, $0x38;
	[tilespmem:$0x1C100] =	vst v63  }
0x38: {  	_ = 	snop  }
0x39: {  	[tilespmem:s15], [sflag:$0x3] =	stream.linear.gather [hbm4b:s11+s3], $0x4000, $0x38;
	[tilespmem:$0x1C100] =	vst v63  }
0x3a: {  	s31 =	sadd.s32 $0x0, s13  }
0x3b: {  	[tilespmem:s17], [sflag:$0x2] =	stream.linear.gather [hbm4b:s31+s3], $0x80, $0x38;
	[tilespmem:$0x1C100] =	vst v63  }
0x3c: {  	_ = 	snop  }
0x3d: {  	[tilespmem:s18], [sflag:$0x4] =	stream.linear.gather [hbm4b:s12+s3], $0x4000, $0x38;
	[tilespmem:$0x1C100] =	vst v63  }
0x3e: {  	_ =	swait.ge [sflag:s19], $0x80  }
0x3f: {  	[sflag:s19] =	ssyncset.done $0x0  }
0x40: {  	[sflag:s19] =	ssyncadd.s32 $0xFFFFFF80  }
0x41: {  	_ =	swait.ge [sflag:s20], $0x4000  }
0x42: {  	[sflag:s20] =	ssyncset.done $0x0  }
0x43: {  	[sflag:s20] =	ssyncadd.s32 $0xFFFFC000  }
0x44: {  	[spmem:s2] =	stream.indirect.scatter.add.f32 [tilespmem:s15], [sflag:$0x5], $0x80, s3, s17, $0xb8;
	[tilespmem:$0x1C100] =	vst v63  }
0x45: {  	_ =	swait.ge [sflag:s16], $0x4000  }
0x46: {  	[sflag:s16] =	ssyncset.done $0x0  }
0x47: {  	[sflag:s16] =	ssyncadd.s32 $0xFFFFC000  }
0x48: {  	_ =	swait.ge [sflag:s21], $0x80  }
0x49: {  	[sflag:s21] =	ssyncset.done $0x0  }
0x4a: {  	[sflag:s21] =	ssyncadd.s32 $0xFFFFFF80  }
0x4b: {  	_ =	swait.ge [sflag:s22], $0x4000  }
0x4c: {  	[sflag:s22] =	ssyncset.done $0x0  }
0x4d: {  	[sflag:s22] =	ssyncadd.s32 $0xFFFFC000  }
0x4e: {  	[spmem:s2] =	stream.indirect.scatter.add.f32 [tilespmem:s18], [sflag:$0x5], $0x80, s17, s17, $0xb8;
	[tilespmem:$0x1C100] =	vst v63  }
0x4f: {  	s24 =	simm.s32 $0x10;
	s28 =	simm.s32 $0x20;
	_ =	swait.ge [sflag:s16], $0x4000  }
0x50: {  	s26 =	sadd.s32 $0x800, s11;
	s25 =	sadd.s32 $0x800, s12;
	[sflag:s16] =	ssyncset.done $0x0  }
.LBB2_4:
0x51: {  	s29 =	sadd.s32 s24, s14  }
0x52: {  	[sflag:s16] =	ssyncadd.s32 $0xFFFFC000;
	s30 =	smov.u32 s28;
	s31 =	sadd.s32 $0x10, s28  }
0x53: {  	[tilespmem:s3], [sflag:$0x1] =	stream.linear.gather [hbm4b:s29+s3], $0x80, $0x38;
	[tilespmem:$0x1C100] =	vst v63  }
0x54: {  	p0 =	sne.s32 s28, $0x270  }
0x55: {  	[tilespmem:s15], [sflag:$0x3] =	stream.linear.gather [hbm4b:s26+s3], $0x4000, $0x38;
	[tilespmem:$0x1C100] =	vst v63  }
0x56: {  	s28 =	sadd.s32 s24, s13;
	s24 =	smov.u32 s30  }
0x57: {  	[tilespmem:s17], [sflag:$0x2] =	stream.linear.gather [hbm4b:s28+s3], $0x80, $0x38;
	[tilespmem:$0x1C100] =	vst v63  }
0x58: {  	_ = 	snop  }
0x59: {  	[tilespmem:s18], [sflag:$0x4] =	stream.linear.gather [hbm4b:s25+s3], $0x4000, $0x38;
	[tilespmem:$0x1C100] =	vst v63  }
0x5a: {  	_ =	swait.ge [sflag:s19], $0x80  }
0x5b: {  	[sflag:s19] =	ssyncset.done $0x0  }
0x5c: {  	[sflag:s19] =	ssyncadd.s32 $0xFFFFFF80  }
0x5d: {  	_ =	swait.ge [sflag:s20], $0x4000  }
0x5e: {  	[sflag:s20] =	ssyncset.done $0x0  }
0x5f: {  	[sflag:s20] =	ssyncadd.s32 $0xFFFFC000  }
0x60: {  	[spmem:s2] =	stream.indirect.scatter.add.f32 [tilespmem:s15], [sflag:$0x5], $0x80, s3, s17, $0xb8;
	[tilespmem:$0x1C100] =	vst v63  }
0x61: {  	_ =	swait.ge [sflag:s16], $0x4000  }
0x62: {  	[sflag:s16] =	ssyncset.done $0x0  }
0x63: {  	[sflag:s16] =	ssyncadd.s32 $0xFFFFC000  }
0x64: {  	_ =	swait.ge [sflag:s21], $0x80  }
0x65: {  	[sflag:s21] =	ssyncset.done $0x0  }
0x66: {  	[sflag:s21] =	ssyncadd.s32 $0xFFFFFF80  }
0x67: {  	_ =	swait.ge [sflag:s22], $0x4000  }
.Ltmp1:
0x68: {  	[sflag:s22] =	ssyncset.done $0x0;
	(pc) =	sbr.rel @p0 .LBB2_4-.Ltmp1, $4  }
0x69: {  	[sflag:s22] =	ssyncadd.s32 $0xFFFFC000  }
0x6a: {  	[spmem:s2] =	stream.indirect.scatter.add.f32 [tilespmem:s18], [sflag:$0x5], $0x80, s17, s17, $0xb8;
	[tilespmem:$0x1C100] =	vst v63  }
0x6b: {  	s26 =	sadd.s32 $0x800, s26;
	_ =	swait.ge [sflag:s16], $0x4000  }
0x6c: {  	s28 =	smov.u32 s31;
	s25 =	sadd.s32 $0x800, s25;
	[sflag:s16] =	ssyncset.done $0x0  }
0x6d: {  	s28 =	sadd.s32 s24, s14;
	[sflag:s16] =	ssyncadd.s32 $0xFFFFC000  }
0x6e: {  	[tilespmem:s3], [sflag:$0x1] =	stream.linear.gather [hbm4b:s28+s3], $0x80, $0x38;
	[tilespmem:$0x1C100] =	vst v63  }
0x6f: {  	_ = 	snop  }
0x70: {  	[tilespmem:s15], [sflag:$0x3] =	stream.linear.gather [hbm4b:s26+s3], $0x4000, $0x38;
	[tilespmem:$0x1C100] =	vst v63  }
0x71: {  	s29 =	sadd.s32 s24, s13  }
0x72: {  	[tilespmem:s17], [sflag:$0x2] =	stream.linear.gather [hbm4b:s29+s3], $0x80, $0x38;
	[tilespmem:$0x1C100] =	vst v63  }
0x73: {  	_ = 	snop  }
0x74: {  	[tilespmem:s18], [sflag:$0x4] =	stream.linear.gather [hbm4b:s25+s3], $0x4000, $0x38;
	[tilespmem:$0x1C100] =	vst v63  }
0x75: {  	_ =	swait.ge [sflag:s19], $0x80  }
0x76: {  	[sflag:s19] =	ssyncset.done $0x0  }
0x77: {  	[sflag:s19] =	ssyncadd.s32 $0xFFFFFF80  }
0x78: {  	_ =	swait.ge [sflag:s20], $0x4000  }
0x79: {  	[sflag:s20] =	ssyncset.done $0x0  }
0x7a: {  	[sflag:s20] =	ssyncadd.s32 $0xFFFFC000  }
0x7b: {  	[spmem:s2] =	stream.indirect.scatter.add.f32 [tilespmem:s15], [sflag:$0x5], $0x80, s3, s17, $0xb8;
	[tilespmem:$0x1C100] =	vst v63  }
0x7c: {  	_ =	swait.ge [sflag:s16], $0x4000  }
0x7d: {  	[sflag:s16] =	ssyncset.done $0x0  }
0x7e: {  	[sflag:s16] =	ssyncadd.s32 $0xFFFFC000  }
0x7f: {  	_ =	swait.ge [sflag:s21], $0x80  }
0x80: {  	[sflag:s21] =	ssyncset.done $0x0  }
0x81: {  	[sflag:s21] =	ssyncadd.s32 $0xFFFFFF80  }
0x82: {  	_ =	swait.ge [sflag:s22], $0x4000  }
0x83: {  	[sflag:s22] =	ssyncset.done $0x0  }
0x84: {  	[sflag:s22] =	ssyncadd.s32 $0xFFFFC000  }
0x85: {  	[spmem:s2] =	stream.indirect.scatter.add.f32 [tilespmem:s18], [sflag:$0x5], $0x80, s17, s17, $0xb8;
	[tilespmem:$0x1C100] =	vst v63  }
0x86: {  	_ =	swait.ge [sflag:s16], $0x4000  }
0x87: {  	s30 =	sshll.u32 s0, $0x6;
	s23 =	sadd.s32 $0x1, s23;
	[sflag:s16] =	ssyncset.done $0x0  }
0x88: {  	s31 =	sshrl.u32 s4, $0x3;
	p0 =	sne.s32 s23, s10;
	[sflag:s16] =	ssyncadd.s32 $0xFFFFC000  }
.Ltmp2:
0x89: {  	s24 =	sor.u32 $0x1C05, s30;
	[bflag:$0x0] =	sbarrier.arrive $0xFFFF;
	(pc) =	sbr.rel @p0 .LBB2_1-.Ltmp2, $4  }
0x8a: {  	[hbm:s9], [sflag:s24] =	dma.local [spmem:s31], $0x2800  }
0x8b: {  	_ =	swait.ge [sflag:s16], $0x2800  }
0x8c: {  	[sflag:s16] =	ssyncset.done $0x0  }
0x8d: {  	[sflag:s16] =	ssyncadd.s32 $0xFFFFD800  }
0x8e: {  	_ =	sfence.sel $0x180000  }
0x8f: {  	[bflag:$0x0] =	sbarrier.arrive $0xFFFF  }
0x90: {  	p0 =	sne.s32 s0, $0x0;
	_ =	strace $0x90000050  }
0x91: {  	s0 =	sadd.s32 @!p0 $0x100000, s1;
	[bflag:$0x2] =	sbarrier.arrive $0xFFFF  }
0x92: {  	[sflag:s0] =	ssyncadd.tile.s32 @!p0 $0x1;
	_ =	shalt  }
.Lfunc_end2:
_tile_overlayer_lowered:
.L_overlay_start_2:
0x93: {  	(tag) =	ssettag $0x2  }
0x94: {  	s0 =	rddreg [dreg:$0x0];
	s2 =	stileid.u32  }
0x95: {  	s1 =	rddreg [dreg:$0x1];
	p0 =	sne.s32 s2, $0x0  }
0x96: {  	s3 =	rddreg [dreg:$0x2];
	[bflag:$0x3] =	sbarrier.arrive $0xFFFF;
	s2 =	simm.s32 @!p0 $0x1C05  }
0x97: {  	[timem:s3], [sflag:s2] =	dma.local @!p0 [hbm:s0], s1  }
0x98: {  	s0 =	simm.s32 @!p0 $0x5  }
0x99: {  	_ =	swait.ge @!p0 [sflag:s0], s1  }
0x9a: {  	s1 =	ssub.s32 @!p0 $0x0, s1;
	[sflag:s0] =	ssyncset.done @!p0 $0x0  }
0x9b: {  	[sflag:s0] =	ssyncadd.s32 @!p0 s1  }
0x9c: {  	[bflag:$0x3] =	sbarrier.arrive $0xFFFF  }
0x9d: {  	_ =	shalt  }

// kernel: kernel.28.cloned.1.call-start
scs
__scs_entry_jumppad:
0x0: {  	(pc) =	sbr.rel $0x88, $3  }
0x1: {  	(tag) =	ssettag $0x0;
	lr =	simm.s32 $0x1  }
0x2: {  	[smem:$0x3F4B] =	sst lr;
	_ =	strace $0xD0000000  }
0x3: {  	_ = 	snop  }
0x4: {  	_ = 	snop  }
0x5: {  	_ = 	snop  }
0x6: {  	_ = 	snop  }
0x7: {  	_ = 	snop  }
__scs_overlays_trampoline_lowered:
0x8: {  	[smem:$0x3F5A] =	sst s0  }
0x9: {  	[smem:$0x3F5B] =	sst s1  }
0xa: {  	[smem:$0x3F5C] =	sst s2  }
0xb: {  	[smem:$0x3F5D] =	sst s3  }
0xc: {  	[smem:$0x3F5E] =	sst s4  }
0xd: {  	[smem:$0x3F5F] =	sst s5  }
0xe: {  	[smem:$0x3F60] =	sst s6  }
0xf: {  	[smem:$0x3F61] =	sst s7  }
0x10: {  	[smem:$0x3F62] =	sst s8  }
0x11: {  	[smem:$0x3F63] =	sst s9;
	s0 =	simm.s32 @!p0 $0x0  }
0x12: {  	s1 =	sld [smem:$0x3F49];
	s0 =	simm.s32 @p0 $0x1  }
0x13: {  	[smem:$0x3F64] =	sst s0;
	s0 =	simm.s32 @!p1 $0x0  }
0x14: {  	s2 =	sld [smem:$0x3F48];
	s0 =	simm.s32 @p1 $0x1  }
0x15: {  	[smem:$0x3F65] =	sst s0;
	s0 =	simm.s32 @!p2 $0x0  }
0x16: {  	s3 =	sld [smem:$0x3FDB];
	s0 =	simm.s32 @p2 $0x1  }
0x17: {  	s4 =	simm.s32 $0x1BF5;
	[smem:$0x3F67] =	sst s0  }
0x18: {  	s0 =	sld [smem:$0x3F4A];
	_ =	swait.ge [sflag:s4], $0x0  }
0x19: {  	s7 =	sld [smem:$0x3F4B]  }
0x1a: {  	s8 =	sadd.s32 $0xFFFFE003, lr  }
0x1b: {  	s9 =	sadd.s32 $0xFFFFFEF7, lr;
	s5 =	simm.s32 $0xFFFFFFFF;
	p2 =	slt.u32 s8, $0xFFFFF086  }
0x1c: {  	p1 =	slt.u32 s9, $0xF7A;
	s5 =	simm.s32 @!p2 $0x0  }
0x1d: {  	s5 =	simm.s32 @p1 $0x1;
	p0 =	seq.s32 s7, s2  }
0x1e: {  	s7 =	smul.u32 @!p0 $0xF7A, s2;
	p2 =	seq.s32 @!p0 s5, $0x0  }
0x1f: {  	s9 =	smul.u32 $0xF7A, s1;
	s8 =	simm.s32 @!p0 $0x1BF5;
	p2 =	por !p2, p0  }
0x20: {  	[sflag:s8] =	ssyncset.s32 @!p0 $0xFFFFF086;
	s6 =	sadd.s32 @!p0 s3, s7;
	s7 =	simm.s32 @!p0 $0x108  }
0x21: {  	s3 =	sadd.s32 s3, s9;
	s6 =	sadd.s32 @!p0 $0x88, s6;
	s7 =	simm.s32 @p2 $0x1082  }
0x22: {  	[simem:s7], [sflag:s8] =	dma.local @!p0 [hbm:s6], $0xF7A  }
0x23: {  	s9 =	sor.u32 $0xD0000000, s2;
	s6 =	simm.s32 $0x108;
	_ =	swait.ge @!p0 [sflag:s8], $0x0  }
0x24: {  	s3 =	sadd.s32 $0x88, s3;
	s6 =	simm.s32 @!p1 $0x1082;
	[sflag:s4] =	ssyncset.s32 $0xFFFFF086  }
0x25: {  	[simem:s6], [sflag:s4] =	dma.local [hbm:s3], $0xF7A  }
0x26: {  	[smem:$0x3F4B] =	sst s1;
	(tag) =	ssettag s2;
	_ =	strace s9  }
0x27: {  	s1 =	sld [smem:$0x3F5B]  }
0x28: {  	s2 =	sld [smem:$0x3F5C]  }
0x29: {  	s4 =	sld [smem:$0x3F5E]  }
0x2a: {  	p0 =	seq.s32 s5, $0x0;
	s5 =	sld [smem:$0x3F5F]  }
0x2b: {  	s6 =	sld [smem:$0x3F60]  }
0x2c: {  	s7 =	sld [smem:$0x3F61]  }
0x2d: {  	s3 =	simm.s32 $0x108;
	s8 =	sld [smem:$0x3F62]  }
0x2e: {  	s3 =	simm.s32 @!p0 $0x1082;
	s9 =	sld [smem:$0x3F63]  }
0x2f: {  	lr =	sadd.s32 s0, s3;
	s0 =	sld [smem:$0x3F5A]  }
0x30: {  	s3 =	sld [smem:$0x3F5D]  }
0x31: {  	[smem:$0x3F66] =	sst s10  }
0x32: {  	s10 =	sld [smem:$0x3F64];
	_ =	sdelay $0x3  }
0x33: {  	p0 =	seq.s32 s10, $0x1;
	s10 =	sld [smem:$0x3F66];
	_ =	sdelay $0x3  }
0x34: {  	[smem:$0x3F66] =	sst s10  }
0x35: {  	s10 =	sld [smem:$0x3F65];
	_ =	sdelay $0x3  }
0x36: {  	p1 =	seq.s32 s10, $0x1;
	s10 =	sld [smem:$0x3F66];
	_ =	sdelay $0x3  }
0x37: {  	[smem:$0x3F66] =	sst s10  }
0x38: {  	s10 =	sld [smem:$0x3F67]  }
0x39: {  	_ = 	snop;
	(pc) =	sbr.ind lr, $3  }
0x3a: {  	_ = 	snop  }
0x3b: {  	_ = 	snop  }
0x3c: {  	p2 =	seq.s32 s10, $0x1;
	s10 =	sld [smem:$0x3F66]  }
0x3d: {  	_ =	shalt  }
0x3e: {  	_ =	shalt  }
0x3f: {  	_ =	shalt  }
0x40: {  	_ =	shalt  }
0x41: {  	_ =	shalt  }
0x42: {  	_ =	shalt  }
0x43: {  	_ =	shalt  }
0x44: {  	_ =	shalt  }
0x45: {  	_ =	shalt  }
0x46: {  	_ =	shalt  }
0x47: {  	_ =	shalt  }
0x48: {  	_ =	shalt  }
0x49: {  	_ =	shalt  }
0x4a: {  	_ =	shalt  }
0x4b: {  	_ =	shalt  }
0x4c: {  	_ =	shalt  }
0x4d: {  	_ =	shalt  }
0x4e: {  	_ =	shalt  }
0x4f: {  	_ =	shalt  }
0x50: {  	_ =	shalt  }
0x51: {  	_ =	shalt  }
0x52: {  	_ =	shalt  }
0x53: {  	_ =	shalt  }
0x54: {  	_ =	shalt  }
0x55: {  	_ =	shalt  }
0x56: {  	_ =	shalt  }
0x57: {  	_ =	shalt  }
0x58: {  	_ =	shalt  }
0x59: {  	_ =	shalt  }
0x5a: {  	_ =	shalt  }
0x5b: {  	_ =	shalt  }
0x5c: {  	_ =	shalt  }
0x5d: {  	_ =	shalt  }
0x5e: {  	_ =	shalt  }
0x5f: {  	_ =	shalt  }
0x60: {  	_ =	shalt  }
0x61: {  	_ =	shalt  }
0x62: {  	_ =	shalt  }
0x63: {  	_ =	shalt  }
0x64: {  	_ =	shalt  }
0x65: {  	_ =	shalt  }
0x66: {  	_ =	shalt  }
0x67: {  	_ =	shalt  }
0x68: {  	_ =	shalt  }
0x69: {  	_ =	shalt  }
0x6a: {  	_ =	shalt  }
0x6b: {  	_ =	shalt  }
0x6c: {  	_ =	shalt  }
0x6d: {  	_ =	shalt  }
0x6e: {  	_ =	shalt  }
0x6f: {  	_ =	shalt  }
0x70: {  	_ =	shalt  }
0x71: {  	_ =	shalt  }
0x72: {  	_ =	shalt  }
0x73: {  	_ =	shalt  }
0x74: {  	_ =	shalt  }
0x75: {  	_ =	shalt  }
0x76: {  	_ =	shalt  }
0x77: {  	_ =	shalt  }
0x78: {  	_ =	shalt  }
0x79: {  	_ =	shalt  }
0x7a: {  	_ =	shalt  }
0x7b: {  	_ =	shalt  }
0x7c: {  	_ =	shalt  }
0x7d: {  	_ =	shalt  }
0x7e: {  	_ =	shalt  }
0x7f: {  	_ =	shalt  }
0x80: {  	_ =	shalt  }
0x81: {  	_ =	shalt  }
0x82: {  	_ =	shalt  }
0x83: {  	_ =	shalt  }
0x84: {  	_ =	shalt  }
0x85: {  	_ =	shalt  }
0x86: {  	_ =	shalt  }
0x87: {  	_ =	shalt  }
.Lfunc_end0:
.L_simem_size_0:
called_computation.4_lowered:
.L_overlay_start_0:
0x88: {  	s2 =	sld [smem:$0x3FD9]  }
0x89: {  	s3 =	sld [smem:$0x3FFE];
	_ =	sdelay $0x1  }
0x8a: {  	s1 =	srdreg.scid  }
0x8b: {  	s0 =	sand.u32 $0x1, s1  }
0x8c: {  	s14 =	sshll.u32 s0, $0xA;
	s2 =	sadd.s32 s3, s2  }
0x8d: {  	s2 =	sadd.s32 s2, s14  }
0x8e: {  	[smem:$0x3F72] =	sst s2  }
0x8f: {  	_ = 	snop  }
0x90: {  	s2 =	sld [smem:$0x3FD0];
	_ =	sdelay $0x2  }
0x91: {  	s15 =	simm.s32 $0xB;
	s4 =	simm.s32 $0x10  }
0x92: {  	[smem:s4], [sflag:s15] =	dma.local [hbm:s2], $0x1  }
0x93: {  	_ =	swait.eq [sflag:s15], $0x1  }
0x94: {  	[sflag:s15] =	ssyncset.done $0x0  }
0x95: {  	[sflag:s15] =	ssyncadd.s32 $0xFFFFFFFF  }
0x96: {  	s16 =	sld [smem:$0x10];
	(tm) =	ssettm $0x1  }
0x97: {  	s17 =	sld [smem:$0x3FFB];
	_ =	sdelay $0x3  }
0x98: {  	_ =	strace s17  }
0x99: {  	s3 =	sld [smem:$0x3FFC];
	_ =	sdelay $0x3  }
0x9a: {  	_ =	strace s3  }
0x9b: {  	s3 =	sld [smem:$0x3FFD];
	_ =	sdelay $0x3  }
0x9c: {  	_ =	strace s3  }
0x9d: {  	_ =	strace $0x8FFFFFFF  }
0x9e: {  	s18 =	sld [smem:$0x3FDB];
	_ =	sdelay $0x1  }
0x9f: {  	s19 =	simm.s32 $_scs_section_size  }
0xa0: {  	s5 =	simm.s32 $_size__tile_overlayer_lowered;
	s6 =	simm.s32 $_tile_overlayer_lowered  }
0xa1: {  	s22 =	simm.s32 $0x1BFF;
	s21 =	sshll.u32 s6, $0x1;
	s3 =	sadd.s32 s19, s18  }
0xa2: {  	s7 =	simm.s32 $0x0;
	s20 =	sshll.u32 s5, $0x1;
	s5 =	sadd.s32 s21, s3  }
0xa3: {  	[timem:s7], [sflag:s22] =	dma.local [hbm:s5], s20  }
0xa4: {  	_ =	swait.ge [sflag:s22], s20  }
0xa5: {  	s4 =	ssub.s32 $0x0, s20;
	[sflag:s22] =	ssyncset.done $0x0  }
0xa6: {  	[sflag:s22] =	ssyncadd.s32 s4;
	_ =	sdelay $0x1  }
0xa7: {  	s23 =	simm.s32 $0x1B8B  }
0xa8: {  	_ =	swait.ge [sflag:s23], $0x1  }
0xa9: {  	[sflag:s23] =	ssyncset.done $0x0  }
0xaa: {  	s25 =	simm.s32 $0x1B8E;
	s24 =	sld [smem:$0x3FFE];
	[sflag:s23] =	ssyncadd.s32 $0xFFFFFFFF  }
0xab: {  	s26 =	simm.s32 $execute0_lowered;
	[smem:$0x3FD2] =	sst s25  }
0xac: {  	s5 =	sshll.u32 s26, $0x1;
	_ =	strace $0x80000052;
	[dreg:$0x1] =	wrdreg $0xFFFFFFFF  }
0xad: {  	s28 =	simm.s32 $_size_execute0_lowered;
	s3 =	sadd.s32 s3, s5;
	[dreg:$0x0] =	wrdreg $0x0  }
0xae: {  	s5 =	sshll.u32 s28, $0x1;
	[dreg:$0x2] =	wrdreg s3  }
0xaf: {  	[dreg:$0x3] =	wrdreg s5  }
0xb0: {  	[dreg:$0x4] =	wrdreg $0xC0  }
0xb1: {  	_ =	task [dreg:s7], $0x5FFFF  }
0xb2: {  	[dreg:$0x1] =	wrdreg $0xFFFFFFFF  }
0xb3: {  	[dreg:$0x0] =	wrdreg $0x60  }
0xb4: {  	[dreg:$0x2] =	wrdreg s24  }
0xb5: {  	[dreg:$0x3] =	wrdreg s16  }
0xb6: {  	[dreg:$0x4] =	wrdreg $0x9  }
0xb7: {  	_ =	task.clear_ibuf [dreg:s7], $0x5FFFF;
	_ =	strace $0x90000052  }
0xb8: {  	s29 =	simm.s32 $0x9;
	_ =	strace $0x80000054  }
0xb9: {  	_ =	swait.ge [sflag:s29], $0x1  }
0xba: {  	[sflag:s29] =	ssyncadd.s32 $0xFFFFFFFF  }
0xbb: {  	_ =	strace $0x90000054  }
0xbc: {  	_ =	sfence  }
0xbd: {  	s30 =	sld [smem:$0x0];
	_ =	sdelay $0x2  }
0xbe: {  	s31 =	sshll.u32 s1, $0xD;
	s1 =	sshrl.u32 s1, $0x2  }
0xbf: {  	s3 =	sand.u32 $0x4000, s31;
	s1 =	sadd.s32 s1, s30  }
0xc0: {  	s0 =	sor.u32 s3, s0;
	s1 =	sshll.u32 s1, $0x11  }
0xc1: {  	s0 =	sor.u32 s1, s0  }
0xc2: {  	s0 =	sadd.s32 $0x8F2B, s0  }
0xc3: {  	[sflag:s0] =	ssyncadd.remote.s32 $0x1  }
0xc4: {  	_ =	sfence.sel $0xFFFF  }
0xc5: {  	[dreg:$0x0] =	wrdreg $0xFFFFFFFF;
	(pc) =	sbr.abs _section_cstart, $3  }
0xc6: {  	[dreg:$0x1] =	wrdreg $0xFFFFFFFF  }
0xc7: {  	_ =	task.clear_ibuf [dreg:s7], $0x2FFFF;
	_ =	strace $0x9FFFFFFF  }
0xc8: {  	(tm) =	ssettm $0x7FFFFFFF  }
0xc9: {  	_ =	shalt  }
tec
execute0_lowered:
.L_overlay_start_1:
0x0: {  	(tag) =	ssettag $0x1  }
0x1: {  	s0 =	srdreg.scid  }
0x2: {  	s6 =	stileid.u32;
	s1 =	rddreg [dreg:$0x0]  }
0x3: {  	s4 =	rddreg [dreg:$0x1];
	s2 =	simm.s32 $0x0;
	s9 =	simm.s32 $0x100  }
0x4: {  	s12 =	simm.s32 $0x8980;
	s13 =	simm.s32 $0x9180;
	s14 =	simm.s32 $0x9980  }
0x5: {  	s15 =	simm.s32 $0xA180;
	s16 =	simm.s32 $0xA980;
	s17 =	simm.s32 $0xB180  }
0x6: {  	s18 =	simm.s32 $0xB980;
	s19 =	simm.s32 $0xC180;
	s20 =	simm.s32 $0xC980  }
0x7: {  	s21 =	simm.s32 $0xD180;
	s22 =	simm.s32 $0xD980;
	[smem:$0x7FF] =	sst s2  }
0x8: {  	s23 =	simm.s32 $0xE180;
	_ =	strace $0x80000053;
	[dreg:$0x7] =	wrdreg s9  }
0x9: {  	s24 =	simm.s32 $0xE980;
	s25 =	simm.s32 $0xF180;
	[dreg:$0x8] =	wrdreg s12  }
0xa: {  	s28 =	simm.s32 $0x4;
	s29 =	simm.s32 $0x6;
	[dreg:$0x9] =	wrdreg s13  }
0xb: {  	s30 =	simm.s32 $0x3;
	s3 =	smul.u32 $0x2800, s6;
	[dreg:$0xa] =	wrdreg s14  }
0xc: {  	s0 =	sand.u32 $0x1, s0;
	s6 =	smul.u32 $0x50000, s6;
	[dreg:$0xb] =	wrdreg s15  }
0xd: {  	s31 =	simm.s32 $0x5;
	s5 =	smul.u32 $0x1400, s0;
	[dreg:$0xc] =	wrdreg s16  }
0xe: {  	s7 =	smul.u32 $0x28000, s0;
	s0 =	ssub.s32 $0x2, s0;
	[dreg:$0xd] =	wrdreg s17  }
0xf: {  	s9 =	simm.s32 $0x180;
	s12 =	simm.s32 $0x1980;
	[dreg:$0xe] =	wrdreg s18  }
0x10: {  	s13 =	simm.s32 $0x2180;
	s14 =	simm.s32 $0x2980;
	[dreg:$0xf] =	wrdreg s19  }
0x11: {  	s15 =	simm.s32 $0x3180;
	s16 =	simm.s32 $0x3980;
	[dreg:$0x10] =	wrdreg s20  }
0x12: {  	s17 =	simm.s32 $0x4180;
	s18 =	simm.s32 $0x4980;
	[dreg:$0x11] =	wrdreg s21  }
0x13: {  	s19 =	simm.s32 $0x5180;
	s20 =	simm.s32 $0x5980;
	[dreg:$0x12] =	wrdreg s22  }
0x14: {  	s21 =	simm.s32 $0x6180;
	[dreg:$0x13] =	wrdreg s23;
	s22 =	simm.s32 $0x6980  }
0x15: {  	[dreg:$0x14] =	wrdreg s24;
	s23 =	simm.s32 $0x7180;
	s6 =	sadd.s32 s6, s1  }
0x16: {  	[dreg:$0x15] =	wrdreg s25;
	s24 =	simm.s32 $0x7980;
	s6 =	sadd.s32 s7, s6  }
0x17: {  	s25 =	simm.s32 $0x2;
	s8 =	sshrl.u32 s0, $0x1;
	s7 =	sadd.s32 $0x75C00, s6  }
0x18: {  	s0 =	ssub.s32 s0, s8;
	s26 =	sadd.s32 $0x618000, s6;
	[dreg:$0x3] =	wrdreg s7  }
0x19: {  	s5 =	sadd.s32 s5, s3;
	s0 =	smax.u32 s0, $0x1;
	[dreg:$0x4] =	wrdreg s26  }
0x1a: {  	s3 =	sadd.s32 $0x27A00, s1;
	s6 =	sadd.s32 $0x14D4A00, s6;
	[dreg:$0x17] =	wrdreg s0  }
0x1b: {  	s5 =	sshrl.u32 s5, $0x3;
	[dreg:$0x5] =	wrdreg s6;
	s7 =	simm.s32 $0x80  }
0x1c: {  	s1 =	sadd.s32 s5, s1;
	s11 =	sadd.s32 s5, s4;
	[dreg:$0x6] =	wrdreg s7  }
0x1d: {  	s26 =	simm.s32 $0xF980;
	s8 =	sadd.s32 $0x13A00, s1;
	[dreg:$0x1a] =	wrdreg s11  }
0x1e: {  	v2 =	vlaneseq.u32;
	s10 =	sadd.s32 $0x18A00, s1;
	s11 =	simm.s32 $0x1180;
	[dreg:$0x16] =	wrdreg s26  }
0x1f: {  	vm0 =	vmmov $0xffff;
	v1 =	vshrl.u32 v2, $0x3;
	s26 =	simm.s32 $0x8180;
	s1 =	simm.s32 $0x0;
	[dreg:$0x18] =	wrdreg s8  }
0x20: {  	v0 =	vand.u32 $0x7, v2;
	v2 =	vor.u32 $0x8, v2;
	v1 =	vmul.u32 $0x8, v1;
	[dreg:$0x19] =	wrdreg s10;
	s8 =	simm.s32 $0x1;
	s10 =	simm.s32 $0x980  }
.LBB2_1:
0x21: {  	[dreg:$0x1b] =	wrdreg s1  }
0x22: {  	s7 =	rddreg [dreg:$0x1a]  }
0x23: {  	s6 =	rddreg [dreg:$0x19]  }
0x24: {  	s5 =	rddreg [dreg:$0x18];
	s4 =	simm.s32 $0x0  }
.LBB2_2:
0x25: {  	[tilespmem:s2], [sflag:$0x1] =	stream.linear.gather [hbm4b:s7+s2], $0x80, $0x38;
	[tilespmem:$0x10180] =	vst v63  }
0x26: {  	s0 =	rddreg [dreg:$0x6]  }
0x27: {  	[tilespmem:s0], [sflag:$0x2] =	stream.linear.gather [hbm4b:s6+s2], $0x80, $0x38;
	[tilespmem:$0x10180] =	vst v63  }
0x28: {  	s1 =	rddreg [dreg:$0x7]  }
0x29: {  	[tilespmem:s1], [sflag:$0x3] =	stream.linear.gather [hbm4b:s5+s2], $0x80, $0x38;
	[tilespmem:$0x10180] =	vst v63  }
0x2a: {  	_ =	swait.ge [sflag:s8], $0x80  }
0x2b: {  	[sflag:s8] =	ssyncset.done $0x0  }
0x2c: {  	[sflag:s8] =	ssyncadd.s32 $0xFFFFFF80  }
0x2d: {  	v3 =	vld [tilespmem:$0x0];
	_ =	sdelay $0x4  }
0x2e: {  	v4 =	vshll.u32 v3, $0x1  }
0x2f: {  	v3 =	vand.u32 $0x7, v3;
	v4 =	vand.u32 $0xFFFFFFF0, v4  }
0x30: {  	v3 =	vor.u32 v3, v4  }
0x31: {  	v4 =	vperm.xlane v3, v0;
	_ =	sdelay $0x1  }
0x32: {  	v3 =	vperm.xlane v3, v2;
	v4 =	vadd.s32 v1, v4;
	_ =	sdelay $0x1  }
0x33: {  	v3 =	vadd.s32 v1, v3;
	_ =	sdelay $0x2  }
0x34: {  	[tilespmem:s9], [sflag:$0x4] =	stream.indirect_vreg.gather [hbm4b:s3+s2], $0x80, v4, vm0, $0xb8;
	[tilespmem:$0x10180] =	vst v63  }
0x35: {  	_ = 	snop  }
0x36: {  	[tilespmem:s10], [sflag:$0x4] =	stream.indirect_vreg.gather [hbm4b:s3+s2], $0x80, v3, vm0, $0xb8;
	[tilespmem:$0x10180] =	vst v63  }
0x37: {  	v3 =	vld [tilespmem:$0x10];
	_ =	sdelay $0x4  }
0x38: {  	v41 =	vshll.u32 v3, $0x1  }
0x39: {  	v3 =	vand.u32 $0x7, v3;
	v4 =	vand.u32 $0xFFFFFFF0, v41  }
0x3a: {  	v3 =	vor.u32 v3, v4  }
0x3b: {  	v4 =	vperm.xlane v3, v0;
	_ =	sdelay $0x1  }
0x3c: {  	v3 =	vperm.xlane v3, v2;
	v4 =	vadd.s32 v1, v4;
	_ =	sdelay $0x1  }
0x3d: {  	v3 =	vadd.s32 v1, v3;
	_ =	sdelay $0x2  }
0x3e: {  	[tilespmem:s11], [sflag:$0x4] =	stream.indirect_vreg.gather [hbm4b:s3+s2], $0x80, v4, vm0, $0xb8;
	[tilespmem:$0x10180] =	vst v63  }
0x3f: {  	_ = 	snop  }
0x40: {  	[tilespmem:s12], [sflag:$0x4] =	stream.indirect_vreg.gather [hbm4b:s3+s2], $0x80, v3, vm0, $0xb8;
	[tilespmem:$0x10180] =	vst v63  }
0x41: {  	v3 =	vld [tilespmem:$0x20];
	_ =	sdelay $0x4  }
0x42: {  	v42 =	vshll.u32 v3, $0x1  }
0x43: {  	v3 =	vand.u32 $0x7, v3;
	v4 =	vand.u32 $0xFFFFFFF0, v42  }
0x44: {  	v3 =	vor.u32 v3, v4  }
0x45: {  	v4 =	vperm.xlane v3, v0;
	_ =	sdelay $0x1  }
0x46: {  	v3 =	vperm.xlane v3, v2;
	v4 =	vadd.s32 v1, v4;
	_ =	sdelay $0x1  }
0x47: {  	v3 =	vadd.s32 v1, v3;
	_ =	sdelay $0x2  }
0x48: {  	[tilespmem:s13], [sflag:$0x4] =	stream.indirect_vreg.gather [hbm4b:s3+s2], $0x80, v4, vm0, $0xb8;
	[tilespmem:$0x10180] =	vst v63  }
0x49: {  	_ = 	snop  }
0x4a: {  	[tilespmem:s14], [sflag:$0x4] =	stream.indirect_vreg.gather [hbm4b:s3+s2], $0x80, v3, vm0, $0xb8;
	[tilespmem:$0x10180] =	vst v63  }
0x4b: {  	v3 =	vld [tilespmem:$0x30];
	_ =	sdelay $0x4  }
0x4c: {  	v43 =	vshll.u32 v3, $0x1  }
0x4d: {  	v3 =	vand.u32 $0x7, v3;
	v4 =	vand.u32 $0xFFFFFFF0, v43  }
0x4e: {  	v3 =	vor.u32 v3, v4  }
0x4f: {  	v4 =	vperm.xlane v3, v0;
	_ =	sdelay $0x1  }
0x50: {  	v3 =	vperm.xlane v3, v2;
	v4 =	vadd.s32 v1, v4;
	_ =	sdelay $0x1  }
0x51: {  	v3 =	vadd.s32 v1, v3;
	_ =	sdelay $0x2  }
0x52: {  	[tilespmem:s15], [sflag:$0x4] =	stream.indirect_vreg.gather [hbm4b:s3+s2], $0x80, v4, vm0, $0xb8;
	[tilespmem:$0x10180] =	vst v63  }
0x53: {  	_ = 	snop  }
0x54: {  	[tilespmem:s16], [sflag:$0x4] =	stream.indirect_vreg.gather [hbm4b:s3+s2], $0x80, v3, vm0, $0xb8;
	[tilespmem:$0x10180] =	vst v63  }
0x55: {  	v3 =	vld [tilespmem:$0x40];
	_ =	sdelay $0x4  }
0x56: {  	v44 =	vshll.u32 v3, $0x1  }
0x57: {  	v3 =	vand.u32 $0x7, v3;
	v4 =	vand.u32 $0xFFFFFFF0, v44  }
0x58: {  	v3 =	vor.u32 v3, v4  }
0x59: {  	v4 =	vperm.xlane v3, v0;
	_ =	sdelay $0x1  }
0x5a: {  	v3 =	vperm.xlane v3, v2;
	v4 =	vadd.s32 v1, v4;
	_ =	sdelay $0x1  }
0x5b: {  	v3 =	vadd.s32 v1, v3;
	_ =	sdelay $0x2  }
0x5c: {  	[tilespmem:s17], [sflag:$0x4] =	stream.indirect_vreg.gather [hbm4b:s3+s2], $0x80, v4, vm0, $0xb8;
	[tilespmem:$0x10180] =	vst v63  }
0x5d: {  	_ = 	snop  }
0x5e: {  	[tilespmem:s18], [sflag:$0x4] =	stream.indirect_vreg.gather [hbm4b:s3+s2], $0x80, v3, vm0, $0xb8;
	[tilespmem:$0x10180] =	vst v63  }
0x5f: {  	v3 =	vld [tilespmem:$0x50];
	_ =	sdelay $0x4  }
0x60: {  	v45 =	vshll.u32 v3, $0x1  }
0x61: {  	v3 =	vand.u32 $0x7, v3;
	v4 =	vand.u32 $0xFFFFFFF0, v45  }
0x62: {  	v3 =	vor.u32 v3, v4  }
0x63: {  	v4 =	vperm.xlane v3, v0;
	_ =	sdelay $0x1  }
0x64: {  	v3 =	vperm.xlane v3, v2;
	v4 =	vadd.s32 v1, v4;
	_ =	sdelay $0x1  }
0x65: {  	v3 =	vadd.s32 v1, v3;
	_ =	sdelay $0x2  }
0x66: {  	[tilespmem:s19], [sflag:$0x4] =	stream.indirect_vreg.gather [hbm4b:s3+s2], $0x80, v4, vm0, $0xb8;
	[tilespmem:$0x10180] =	vst v63  }
0x67: {  	_ = 	snop  }
0x68: {  	[tilespmem:s20], [sflag:$0x4] =	stream.indirect_vreg.gather [hbm4b:s3+s2], $0x80, v3, vm0, $0xb8;
	[tilespmem:$0x10180] =	vst v63  }
0x69: {  	v3 =	vld [tilespmem:$0x60];
	_ =	sdelay $0x4  }
0x6a: {  	v46 =	vshll.u32 v3, $0x1  }
0x6b: {  	v3 =	vand.u32 $0x7, v3;
	v4 =	vand.u32 $0xFFFFFFF0, v46  }
0x6c: {  	v3 =	vor.u32 v3, v4  }
0x6d: {  	v4 =	vperm.xlane v3, v0;
	_ =	sdelay $0x1  }
0x6e: {  	v3 =	vperm.xlane v3, v2;
	v4 =	vadd.s32 v1, v4;
	_ =	sdelay $0x1  }
0x6f: {  	v3 =	vadd.s32 v1, v3;
	_ =	sdelay $0x2  }
0x70: {  	[tilespmem:s21], [sflag:$0x4] =	stream.indirect_vreg.gather [hbm4b:s3+s2], $0x80, v4, vm0, $0xb8;
	[tilespmem:$0x10180] =	vst v63  }
0x71: {  	_ = 	snop  }
0x72: {  	[tilespmem:s22], [sflag:$0x4] =	stream.indirect_vreg.gather [hbm4b:s3+s2], $0x80, v3, vm0, $0xb8;
	[tilespmem:$0x10180] =	vst v63  }
0x73: {  	v3 =	vld [tilespmem:$0x70];
	_ =	sdelay $0x4  }
0x74: {  	v47 =	vshll.u32 v3, $0x1  }
0x75: {  	v3 =	vand.u32 $0x7, v3;
	v4 =	vand.u32 $0xFFFFFFF0, v47  }
0x76: {  	v3 =	vor.u32 v3, v4  }
0x77: {  	v4 =	vperm.xlane v3, v0;
	_ =	sdelay $0x1  }
0x78: {  	v3 =	vperm.xlane v3, v2;
	v4 =	vadd.s32 v1, v4;
	_ =	sdelay $0x1  }
0x79: {  	v3 =	vadd.s32 v1, v3;
	_ =	sdelay $0x2  }
0x7a: {  	[tilespmem:s23], [sflag:$0x4] =	stream.indirect_vreg.gather [hbm4b:s3+s2], $0x80, v4, vm0, $0xb8;
	[tilespmem:$0x10180] =	vst v63  }
0x7b: {  	_ = 	snop  }
0x7c: {  	[tilespmem:s24], [sflag:$0x4] =	stream.indirect_vreg.gather [hbm4b:s3+s2], $0x80, v3, vm0, $0xb8;
	[tilespmem:$0x10180] =	vst v63  }
0x7d: {  	_ =	swait.ge [sflag:s25], $0x80  }
0x7e: {  	[sflag:s25] =	ssyncset.done $0x0  }
0x7f: {  	[sflag:s25] =	ssyncadd.s32 $0xFFFFFF80  }
0x80: {  	v3 =	vld [tilespmem:$0x80];
	_ =	sdelay $0x4  }
0x81: {  	v48 =	vshll.u32 v3, $0x1  }
0x82: {  	v3 =	vand.u32 $0x7, v3;
	v4 =	vand.u32 $0xFFFFFFF0, v48  }
0x83: {  	v3 =	vor.u32 v3, v4  }
0x84: {  	v4 =	vperm.xlane v3, v0;
	_ =	sdelay $0x1  }
0x85: {  	v3 =	vperm.xlane v3, v2;
	v4 =	vadd.s32 v1, v4;
	_ =	sdelay $0x1  }
0x86: {  	v3 =	vadd.s32 v1, v3;
	_ =	sdelay $0x2  }
0x87: {  	[tilespmem:s26], [sflag:$0x5] =	stream.indirect_vreg.gather [hbm4b:s3+s2], $0x80, v4, vm0, $0xb8;
	[tilespmem:$0x10180] =	vst v63  }
0x88: {  	s1 =	rddreg [dreg:$0x8]  }
0x89: {  	[tilespmem:s1], [sflag:$0x5] =	stream.indirect_vreg.gather [hbm4b:s3+s2], $0x80, v3, vm0, $0xb8;
	[tilespmem:$0x10180] =	vst v63  }
0x8a: {  	v3 =	vld [tilespmem:$0x90];
	_ =	sdelay $0x4  }
0x8b: {  	v49 =	vshll.u32 v3, $0x1  }
0x8c: {  	v3 =	vand.u32 $0x7, v3;
	v4 =	vand.u32 $0xFFFFFFF0, v49  }
0x8d: {  	v3 =	vor.u32 v3, v4  }
0x8e: {  	v4 =	vperm.xlane v3, v0;
	_ =	sdelay $0x1  }
0x8f: {  	v3 =	vperm.xlane v3, v2;
	v4 =	vadd.s32 v1, v4;
	_ =	sdelay $0x1  }
0x90: {  	v3 =	vadd.s32 v1, v3;
	_ =	sdelay $0x1  }
0x91: {  	s0 =	rddreg [dreg:$0x9]  }
0x92: {  	[tilespmem:s0], [sflag:$0x5] =	stream.indirect_vreg.gather [hbm4b:s3+s2], $0x80, v4, vm0, $0xb8;
	[tilespmem:$0x10180] =	vst v63  }
0x93: {  	s1 =	rddreg [dreg:$0xa]  }
0x94: {  	[tilespmem:s1], [sflag:$0x5] =	stream.indirect_vreg.gather [hbm4b:s3+s2], $0x80, v3, vm0, $0xb8;
	[tilespmem:$0x10180] =	vst v63  }
0x95: {  	v3 =	vld [tilespmem:$0xA0];
	_ =	sdelay $0x4  }
0x96: {  	v50 =	vshll.u32 v3, $0x1  }
0x97: {  	v3 =	vand.u32 $0x7, v3;
	v4 =	vand.u32 $0xFFFFFFF0, v50  }
0x98: {  	v3 =	vor.u32 v3, v4  }
0x99: {  	v4 =	vperm.xlane v3, v0;
	_ =	sdelay $0x1  }
0x9a: {  	v3 =	vperm.xlane v3, v2;
	v4 =	vadd.s32 v1, v4;
	_ =	sdelay $0x1  }
0x9b: {  	v3 =	vadd.s32 v1, v3;
	_ =	sdelay $0x1  }
0x9c: {  	s0 =	rddreg [dreg:$0xb]  }
0x9d: {  	[tilespmem:s0], [sflag:$0x5] =	stream.indirect_vreg.gather [hbm4b:s3+s2], $0x80, v4, vm0, $0xb8;
	[tilespmem:$0x10180] =	vst v63  }
0x9e: {  	s1 =	rddreg [dreg:$0xc]  }
0x9f: {  	[tilespmem:s1], [sflag:$0x5] =	stream.indirect_vreg.gather [hbm4b:s3+s2], $0x80, v3, vm0, $0xb8;
	[tilespmem:$0x10180] =	vst v63  }
0xa0: {  	v3 =	vld [tilespmem:$0xB0];
	_ =	sdelay $0x4  }
0xa1: {  	v51 =	vshll.u32 v3, $0x1  }
0xa2: {  	v3 =	vand.u32 $0x7, v3;
	v4 =	vand.u32 $0xFFFFFFF0, v51  }
0xa3: {  	v3 =	vor.u32 v3, v4  }
0xa4: {  	v4 =	vperm.xlane v3, v0;
	_ =	sdelay $0x1  }
0xa5: {  	v3 =	vperm.xlane v3, v2;
	v4 =	vadd.s32 v1, v4;
	_ =	sdelay $0x1  }
0xa6: {  	v3 =	vadd.s32 v1, v3;
	_ =	sdelay $0x1  }
0xa7: {  	s0 =	rddreg [dreg:$0xd]  }
0xa8: {  	[tilespmem:s0], [sflag:$0x5] =	stream.indirect_vreg.gather [hbm4b:s3+s2], $0x80, v4, vm0, $0xb8;
	[tilespmem:$0x10180] =	vst v63  }
0xa9: {  	s1 =	rddreg [dreg:$0xe]  }
0xaa: {  	[tilespmem:s1], [sflag:$0x5] =	stream.indirect_vreg.gather [hbm4b:s3+s2], $0x80, v3, vm0, $0xb8;
	[tilespmem:$0x10180] =	vst v63  }
0xab: {  	v3 =	vld [tilespmem:$0xC0];
	_ =	sdelay $0x4  }
0xac: {  	v52 =	vshll.u32 v3, $0x1  }
0xad: {  	v3 =	vand.u32 $0x7, v3;
	v4 =	vand.u32 $0xFFFFFFF0, v52  }
0xae: {  	v3 =	vor.u32 v3, v4  }
0xaf: {  	v4 =	vperm.xlane v3, v0;
	_ =	sdelay $0x1  }
0xb0: {  	v3 =	vperm.xlane v3, v2;
	v4 =	vadd.s32 v1, v4;
	_ =	sdelay $0x1  }
0xb1: {  	v3 =	vadd.s32 v1, v3;
	_ =	sdelay $0x1  }
0xb2: {  	s0 =	rddreg [dreg:$0xf]  }
0xb3: {  	[tilespmem:s0], [sflag:$0x5] =	stream.indirect_vreg.gather [hbm4b:s3+s2], $0x80, v4, vm0, $0xb8;
	[tilespmem:$0x10180] =	vst v63  }
0xb4: {  	s1 =	rddreg [dreg:$0x10]  }
0xb5: {  	[tilespmem:s1], [sflag:$0x5] =	stream.indirect_vreg.gather [hbm4b:s3+s2], $0x80, v3, vm0, $0xb8;
	[tilespmem:$0x10180] =	vst v63  }
0xb6: {  	v3 =	vld [tilespmem:$0xD0];
	_ =	sdelay $0x4  }
0xb7: {  	v53 =	vshll.u32 v3, $0x1  }
0xb8: {  	v3 =	vand.u32 $0x7, v3;
	v4 =	vand.u32 $0xFFFFFFF0, v53  }
0xb9: {  	v3 =	vor.u32 v3, v4  }
0xba: {  	v4 =	vperm.xlane v3, v0;
	_ =	sdelay $0x1  }
0xbb: {  	v3 =	vperm.xlane v3, v2;
	v4 =	vadd.s32 v1, v4;
	_ =	sdelay $0x1  }
0xbc: {  	v3 =	vadd.s32 v1, v3;
	_ =	sdelay $0x1  }
0xbd: {  	s0 =	rddreg [dreg:$0x11]  }
0xbe: {  	[tilespmem:s0], [sflag:$0x5] =	stream.indirect_vreg.gather [hbm4b:s3+s2], $0x80, v4, vm0, $0xb8;
	[tilespmem:$0x10180] =	vst v63  }
0xbf: {  	s1 =	rddreg [dreg:$0x12]  }
0xc0: {  	[tilespmem:s1], [sflag:$0x5] =	stream.indirect_vreg.gather [hbm4b:s3+s2], $0x80, v3, vm0, $0xb8;
	[tilespmem:$0x10180] =	vst v63  }
0xc1: {  	v3 =	vld [tilespmem:$0xE0];
	_ =	sdelay $0x4  }
0xc2: {  	v54 =	vshll.u32 v3, $0x1  }
0xc3: {  	v3 =	vand.u32 $0x7, v3;
	v4 =	vand.u32 $0xFFFFFFF0, v54  }
0xc4: {  	v3 =	vor.u32 v3, v4  }
0xc5: {  	v4 =	vperm.xlane v3, v0;
	_ =	sdelay $0x1  }
0xc6: {  	v3 =	vperm.xlane v3, v2;
	v4 =	vadd.s32 v1, v4;
	_ =	sdelay $0x1  }
0xc7: {  	v3 =	vadd.s32 v1, v3;
	_ =	sdelay $0x1  }
0xc8: {  	s0 =	rddreg [dreg:$0x13]  }
0xc9: {  	[tilespmem:s0], [sflag:$0x5] =	stream.indirect_vreg.gather [hbm4b:s3+s2], $0x80, v4, vm0, $0xb8;
	[tilespmem:$0x10180] =	vst v63  }
0xca: {  	s1 =	rddreg [dreg:$0x14]  }
0xcb: {  	[tilespmem:s1], [sflag:$0x5] =	stream.indirect_vreg.gather [hbm4b:s3+s2], $0x80, v3, vm0, $0xb8;
	[tilespmem:$0x10180] =	vst v63  }
0xcc: {  	v3 =	vld [tilespmem:$0xF0];
	_ =	sdelay $0x4  }
0xcd: {  	v55 =	vshll.u32 v3, $0x1  }
0xce: {  	v3 =	vand.u32 $0x7, v3;
	v4 =	vand.u32 $0xFFFFFFF0, v55  }
0xcf: {  	v3 =	vor.u32 v3, v4  }
0xd0: {  	v4 =	vperm.xlane v3, v0;
	_ =	sdelay $0x1  }
0xd1: {  	v3 =	vperm.xlane v3, v2;
	v4 =	vadd.s32 v1, v4;
	_ =	sdelay $0x1  }
0xd2: {  	v3 =	vadd.s32 v1, v3;
	_ =	sdelay $0x1  }
0xd3: {  	s0 =	rddreg [dreg:$0x15]  }
0xd4: {  	[tilespmem:s0], [sflag:$0x5] =	stream.indirect_vreg.gather [hbm4b:s3+s2], $0x80, v4, vm0, $0xb8;
	[tilespmem:$0x10180] =	vst v63  }
0xd5: {  	s1 =	rddreg [dreg:$0x16]  }
0xd6: {  	[tilespmem:s1], [sflag:$0x5] =	stream.indirect_vreg.gather [hbm4b:s3+s2], $0x80, v3, vm0, $0xb8;
	[tilespmem:$0x10180] =	vst v63  }
0xd7: {  	_ =	swait.ge [sflag:s28], $0x8000  }
0xd8: {  	s1 =	rddreg [dreg:$0x3];
	[sflag:s28] =	ssyncset.done $0x0  }
0xd9: {  	[sflag:s28] =	ssyncadd.s32 $0xFFFF8000;
	s0 =	sadd.s32 s4, s1  }
0xda: {  	[hbm4b:s0+s2] =	stream.linear.scatter [tilespmem:s9], [sflag:$0x6], $0x8000, $0x38;
	[tilespmem:$0x10180] =	vst v63  }
0xdb: {  	_ =	swait.ge [sflag:s29], $0x8000  }
0xdc: {  	[sflag:s29] =	ssyncset.done $0x0  }
0xdd: {  	[sflag:s29] =	ssyncadd.s32 $0xFFFF8000  }
0xde: {  	_ =	swait.ge [sflag:s30], $0x80  }
0xdf: {  	[sflag:s30] =	ssyncset.done $0x0  }
0xe0: {  	[sflag:s30] =	ssyncadd.s32 $0xFFFFFF80  }
0xe1: {  	v3 =	vld [tilespmem:$0x100];
	_ =	sdelay $0x4  }
0xe2: {  	v56 =	vshll.u32 v3, $0x1  }
0xe3: {  	v3 =	vand.u32 $0x7, v3;
	v4 =	vand.u32 $0xFFFFFFF0, v56  }
0xe4: {  	v3 =	vor.u32 v3, v4  }
0xe5: {  	v4 =	vperm.xlane v3, v0;
	_ =	sdelay $0x1  }
0xe6: {  	v3 =	vperm.xlane v3, v2;
	v4 =	vadd.s32 v1, v4;
	_ =	sdelay $0x1  }
0xe7: {  	v3 =	vadd.s32 v1, v3;
	_ =	sdelay $0x2  }
0xe8: {  	[tilespmem:s9], [sflag:$0x4] =	stream.indirect_vreg.gather [hbm4b:s3+s2], $0x80, v4, vm0, $0xb8;
	[tilespmem:$0x10180] =	vst v63  }
0xe9: {  	_ = 	snop  }
0xea: {  	[tilespmem:s10], [sflag:$0x4] =	stream.indirect_vreg.gather [hbm4b:s3+s2], $0x80, v3, vm0, $0xb8;
	[tilespmem:$0x10180] =	vst v63  }
0xeb: {  	v3 =	vld [tilespmem:$0x110];
	_ =	sdelay $0x4  }
0xec: {  	v57 =	vshll.u32 v3, $0x1  }
0xed: {  	v3 =	vand.u32 $0x7, v3;
	v4 =	vand.u32 $0xFFFFFFF0, v57  }
0xee: {  	v3 =	vor.u32 v3, v4  }
0xef: {  	v4 =	vperm.xlane v3, v0;
	_ =	sdelay $0x1  }
0xf0: {  	v3 =	vperm.xlane v3, v2;
	v4 =	vadd.s32 v1, v4;
	_ =	sdelay $0x1  }
0xf1: {  	v3 =	vadd.s32 v1, v3;
	_ =	sdelay $0x2  }
0xf2: {  	[tilespmem:s11], [sflag:$0x4] =	stream.indirect_vreg.gather [hbm4b:s3+s2], $0x80, v4, vm0, $0xb8;
	[tilespmem:$0x10180] =	vst v63  }
0xf3: {  	_ = 	snop  }
0xf4: {  	[tilespmem:s12], [sflag:$0x4] =	stream.indirect_vreg.gather [hbm4b:s3+s2], $0x80, v3, vm0, $0xb8;
	[tilespmem:$0x10180] =	vst v63  }
0xf5: {  	v3 =	vld [tilespmem:$0x120];
	_ =	sdelay $0x4  }
0xf6: {  	v58 =	vshll.u32 v3, $0x1  }
0xf7: {  	v3 =	vand.u32 $0x7, v3;
	v4 =	vand.u32 $0xFFFFFFF0, v58  }
0xf8: {  	v3 =	vor.u32 v3, v4  }
0xf9: {  	v4 =	vperm.xlane v3, v0;
	_ =	sdelay $0x1  }
0xfa: {  	v3 =	vperm.xlane v3, v2;
	v4 =	vadd.s32 v1, v4;
	_ =	sdelay $0x1  }
0xfb: {  	v3 =	vadd.s32 v1, v3;
	_ =	sdelay $0x2  }
0xfc: {  	[tilespmem:s13], [sflag:$0x4] =	stream.indirect_vreg.gather [hbm4b:s3+s2], $0x80, v4, vm0, $0xb8;
	[tilespmem:$0x10180] =	vst v63  }
0xfd: {  	_ = 	snop  }
0xfe: {  	[tilespmem:s14], [sflag:$0x4] =	stream.indirect_vreg.gather [hbm4b:s3+s2], $0x80, v3, vm0, $0xb8;
	[tilespmem:$0x10180] =	vst v63  }
0xff: {  	v3 =	vld [tilespmem:$0x130];
	_ =	sdelay $0x4  }
0x100: {  	v59 =	vshll.u32 v3, $0x1  }
0x101: {  	v3 =	vand.u32 $0x7, v3;
	v4 =	vand.u32 $0xFFFFFFF0, v59  }
0x102: {  	v3 =	vor.u32 v3, v4  }
0x103: {  	v4 =	vperm.xlane v3, v0;
	_ =	sdelay $0x1  }
0x104: {  	v3 =	vperm.xlane v3, v2;
	v4 =	vadd.s32 v1, v4;
	_ =	sdelay $0x1  }
0x105: {  	v3 =	vadd.s32 v1, v3;
	_ =	sdelay $0x2  }
0x106: {  	[tilespmem:s15], [sflag:$0x4] =	stream.indirect_vreg.gather [hbm4b:s3+s2], $0x80, v4, vm0, $0xb8;
	[tilespmem:$0x10180] =	vst v63  }
0x107: {  	_ = 	snop  }
0x108: {  	[tilespmem:s16], [sflag:$0x4] =	stream.indirect_vreg.gather [hbm4b:s3+s2], $0x80, v3, vm0, $0xb8;
	[tilespmem:$0x10180] =	vst v63  }
0x109: {  	v3 =	vld [tilespmem:$0x140];
	_ =	sdelay $0x4  }
0x10a: {  	v60 =	vshll.u32 v3, $0x1  }
0x10b: {  	v3 =	vand.u32 $0x7, v3;
	v4 =	vand.u32 $0xFFFFFFF0, v60  }
0x10c: {  	v3 =	vor.u32 v3, v4  }
0x10d: {  	v4 =	vperm.xlane v3, v0;
	_ =	sdelay $0x1  }
0x10e: {  	v3 =	vperm.xlane v3, v2;
	v4 =	vadd.s32 v1, v4;
	_ =	sdelay $0x1  }
0x10f: {  	v3 =	vadd.s32 v1, v3;
	_ =	sdelay $0x2  }
0x110: {  	[tilespmem:s17], [sflag:$0x4] =	stream.indirect_vreg.gather [hbm4b:s3+s2], $0x80, v4, vm0, $0xb8;
	[tilespmem:$0x10180] =	vst v63  }
0x111: {  	_ = 	snop  }
0x112: {  	[tilespmem:s18], [sflag:$0x4] =	stream.indirect_vreg.gather [hbm4b:s3+s2], $0x80, v3, vm0, $0xb8;
	[tilespmem:$0x10180] =	vst v63  }
0x113: {  	v3 =	vld [tilespmem:$0x150];
	_ =	sdelay $0x4  }
0x114: {  	v61 =	vshll.u32 v3, $0x1  }
0x115: {  	v3 =	vand.u32 $0x7, v3;
	v4 =	vand.u32 $0xFFFFFFF0, v61  }
0x116: {  	v3 =	vor.u32 v3, v4  }
0x117: {  	v4 =	vperm.xlane v3, v0;
	_ =	sdelay $0x1  }
0x118: {  	v3 =	vperm.xlane v3, v2;
	v4 =	vadd.s32 v1, v4;
	_ =	sdelay $0x1  }
0x119: {  	v3 =	vadd.s32 v1, v3;
	_ =	sdelay $0x2  }
0x11a: {  	[tilespmem:s19], [sflag:$0x4] =	stream.indirect_vreg.gather [hbm4b:s3+s2], $0x80, v4, vm0, $0xb8;
	[tilespmem:$0x10180] =	vst v63  }
0x11b: {  	_ = 	snop  }
0x11c: {  	[tilespmem:s20], [sflag:$0x4] =	stream.indirect_vreg.gather [hbm4b:s3+s2], $0x80, v3, vm0, $0xb8;
	[tilespmem:$0x10180] =	vst v63  }
0x11d: {  	v3 =	vld [tilespmem:$0x160];
	_ =	sdelay $0x4  }
0x11e: {  	v62 =	vshll.u32 v3, $0x1  }
0x11f: {  	v3 =	vand.u32 $0x7, v3;
	v4 =	vand.u32 $0xFFFFFFF0, v62  }
0x120: {  	v3 =	vor.u32 v3, v4  }
0x121: {  	v4 =	vperm.xlane v3, v0;
	_ =	sdelay $0x1  }
0x122: {  	v3 =	vperm.xlane v3, v2;
	v4 =	vadd.s32 v1, v4;
	_ =	sdelay $0x1  }
0x123: {  	v3 =	vadd.s32 v1, v3;
	_ =	sdelay $0x2  }
0x124: {  	[tilespmem:s21], [sflag:$0x4] =	stream.indirect_vreg.gather [hbm4b:s3+s2], $0x80, v4, vm0, $0xb8;
	[tilespmem:$0x10180] =	vst v63  }
0x125: {  	_ = 	snop  }
0x126: {  	[tilespmem:s22], [sflag:$0x4] =	stream.indirect_vreg.gather [hbm4b:s3+s2], $0x80, v3, vm0, $0xb8;
	[tilespmem:$0x10180] =	vst v63  }
0x127: {  	v3 =	vld [tilespmem:$0x170];
	_ =	sdelay $0x4  }
0x128: {  	v63 =	vshll.u32 v3, $0x1  }
0x129: {  	v3 =	vand.u32 $0x7, v3;
	v4 =	vand.u32 $0xFFFFFFF0, v63  }
0x12a: {  	v3 =	vor.u32 v3, v4  }
0x12b: {  	v4 =	vperm.xlane v3, v0;
	_ =	sdelay $0x1  }
0x12c: {  	v3 =	vperm.xlane v3, v2;
	v4 =	vadd.s32 v1, v4;
	_ =	sdelay $0x1  }
0x12d: {  	v3 =	vadd.s32 v1, v3;
	_ =	sdelay $0x2  }
0x12e: {  	[tilespmem:s23], [sflag:$0x4] =	stream.indirect_vreg.gather [hbm4b:s3+s2], $0x80, v4, vm0, $0xb8;
	[tilespmem:$0x10180] =	vst v63  }
0x12f: {  	_ = 	snop  }
0x130: {  	[tilespmem:s24], [sflag:$0x4] =	stream.indirect_vreg.gather [hbm4b:s3+s2], $0x80, v3, vm0, $0xb8;
	[tilespmem:$0x10180] =	vst v63  }
0x131: {  	_ =	swait.ge [sflag:s31], $0x8000  }
0x132: {  	s1 =	rddreg [dreg:$0x4];
	[sflag:s31] =	ssyncset.done $0x0  }
0x133: {  	[sflag:s31] =	ssyncadd.s32 $0xFFFF8000;
	s0 =	sadd.s32 s4, s1  }
0x134: {  	[hbm4b:s0+s2] =	stream.linear.scatter [tilespmem:s26], [sflag:$0x6], $0x8000, $0x38;
	[tilespmem:$0x10180] =	vst v63  }
0x135: {  	_ =	swait.ge [sflag:s29], $0x8000  }
0x136: {  	[sflag:s29] =	ssyncset.done $0x0  }
0x137: {  	[sflag:s29] =	ssyncadd.s32 $0xFFFF8000  }
0x138: {  	_ =	swait.ge [sflag:s28], $0x8000  }
0x139: {  	p0 =	sne.s32 s4, $0x27000;
	s1 =	rddreg [dreg:$0x5];
	[sflag:s28] =	ssyncset.done $0x0  }
.Ltmp0:
0x13a: {  	[sflag:s28] =	ssyncadd.s32 $0xFFFF8000;
	s0 =	sadd.s32 s4, s1;
	(pc) =	sbr.rel @p0 .LBB2_2-.Ltmp0, $4  }
0x13b: {  	[hbm4b:s0+s2] =	stream.linear.scatter [tilespmem:s9], [sflag:$0x6], $0x8000, $0x38;
	[tilespmem:$0x10180] =	vst v63  }
0x13c: {  	_ =	swait.ge [sflag:s29], $0x8000  }
0x13d: {  	s7 =	sadd.s32 $0x10, s7;
	s6 =	sadd.s32 $0x10, s6;
	[sflag:s29] =	ssyncset.done $0x0  }
0x13e: {  	s5 =	sadd.s32 $0x10, s5;
	s4 =	sadd.s32 $0x1000, s4;
	[sflag:s29] =	ssyncadd.s32 $0xFFFF8000  }
0x13f: {  	s1 =	rddreg [dreg:$0x1b]  }
0x140: {  	s0 =	rddreg [dreg:$0x17];
	s1 =	sadd.s32 $0x1, s1  }
0x141: {  	p0 =	sne.s32 s1, s0  }
.Ltmp1:
0x142: {  	_ = 	snop;
	(pc) =	sbr.rel @p0 .LBB2_1-.Ltmp1, $1  }
0x143: {  	_ =	sdelay $0x3  }
0x144: {  	_ =	sfence.sel $0x180000  }
0x145: {  	[bflag:$0x0] =	sbarrier.arrive $0xFFFF  }
0x146: {  	_ =	strace $0x90000053  }
0x147: {  	s0 =	stileid.u32;
	[bflag:$0x2] =	sbarrier.arrive $0xFFFF  }
0x148: {  	p0 =	sne.s32 s0, $0x0;
	s0 =	rddreg [dreg:$0x2]  }
0x149: {  	s0 =	sadd.s32 @!p0 $0x100000, s0  }
0x14a: {  	[sflag:s0] =	ssyncadd.tile.s32 @!p0 $0x1;
	_ =	shalt  }
.Lfunc_end2:
_tile_overlayer_lowered:
.L_overlay_start_2:
0x14b: {  	(tag) =	ssettag $0x2  }
0x14c: {  	s0 =	rddreg [dreg:$0x0];
	s2 =	stileid.u32  }
0x14d: {  	s1 =	rddreg [dreg:$0x1];
	p0 =	sne.s32 s2, $0x0  }
0x14e: {  	s3 =	rddreg [dreg:$0x2];
	[bflag:$0x3] =	sbarrier.arrive $0xFFFF;
	s2 =	simm.s32 @!p0 $0x1C06  }
0x14f: {  	[timem:s3], [sflag:s2] =	dma.local @!p0 [hbm:s0], s1  }
0x150: {  	s0 =	simm.s32 @!p0 $0x6  }
0x151: {  	_ =	swait.ge @!p0 [sflag:s0], s1  }
0x152: {  	s1 =	ssub.s32 @!p0 $0x0, s1;
	[sflag:s0] =	ssyncset.done @!p0 $0x0  }
0x153: {  	[sflag:s0] =	ssyncadd.s32 @!p0 s1  }
0x154: {  	[bflag:$0x3] =	sbarrier.arrive $0xFFFF  }
0x155: {  	_ =	shalt  }

// kernel: kernel.31.cloned.1.call-start
scs
__scs_entry_jumppad:
0x0: {  	(pc) =	sbr.rel $0x88, $3  }
0x1: {  	(tag) =	ssettag $0x0;
	lr =	simm.s32 $0x1  }
0x2: {  	[smem:$0x3F4B] =	sst lr;
	_ =	strace $0xD0000000  }
0x3: {  	_ = 	snop  }
0x4: {  	_ = 	snop  }
0x5: {  	_ = 	snop  }
0x6: {  	_ = 	snop  }
0x7: {  	_ = 	snop  }
__scs_overlays_trampoline_lowered:
0x8: {  	[smem:$0x3F5A] =	sst s0  }
0x9: {  	[smem:$0x3F5B] =	sst s1  }
0xa: {  	[smem:$0x3F5C] =	sst s2  }
0xb: {  	[smem:$0x3F5D] =	sst s3  }
0xc: {  	[smem:$0x3F5E] =	sst s4  }
0xd: {  	[smem:$0x3F5F] =	sst s5  }
0xe: {  	[smem:$0x3F60] =	sst s6  }
0xf: {  	[smem:$0x3F61] =	sst s7  }
0x10: {  	[smem:$0x3F62] =	sst s8  }
0x11: {  	[smem:$0x3F63] =	sst s9;
	s0 =	simm.s32 @!p0 $0x0  }
0x12: {  	s1 =	sld [smem:$0x3F49];
	s0 =	simm.s32 @p0 $0x1  }
0x13: {  	[smem:$0x3F64] =	sst s0;
	s0 =	simm.s32 @!p1 $0x0  }
0x14: {  	s2 =	sld [smem:$0x3F48];
	s0 =	simm.s32 @p1 $0x1  }
0x15: {  	[smem:$0x3F65] =	sst s0;
	s0 =	simm.s32 @!p2 $0x0  }
0x16: {  	s3 =	sld [smem:$0x3FDB];
	s0 =	simm.s32 @p2 $0x1  }
0x17: {  	s4 =	simm.s32 $0x1BF5;
	[smem:$0x3F67] =	sst s0  }
0x18: {  	s0 =	sld [smem:$0x3F4A];
	_ =	swait.ge [sflag:s4], $0x0  }
0x19: {  	s7 =	sld [smem:$0x3F4B]  }
0x1a: {  	s8 =	sadd.s32 $0xFFFFE003, lr  }
0x1b: {  	s9 =	sadd.s32 $0xFFFFFEF7, lr;
	s5 =	simm.s32 $0xFFFFFFFF;
	p2 =	slt.u32 s8, $0xFFFFF086  }
0x1c: {  	p1 =	slt.u32 s9, $0xF7A;
	s5 =	simm.s32 @!p2 $0x0  }
0x1d: {  	s5 =	simm.s32 @p1 $0x1;
	p0 =	seq.s32 s7, s2  }
0x1e: {  	s7 =	smul.u32 @!p0 $0xF7A, s2;
	p2 =	seq.s32 @!p0 s5, $0x0  }
0x1f: {  	s9 =	smul.u32 $0xF7A, s1;
	s8 =	simm.s32 @!p0 $0x1BF5;
	p2 =	por !p2, p0  }
0x20: {  	[sflag:s8] =	ssyncset.s32 @!p0 $0xFFFFF086;
	s6 =	sadd.s32 @!p0 s3, s7;
	s7 =	simm.s32 @!p0 $0x108  }
0x21: {  	s3 =	sadd.s32 s3, s9;
	s6 =	sadd.s32 @!p0 $0x88, s6;
	s7 =	simm.s32 @p2 $0x1082  }
0x22: {  	[simem:s7], [sflag:s8] =	dma.local @!p0 [hbm:s6], $0xF7A  }
0x23: {  	s9 =	sor.u32 $0xD0000000, s2;
	s6 =	simm.s32 $0x108;
	_ =	swait.ge @!p0 [sflag:s8], $0x0  }
0x24: {  	s3 =	sadd.s32 $0x88, s3;
	s6 =	simm.s32 @!p1 $0x1082;
	[sflag:s4] =	ssyncset.s32 $0xFFFFF086  }
0x25: {  	[simem:s6], [sflag:s4] =	dma.local [hbm:s3], $0xF7A  }
0x26: {  	[smem:$0x3F4B] =	sst s1;
	(tag) =	ssettag s2;
	_ =	strace s9  }
0x27: {  	s1 =	sld [smem:$0x3F5B]  }
0x28: {  	s2 =	sld [smem:$0x3F5C]  }
0x29: {  	s4 =	sld [smem:$0x3F5E]  }
0x2a: {  	p0 =	seq.s32 s5, $0x0;
	s5 =	sld [smem:$0x3F5F]  }
0x2b: {  	s6 =	sld [smem:$0x3F60]  }
0x2c: {  	s7 =	sld [smem:$0x3F61]  }
0x2d: {  	s3 =	simm.s32 $0x108;
	s8 =	sld [smem:$0x3F62]  }
0x2e: {  	s3 =	simm.s32 @!p0 $0x1082;
	s9 =	sld [smem:$0x3F63]  }
0x2f: {  	lr =	sadd.s32 s0, s3;
	s0 =	sld [smem:$0x3F5A]  }
0x30: {  	s3 =	sld [smem:$0x3F5D]  }
0x31: {  	[smem:$0x3F66] =	sst s10  }
0x32: {  	s10 =	sld [smem:$0x3F64];
	_ =	sdelay $0x3  }
0x33: {  	p0 =	seq.s32 s10, $0x1;
	s10 =	sld [smem:$0x3F66];
	_ =	sdelay $0x3  }
0x34: {  	[smem:$0x3F66] =	sst s10  }
0x35: {  	s10 =	sld [smem:$0x3F65];
	_ =	sdelay $0x3  }
0x36: {  	p1 =	seq.s32 s10, $0x1;
	s10 =	sld [smem:$0x3F66];
	_ =	sdelay $0x3  }
0x37: {  	[smem:$0x3F66] =	sst s10  }
0x38: {  	s10 =	sld [smem:$0x3F67]  }
0x39: {  	_ = 	snop;
	(pc) =	sbr.ind lr, $3  }
0x3a: {  	_ = 	snop  }
0x3b: {  	_ = 	snop  }
0x3c: {  	p2 =	seq.s32 s10, $0x1;
	s10 =	sld [smem:$0x3F66]  }
0x3d: {  	_ =	shalt  }
0x3e: {  	_ =	shalt  }
0x3f: {  	_ =	shalt  }
0x40: {  	_ =	shalt  }
0x41: {  	_ =	shalt  }
0x42: {  	_ =	shalt  }
0x43: {  	_ =	shalt  }
0x44: {  	_ =	shalt  }
0x45: {  	_ =	shalt  }
0x46: {  	_ =	shalt  }
0x47: {  	_ =	shalt  }
0x48: {  	_ =	shalt  }
0x49: {  	_ =	shalt  }
0x4a: {  	_ =	shalt  }
0x4b: {  	_ =	shalt  }
0x4c: {  	_ =	shalt  }
0x4d: {  	_ =	shalt  }
0x4e: {  	_ =	shalt  }
0x4f: {  	_ =	shalt  }
0x50: {  	_ =	shalt  }
0x51: {  	_ =	shalt  }
0x52: {  	_ =	shalt  }
0x53: {  	_ =	shalt  }
0x54: {  	_ =	shalt  }
0x55: {  	_ =	shalt  }
0x56: {  	_ =	shalt  }
0x57: {  	_ =	shalt  }
0x58: {  	_ =	shalt  }
0x59: {  	_ =	shalt  }
0x5a: {  	_ =	shalt  }
0x5b: {  	_ =	shalt  }
0x5c: {  	_ =	shalt  }
0x5d: {  	_ =	shalt  }
0x5e: {  	_ =	shalt  }
0x5f: {  	_ =	shalt  }
0x60: {  	_ =	shalt  }
0x61: {  	_ =	shalt  }
0x62: {  	_ =	shalt  }
0x63: {  	_ =	shalt  }
0x64: {  	_ =	shalt  }
0x65: {  	_ =	shalt  }
0x66: {  	_ =	shalt  }
0x67: {  	_ =	shalt  }
0x68: {  	_ =	shalt  }
0x69: {  	_ =	shalt  }
0x6a: {  	_ =	shalt  }
0x6b: {  	_ =	shalt  }
0x6c: {  	_ =	shalt  }
0x6d: {  	_ =	shalt  }
0x6e: {  	_ =	shalt  }
0x6f: {  	_ =	shalt  }
0x70: {  	_ =	shalt  }
0x71: {  	_ =	shalt  }
0x72: {  	_ =	shalt  }
0x73: {  	_ =	shalt  }
0x74: {  	_ =	shalt  }
0x75: {  	_ =	shalt  }
0x76: {  	_ =	shalt  }
0x77: {  	_ =	shalt  }
0x78: {  	_ =	shalt  }
0x79: {  	_ =	shalt  }
0x7a: {  	_ =	shalt  }
0x7b: {  	_ =	shalt  }
0x7c: {  	_ =	shalt  }
0x7d: {  	_ =	shalt  }
0x7e: {  	_ =	shalt  }
0x7f: {  	_ =	shalt  }
0x80: {  	_ =	shalt  }
0x81: {  	_ =	shalt  }
0x82: {  	_ =	shalt  }
0x83: {  	_ =	shalt  }
0x84: {  	_ =	shalt  }
0x85: {  	_ =	shalt  }
0x86: {  	_ =	shalt  }
0x87: {  	_ =	shalt  }
.Lfunc_end0:
.L_simem_size_0:
called_computation.5_lowered:
.L_overlay_start_0:
0x88: {  	s2 =	sld [smem:$0x3FD9]  }
0x89: {  	s3 =	sld [smem:$0x3FFE];
	_ =	sdelay $0x1  }
0x8a: {  	s1 =	srdreg.scid  }
0x8b: {  	s0 =	sand.u32 $0x1, s1  }
0x8c: {  	s16 =	sshll.u32 s0, $0xA;
	s2 =	sadd.s32 s3, s2  }
0x8d: {  	s2 =	sadd.s32 s2, s16  }
0x8e: {  	[smem:$0x3F72] =	sst s2  }
0x8f: {  	_ = 	snop  }
0x90: {  	(tm) =	ssettm $0x1  }
0x91: {  	s17 =	sld [smem:$0x3FFB];
	_ =	sdelay $0x3  }
0x92: {  	_ =	strace s17  }
0x93: {  	s2 =	sld [smem:$0x3FFC];
	_ =	sdelay $0x3  }
0x94: {  	_ =	strace s2  }
0x95: {  	s2 =	sld [smem:$0x3FFD];
	_ =	sdelay $0x3  }
0x96: {  	_ =	strace s2  }
0x97: {  	_ =	strace $0x8FFFFFFF  }
0x98: {  	s18 =	sld [smem:$0x3FDB];
	_ =	sdelay $0x1  }
0x99: {  	s19 =	simm.s32 $_scs_section_size  }
0x9a: {  	s4 =	simm.s32 $_size__tile_overlayer_lowered;
	s5 =	simm.s32 $_tile_overlayer_lowered  }
0x9b: {  	s22 =	simm.s32 $0x1BFF;
	s21 =	sshll.u32 s5, $0x1;
	s2 =	sadd.s32 s19, s18  }
0x9c: {  	s6 =	simm.s32 $0x0;
	s20 =	sshll.u32 s4, $0x1;
	s4 =	sadd.s32 s21, s2  }
0x9d: {  	[timem:s6], [sflag:s22] =	dma.local [hbm:s4], s20  }
0x9e: {  	_ =	swait.ge [sflag:s22], s20  }
0x9f: {  	s3 =	ssub.s32 $0x0, s20;
	[sflag:s22] =	ssyncset.done $0x0  }
0xa0: {  	[sflag:s22] =	ssyncadd.s32 s3;
	_ =	sdelay $0x1  }
0xa1: {  	s23 =	simm.s32 $0x1B8B  }
0xa2: {  	_ =	swait.ge [sflag:s23], $0x1  }
0xa3: {  	[sflag:s23] =	ssyncset.done $0x0  }
0xa4: {  	s25 =	simm.s32 $0x1B8E;
	s24 =	sld [smem:$0x3FFE];
	[sflag:s23] =	ssyncadd.s32 $0xFFFFFFFF  }
0xa5: {  	s26 =	simm.s32 $execute0_lowered;
	[smem:$0x3FD2] =	sst s25  }
0xa6: {  	s4 =	sshll.u32 s26, $0x1;
	_ =	strace $0x80000055;
	[dreg:$0x1] =	wrdreg $0xFFFFFFFF  }
0xa7: {  	s28 =	simm.s32 $_size_execute0_lowered;
	s2 =	sadd.s32 s2, s4;
	[dreg:$0x0] =	wrdreg $0x0  }
0xa8: {  	s4 =	sshll.u32 s28, $0x1;
	[dreg:$0x2] =	wrdreg s2  }
0xa9: {  	[dreg:$0x3] =	wrdreg s4  }
0xaa: {  	[dreg:$0x4] =	wrdreg $0xC0  }
0xab: {  	_ =	task [dreg:s6], $0x5FFFF  }
0xac: {  	[dreg:$0x1] =	wrdreg $0xFFFFFFFF  }
0xad: {  	[dreg:$0x0] =	wrdreg $0x60  }
0xae: {  	[dreg:$0x2] =	wrdreg s24  }
0xaf: {  	[dreg:$0x3] =	wrdreg $0x81000  }
0xb0: {  	[dreg:$0x4] =	wrdreg $0x9  }
0xb1: {  	_ =	task.clear_ibuf [dreg:s6], $0x5FFFF;
	_ =	strace $0x90000055  }
0xb2: {  	s29 =	simm.s32 $0x9;
	_ =	strace $0x80000057  }
0xb3: {  	_ =	swait.ge [sflag:s29], $0x1  }
0xb4: {  	[sflag:s29] =	ssyncadd.s32 $0xFFFFFFFF  }
0xb5: {  	_ =	strace $0x90000057  }
0xb6: {  	_ =	sfence  }
0xb7: {  	s30 =	sld [smem:$0x0];
	_ =	sdelay $0x2  }
0xb8: {  	s31 =	sshll.u32 s1, $0xD;
	s1 =	sshrl.u32 s1, $0x2  }
0xb9: {  	s3 =	sand.u32 $0x4000, s31;
	s1 =	sadd.s32 s1, s30  }
0xba: {  	s0 =	sor.u32 s3, s0;
	s1 =	sshll.u32 s1, $0x11  }
0xbb: {  	s0 =	sor.u32 s1, s0  }
0xbc: {  	s0 =	sadd.s32 $0x8F2B, s0  }
0xbd: {  	[sflag:s0] =	ssyncadd.remote.s32 $0x1  }
0xbe: {  	_ =	sfence.sel $0xFFFF  }
0xbf: {  	[dreg:$0x0] =	wrdreg $0xFFFFFFFF;
	(pc) =	sbr.abs _section_cstart, $3  }
0xc0: {  	[dreg:$0x1] =	wrdreg $0xFFFFFFFF  }
0xc1: {  	_ =	task.clear_ibuf [dreg:s6], $0x2FFFF;
	_ =	strace $0x9FFFFFFF  }
0xc2: {  	(tm) =	ssettm $0x7FFFFFFF  }
0xc3: {  	_ =	shalt  }
tec
execute0_lowered:
.L_overlay_start_1:
0x0: {  	(tag) =	ssettag $0x1  }
0x1: {  	s0 =	stileid.u32;
	s4 =	rddreg [dreg:$0x0]  }
0x2: {  	s1 =	srdreg.scid;
	s2 =	rddreg [dreg:$0x1]  }
0x3: {  	s3 =	simm.s32 $0x0;
	s15 =	simm.s32 $0x100;
	s16 =	simm.s32 $0x5  }
0x4: {  	s17 =	simm.s32 $0x80;
	s18 =	simm.s32 $0x4100;
	s6 =	smul.u32 $0x2800, s0  }
0x5: {  	s19 =	simm.s32 $0x1;
	s20 =	simm.s32 $0x3;
	s8 =	smul.u32 $0x28000, s0  }
0x6: {  	s21 =	simm.s32 $0x2;
	s5 =	sand.u32 $0x1, s1;
	s10 =	smul.u32 $0x50000, s0  }
0x7: {  	s22 =	simm.s32 $0x4;
	s1 =	rddreg [dreg:$0x2];
	s7 =	smul.u32 $0x1400, s5  }
0x8: {  	s23 =	simm.s32 $0x0;
	[smem:$0x7FF] =	sst s3;
	s9 =	smul.u32 $0x28000, s5  }
0x9: {  	_ =	strace $0x80000056;
	s28 =	ssub.s32 $0x2, s5;
	s31 =	smul.u32 $0x14000, s5  }
0xa: {  	s11 =	sadd.s32 s8, s4;
	s29 =	sshrl.u32 s10, $0x2;
	s30 =	sshrl.u32 s28, $0x1  }
0xb: {  	s7 =	sadd.s32 s7, s6;
	s6 =	sadd.s32 s6, s9;
	s12 =	ssub.s32 s28, s30  }
0xc: {  	s13 =	sadd.s32 s31, s11;
	s7 =	sshrl.u32 s7, $0x3;
	s9 =	sadd.s32 s6, s4  }
0xd: {  	s10 =	smax.u32 s12, $0x1;
	s11 =	sadd.s32 $0xB18000, s13;
	s12 =	sadd.s32 $0x618000, s13  }
0xe: {  	s14 =	sadd.s32 s7, s4;
	s4 =	sadd.s32 s29, s2;
	s9 =	sadd.s32 $0x14D4A00, s9  }
0xf: {  	s5 =	sadd.s32 $0x4000, s4;
	s6 =	sadd.s32 $0x8000, s4;
	s7 =	sadd.s32 $0xC000, s4  }
0x10: {  	v0 =	vimm.f32 $0.0e+00;
	s8 =	sadd.s32 $0x10000, s4;
	s13 =	sadd.s32 $0x1DA00, s14;
	s14 =	sadd.s32 $0x22A00, s14  }
.LBB2_1:
0x11: {  	s24 =	simm.s32 $0x0;
	s25 =	simm.s32 $0x200  }
.LBB2_2:
0x12: {  	p0 =	sne.s32 s25, $0xFE00;
	[tilespmem:s24+$0x170] =	vst v0  }
0x13: {  	[tilespmem:s24+$0x100] =	vst v0  }
0x14: {  	[tilespmem:s24+$0x110] =	vst v0  }
.Ltmp0:
0x15: {  	[tilespmem:s24+$0x120] =	vst v0;
	(pc) =	sbr.rel @p0 .LBB2_2-.Ltmp0, $4  }
0x16: {  	[tilespmem:s24+$0x130] =	vst v0  }
0x17: {  	[tilespmem:s24+$0x140] =	vst v0  }
0x18: {  	[tilespmem:s24+$0x150] =	vst v0  }
0x19: {  	[tilespmem:s24+$0x160] =	vst v0;
	s24 =	sshra.s32 s25, $0x2;
	s25 =	sadd.s32 $0x200, s25  }
0x1a: {  	[tilespmem:s24+$0x170] =	vst v0  }
0x1b: {  	[tilespmem:s24+$0x100] =	vst v0  }
0x1c: {  	[tilespmem:s24+$0x110] =	vst v0  }
0x1d: {  	[tilespmem:s24+$0x120] =	vst v0  }
0x1e: {  	[tilespmem:s24+$0x130] =	vst v0  }
0x1f: {  	[tilespmem:s24+$0x140] =	vst v0  }
0x20: {  	[tilespmem:s24+$0x150] =	vst v0  }
0x21: {  	[tilespmem:s24+$0x160] =	vst v0  }
0x22: {  	[spmem:s4] =	stream.linear.scatter [tilespmem:s15], [sflag:$0x5], $0x4000, $0x38;
	[tilespmem:$0x1C100] =	vst v63  }
0x23: {  	_ =	swait.ge [sflag:s16], $0x4000  }
0x24: {  	[sflag:s16] =	ssyncset.done $0x0  }
0x25: {  	[sflag:s16] =	ssyncadd.s32 $0xFFFFC000  }
0x26: {  	[spmem:s5] =	stream.linear.scatter [tilespmem:s15], [sflag:$0x5], $0x4000, $0x38;
	[tilespmem:$0x1C100] =	vst v63  }
0x27: {  	_ =	swait.ge [sflag:s16], $0x4000  }
0x28: {  	[sflag:s16] =	ssyncset.done $0x0  }
0x29: {  	[sflag:s16] =	ssyncadd.s32 $0xFFFFC000  }
0x2a: {  	[spmem:s6] =	stream.linear.scatter [tilespmem:s15], [sflag:$0x5], $0x4000, $0x38;
	[tilespmem:$0x1C100] =	vst v63  }
0x2b: {  	_ =	swait.ge [sflag:s16], $0x4000  }
0x2c: {  	[sflag:s16] =	ssyncset.done $0x0  }
0x2d: {  	[sflag:s16] =	ssyncadd.s32 $0xFFFFC000  }
0x2e: {  	[spmem:s7] =	stream.linear.scatter [tilespmem:s15], [sflag:$0x5], $0x4000, $0x38;
	[tilespmem:$0x1C100] =	vst v63  }
0x2f: {  	_ =	swait.ge [sflag:s16], $0x4000  }
0x30: {  	[sflag:s16] =	ssyncset.done $0x0  }
0x31: {  	[sflag:s16] =	ssyncadd.s32 $0xFFFFC000  }
0x32: {  	[spmem:s8] =	stream.linear.scatter [tilespmem:s15], [sflag:$0x5], $0x4000, $0x38;
	[tilespmem:$0x1C100] =	vst v63  }
0x33: {  	_ =	swait.ge [sflag:s16], $0x4000  }
0x34: {  	[sflag:s16] =	ssyncset.done $0x0  }
0x35: {  	[sflag:s16] =	ssyncadd.s32 $0xFFFFC000  }
0x36: {  	s30 =	sadd.s32 $0x0, s14;
	[bflag:$0x0] =	sbarrier.arrive $0xFFFF  }
0x37: {  	[tilespmem:s3], [sflag:$0x1] =	stream.linear.gather [hbm4b:s30+s3], $0x80, $0x38;
	[tilespmem:$0x1C100] =	vst v63  }
0x38: {  	_ = 	snop  }
0x39: {  	[tilespmem:s15], [sflag:$0x3] =	stream.linear.gather [hbm4b:s11+s3], $0x4000, $0x38;
	[tilespmem:$0x1C100] =	vst v63  }
0x3a: {  	s31 =	sadd.s32 $0x0, s13  }
0x3b: {  	[tilespmem:s17], [sflag:$0x2] =	stream.linear.gather [hbm4b:s31+s3], $0x80, $0x38;
	[tilespmem:$0x1C100] =	vst v63  }
0x3c: {  	_ = 	snop  }
0x3d: {  	[tilespmem:s18], [sflag:$0x4] =	stream.linear.gather [hbm4b:s12+s3], $0x4000, $0x38;
	[tilespmem:$0x1C100] =	vst v63  }
0x3e: {  	_ =	swait.ge [sflag:s19], $0x80  }
0x3f: {  	[sflag:s19] =	ssyncset.done $0x0  }
0x40: {  	[sflag:s19] =	ssyncadd.s32 $0xFFFFFF80  }
0x41: {  	_ =	swait.ge [sflag:s20], $0x4000  }
0x42: {  	[sflag:s20] =	ssyncset.done $0x0  }
0x43: {  	[sflag:s20] =	ssyncadd.s32 $0xFFFFC000  }
0x44: {  	[spmem:s2] =	stream.indirect.scatter.add.f32 [tilespmem:s15], [sflag:$0x5], $0x80, s3, s17, $0xb8;
	[tilespmem:$0x1C100] =	vst v63  }
0x45: {  	_ =	swait.ge [sflag:s16], $0x4000  }
0x46: {  	[sflag:s16] =	ssyncset.done $0x0  }
0x47: {  	[sflag:s16] =	ssyncadd.s32 $0xFFFFC000  }
0x48: {  	_ =	swait.ge [sflag:s21], $0x80  }
0x49: {  	[sflag:s21] =	ssyncset.done $0x0  }
0x4a: {  	[sflag:s21] =	ssyncadd.s32 $0xFFFFFF80  }
0x4b: {  	_ =	swait.ge [sflag:s22], $0x4000  }
0x4c: {  	[sflag:s22] =	ssyncset.done $0x0  }
0x4d: {  	[sflag:s22] =	ssyncadd.s32 $0xFFFFC000  }
0x4e: {  	[spmem:s2] =	stream.indirect.scatter.add.f32 [tilespmem:s18], [sflag:$0x5], $0x80, s17, s17, $0xb8;
	[tilespmem:$0x1C100] =	vst v63  }
0x4f: {  	s24 =	simm.s32 $0x10;
	s28 =	simm.s32 $0x20;
	_ =	swait.ge [sflag:s16], $0x4000  }
0x50: {  	s26 =	sadd.s32 $0x800, s11;
	s25 =	sadd.s32 $0x800, s12;
	[sflag:s16] =	ssyncset.done $0x0  }
.LBB2_4:
0x51: {  	s29 =	sadd.s32 s24, s14  }
0x52: {  	[sflag:s16] =	ssyncadd.s32 $0xFFFFC000;
	s30 =	smov.u32 s28;
	s31 =	sadd.s32 $0x10, s28  }
0x53: {  	[tilespmem:s3], [sflag:$0x1] =	stream.linear.gather [hbm4b:s29+s3], $0x80, $0x38;
	[tilespmem:$0x1C100] =	vst v63  }
0x54: {  	p0 =	sne.s32 s28, $0x270  }
0x55: {  	[tilespmem:s15], [sflag:$0x3] =	stream.linear.gather [hbm4b:s26+s3], $0x4000, $0x38;
	[tilespmem:$0x1C100] =	vst v63  }
0x56: {  	s28 =	sadd.s32 s24, s13;
	s24 =	smov.u32 s30  }
0x57: {  	[tilespmem:s17], [sflag:$0x2] =	stream.linear.gather [hbm4b:s28+s3], $0x80, $0x38;
	[tilespmem:$0x1C100] =	vst v63  }
0x58: {  	_ = 	snop  }
0x59: {  	[tilespmem:s18], [sflag:$0x4] =	stream.linear.gather [hbm4b:s25+s3], $0x4000, $0x38;
	[tilespmem:$0x1C100] =	vst v63  }
0x5a: {  	_ =	swait.ge [sflag:s19], $0x80  }
0x5b: {  	[sflag:s19] =	ssyncset.done $0x0  }
0x5c: {  	[sflag:s19] =	ssyncadd.s32 $0xFFFFFF80  }
0x5d: {  	_ =	swait.ge [sflag:s20], $0x4000  }
0x5e: {  	[sflag:s20] =	ssyncset.done $0x0  }
0x5f: {  	[sflag:s20] =	ssyncadd.s32 $0xFFFFC000  }
0x60: {  	[spmem:s2] =	stream.indirect.scatter.add.f32 [tilespmem:s15], [sflag:$0x5], $0x80, s3, s17, $0xb8;
	[tilespmem:$0x1C100] =	vst v63  }
0x61: {  	_ =	swait.ge [sflag:s16], $0x4000  }
0x62: {  	[sflag:s16] =	ssyncset.done $0x0  }
0x63: {  	[sflag:s16] =	ssyncadd.s32 $0xFFFFC000  }
0x64: {  	_ =	swait.ge [sflag:s21], $0x80  }
0x65: {  	[sflag:s21] =	ssyncset.done $0x0  }
0x66: {  	[sflag:s21] =	ssyncadd.s32 $0xFFFFFF80  }
0x67: {  	_ =	swait.ge [sflag:s22], $0x4000  }
.Ltmp1:
0x68: {  	[sflag:s22] =	ssyncset.done $0x0;
	(pc) =	sbr.rel @p0 .LBB2_4-.Ltmp1, $4  }
0x69: {  	[sflag:s22] =	ssyncadd.s32 $0xFFFFC000  }
0x6a: {  	[spmem:s2] =	stream.indirect.scatter.add.f32 [tilespmem:s18], [sflag:$0x5], $0x80, s17, s17, $0xb8;
	[tilespmem:$0x1C100] =	vst v63  }
0x6b: {  	s26 =	sadd.s32 $0x800, s26;
	_ =	swait.ge [sflag:s16], $0x4000  }
0x6c: {  	s28 =	smov.u32 s31;
	s25 =	sadd.s32 $0x800, s25;
	[sflag:s16] =	ssyncset.done $0x0  }
0x6d: {  	s28 =	sadd.s32 s24, s14;
	[sflag:s16] =	ssyncadd.s32 $0xFFFFC000  }
0x6e: {  	[tilespmem:s3], [sflag:$0x1] =	stream.linear.gather [hbm4b:s28+s3], $0x80, $0x38;
	[tilespmem:$0x1C100] =	vst v63  }
0x6f: {  	_ = 	snop  }
0x70: {  	[tilespmem:s15], [sflag:$0x3] =	stream.linear.gather [hbm4b:s26+s3], $0x4000, $0x38;
	[tilespmem:$0x1C100] =	vst v63  }
0x71: {  	s29 =	sadd.s32 s24, s13  }
0x72: {  	[tilespmem:s17], [sflag:$0x2] =	stream.linear.gather [hbm4b:s29+s3], $0x80, $0x38;
	[tilespmem:$0x1C100] =	vst v63  }
0x73: {  	_ = 	snop  }
0x74: {  	[tilespmem:s18], [sflag:$0x4] =	stream.linear.gather [hbm4b:s25+s3], $0x4000, $0x38;
	[tilespmem:$0x1C100] =	vst v63  }
0x75: {  	_ =	swait.ge [sflag:s19], $0x80  }
0x76: {  	[sflag:s19] =	ssyncset.done $0x0  }
0x77: {  	[sflag:s19] =	ssyncadd.s32 $0xFFFFFF80  }
0x78: {  	_ =	swait.ge [sflag:s20], $0x4000  }
0x79: {  	[sflag:s20] =	ssyncset.done $0x0  }
0x7a: {  	[sflag:s20] =	ssyncadd.s32 $0xFFFFC000  }
0x7b: {  	[spmem:s2] =	stream.indirect.scatter.add.f32 [tilespmem:s15], [sflag:$0x5], $0x80, s3, s17, $0xb8;
	[tilespmem:$0x1C100] =	vst v63  }
0x7c: {  	_ =	swait.ge [sflag:s16], $0x4000  }
0x7d: {  	[sflag:s16] =	ssyncset.done $0x0  }
0x7e: {  	[sflag:s16] =	ssyncadd.s32 $0xFFFFC000  }
0x7f: {  	_ =	swait.ge [sflag:s21], $0x80  }
0x80: {  	[sflag:s21] =	ssyncset.done $0x0  }
0x81: {  	[sflag:s21] =	ssyncadd.s32 $0xFFFFFF80  }
0x82: {  	_ =	swait.ge [sflag:s22], $0x4000  }
0x83: {  	[sflag:s22] =	ssyncset.done $0x0  }
0x84: {  	[sflag:s22] =	ssyncadd.s32 $0xFFFFC000  }
0x85: {  	[spmem:s2] =	stream.indirect.scatter.add.f32 [tilespmem:s18], [sflag:$0x5], $0x80, s17, s17, $0xb8;
	[tilespmem:$0x1C100] =	vst v63  }
0x86: {  	_ =	swait.ge [sflag:s16], $0x4000  }
0x87: {  	s30 =	sshll.u32 s0, $0x6;
	s23 =	sadd.s32 $0x1, s23;
	[sflag:s16] =	ssyncset.done $0x0  }
0x88: {  	s31 =	sshrl.u32 s4, $0x3;
	p0 =	sne.s32 s23, s10;
	[sflag:s16] =	ssyncadd.s32 $0xFFFFC000  }
.Ltmp2:
0x89: {  	s24 =	sor.u32 $0x1C05, s30;
	[bflag:$0x0] =	sbarrier.arrive $0xFFFF;
	(pc) =	sbr.rel @p0 .LBB2_1-.Ltmp2, $4  }
0x8a: {  	[hbm:s9], [sflag:s24] =	dma.local [spmem:s31], $0x2800  }
0x8b: {  	_ =	swait.ge [sflag:s16], $0x2800  }
0x8c: {  	[sflag:s16] =	ssyncset.done $0x0  }
0x8d: {  	[sflag:s16] =	ssyncadd.s32 $0xFFFFD800  }
0x8e: {  	_ =	sfence.sel $0x180000  }
0x8f: {  	[bflag:$0x0] =	sbarrier.arrive $0xFFFF  }
0x90: {  	p0 =	sne.s32 s0, $0x0;
	_ =	strace $0x90000056  }
0x91: {  	s0 =	sadd.s32 @!p0 $0x100000, s1;
	[bflag:$0x2] =	sbarrier.arrive $0xFFFF  }
0x92: {  	[sflag:s0] =	ssyncadd.tile.s32 @!p0 $0x1;
	_ =	shalt  }
.Lfunc_end2:
_tile_overlayer_lowered:
.L_overlay_start_2:
0x93: {  	(tag) =	ssettag $0x2  }
0x94: {  	s0 =	rddreg [dreg:$0x0];
	s2 =	stileid.u32  }
0x95: {  	s1 =	rddreg [dreg:$0x1];
	p0 =	sne.s32 s2, $0x0  }
0x96: {  	s3 =	rddreg [dreg:$0x2];
	[bflag:$0x3] =	sbarrier.arrive $0xFFFF;
	s2 =	simm.s32 @!p0 $0x1C05  }
0x97: {  	[timem:s3], [sflag:s2] =	dma.local @!p0 [hbm:s0], s1  }
0x98: {  	s0 =	simm.s32 @!p0 $0x5  }
0x99: {  	_ =	swait.ge @!p0 [sflag:s0], s1  }
0x9a: {  	s1 =	ssub.s32 @!p0 $0x0, s1;
	[sflag:s0] =	ssyncset.done @!p0 $0x0  }
0x9b: {  	[sflag:s0] =	ssyncadd.s32 @!p0 s1  }
0x9c: {  	[bflag:$0x3] =	sbarrier.arrive $0xFFFF  }
0x9d: {  	_ =	shalt  }

// kernel: kernel.34.cloned.1.call-start
scs
__scs_entry_jumppad:
0x0: {  	(pc) =	sbr.rel $0x88, $3  }
0x1: {  	(tag) =	ssettag $0x0;
	lr =	simm.s32 $0x1  }
0x2: {  	[smem:$0x3F4B] =	sst lr;
	_ =	strace $0xD0000000  }
0x3: {  	_ = 	snop  }
0x4: {  	_ = 	snop  }
0x5: {  	_ = 	snop  }
0x6: {  	_ = 	snop  }
0x7: {  	_ = 	snop  }
__scs_overlays_trampoline_lowered:
0x8: {  	[smem:$0x3F5A] =	sst s0  }
0x9: {  	[smem:$0x3F5B] =	sst s1  }
0xa: {  	[smem:$0x3F5C] =	sst s2  }
0xb: {  	[smem:$0x3F5D] =	sst s3  }
0xc: {  	[smem:$0x3F5E] =	sst s4  }
0xd: {  	[smem:$0x3F5F] =	sst s5  }
0xe: {  	[smem:$0x3F60] =	sst s6  }
0xf: {  	[smem:$0x3F61] =	sst s7  }
0x10: {  	[smem:$0x3F62] =	sst s8  }
0x11: {  	[smem:$0x3F63] =	sst s9;
	s0 =	simm.s32 @!p0 $0x0  }
0x12: {  	s1 =	sld [smem:$0x3F49];
	s0 =	simm.s32 @p0 $0x1  }
0x13: {  	[smem:$0x3F64] =	sst s0;
	s0 =	simm.s32 @!p1 $0x0  }
0x14: {  	s2 =	sld [smem:$0x3F48];
	s0 =	simm.s32 @p1 $0x1  }
0x15: {  	[smem:$0x3F65] =	sst s0;
	s0 =	simm.s32 @!p2 $0x0  }
0x16: {  	s3 =	sld [smem:$0x3FDB];
	s0 =	simm.s32 @p2 $0x1  }
0x17: {  	s4 =	simm.s32 $0x1BF5;
	[smem:$0x3F67] =	sst s0  }
0x18: {  	s0 =	sld [smem:$0x3F4A];
	_ =	swait.ge [sflag:s4], $0x0  }
0x19: {  	s7 =	sld [smem:$0x3F4B]  }
0x1a: {  	s8 =	sadd.s32 $0xFFFFE003, lr  }
0x1b: {  	s9 =	sadd.s32 $0xFFFFFEF7, lr;
	s5 =	simm.s32 $0xFFFFFFFF;
	p2 =	slt.u32 s8, $0xFFFFF086  }
0x1c: {  	p1 =	slt.u32 s9, $0xF7A;
	s5 =	simm.s32 @!p2 $0x0  }
0x1d: {  	s5 =	simm.s32 @p1 $0x1;
	p0 =	seq.s32 s7, s2  }
0x1e: {  	s7 =	smul.u32 @!p0 $0xF7A, s2;
	p2 =	seq.s32 @!p0 s5, $0x0  }
0x1f: {  	s9 =	smul.u32 $0xF7A, s1;
	s8 =	simm.s32 @!p0 $0x1BF5;
	p2 =	por !p2, p0  }
0x20: {  	[sflag:s8] =	ssyncset.s32 @!p0 $0xFFFFF086;
	s6 =	sadd.s32 @!p0 s3, s7;
	s7 =	simm.s32 @!p0 $0x108  }
0x21: {  	s3 =	sadd.s32 s3, s9;
	s6 =	sadd.s32 @!p0 $0x88, s6;
	s7 =	simm.s32 @p2 $0x1082  }
0x22: {  	[simem:s7], [sflag:s8] =	dma.local @!p0 [hbm:s6], $0xF7A  }
0x23: {  	s9 =	sor.u32 $0xD0000000, s2;
	s6 =	simm.s32 $0x108;
	_ =	swait.ge @!p0 [sflag:s8], $0x0  }
0x24: {  	s3 =	sadd.s32 $0x88, s3;
	s6 =	simm.s32 @!p1 $0x1082;
	[sflag:s4] =	ssyncset.s32 $0xFFFFF086  }
0x25: {  	[simem:s6], [sflag:s4] =	dma.local [hbm:s3], $0xF7A  }
0x26: {  	[smem:$0x3F4B] =	sst s1;
	(tag) =	ssettag s2;
	_ =	strace s9  }
0x27: {  	s1 =	sld [smem:$0x3F5B]  }
0x28: {  	s2 =	sld [smem:$0x3F5C]  }
0x29: {  	s4 =	sld [smem:$0x3F5E]  }
0x2a: {  	p0 =	seq.s32 s5, $0x0;
	s5 =	sld [smem:$0x3F5F]  }
0x2b: {  	s6 =	sld [smem:$0x3F60]  }
0x2c: {  	s7 =	sld [smem:$0x3F61]  }
0x2d: {  	s3 =	simm.s32 $0x108;
	s8 =	sld [smem:$0x3F62]  }
0x2e: {  	s3 =	simm.s32 @!p0 $0x1082;
	s9 =	sld [smem:$0x3F63]  }
0x2f: {  	lr =	sadd.s32 s0, s3;
	s0 =	sld [smem:$0x3F5A]  }
0x30: {  	s3 =	sld [smem:$0x3F5D]  }
0x31: {  	[smem:$0x3F66] =	sst s10  }
0x32: {  	s10 =	sld [smem:$0x3F64];
	_ =	sdelay $0x3  }
0x33: {  	p0 =	seq.s32 s10, $0x1;
	s10 =	sld [smem:$0x3F66];
	_ =	sdelay $0x3  }
0x34: {  	[smem:$0x3F66] =	sst s10  }
0x35: {  	s10 =	sld [smem:$0x3F65];
	_ =	sdelay $0x3  }
0x36: {  	p1 =	seq.s32 s10, $0x1;
	s10 =	sld [smem:$0x3F66];
	_ =	sdelay $0x3  }
0x37: {  	[smem:$0x3F66] =	sst s10  }
0x38: {  	s10 =	sld [smem:$0x3F67]  }
0x39: {  	_ = 	snop;
	(pc) =	sbr.ind lr, $3  }
0x3a: {  	_ = 	snop  }
0x3b: {  	_ = 	snop  }
0x3c: {  	p2 =	seq.s32 s10, $0x1;
	s10 =	sld [smem:$0x3F66]  }
0x3d: {  	_ =	shalt  }
0x3e: {  	_ =	shalt  }
0x3f: {  	_ =	shalt  }
0x40: {  	_ =	shalt  }
0x41: {  	_ =	shalt  }
0x42: {  	_ =	shalt  }
0x43: {  	_ =	shalt  }
0x44: {  	_ =	shalt  }
0x45: {  	_ =	shalt  }
0x46: {  	_ =	shalt  }
0x47: {  	_ =	shalt  }
0x48: {  	_ =	shalt  }
0x49: {  	_ =	shalt  }
0x4a: {  	_ =	shalt  }
0x4b: {  	_ =	shalt  }
0x4c: {  	_ =	shalt  }
0x4d: {  	_ =	shalt  }
0x4e: {  	_ =	shalt  }
0x4f: {  	_ =	shalt  }
0x50: {  	_ =	shalt  }
0x51: {  	_ =	shalt  }
0x52: {  	_ =	shalt  }
0x53: {  	_ =	shalt  }
0x54: {  	_ =	shalt  }
0x55: {  	_ =	shalt  }
0x56: {  	_ =	shalt  }
0x57: {  	_ =	shalt  }
0x58: {  	_ =	shalt  }
0x59: {  	_ =	shalt  }
0x5a: {  	_ =	shalt  }
0x5b: {  	_ =	shalt  }
0x5c: {  	_ =	shalt  }
0x5d: {  	_ =	shalt  }
0x5e: {  	_ =	shalt  }
0x5f: {  	_ =	shalt  }
0x60: {  	_ =	shalt  }
0x61: {  	_ =	shalt  }
0x62: {  	_ =	shalt  }
0x63: {  	_ =	shalt  }
0x64: {  	_ =	shalt  }
0x65: {  	_ =	shalt  }
0x66: {  	_ =	shalt  }
0x67: {  	_ =	shalt  }
0x68: {  	_ =	shalt  }
0x69: {  	_ =	shalt  }
0x6a: {  	_ =	shalt  }
0x6b: {  	_ =	shalt  }
0x6c: {  	_ =	shalt  }
0x6d: {  	_ =	shalt  }
0x6e: {  	_ =	shalt  }
0x6f: {  	_ =	shalt  }
0x70: {  	_ =	shalt  }
0x71: {  	_ =	shalt  }
0x72: {  	_ =	shalt  }
0x73: {  	_ =	shalt  }
0x74: {  	_ =	shalt  }
0x75: {  	_ =	shalt  }
0x76: {  	_ =	shalt  }
0x77: {  	_ =	shalt  }
0x78: {  	_ =	shalt  }
0x79: {  	_ =	shalt  }
0x7a: {  	_ =	shalt  }
0x7b: {  	_ =	shalt  }
0x7c: {  	_ =	shalt  }
0x7d: {  	_ =	shalt  }
0x7e: {  	_ =	shalt  }
0x7f: {  	_ =	shalt  }
0x80: {  	_ =	shalt  }
0x81: {  	_ =	shalt  }
0x82: {  	_ =	shalt  }
0x83: {  	_ =	shalt  }
0x84: {  	_ =	shalt  }
0x85: {  	_ =	shalt  }
0x86: {  	_ =	shalt  }
0x87: {  	_ =	shalt  }
.Lfunc_end0:
.L_simem_size_0:
called_computation.6_lowered:
.L_overlay_start_0:
0x88: {  	s2 =	sld [smem:$0x3FD9]  }
0x89: {  	s3 =	sld [smem:$0x3FFE];
	_ =	sdelay $0x1  }
0x8a: {  	s1 =	srdreg.scid  }
0x8b: {  	s0 =	sand.u32 $0x1, s1  }
0x8c: {  	s17 =	sshll.u32 s0, $0xA;
	s2 =	sadd.s32 s3, s2  }
0x8d: {  	s2 =	sadd.s32 s2, s17  }
0x8e: {  	[smem:$0x3F72] =	sst s2  }
0x8f: {  	_ = 	snop  }
0x90: {  	(tm) =	ssettm $0x1  }
0x91: {  	s18 =	sld [smem:$0x3FFB];
	_ =	sdelay $0x3  }
0x92: {  	_ =	strace s18  }
0x93: {  	s2 =	sld [smem:$0x3FFC];
	_ =	sdelay $0x3  }
0x94: {  	_ =	strace s2  }
0x95: {  	s2 =	sld [smem:$0x3FFD];
	_ =	sdelay $0x3  }
0x96: {  	_ =	strace s2  }
0x97: {  	_ =	strace $0x8FFFFFFF  }
0x98: {  	s19 =	sld [smem:$0x3FDB];
	_ =	sdelay $0x1  }
0x99: {  	s20 =	simm.s32 $_scs_section_size  }
0x9a: {  	s4 =	simm.s32 $_size__tile_overlayer_lowered;
	s5 =	simm.s32 $_tile_overlayer_lowered  }
0x9b: {  	s6 =	simm.s32 $0x1BFF;
	s21 =	sshll.u32 s5, $0x1;
	s3 =	sadd.s32 s20, s19  }
0x9c: {  	s22 =	simm.s32 $0x0;
	s4 =	sshll.u32 s4, $0x1;
	s5 =	sadd.s32 s21, s3  }
0x9d: {  	[timem:s22], [sflag:s6] =	dma.local [hbm:s5], s4  }
0x9e: {  	_ =	swait.ge [sflag:s6], s4  }
0x9f: {  	s4 =	ssub.s32 $0x0, s4;
	[sflag:s6] =	ssyncset.done $0x0  }
0xa0: {  	[sflag:s6] =	ssyncadd.s32 s4;
	_ =	sdelay $0x1  }
0xa1: {  	s23 =	simm.s32 $0x1B8B  }
0xa2: {  	_ =	swait.ge [sflag:s23], $0x1  }
0xa3: {  	[sflag:s23] =	ssyncset.done $0x0  }
0xa4: {  	[sflag:s23] =	ssyncadd.s32 $0xFFFFFFFF  }
0xa5: {  	s4 =	sld [smem:$0x0]  }
0xa6: {  	s5 =	sand.u32 $0xFFFFFFFE, s1  }
0xa7: {  	p0 =	sne.s32 s1, s5  }
0xa8: {  	s5 =	sshll.u32 @p0 s5, $0xE  }
0xa9: {  	s5 =	sadd.s32 @p0 $0x11B8D, s5;
	s6 =	sshll.u32 @p0 s4, $0x11  }
0xaa: {  	s5 =	sor.u32 @p0 s6, s5  }
0xab: {  	[sflag:s5] =	ssyncadd.remote.s32 @p0 $0x1;
	_ =	sdelay $0x1  }
0xac: {  	s5 =	simm.s32 @p0 $0x1B8D  }
0xad: {  	_ =	swait.eq @p0 [sflag:s5], $0x1  }
0xae: {  	[sflag:s5] =	ssyncadd.s32 @p0 $0xFFFFFFFF  }
0xaf: {  	s6 =	sshll.u32 @!p0 s1, $0xE  }
0xb0: {  	s6 =	sor.u32 @!p0 $0x4000, s6;
	s5 =	simm.s32 @!p0 $0x1B8D  }
0xb1: {  	s4 =	sshll.u32 @!p0 s4, $0x11;
	s6 =	sadd.s32 @!p0 $0x11B8D, s6;
	_ =	swait.eq @!p0 [sflag:s5], $0x1  }
0xb2: {  	s4 =	sor.u32 @!p0 s4, s6;
	[sflag:s5] =	ssyncadd.s32 @!p0 $0xFFFFFFFF  }
0xb3: {  	s25 =	simm.s32 $0x1B8E;
	s24 =	sld [smem:$0x3FFE];
	[sflag:s4] =	ssyncadd.remote.s32 @!p0 $0x1  }
0xb4: {  	s26 =	simm.s32 $execute0_lowered;
	[smem:$0x3FD2] =	sst s25  }
0xb5: {  	s5 =	sshll.u32 s26, $0x1;
	_ =	strace $0x80000058;
	[dreg:$0x1] =	wrdreg $0xFFFFFFFF  }
0xb6: {  	s28 =	simm.s32 $_size_execute0_lowered;
	s3 =	sadd.s32 s3, s5;
	[dreg:$0x0] =	wrdreg $0x0  }
0xb7: {  	s5 =	sshll.u32 s28, $0x1;
	[dreg:$0x2] =	wrdreg s3  }
0xb8: {  	[dreg:$0x3] =	wrdreg s5  }
0xb9: {  	[dreg:$0x4] =	wrdreg $0xC0  }
0xba: {  	_ =	task [dreg:s22], $0x5FFFF  }
0xbb: {  	[dreg:$0x1] =	wrdreg $0xFFFFFFFF  }
0xbc: {  	[dreg:$0x0] =	wrdreg $0x60  }
0xbd: {  	[dreg:$0x2] =	wrdreg s24  }
0xbe: {  	[dreg:$0x3] =	wrdreg $0x81000  }
0xbf: {  	[dreg:$0x4] =	wrdreg $0xA  }
0xc0: {  	_ =	task.clear_ibuf [dreg:s22], $0x5FFFF;
	_ =	strace $0x90000058  }
0xc1: {  	s29 =	simm.s32 $0xA;
	_ =	strace $0x8000005A  }
0xc2: {  	_ =	swait.ge [sflag:s29], $0x1  }
0xc3: {  	[sflag:s29] =	ssyncadd.s32 $0xFFFFFFFF  }
0xc4: {  	_ =	strace $0x9000005A  }
0xc5: {  	_ =	sfence  }
0xc6: {  	s30 =	sld [smem:$0x0];
	_ =	sdelay $0x2  }
0xc7: {  	s31 =	sshll.u32 s1, $0xD;
	s1 =	sshrl.u32 s1, $0x2  }
0xc8: {  	s4 =	sand.u32 $0x4000, s31;
	s1 =	sadd.s32 s1, s30  }
0xc9: {  	s0 =	sor.u32 s4, s0;
	s1 =	sshll.u32 s1, $0x11  }
0xca: {  	s0 =	sor.u32 s1, s0  }
0xcb: {  	s0 =	sadd.s32 $0x8F2B, s0  }
0xcc: {  	[sflag:s0] =	ssyncadd.remote.s32 $0x1  }
0xcd: {  	_ =	sfence.sel $0xFFFF  }
0xce: {  	[dreg:$0x0] =	wrdreg $0xFFFFFFFF;
	(pc) =	sbr.abs _section_cstart, $3  }
0xcf: {  	[dreg:$0x1] =	wrdreg $0xFFFFFFFF  }
0xd0: {  	_ =	task.clear_ibuf [dreg:s22], $0x2FFFF;
	_ =	strace $0x9FFFFFFF  }
0xd1: {  	(tm) =	ssettm $0x7FFFFFFF  }
tec
execute0_lowered:
.L_overlay_start_1:
0x0: {  	(tag) =	ssettag $0x1  }
0x1: {  	s0 =	stileid.u32;
	s4 =	rddreg [dreg:$0x0]  }
0x2: {  	s1 =	srdreg.scid;
	s2 =	rddreg [dreg:$0x1]  }
0x3: {  	s3 =	simm.s32 $0x0;
	s15 =	simm.s32 $0x100;
	s16 =	simm.s32 $0x5  }
0x4: {  	s17 =	simm.s32 $0x80;
	s18 =	simm.s32 $0x4100;
	s6 =	smul.u32 $0x2800, s0  }
0x5: {  	s19 =	simm.s32 $0x1;
	s20 =	simm.s32 $0x3;
	s8 =	smul.u32 $0x28000, s0  }
0x6: {  	s21 =	simm.s32 $0x2;
	s5 =	sand.u32 $0x1, s1;
	s10 =	smul.u32 $0x50000, s0  }
0x7: {  	s22 =	simm.s32 $0x4;
	s1 =	rddreg [dreg:$0x2];
	s7 =	smul.u32 $0x1400, s5  }
0x8: {  	s23 =	simm.s32 $0x0;
	[smem:$0x7FF] =	sst s3;
	s9 =	smul.u32 $0x28000, s5  }
0x9: {  	_ =	strace $0x80000059;
	s28 =	ssub.s32 $0x2, s5;
	s31 =	smul.u32 $0x14000, s5  }
0xa: {  	s11 =	sadd.s32 s8, s4;
	s29 =	sshrl.u32 s10, $0x2;
	s30 =	sshrl.u32 s28, $0x1  }
0xb: {  	s7 =	sadd.s32 s7, s6;
	s6 =	sadd.s32 s6, s9;
	s12 =	ssub.s32 s28, s30  }
0xc: {  	s13 =	sadd.s32 s31, s11;
	s7 =	sshrl.u32 s7, $0x3;
	s9 =	sadd.s32 s6, s4  }
0xd: {  	s10 =	smax.u32 s12, $0x1;
	s11 =	sadd.s32 $0x19D4A00, s13;
	s12 =	sadd.s32 $0x898000, s13  }
0xe: {  	s14 =	sadd.s32 s7, s4;
	s4 =	sadd.s32 s29, s2;
	s9 =	sadd.s32 $0x1524A00, s9  }
0xf: {  	s5 =	sadd.s32 $0x4000, s4;
	s6 =	sadd.s32 $0x8000, s4;
	s7 =	sadd.s32 $0xC000, s4  }
0x10: {  	v0 =	vimm.f32 $0.0e+00;
	s8 =	sadd.s32 $0x10000, s4;
	s13 =	sadd.s32 $0x1DA00, s14;
	s14 =	sadd.s32 $0x22A00, s14  }
.LBB2_1:
0x11: {  	s24 =	simm.s32 $0x0;
	s25 =	simm.s32 $0x200  }
.LBB2_2:
0x12: {  	p0 =	sne.s32 s25, $0xFE00;
	[tilespmem:s24+$0x170] =	vst v0  }
0x13: {  	[tilespmem:s24+$0x100] =	vst v0  }
0x14: {  	[tilespmem:s24+$0x110] =	vst v0  }
.Ltmp0:
0x15: {  	[tilespmem:s24+$0x120] =	vst v0;
	(pc) =	sbr.rel @p0 .LBB2_2-.Ltmp0, $4  }
0x16: {  	[tilespmem:s24+$0x130] =	vst v0  }
0x17: {  	[tilespmem:s24+$0x140] =	vst v0  }
0x18: {  	[tilespmem:s24+$0x150] =	vst v0  }
0x19: {  	[tilespmem:s24+$0x160] =	vst v0;
	s24 =	sshra.s32 s25, $0x2;
	s25 =	sadd.s32 $0x200, s25  }
0x1a: {  	[tilespmem:s24+$0x170] =	vst v0  }
0x1b: {  	[tilespmem:s24+$0x100] =	vst v0  }
0x1c: {  	[tilespmem:s24+$0x110] =	vst v0  }
0x1d: {  	[tilespmem:s24+$0x120] =	vst v0  }
0x1e: {  	[tilespmem:s24+$0x130] =	vst v0  }
0x1f: {  	[tilespmem:s24+$0x140] =	vst v0  }
0x20: {  	[tilespmem:s24+$0x150] =	vst v0  }
0x21: {  	[tilespmem:s24+$0x160] =	vst v0  }
0x22: {  	[spmem:s4] =	stream.linear.scatter [tilespmem:s15], [sflag:$0x5], $0x4000, $0x38;
	[tilespmem:$0x1C100] =	vst v63  }
0x23: {  	_ =	swait.ge [sflag:s16], $0x4000  }
0x24: {  	[sflag:s16] =	ssyncset.done $0x0  }
0x25: {  	[sflag:s16] =	ssyncadd.s32 $0xFFFFC000  }
0x26: {  	[spmem:s5] =	stream.linear.scatter [tilespmem:s15], [sflag:$0x5], $0x4000, $0x38;
	[tilespmem:$0x1C100] =	vst v63  }
0x27: {  	_ =	swait.ge [sflag:s16], $0x4000  }
0x28: {  	[sflag:s16] =	ssyncset.done $0x0  }
0x29: {  	[sflag:s16] =	ssyncadd.s32 $0xFFFFC000  }
0x2a: {  	[spmem:s6] =	stream.linear.scatter [tilespmem:s15], [sflag:$0x5], $0x4000, $0x38;
	[tilespmem:$0x1C100] =	vst v63  }
0x2b: {  	_ =	swait.ge [sflag:s16], $0x4000  }
0x2c: {  	[sflag:s16] =	ssyncset.done $0x0  }
0x2d: {  	[sflag:s16] =	ssyncadd.s32 $0xFFFFC000  }
0x2e: {  	[spmem:s7] =	stream.linear.scatter [tilespmem:s15], [sflag:$0x5], $0x4000, $0x38;
	[tilespmem:$0x1C100] =	vst v63  }
0x2f: {  	_ =	swait.ge [sflag:s16], $0x4000  }
0x30: {  	[sflag:s16] =	ssyncset.done $0x0  }
0x31: {  	[sflag:s16] =	ssyncadd.s32 $0xFFFFC000  }
0x32: {  	[spmem:s8] =	stream.linear.scatter [tilespmem:s15], [sflag:$0x5], $0x4000, $0x38;
	[tilespmem:$0x1C100] =	vst v63  }
0x33: {  	_ =	swait.ge [sflag:s16], $0x4000  }
0x34: {  	[sflag:s16] =	ssyncset.done $0x0  }
0x35: {  	[sflag:s16] =	ssyncadd.s32 $0xFFFFC000  }
0x36: {  	s30 =	sadd.s32 $0x0, s14;
	[bflag:$0x0] =	sbarrier.arrive $0xFFFF  }
0x37: {  	[tilespmem:s3], [sflag:$0x1] =	stream.linear.gather [hbm4b:s30+s3], $0x80, $0x38;
	[tilespmem:$0x1C100] =	vst v63  }
0x38: {  	_ = 	snop  }
0x39: {  	[tilespmem:s15], [sflag:$0x3] =	stream.linear.gather [hbm4b:s11+s3], $0x4000, $0x38;
	[tilespmem:$0x1C100] =	vst v63  }
0x3a: {  	s31 =	sadd.s32 $0x0, s13  }
0x3b: {  	[tilespmem:s17], [sflag:$0x2] =	stream.linear.gather [hbm4b:s31+s3], $0x80, $0x38;
	[tilespmem:$0x1C100] =	vst v63  }
0x3c: {  	_ = 	snop  }
0x3d: {  	[tilespmem:s18], [sflag:$0x4] =	stream.linear.gather [hbm4b:s12+s3], $0x4000, $0x38;
	[tilespmem:$0x1C100] =	vst v63  }
0x3e: {  	_ =	swait.ge [sflag:s19], $0x80  }
0x3f: {  	[sflag:s19] =	ssyncset.done $0x0  }
0x40: {  	[sflag:s19] =	ssyncadd.s32 $0xFFFFFF80  }
0x41: {  	_ =	swait.ge [sflag:s20], $0x4000  }
0x42: {  	[sflag:s20] =	ssyncset.done $0x0  }
0x43: {  	[sflag:s20] =	ssyncadd.s32 $0xFFFFC000  }
0x44: {  	[spmem:s2] =	stream.indirect.scatter.add.f32 [tilespmem:s15], [sflag:$0x5], $0x80, s3, s17, $0xb8;
	[tilespmem:$0x1C100] =	vst v63  }
0x45: {  	_ =	swait.ge [sflag:s16], $0x4000  }
0x46: {  	[sflag:s16] =	ssyncset.done $0x0  }
0x47: {  	[sflag:s16] =	ssyncadd.s32 $0xFFFFC000  }
0x48: {  	_ =	swait.ge [sflag:s21], $0x80  }
0x49: {  	[sflag:s21] =	ssyncset.done $0x0  }
0x4a: {  	[sflag:s21] =	ssyncadd.s32 $0xFFFFFF80  }
0x4b: {  	_ =	swait.ge [sflag:s22], $0x4000  }
0x4c: {  	[sflag:s22] =	ssyncset.done $0x0  }
0x4d: {  	[sflag:s22] =	ssyncadd.s32 $0xFFFFC000  }
0x4e: {  	[spmem:s2] =	stream.indirect.scatter.add.f32 [tilespmem:s18], [sflag:$0x5], $0x80, s17, s17, $0xb8;
	[tilespmem:$0x1C100] =	vst v63  }
0x4f: {  	s24 =	simm.s32 $0x10;
	s28 =	simm.s32 $0x20;
	_ =	swait.ge [sflag:s16], $0x4000  }
0x50: {  	s26 =	sadd.s32 $0x800, s11;
	s25 =	sadd.s32 $0x800, s12;
	[sflag:s16] =	ssyncset.done $0x0  }
.LBB2_4:
0x51: {  	s29 =	sadd.s32 s24, s14  }
0x52: {  	[sflag:s16] =	ssyncadd.s32 $0xFFFFC000;
	s30 =	smov.u32 s28;
	s31 =	sadd.s32 $0x10, s28  }
0x53: {  	[tilespmem:s3], [sflag:$0x1] =	stream.linear.gather [hbm4b:s29+s3], $0x80, $0x38;
	[tilespmem:$0x1C100] =	vst v63  }
0x54: {  	p0 =	sne.s32 s28, $0x270  }
0x55: {  	[tilespmem:s15], [sflag:$0x3] =	stream.linear.gather [hbm4b:s26+s3], $0x4000, $0x38;
	[tilespmem:$0x1C100] =	vst v63  }
0x56: {  	s28 =	sadd.s32 s24, s13;
	s24 =	smov.u32 s30  }
0x57: {  	[tilespmem:s17], [sflag:$0x2] =	stream.linear.gather [hbm4b:s28+s3], $0x80, $0x38;
	[tilespmem:$0x1C100] =	vst v63  }
0x58: {  	_ = 	snop  }
0x59: {  	[tilespmem:s18], [sflag:$0x4] =	stream.linear.gather [hbm4b:s25+s3], $0x4000, $0x38;
	[tilespmem:$0x1C100] =	vst v63  }
0x5a: {  	_ =	swait.ge [sflag:s19], $0x80  }
0x5b: {  	[sflag:s19] =	ssyncset.done $0x0  }
0x5c: {  	[sflag:s19] =	ssyncadd.s32 $0xFFFFFF80  }
0x5d: {  	_ =	swait.ge [sflag:s20], $0x4000  }
0x5e: {  	[sflag:s20] =	ssyncset.done $0x0  }
0x5f: {  	[sflag:s20] =	ssyncadd.s32 $0xFFFFC000  }
0x60: {  	[spmem:s2] =	stream.indirect.scatter.add.f32 [tilespmem:s15], [sflag:$0x5], $0x80, s3, s17, $0xb8;
	[tilespmem:$0x1C100] =	vst v63  }
0x61: {  	_ =	swait.ge [sflag:s16], $0x4000  }
0x62: {  	[sflag:s16] =	ssyncset.done $0x0  }
0x63: {  	[sflag:s16] =	ssyncadd.s32 $0xFFFFC000  }
0x64: {  	_ =	swait.ge [sflag:s21], $0x80  }
0x65: {  	[sflag:s21] =	ssyncset.done $0x0  }
0x66: {  	[sflag:s21] =	ssyncadd.s32 $0xFFFFFF80  }
0x67: {  	_ =	swait.ge [sflag:s22], $0x4000  }
.Ltmp1:
0x68: {  	[sflag:s22] =	ssyncset.done $0x0;
	(pc) =	sbr.rel @p0 .LBB2_4-.Ltmp1, $4  }
0x69: {  	[sflag:s22] =	ssyncadd.s32 $0xFFFFC000  }
0x6a: {  	[spmem:s2] =	stream.indirect.scatter.add.f32 [tilespmem:s18], [sflag:$0x5], $0x80, s17, s17, $0xb8;
	[tilespmem:$0x1C100] =	vst v63  }
0x6b: {  	s26 =	sadd.s32 $0x800, s26;
	_ =	swait.ge [sflag:s16], $0x4000  }
0x6c: {  	s28 =	smov.u32 s31;
	s25 =	sadd.s32 $0x800, s25;
	[sflag:s16] =	ssyncset.done $0x0  }
0x6d: {  	s28 =	sadd.s32 s24, s14;
	[sflag:s16] =	ssyncadd.s32 $0xFFFFC000  }
0x6e: {  	[tilespmem:s3], [sflag:$0x1] =	stream.linear.gather [hbm4b:s28+s3], $0x80, $0x38;
	[tilespmem:$0x1C100] =	vst v63  }
0x6f: {  	_ = 	snop  }
0x70: {  	[tilespmem:s15], [sflag:$0x3] =	stream.linear.gather [hbm4b:s26+s3], $0x4000, $0x38;
	[tilespmem:$0x1C100] =	vst v63  }
0x71: {  	s29 =	sadd.s32 s24, s13  }
0x72: {  	[tilespmem:s17], [sflag:$0x2] =	stream.linear.gather [hbm4b:s29+s3], $0x80, $0x38;
	[tilespmem:$0x1C100] =	vst v63  }
0x73: {  	_ = 	snop  }
0x74: {  	[tilespmem:s18], [sflag:$0x4] =	stream.linear.gather [hbm4b:s25+s3], $0x4000, $0x38;
	[tilespmem:$0x1C100] =	vst v63  }
0x75: {  	_ =	swait.ge [sflag:s19], $0x80  }
0x76: {  	[sflag:s19] =	ssyncset.done $0x0  }
0x77: {  	[sflag:s19] =	ssyncadd.s32 $0xFFFFFF80  }
0x78: {  	_ =	swait.ge [sflag:s20], $0x4000  }
0x79: {  	[sflag:s20] =	ssyncset.done $0x0  }
0x7a: {  	[sflag:s20] =	ssyncadd.s32 $0xFFFFC000  }
0x7b: {  	[spmem:s2] =	stream.indirect.scatter.add.f32 [tilespmem:s15], [sflag:$0x5], $0x80, s3, s17, $0xb8;
	[tilespmem:$0x1C100] =	vst v63  }
0x7c: {  	_ =	swait.ge [sflag:s16], $0x4000  }
0x7d: {  	[sflag:s16] =	ssyncset.done $0x0  }
0x7e: {  	[sflag:s16] =	ssyncadd.s32 $0xFFFFC000  }
0x7f: {  	_ =	swait.ge [sflag:s21], $0x80  }
0x80: {  	[sflag:s21] =	ssyncset.done $0x0  }
0x81: {  	[sflag:s21] =	ssyncadd.s32 $0xFFFFFF80  }
0x82: {  	_ =	swait.ge [sflag:s22], $0x4000  }
0x83: {  	[sflag:s22] =	ssyncset.done $0x0  }
0x84: {  	[sflag:s22] =	ssyncadd.s32 $0xFFFFC000  }
0x85: {  	[spmem:s2] =	stream.indirect.scatter.add.f32 [tilespmem:s18], [sflag:$0x5], $0x80, s17, s17, $0xb8;
	[tilespmem:$0x1C100] =	vst v63  }
0x86: {  	_ =	swait.ge [sflag:s16], $0x4000  }
0x87: {  	s30 =	sshll.u32 s0, $0x6;
	s23 =	sadd.s32 $0x1, s23;
	[sflag:s16] =	ssyncset.done $0x0  }
0x88: {  	s31 =	sshrl.u32 s4, $0x3;
	p0 =	sne.s32 s23, s10;
	[sflag:s16] =	ssyncadd.s32 $0xFFFFC000  }
.Ltmp2:
0x89: {  	s24 =	sor.u32 $0x1C05, s30;
	[bflag:$0x0] =	sbarrier.arrive $0xFFFF;
	(pc) =	sbr.rel @p0 .LBB2_1-.Ltmp2, $4  }
0x8a: {  	[hbm:s9], [sflag:s24] =	dma.local [spmem:s31], $0x2800  }
0x8b: {  	_ =	swait.ge [sflag:s16], $0x2800  }
0x8c: {  	[sflag:s16] =	ssyncset.done $0x0  }
0x8d: {  	[sflag:s16] =	ssyncadd.s32 $0xFFFFD800  }
0x8e: {  	_ =	sfence.sel $0x180000  }
0x8f: {  	[bflag:$0x0] =	sbarrier.arrive $0xFFFF  }
0x90: {  	p0 =	sne.s32 s0, $0x0;
	_ =	strace $0x90000059  }
0x91: {  	s0 =	sadd.s32 @!p0 $0x100000, s1;
	[bflag:$0x2] =	sbarrier.arrive $0xFFFF  }
0x92: {  	[sflag:s0] =	ssyncadd.tile.s32 @!p0 $0x1;
	_ =	shalt  }
.Lfunc_end2:
_tile_overlayer_lowered:
.L_overlay_start_2:
0x93: {  	(tag) =	ssettag $0x2  }
0x94: {  	s0 =	rddreg [dreg:$0x0];
	s2 =	stileid.u32  }
0x95: {  	s1 =	rddreg [dreg:$0x1];
	p0 =	sne.s32 s2, $0x0  }
0x96: {  	s3 =	rddreg [dreg:$0x2];
	[bflag:$0x3] =	sbarrier.arrive $0xFFFF;
	s2 =	simm.s32 @!p0 $0x1C05  }
0x97: {  	[timem:s3], [sflag:s2] =	dma.local @!p0 [hbm:s0], s1  }
0x98: {  	s0 =	simm.s32 @!p0 $0x5  }
0x99: {  	_ =	swait.ge @!p0 [sflag:s0], s1  }
0x9a: {  	s1 =	ssub.s32 @!p0 $0x0, s1;
	[sflag:s0] =	ssyncset.done @!p0 $0x0  }
0x9b: {  	[sflag:s0] =	ssyncadd.s32 @!p0 s1  }
0x9c: {  	[bflag:$0x3] =	sbarrier.arrive $0xFFFF  }
0x9d: {  	_ =	shalt  }

</sc_bundles>
